<compile_context>
chip_gen: v7x
topology: tpu7x:2x2x1
jax: 0.10.2.dev20260603
libtpu: 0.0.44.dev20260713+nightly
codegen_flags: <defaults>
</compile_context>

<pallas_src>
import jax
import jax.numpy as jnp
from jax import lax
from jax.experimental import pallas as pl
from jax.experimental.pallas import tpu as pltpu
from jax.experimental.pallas import tpu_sc as plsc

B = 4
ZD, YD, XD = 32, 256, 256
N = ZD * YD * XD
NT = 16
SH = N // NT
CH = 2048
NCH = SH // CH
K0 = 1468005
K_KEEP = N - K0 - 1
R_OUT = B * K_KEEP
DUMP = R_OUT
OUT_PAD = R_OUT + 128
OW = 16
NBINS = 65536
CHB = NBINS // NT
CHR = CHB // 16
HW = 0.625
INT_MIN = -2147483648

_i32 = jnp.int32
_f32 = jnp.float32


def _bits(v):
  import struct
  return int.from_bytes(struct.pack('<f', v), 'little', signed=True)


B_Y = _bits(-40.0)
B_Z = _bits(-2.0)


def _monotonic(x):
  xi = lax.bitcast_convert_type(x, _i32)
  return jnp.where(xi < 0, jnp.bitwise_not(xi),
                   jnp.bitwise_or(xi, _i32(INT_MIN)))


def _scalar(vec):
  return jnp.max(vec)


def _kernel_body(rdr, out, buf, buf2, hist, acc, zb, aos, idx2d, padbuf,
                 totv, resv, minv, cntv, stage, sphist, sptot, spres,
                 spmin, spcnt, sem, semA, semB):
  c = lax.axis_index("c")
  t = lax.axis_index("s")
  iota = lax.iota(_i32, 16)

  def zero_rows(ref, nrows):
    def zh(i, _):
      ref[i] = jnp.zeros((16,), _i32)
      return 0
    lax.fori_loop(0, nrows, zh, 0)

  def put_row(sp, row, scalar_val):
    stage[...] = jnp.broadcast_to(scalar_val.astype(_i32), (16,))
    pltpu.sync_copy(stage, sp.at[row])

  def merge_hist_to_spmem():
    pltpu.sync_copy(zb, sphist.at[pl.ds(t * CHR, CHR)])
    plsc.subcore_barrier()
    def mg(j, _):
      for o in range(8):
        idx2d[j, pl.ds(o * 16, 16)] = j * 128 + o * 16 + iota
      pltpu.sync_copy(hist.at[pl.ds(j * 128, 128)],
                      sphist.at[idx2d.at[j]], add=True)
      return 0
    lax.fori_loop(0, NBINS // 16 // 128, mg, 0)
    plsc.subcore_barrier()

  def reduce_and_cumsum():
    pltpu.sync_copy(sphist.at[pl.ds(t * CHR, CHR)], acc)
    def csum(i, run):
      v = acc[i]
      acc[i] = plsc.cumsum(v) + run
      return run + jnp.sum(v)
    total = lax.fori_loop(0, CHR, csum, _i32(0))
    put_row(sptot, t, total)
    plsc.subcore_barrier()
    pltpu.sync_copy(sptot, totv)
    base = _i32(0)
    for r in range(NT):
      tr = _scalar(totv[r])
      base = base + jnp.where(r < t, tr, 0).astype(_i32)
    return base, total

  def rank_search(base, total, k, row_bin, row_cnt):
    def lp(i, cnt):
      v = acc[i] + base
      return cnt + jnp.sum(jnp.where(v <= k, 1, 0).astype(_i32))
    L = lax.fori_loop(0, CHR, lp, _i32(0))
    claim = jnp.logical_and(k >= base, k < base + total)

    @pl.when(claim)
    def _():
      lm = jnp.maximum(L - 1, 0)
      gv = plsc.load_gather(
          acc, [jnp.broadcast_to(lax.shift_right_logical(lm, 4), (16,)),
                jnp.broadcast_to(jnp.bitwise_and(lm, 15), (16,))])
      below = base + jnp.where(L > 0, _scalar(gv), 0).astype(_i32)
      put_row(spres, row_bin, t * CHB + L)
      if row_cnt is not None:
        put_row(spres, row_cnt, below)

  zero_rows(zb, CHR)

  def stream_pass(s, shard, body, init):
    pltpu.async_copy(rdr.at[s, pl.ds(shard, CH)], buf, semA)
    def lp(k, carry):
      i0 = 2 * k
      i1 = i0 + 1
      pltpu.make_async_copy(rdr.at[s, pl.ds(shard + i0 * CH, CH)],
                            buf, semA).wait()
      pltpu.async_copy(rdr.at[s, pl.ds(shard + i1 * CH, CH)], buf2, semB)
      carry = body(buf, i0, carry)
      pltpu.make_async_copy(rdr.at[s, pl.ds(shard + i1 * CH, CH)],
                            buf2, semB).wait()
      @pl.when(i1 + 1 < NCH)
      def _():
        pltpu.async_copy(rdr.at[s, pl.ds(shard + (i1 + 1) * CH, CH)],
                         buf, semA)
      return body(buf2, i1, carry)
    return lax.fori_loop(0, NCH // 2, lp, init)

  def sample_body(sl, _):
    s = c * 2 + sl
    shard = t * SH

    zero_rows(hist, NBINS // 16)
    def p1_chunk(bf, i, __):
      def vl(v, ___):
        x = bf[pl.ds(v * 16, 16)]
        hi = lax.shift_right_logical(_monotonic(x), 16)
        cnt, last = plsc.scan_count(hi)
        plsc.addupdate_scatter(
            hist, [lax.shift_right_logical(hi, 4), jnp.bitwise_and(hi, 15)],
            cnt, mask=last)
        return 0
      lax.fori_loop(0, CH // 16, vl, 0)
      return 0
    stream_pass(s, shard, p1_chunk, 0)
    merge_hist_to_spmem()

    base, total = reduce_and_cumsum()
    rank_search(base, total, _i32(K0), 0, 1)
    rank_search(base, total, _i32(K0 + 1), 2, 3)
    plsc.subcore_barrier()
    pltpu.sync_copy(spres, resv)
    b0 = _scalar(resv[0])
    cb0 = _scalar(resv[1])
    b1 = _scalar(resv[2])
    cb1 = _scalar(resv[3])

    zero_rows(hist, NBINS // 16)
    def p2_chunk(bf, i, mlow):
      def vl(v, ml):
        x = bf[pl.ds(v * 16, 16)]
        m = _monotonic(x)
        hi = lax.shift_right_logical(m, 16)
        lo = jnp.bitwise_and(m, 65535)
        cnt, last = plsc.scan_count(lo, mask=hi == b0)
        plsc.addupdate_scatter(
            hist, [lax.shift_right_logical(lo, 4), jnp.bitwise_and(lo, 15)],
            cnt, mask=last)
        lv = jnp.where(hi == b1, lo, 70000)
        return jnp.minimum(ml, jnp.min(lv)).astype(_i32)
      return lax.fori_loop(0, CH // 16, vl, mlow)
    minlow = stream_pass(s, shard, p2_chunk, _i32(70000))
    put_row(spmin, t, minlow)
    merge_hist_to_spmem()

    base2, total2 = reduce_and_cumsum()
    rank_search(base2, total2, K0 - cb0, 4, None)
    rank_search(base2, total2, K0 + 1 - cb1, 5, None)
    plsc.subcore_barrier()
    pltpu.sync_copy(spres, resv)
    pltpu.sync_copy(spmin, minv)
    l0 = _scalar(resv[4])
    l1 = _scalar(resv[5])
    mlg = _i32(70000)
    for r in range(NT):
      mlg = jnp.minimum(mlg, _scalar(minv[r]))
    l1s = jnp.where(b1 == b0, l1, mlg).astype(_i32)
    v0m = jnp.bitwise_or(lax.shift_left(b0, 16), l0)
    v1m = jnp.bitwise_or(lax.shift_left(b1, 16), l1s)

    def m2f(mv):
      vec = jnp.broadcast_to(mv, (16,))
      bits = jnp.where(vec < 0, jnp.bitwise_and(vec, 2147483647),
                       jnp.bitwise_not(vec))
      return lax.bitcast_convert_type(bits.astype(_i32), _f32)
    v0f = m2f(v0m)
    v1f = m2f(v1m)
    threshv = v0f + _f32(HW) * (v1f - v0f)

    def cnt_chunk(bf, i, cc):
      def vl(v, c2):
        x = bf[pl.ds(v * 16, 16)]
        return c2 + jnp.sum(jnp.where(x > threshv, 1, 0).astype(_i32))
      return lax.fori_loop(0, CH // 16, vl, cc)
    mycnt = stream_pass(s, shard, cnt_chunk, _i32(0))
    put_row(spcnt, t, mycnt)
    plsc.subcore_barrier()
    pltpu.sync_copy(spcnt, cntv)
    off = _i32(0)
    tot = _i32(0)
    for r in range(NT):
      tr = _scalar(cntv[r])
      off = off + jnp.where(r < t, tr, 0).astype(_i32)
      tot = tot + tr
    gbase = s * K_KEEP + off

    def flush(src_ref, lo_row, count, ngroups):
      def fl(j, _):
        for o in range(8):
          p = j * 128 + o * 16 + iota
          rowv = jnp.where(p < count, lo_row + p, DUMP + o * 16 + iota)
          idx2d[j, pl.ds(o * 16, 16)] = rowv.astype(_i32)
        if src_ref is aos:
          pltpu.async_copy(aos.at[pl.ds(j * 128, 128)],
                           out.at[idx2d.at[j]], sem).wait()
        else:
          pltpu.async_copy(src_ref.at[...],
                           out.at[idx2d.at[j]], sem).wait()
        return 0
      lax.fori_loop(0, ngroups, fl, 0)

    def out_chunk(bf, i, done):
      def vl(v, crun):
        x = bf[pl.ds(v * 16, 16)]
        mask = x > threshv
        mi = mask.astype(_i32)
        pos = jnp.maximum(crun + plsc.cumsum(mi) - 1, 0)
        g = shard + i * CH + v * 16 + iota
        z = lax.shift_right_logical(g, 16)
        rem = jnp.bitwise_and(g, 65535)
        y = lax.shift_right_logical(rem, 8)
        xq = jnp.bitwise_and(rem, 255)
        xc = xq.astype(_f32) * _f32(0.3125)
        yc = y.astype(_f32) * _f32(0.3125) - _f32(40.0)
        zc = z.astype(_f32) * _f32(0.25) - _f32(2.0)
        pw = x / _f32(1.0e13)
        sv = jnp.broadcast_to(s.astype(_i32), (16,))
        cols = [lax.bitcast_convert_type(xc, _i32),
                lax.bitcast_convert_type(yc, _i32),
                lax.bitcast_convert_type(zc, _i32),
                lax.bitcast_convert_type(pw, _i32),
                sv, z, y, xq]
        for f in range(8):
          plsc.store_scatter(aos, [pos, jnp.broadcast_to(_i32(f), (16,))],
                             cols[f], mask=mask)
        return crun + jnp.sum(mi)
      crun = lax.fori_loop(0, CH // 16, vl, _i32(0))
      flush(aos, gbase + done, crun, (crun + 127) // 128)
      return done + crun
    stream_pass(s, shard, out_chunk, _i32(0))

    padcnt = K_KEEP - tot
    share = (padcnt + NT - 1) // NT
    mystart = t * share
    myp = jnp.clip(padcnt - mystart, 0, share)

    @pl.when(myp > 0)
    def _():
      pltpu.sync_copy(rdr.at[s, pl.ds(0, 16)], buf.at[pl.ds(0, 16)])
      xv = buf[pl.ds(0, 16)] / _f32(1.0e13)
      p0 = jnp.sum(jnp.where(iota == 0, xv, _f32(0.0)))
      p0b = lax.bitcast_convert_type(jnp.broadcast_to(p0, (16,)), _i32)
      sv = jnp.broadcast_to(s.astype(_i32), (16,))
      pv = jnp.where(iota == 1, B_Y, jnp.where(iota == 2, B_Z,
           jnp.where(iota == 3, p0b, jnp.where(iota == 4, sv, 0)))).astype(_i32)
      def pf(gi, _):
        rows = jnp.broadcast_to(gi, (16,))
        plsc.store_scatter(padbuf, [rows, iota], pv)
        return 0
      lax.fori_loop(0, 128, pf, 0)
      flush(padbuf, s * K_KEEP + tot + mystart, myp, (myp + 127) // 128)

    plsc.subcore_barrier()
    return 0

  lax.fori_loop(0, 2, sample_body, 0)


def _run(rdr_flat):
  mesh = plsc.VectorSubcoreMesh(core_axis_name="c", subcore_axis_name="s",
                                num_cores=2, num_subcores=NT)
  kern = pl.kernel(
      _kernel_body,
      out_type=jax.ShapeDtypeStruct((OUT_PAD, OW), jnp.int32),
      mesh=mesh,
      compiler_params=pltpu.CompilerParams(
          needs_layout_passes=False, use_tc_tiling_on_sc=False),
      scratch_types=[
          pltpu.VMEM((CH,), _f32),
          pltpu.VMEM((CH,), _f32),
          pltpu.VMEM((NBINS // 16, 16), _i32),
          pltpu.VMEM((CHR, 16), _i32),
          pltpu.VMEM((CHR, 16), _i32),
          pltpu.VMEM((CH, OW), _i32),
          pltpu.VMEM((16, 128), _i32),
          pltpu.VMEM((128, OW), _i32),
          pltpu.VMEM((NT, 16), _i32),
          pltpu.VMEM((8, 16), _i32),
          pltpu.VMEM((NT, 16), _i32),
          pltpu.VMEM((NT, 16), _i32),
          pltpu.VMEM((16,), _i32),
          pltpu.VMEM_SHARED((NBINS // 16, 16), _i32),
          pltpu.VMEM_SHARED((NT, 16), _i32),
          pltpu.VMEM_SHARED((8, 16), _i32),
          pltpu.VMEM_SHARED((NT, 16), _i32),
          pltpu.VMEM_SHARED((NT, 16), _i32),
          pltpu.SemaphoreType.DMA,
          pltpu.SemaphoreType.DMA,
          pltpu.SemaphoreType.DMA,
      ],
  )
  return kern(rdr_flat)


@jax.jit
def kernel(rdr_cube, batch_size):
  rdr_flat = rdr_cube.reshape(B, N)
  out = _run(rdr_flat)
  rows = out[:R_OUT, :8]
  feats = lax.bitcast_convert_type(rows[:, 0:4], jnp.float32)
  inds = rows[:, 4:8]
  return feats, inds

# --- scband reference (transcript-rebuilt; emitter-appended) ---
"""Pipeline reference for scband-radar-cube-sparse-processor-22119081575176 (READ-ONLY COPY).

The authoritative reference and input builder live on the scoring server;
editing this copy changes nothing except your own understanding.
"""

import jax, jax.numpy as jnp
import numpy as np

Z_MIN, Z_MAX = -2.0, 6.0
Y_MIN, Y_MAX = -40.0, 40.0
X_MIN, X_MAX = 0.0, 80.0
B, Z, Y, X = 4, 32, 256, 256


def setup_inputs(seed: int = 0):
    key = jax.random.key(seed)
    rdr_cube = jax.random.normal(key, (B, Z, Y, X), dtype=jnp.float32)
    return {"rdr_cube": rdr_cube, "batch_size": B}


def reference(rdr_cube, batch_size):
    n_vox = rdr_cube.shape[1] * rdr_cube.shape[2] * rdr_cube.shape[3]
    k_keep = n_vox - int(np.floor(0.7 * (n_vox - 1))) - 1
    sparse_radar = []
    sample_ind = []
    for i in range(rdr_cube.shape[0]):
        cube = rdr_cube[i]
        thresh = jnp.quantile(cube, 0.7)
        z_ind, y_ind, x_ind = jnp.where(cube > thresh, size=k_keep)
        power_val = (cube[z_ind, y_ind, x_ind] / 1.0e13)[:, None]
        z_coord = (z_ind / cube.shape[0] * (Z_MAX - Z_MIN) + Z_MIN)[:, None]
        y_coord = (y_ind / cube.shape[1] * (Y_MAX - Y_MIN) + Y_MIN)[:, None]
        x_coord = (x_ind / cube.shape[2] * (X_MAX - X_MIN) + X_MIN)[:, None]
        feats = jnp.concatenate((x_coord, y_coord, z_coord, power_val), axis=-1)
        sidx = jnp.full((feats.shape[0], 1), i, dtype=z_ind.dtype)
        inds = jnp.concatenate((sidx, z_ind[:, None], y_ind[:, None], x_ind[:, None]), axis=-1)
        sparse_radar.append(feats)
        sample_ind.append(inds)
    batch_sparse_radar = jnp.concatenate(sparse_radar, axis=0)
    batch_ind = jnp.concatenate(sample_ind, axis=0) + (batch_size - batch_size)
    return batch_sparse_radar, batch_ind

if __name__ == "__main__":
    import jax
    _d = setup_inputs()
    print(jax.jit(kernel)(*tuple(_d.values())))

</pallas_src>

<mosaic_0001>
#map = affine_map<(d0, d1) -> (0, 0)>
module attributes {stable_mosaic.version = 14 : i64} {
  func.func @_kernel_body(%arg0: i32, %arg1: i32, %arg2: memref<4x2097152xf32, #tpu.memory_space<hbm>>, %arg3: memref<2516712x16xi32, #tpu.memory_space<hbm>>, %arg4: memref<2048xf32, #tpu.memory_space<vmem>>, %arg5: memref<2048xf32, #tpu.memory_space<vmem>>, %arg6: memref<4096x16xi32, #tpu.memory_space<vmem>>, %arg7: memref<256x16xi32, #tpu.memory_space<vmem>>, %arg8: memref<256x16xi32, #tpu.memory_space<vmem>>, %arg9: memref<2048x16xi32, #tpu.memory_space<vmem>>, %arg10: memref<16x128xi32, #tpu.memory_space<vmem>>, %arg11: memref<128x16xi32, #tpu.memory_space<vmem>>, %arg12: memref<16x16xi32, #tpu.memory_space<vmem>>, %arg13: memref<8x16xi32, #tpu.memory_space<vmem>>, %arg14: memref<16x16xi32, #tpu.memory_space<vmem>>, %arg15: memref<16x16xi32, #tpu.memory_space<vmem>>, %arg16: memref<16xi32, #tpu.memory_space<vmem>>, %arg17: memref<4096x16xi32, #tpu.memory_space<vmem_shared>>, %arg18: memref<16x16xi32, #tpu.memory_space<vmem_shared>>, %arg19: memref<8x16xi32, #tpu.memory_space<vmem_shared>>, %arg20: memref<16x16xi32, #tpu.memory_space<vmem_shared>>, %arg21: memref<16x16xi32, #tpu.memory_space<vmem_shared>>, %arg22: memref<!tpu.dma_semaphore, #tpu.memory_space<semaphore_mem>>, %arg23: memref<!tpu.dma_semaphore, #tpu.memory_space<semaphore_mem>>, %arg24: memref<!tpu.dma_semaphore, #tpu.memory_space<semaphore_mem>>) attributes {dimension_semantics = [#tpu.dimension_semantics<core_parallel>, #tpu.dimension_semantics<subcore_parallel>], iteration_bounds = array<i64: 2, 16>, scalar_prefetch = 0 : i64, scratch_operands = 21 : i64, tpu.core_type = #tpu.core_type<sc_vector_subcore>, window_params = [{transform_indices = #map}, {transform_indices = #map}]} {
    %iota3A = tpu.iota {dimensions = array<i32: 0>} : vector<16xi32>
    %scan3A = arith.constant 0 : i32
    %scan3A_0 = arith.constant 0 : i32
    %scan3A_1 = arith.constant 256 : i32
    %scan3A_2 = arith.addi %scan3A_0, %scan3A_1 : i32
    %scan3A_3 = arith.constant 1 : i32
    %scan3A_4 = scf.for %scan3A_13 = %scan3A_0 to %scan3A_2 step %scan3A_3 iter_args(%scan3A_14 = %scan3A) -> (i32)  : i32 {
      %broadcast_in_dim3A = arith.constant 0 : i32
      %broadcast_in_dim3A_15 = vector.broadcast %broadcast_in_dim3A : i32 to vector<16xi32>
      %swap3A = arith.index_cast %scan3A_13 : i32 to index
      %swap3A_16 = arith.constant 0 : index
      %swap3A_17 = tpu.vector_load %arg8[%swap3A, %swap3A_16] {strides = array<i32>} : memref<256x16xi32, #tpu.memory_space<vmem>>, vector<16xi32>,
      tpu.vector_store %arg8[%swap3A, %swap3A_16], %broadcast_in_dim3A_15 {strides = array<i32>} : memref<256x16xi32, #tpu.memory_space<vmem>>, vector<16xi32>,
      %scan3A_18 = arith.constant 0 : i32
      scf.yield %scan3A_18 : i32
    }
    %scan3A_5 = arith.constant 256 : i32
    %scan3A_6 = arith.constant 0 : i32
    %scan3A_7 = arith.constant 0 : i32
    %scan3A_8 = arith.constant 2 : i32
    %scan3A_9 = arith.addi %scan3A_7, %scan3A_8 : i32
    %scan3A_10 = arith.constant 1 : i32
    %scan3A_11 = scf.for %scan3A_13 = %scan3A_7 to %scan3A_9 step %scan3A_10 iter_args(%scan3A_14 = %scan3A_6) -> (i32)  : i32 {
      %mul3A = arith.constant 2 : i32
      %mul3A_15 = arith.muli %arg0, %mul3A : i32
      %add3A = arith.addi %mul3A_15, %scan3A_13 : i32
      %mul3A_16 = arith.constant 131072 : i32
      %mul3A_17 = arith.muli %arg1, %mul3A_16 : i32
      %scan3A_18 = arith.constant 0 : i32
      %scan3A_19 = arith.constant 0 : i32
      %scan3A_20 = arith.constant 4096 : i32
      %scan3A_21 = arith.addi %scan3A_19, %scan3A_20 : i32
      %scan3A_22 = arith.constant 1 : i32
      %scan3A_23 = scf.for %scan3A_1370 = %scan3A_19 to %scan3A_21 step %scan3A_22 iter_args(%scan3A_1371 = %scan3A_18) -> (i32)  : i32 {
        %broadcast_in_dim3A_1372 = arith.constant 0 : i32
        %broadcast_in_dim3A_1373 = vector.broadcast %broadcast_in_dim3A_1372 : i32 to vector<16xi32>
        %swap3A_1374 = arith.index_cast %scan3A_1370 : i32 to index
        %swap3A_1375 = arith.constant 0 : index
        %swap3A_1376 = tpu.vector_load %arg6[%swap3A_1374, %swap3A_1375] {strides = array<i32>} : memref<4096x16xi32, #tpu.memory_space<vmem>>, vector<16xi32>,
        tpu.vector_store %arg6[%swap3A_1374, %swap3A_1375], %broadcast_in_dim3A_1373 {strides = array<i32>} : memref<4096x16xi32, #tpu.memory_space<vmem>>, vector<16xi32>,
        %scan3A_1377 = arith.constant 0 : i32
        scf.yield %scan3A_1377 : i32
      }
      %scan3A_24 = arith.constant 4096 : i32
      %dma_start3A = tpu.memref_slice %arg2[%add3A, %mul3A_17] : memref<4x2097152xf32, #tpu.memory_space<hbm>> -> memref<1x2048xf32, #tpu.memory_space<hbm>>
      %dma_start3A_25 = tpu.memref_squeeze %dma_start3A : memref<1x2048xf32, #tpu.memory_space<hbm>> -> memref<2048xf32, #tpu.memory_space<hbm>>
      %dma_start3A_26 = tpu.memref_slice %arg2[%add3A, %mul3A_17] : memref<4x2097152xf32, #tpu.memory_space<hbm>> -> memref<1x2048xf32, #tpu.memory_space<hbm>>
      %dma_start3A_27 = tpu.memref_squeeze %dma_start3A_26 : memref<1x2048xf32, #tpu.memory_space<hbm>> -> memref<2048xf32, #tpu.memory_space<hbm>>
      tpu.enqueue_dma source(%dma_start3A_27 : memref<2048xf32, #tpu.memory_space<hbm>>) target(%arg4 : memref<2048xf32, #tpu.memory_space<vmem>>) target_semaphore(%arg23 : memref<!tpu.dma_semaphore, #tpu.memory_space<semaphore_mem>>)
      %scan3A_28 = arith.constant 0 : i32
      %scan3A_29 = arith.constant 0 : i32
      %scan3A_30 = arith.constant 32 : i32
      %scan3A_31 = arith.addi %scan3A_29, %scan3A_30 : i32
      %scan3A_32 = arith.constant 1 : i32
      %scan3A_33 = scf.for %scan3A_1370 = %scan3A_29 to %scan3A_31 step %scan3A_32 iter_args(%scan3A_1371 = %scan3A_28) -> (i32)  : i32 {
        %mul3A_1372 = arith.constant 2 : i32
        %mul3A_1373 = arith.muli %mul3A_1372, %scan3A_1370 : i32
        %add3A_1374 = arith.constant 1 : i32
        %add3A_1375 = arith.addi %mul3A_1373, %add3A_1374 : i32
        %mul3A_1376 = arith.constant 2048 : i32
        %mul3A_1377 = arith.muli %mul3A_1373, %mul3A_1376 : i32
        %add3A_1378 = arith.addi %mul3A_17, %mul3A_1377 : i32
        %dma_wait3A = tpu.memref_slice %arg2[%add3A, %add3A_1378] : memref<4x2097152xf32, #tpu.memory_space<hbm>> -> memref<1x2048xf32, #tpu.memory_space<hbm>>
        %dma_wait3A_1379 = tpu.memref_squeeze %dma_wait3A : memref<1x2048xf32, #tpu.memory_space<hbm>> -> memref<2048xf32, #tpu.memory_space<hbm>>
        %dma_wait3A_1380 = tpu.memref_slice %arg2[%add3A, %add3A_1378] : memref<4x2097152xf32, #tpu.memory_space<hbm>> -> memref<1x2048xf32, #tpu.memory_space<hbm>>
        %dma_wait3A_1381 = tpu.memref_squeeze %dma_wait3A_1380 : memref<1x2048xf32, #tpu.memory_space<hbm>> -> memref<2048xf32, #tpu.memory_space<hbm>>
        tpu.wait_dma2 semaphore(%arg23 : memref<!tpu.dma_semaphore, #tpu.memory_space<semaphore_mem>>) src(%dma_wait3A_1381 : memref<2048xf32, #tpu.memory_space<hbm>>) dst(%arg4 : memref<2048xf32, #tpu.memory_space<vmem>>)
        %mul3A_1382 = arith.constant 2048 : i32
        %mul3A_1383 = arith.muli %add3A_1375, %mul3A_1382 : i32
        %add3A_1384 = arith.addi %mul3A_17, %mul3A_1383 : i32
        %dma_start3A_1385 = tpu.memref_slice %arg2[%add3A, %add3A_1384] : memref<4x2097152xf32, #tpu.memory_space<hbm>> -> memref<1x2048xf32, #tpu.memory_space<hbm>>
        %dma_start3A_1386 = tpu.memref_squeeze %dma_start3A_1385 : memref<1x2048xf32, #tpu.memory_space<hbm>> -> memref<2048xf32, #tpu.memory_space<hbm>>
        %dma_start3A_1387 = tpu.memref_slice %arg2[%add3A, %add3A_1384] : memref<4x2097152xf32, #tpu.memory_space<hbm>> -> memref<1x2048xf32, #tpu.memory_space<hbm>>
        %dma_start3A_1388 = tpu.memref_squeeze %dma_start3A_1387 : memref<1x2048xf32, #tpu.memory_space<hbm>> -> memref<2048xf32, #tpu.memory_space<hbm>>
        tpu.enqueue_dma source(%dma_start3A_1388 : memref<2048xf32, #tpu.memory_space<hbm>>) target(%arg5 : memref<2048xf32, #tpu.memory_space<vmem>>) target_semaphore(%arg24 : memref<!tpu.dma_semaphore, #tpu.memory_space<semaphore_mem>>)
        %scan3A_1389 = arith.constant 0 : i32
        %scan3A_1390 = arith.constant 0 : i32
        %scan3A_1391 = arith.constant 128 : i32
        %scan3A_1392 = arith.addi %scan3A_1390, %scan3A_1391 : i32
        %scan3A_1393 = arith.constant 1 : i32
        %scan3A_1394 = scf.for %scan3A_1418 = %scan3A_1390 to %scan3A_1392 step %scan3A_1393 iter_args(%scan3A_1419 = %scan3A_1389) -> (i32)  : i32 {
          %mul3A_1420 = arith.constant 16 : i32
          %mul3A_1421 = arith.muli %scan3A_1418, %mul3A_1420 : i32
          %get3A_1422 = arith.index_cast %mul3A_1421 : i32 to index
          %get3A_1423 = tpu.vector_load %arg4[%get3A_1422] {strides = array<i32>} : memref<2048xf32, #tpu.memory_space<vmem>>, vector<16xf32>,
          %bitcast_convert_type3A_1424 = tpu.bitcast %get3A_1423 : vector<16xf32> -> vector<16xi32>
          %lt3A_1425 = arith.constant 0 : i32
          %lt3A_1426 = vector.broadcast %lt3A_1425 : i32 to vector<16xi32>
          %lt3A_1427 = arith.cmpi slt, %bitcast_convert_type3A_1424, %lt3A_1426 : vector<16xi32>
          %not3A_1428 = arith.constant dense<-1> : vector<16xi32>
          %not3A_1429 = arith.xori %bitcast_convert_type3A_1424, %not3A_1428 : vector<16xi32>
          %or3A_1430 = arith.constant -2147483648 : i32
          %or3A_1431 = vector.broadcast %or3A_1430 : i32 to vector<16xi32>
          %or3A_1432 = arith.ori %bitcast_convert_type3A_1424, %or3A_1431 : vector<16xi32>
          %select_n3A_1433 = arith.select %lt3A_1427, %not3A_1429, %or3A_1432 : vector<16xi1>, vector<16xi32>
          %shift_right_logical3A = arith.constant 16 : i32
          %shift_right_logical3A_1434 = vector.broadcast %shift_right_logical3A : i32 to vector<16xi32>
          %shift_right_logical3A_1435 = arith.shrui %select_n3A_1433, %shift_right_logical3A_1434 : vector<16xi32>
          %broadcast_in_dim3A_1436 = arith.constant true
          %broadcast_in_dim3A_1437 = vector.broadcast %broadcast_in_dim3A_1436 : i1 to vector<16xi1>
          %unique3A, %unique3A_1438 = tpu.scan_count mask(%broadcast_in_dim3A_1437 : vector<16xi1>) value(%shift_right_logical3A_1435 : vector<16xi32>) : vector<16xi1>, vector<16xi32>
          %shift_right_logical3A_1439 = arith.constant 4 : i32
          %shift_right_logical3A_1440 = vector.broadcast %shift_right_logical3A_1439 : i32 to vector<16xi32>
          %shift_right_logical3A_1441 = arith.shrui %shift_right_logical3A_1435, %shift_right_logical3A_1440 : vector<16xi32>
          %and3A_1442 = arith.constant 15 : i32
          %and3A_1443 = vector.broadcast %and3A_1442 : i32 to vector<16xi32>
          %and3A_1444 = arith.andi %shift_right_logical3A_1435, %and3A_1443 : vector<16xi32>
          tpu.vector_store_idx %arg6[%shift_right_logical3A_1441, %and3A_1444], %unique3A_1438 masked %unique3A {add = true} : memref<4096x16xi32, #tpu.memory_space<vmem>>[vector<16xi32>, vector<16xi32>], vector<16xi32>, vector<16xi1>
          %scan3A_1445 = arith.constant 0 : i32
          scf.yield %scan3A_1445 : i32
        }
        %scan3A_1395 = arith.constant 128 : i32
        %mul3A_1396 = arith.constant 2048 : i32
        %mul3A_1397 = arith.muli %add3A_1375, %mul3A_1396 : i32
        %add3A_1398 = arith.addi %mul3A_17, %mul3A_1397 : i32
        %dma_wait3A_1399 = tpu.memref_slice %arg2[%add3A, %add3A_1398] : memref<4x2097152xf32, #tpu.memory_space<hbm>> -> memref<1x2048xf32, #tpu.memory_space<hbm>>
        %dma_wait3A_1400 = tpu.memref_squeeze %dma_wait3A_1399 : memref<1x2048xf32, #tpu.memory_space<hbm>> -> memref<2048xf32, #tpu.memory_space<hbm>>
        %dma_wait3A_1401 = tpu.memref_slice %arg2[%add3A, %add3A_1398] : memref<4x2097152xf32, #tpu.memory_space<hbm>> -> memref<1x2048xf32, #tpu.memory_space<hbm>>
        %dma_wait3A_1402 = tpu.memref_squeeze %dma_wait3A_1401 : memref<1x2048xf32, #tpu.memory_space<hbm>> -> memref<2048xf32, #tpu.memory_space<hbm>>
        tpu.wait_dma2 semaphore(%arg24 : memref<!tpu.dma_semaphore, #tpu.memory_space<semaphore_mem>>) src(%dma_wait3A_1402 : memref<2048xf32, #tpu.memory_space<hbm>>) dst(%arg5 : memref<2048xf32, #tpu.memory_space<vmem>>)
        %add3A_1403 = arith.constant 1 : i32
        %add3A_1404 = arith.addi %add3A_1375, %add3A_1403 : i32
        %lt3A_1405 = arith.constant 64 : i32
        %lt3A_1406 = arith.cmpi slt, %add3A_1404, %lt3A_1405 : i32
        %convert_element_type3A_1407 = arith.extui %lt3A_1406 : i1 to i32
        %cond3A_1408 = arith.constant 0 : i32
        %cond3A_1409 = arith.cmpi ne, %convert_element_type3A_1407, %cond3A_1408 : i32
        scf.if %cond3A_1409 {
          %add3A_1418 = arith.constant 1 : i32
          %add3A_1419 = arith.addi %add3A_1375, %add3A_1418 : i32
          %mul3A_1420 = arith.constant 2048 : i32
          %mul3A_1421 = arith.muli %add3A_1419, %mul3A_1420 : i32
          %add3A_1422 = arith.addi %mul3A_17, %mul3A_1421 : i32
          %dma_start3A_1423 = tpu.memref_slice %arg2[%add3A, %add3A_1422] : memref<4x2097152xf32, #tpu.memory_space<hbm>> -> memref<1x2048xf32, #tpu.memory_space<hbm>>
          %dma_start3A_1424 = tpu.memref_squeeze %dma_start3A_1423 : memref<1x2048xf32, #tpu.memory_space<hbm>> -> memref<2048xf32, #tpu.memory_space<hbm>>
          %dma_start3A_1425 = tpu.memref_slice %arg2[%add3A, %add3A_1422] : memref<4x2097152xf32, #tpu.memory_space<hbm>> -> memref<1x2048xf32, #tpu.memory_space<hbm>>
          %dma_start3A_1426 = tpu.memref_squeeze %dma_start3A_1425 : memref<1x2048xf32, #tpu.memory_space<hbm>> -> memref<2048xf32, #tpu.memory_space<hbm>>
          tpu.enqueue_dma source(%dma_start3A_1426 : memref<2048xf32, #tpu.memory_space<hbm>>) target(%arg4 : memref<2048xf32, #tpu.memory_space<vmem>>) target_semaphore(%arg23 : memref<!tpu.dma_semaphore, #tpu.memory_space<semaphore_mem>>)
        } else {
        }
        %scan3A_1410 = arith.constant 0 : i32
        %scan3A_1411 = arith.constant 0 : i32
        %scan3A_1412 = arith.constant 128 : i32
        %scan3A_1413 = arith.addi %scan3A_1411, %scan3A_1412 : i32
        %scan3A_1414 = arith.constant 1 : i32
        %scan3A_1415 = scf.for %scan3A_1418 = %scan3A_1411 to %scan3A_1413 step %scan3A_1414 iter_args(%scan3A_1419 = %scan3A_1410) -> (i32)  : i32 {
          %mul3A_1420 = arith.constant 16 : i32
          %mul3A_1421 = arith.muli %scan3A_1418, %mul3A_1420 : i32
          %get3A_1422 = arith.index_cast %mul3A_1421 : i32 to index
          %get3A_1423 = tpu.vector_load %arg5[%get3A_1422] {strides = array<i32>} : memref<2048xf32, #tpu.memory_space<vmem>>, vector<16xf32>,
          %bitcast_convert_type3A_1424 = tpu.bitcast %get3A_1423 : vector<16xf32> -> vector<16xi32>
          %lt3A_1425 = arith.constant 0 : i32
          %lt3A_1426 = vector.broadcast %lt3A_1425 : i32 to vector<16xi32>
          %lt3A_1427 = arith.cmpi slt, %bitcast_convert_type3A_1424, %lt3A_1426 : vector<16xi32>
          %not3A_1428 = arith.constant dense<-1> : vector<16xi32>
          %not3A_1429 = arith.xori %bitcast_convert_type3A_1424, %not3A_1428 : vector<16xi32>
          %or3A_1430 = arith.constant -2147483648 : i32
          %or3A_1431 = vector.broadcast %or3A_1430 : i32 to vector<16xi32>
          %or3A_1432 = arith.ori %bitcast_convert_type3A_1424, %or3A_1431 : vector<16xi32>
          %select_n3A_1433 = arith.select %lt3A_1427, %not3A_1429, %or3A_1432 : vector<16xi1>, vector<16xi32>
          %shift_right_logical3A = arith.constant 16 : i32
          %shift_right_logical3A_1434 = vector.broadcast %shift_right_logical3A : i32 to vector<16xi32>
          %shift_right_logical3A_1435 = arith.shrui %select_n3A_1433, %shift_right_logical3A_1434 : vector<16xi32>
          %broadcast_in_dim3A_1436 = arith.constant true
          %broadcast_in_dim3A_1437 = vector.broadcast %broadcast_in_dim3A_1436 : i1 to vector<16xi1>
          %unique3A, %unique3A_1438 = tpu.scan_count mask(%broadcast_in_dim3A_1437 : vector<16xi1>) value(%shift_right_logical3A_1435 : vector<16xi32>) : vector<16xi1>, vector<16xi32>
          %shift_right_logical3A_1439 = arith.constant 4 : i32
          %shift_right_logical3A_1440 = vector.broadcast %shift_right_logical3A_1439 : i32 to vector<16xi32>
          %shift_right_logical3A_1441 = arith.shrui %shift_right_logical3A_1435, %shift_right_logical3A_1440 : vector<16xi32>
          %and3A_1442 = arith.constant 15 : i32
          %and3A_1443 = vector.broadcast %and3A_1442 : i32 to vector<16xi32>
          %and3A_1444 = arith.andi %shift_right_logical3A_1435, %and3A_1443 : vector<16xi32>
          tpu.vector_store_idx %arg6[%shift_right_logical3A_1441, %and3A_1444], %unique3A_1438 masked %unique3A {add = true} : memref<4096x16xi32, #tpu.memory_space<vmem>>[vector<16xi32>, vector<16xi32>], vector<16xi32>, vector<16xi1>
          %scan3A_1445 = arith.constant 0 : i32
          scf.yield %scan3A_1445 : i32
        }
        %scan3A_1416 = arith.constant 128 : i32
        %scan3A_1417 = arith.constant 0 : i32
        scf.yield %scan3A_1417 : i32
      }
      %scan3A_34 = arith.constant 32 : i32
      %mul3A_35 = arith.constant 256 : i32
      %mul3A_36 = arith.muli %arg1, %mul3A_35 : i32
      "tpu.region"() ({
        %run_scoped3A = tpu.sem_alloc : memref<!tpu.dma_semaphore, #tpu.memory_space<semaphore_mem>>
        %dma_start3A_1370 = arith.constant 0 : i32
        %dma_start3A_1371 = tpu.memref_slice %arg17[%mul3A_36, %dma_start3A_1370] : memref<4096x16xi32, #tpu.memory_space<vmem_shared>> -> memref<256x16xi32, #tpu.memory_space<vmem_shared>>
        %dma_start3A_1372 = arith.constant 0 : i32
        %dma_start3A_1373 = tpu.memref_slice %arg17[%mul3A_36, %dma_start3A_1372] : memref<4096x16xi32, #tpu.memory_space<vmem_shared>> -> memref<256x16xi32, #tpu.memory_space<vmem_shared>>
        tpu.enqueue_dma source(%arg8 : memref<256x16xi32, #tpu.memory_space<vmem>>) target(%dma_start3A_1373 : memref<256x16xi32, #tpu.memory_space<vmem_shared>>) target_semaphore(%run_scoped3A : memref<!tpu.dma_semaphore, #tpu.memory_space<semaphore_mem>>)
        %dma_wait3A = arith.constant 0 : i32
        %dma_wait3A_1374 = tpu.memref_slice %arg17[%mul3A_36, %dma_wait3A] : memref<4096x16xi32, #tpu.memory_space<vmem_shared>> -> memref<256x16xi32, #tpu.memory_space<vmem_shared>>
        %dma_wait3A_1375 = arith.constant 0 : i32
        %dma_wait3A_1376 = tpu.memref_slice %arg17[%mul3A_36, %dma_wait3A_1375] : memref<4096x16xi32, #tpu.memory_space<vmem_shared>> -> memref<256x16xi32, #tpu.memory_space<vmem_shared>>
        tpu.wait_dma2 semaphore(%run_scoped3A : memref<!tpu.dma_semaphore, #tpu.memory_space<semaphore_mem>>) src(%arg8 : memref<256x16xi32, #tpu.memory_space<vmem>>) dst(%dma_wait3A_1376 : memref<256x16xi32, #tpu.memory_space<vmem_shared>>)
        tpu.yield
      }) : () -> ()
      %barrier3A = arith.constant 0 : index
      tpu.barrier barrier_id(%barrier3A)
      %scan3A_37 = arith.constant 0 : i32
      %scan3A_38 = arith.constant 0 : i32
      %scan3A_39 = arith.constant 32 : i32
      %scan3A_40 = arith.addi %scan3A_38, %scan3A_39 : i32
      %scan3A_41 = arith.constant 1 : i32
      %scan3A_42 = scf.for %scan3A_1370 = %scan3A_38 to %scan3A_40 step %scan3A_41 iter_args(%scan3A_1371 = %scan3A_37) -> (i32)  : i32 {
        %mul3A_1372 = arith.constant 128 : i32
        %mul3A_1373 = arith.muli %scan3A_1370, %mul3A_1372 : i32
        %add3A_1374 = arith.constant 0 : i32
        %add3A_1375 = arith.addi %mul3A_1373, %add3A_1374 : i32
        %add3A_1376 = vector.broadcast %add3A_1375 : i32 to vector<16xi32>
        %add3A_1377 = arith.addi %add3A_1376, %iota3A : vector<16xi32>
        %swap3A_1378 = arith.index_cast %scan3A_1370 : i32 to index
        %swap3A_1379 = arith.constant 0 : index
        %swap3A_1380 = tpu.vector_load %arg10[%swap3A_1378, %swap3A_1379] {strides = array<i32>} : memref<16x128xi32, #tpu.memory_space<vmem>>, vector<16xi32>,
        tpu.vector_store %arg10[%swap3A_1378, %swap3A_1379], %add3A_1377 {strides = array<i32>} : memref<16x128xi32, #tpu.memory_space<vmem>>, vector<16xi32>,
        %mul3A_1381 = arith.constant 128 : i32
        %mul3A_1382 = arith.muli %scan3A_1370, %mul3A_1381 : i32
        %add3A_1383 = arith.constant 16 : i32
        %add3A_1384 = arith.addi %mul3A_1382, %add3A_1383 : i32
        %add3A_1385 = vector.broadcast %add3A_1384 : i32 to vector<16xi32>
        %add3A_1386 = arith.addi %add3A_1385, %iota3A : vector<16xi32>
        %swap3A_1387 = arith.index_cast %scan3A_1370 : i32 to index
        %swap3A_1388 = arith.constant 16 : index
        %swap3A_1389 = tpu.vector_load %arg10[%swap3A_1387, %swap3A_1388] {strides = array<i32>} : memref<16x128xi32, #tpu.memory_space<vmem>>, vector<16xi32>,
        tpu.vector_store %arg10[%swap3A_1387, %swap3A_1388], %add3A_1386 {strides = array<i32>} : memref<16x128xi32, #tpu.memory_space<vmem>>, vector<16xi32>,
        %mul3A_1390 = arith.constant 128 : i32
        %mul3A_1391 = arith.muli %scan3A_1370, %mul3A_1390 : i32
        %add3A_1392 = arith.constant 32 : i32
        %add3A_1393 = arith.addi %mul3A_1391, %add3A_1392 : i32
        %add3A_1394 = vector.broadcast %add3A_1393 : i32 to vector<16xi32>
        %add3A_1395 = arith.addi %add3A_1394, %iota3A : vector<16xi32>
        %swap3A_1396 = arith.index_cast %scan3A_1370 : i32 to index
        %swap3A_1397 = arith.constant 32 : index
        %swap3A_1398 = tpu.vector_load %arg10[%swap3A_1396, %swap3A_1397] {strides = array<i32>} : memref<16x128xi32, #tpu.memory_space<vmem>>, vector<16xi32>,
        tpu.vector_store %arg10[%swap3A_1396, %swap3A_1397], %add3A_1395 {strides = array<i32>} : memref<16x128xi32, #tpu.memory_space<vmem>>, vector<16xi32>,
        %mul3A_1399 = arith.constant 128 : i32
        %mul3A_1400 = arith.muli %scan3A_1370, %mul3A_1399 : i32
        %add3A_1401 = arith.constant 48 : i32
        %add3A_1402 = arith.addi %mul3A_1400, %add3A_1401 : i32
        %add3A_1403 = vector.broadcast %add3A_1402 : i32 to vector<16xi32>
        %add3A_1404 = arith.addi %add3A_1403, %iota3A : vector<16xi32>
        %swap3A_1405 = arith.index_cast %scan3A_1370 : i32 to index
        %swap3A_1406 = arith.constant 48 : index
        %swap3A_1407 = tpu.vector_load %arg10[%swap3A_1405, %swap3A_1406] {strides = array<i32>} : memref<16x128xi32, #tpu.memory_space<vmem>>, vector<16xi32>,
        tpu.vector_store %arg10[%swap3A_1405, %swap3A_1406], %add3A_1404 {strides = array<i32>} : memref<16x128xi32, #tpu.memory_space<vmem>>, vector<16xi32>,
        %mul3A_1408 = arith.constant 128 : i32
        %mul3A_1409 = arith.muli %scan3A_1370, %mul3A_1408 : i32
        %add3A_1410 = arith.constant 64 : i32
        %add3A_1411 = arith.addi %mul3A_1409, %add3A_1410 : i32
        %add3A_1412 = vector.broadcast %add3A_1411 : i32 to vector<16xi32>
        %add3A_1413 = arith.addi %add3A_1412, %iota3A : vector<16xi32>
        %swap3A_1414 = arith.index_cast %scan3A_1370 : i32 to index
        %swap3A_1415 = arith.constant 64 : index
        %swap3A_1416 = tpu.vector_load %arg10[%swap3A_1414, %swap3A_1415] {strides = array<i32>} : memref<16x128xi32, #tpu.memory_space<vmem>>, vector<16xi32>,
        tpu.vector_store %arg10[%swap3A_1414, %swap3A_1415], %add3A_1413 {strides = array<i32>} : memref<16x128xi32, #tpu.memory_space<vmem>>, vector<16xi32>,
        %mul3A_1417 = arith.constant 128 : i32
        %mul3A_1418 = arith.muli %scan3A_1370, %mul3A_1417 : i32
        %add3A_1419 = arith.constant 80 : i32
        %add3A_1420 = arith.addi %mul3A_1418, %add3A_1419 : i32
        %add3A_1421 = vector.broadcast %add3A_1420 : i32 to vector<16xi32>
        %add3A_1422 = arith.addi %add3A_1421, %iota3A : vector<16xi32>
        %swap3A_1423 = arith.index_cast %scan3A_1370 : i32 to index
        %swap3A_1424 = arith.constant 80 : index
        %swap3A_1425 = tpu.vector_load %arg10[%swap3A_1423, %swap3A_1424] {strides = array<i32>} : memref<16x128xi32, #tpu.memory_space<vmem>>, vector<16xi32>,
        tpu.vector_store %arg10[%swap3A_1423, %swap3A_1424], %add3A_1422 {strides = array<i32>} : memref<16x128xi32, #tpu.memory_space<vmem>>, vector<16xi32>,
        %mul3A_1426 = arith.constant 128 : i32
        %mul3A_1427 = arith.muli %scan3A_1370, %mul3A_1426 : i32
        %add3A_1428 = arith.constant 96 : i32
        %add3A_1429 = arith.addi %mul3A_1427, %add3A_1428 : i32
        %add3A_1430 = vector.broadcast %add3A_1429 : i32 to vector<16xi32>
        %add3A_1431 = arith.addi %add3A_1430, %iota3A : vector<16xi32>
        %swap3A_1432 = arith.index_cast %scan3A_1370 : i32 to index
        %swap3A_1433 = arith.constant 96 : index
        %swap3A_1434 = tpu.vector_load %arg10[%swap3A_1432, %swap3A_1433] {strides = array<i32>} : memref<16x128xi32, #tpu.memory_space<vmem>>, vector<16xi32>,
        tpu.vector_store %arg10[%swap3A_1432, %swap3A_1433], %add3A_1431 {strides = array<i32>} : memref<16x128xi32, #tpu.memory_space<vmem>>, vector<16xi32>,
        %mul3A_1435 = arith.constant 128 : i32
        %mul3A_1436 = arith.muli %scan3A_1370, %mul3A_1435 : i32
        %add3A_1437 = arith.constant 112 : i32
        %add3A_1438 = arith.addi %mul3A_1436, %add3A_1437 : i32
        %add3A_1439 = vector.broadcast %add3A_1438 : i32 to vector<16xi32>
        %add3A_1440 = arith.addi %add3A_1439, %iota3A : vector<16xi32>
        %swap3A_1441 = arith.index_cast %scan3A_1370 : i32 to index
        %swap3A_1442 = arith.constant 112 : index
        %swap3A_1443 = tpu.vector_load %arg10[%swap3A_1441, %swap3A_1442] {strides = array<i32>} : memref<16x128xi32, #tpu.memory_space<vmem>>, vector<16xi32>,
        tpu.vector_store %arg10[%swap3A_1441, %swap3A_1442], %add3A_1440 {strides = array<i32>} : memref<16x128xi32, #tpu.memory_space<vmem>>, vector<16xi32>,
        %mul3A_1444 = arith.constant 128 : i32
        %mul3A_1445 = arith.muli %scan3A_1370, %mul3A_1444 : i32
        "tpu.region"() ({
          %run_scoped3A = tpu.sem_alloc : memref<!tpu.dma_semaphore, #tpu.memory_space<semaphore_mem>>
          %dma_start3A_1447 = arith.constant 0 : i32
          %dma_start3A_1448 = tpu.memref_slice %arg6[%mul3A_1445, %dma_start3A_1447] : memref<4096x16xi32, #tpu.memory_space<vmem>> -> memref<128x16xi32, #tpu.memory_space<vmem>>
          %dma_start3A_1449 = arith.constant 0 : i32
          %dma_start3A_1450 = tpu.memref_slice %arg10[%scan3A_1370, %dma_start3A_1449] : memref<16x128xi32, #tpu.memory_space<vmem>> -> memref<1x128xi32, #tpu.memory_space<vmem>>
          %dma_start3A_1451 = tpu.memref_squeeze %dma_start3A_1450 : memref<1x128xi32, #tpu.memory_space<vmem>> -> memref<128xi32, #tpu.memory_space<vmem>>
          %dma_start3A_1452 = arith.constant 0 : i32
          %dma_start3A_1453 = arith.constant 0 : i32
          %dma_start3A_1454 = tpu.memref_slice %arg17[%dma_start3A_1452, %dma_start3A_1453] : memref<4096x16xi32, #tpu.memory_space<vmem_shared>> -> memref<4096x16xi32, #tpu.memory_space<vmem_shared>>
          tpu.enqueue_indirect_dma source(%dma_start3A_1448 : memref<128x16xi32, #tpu.memory_space<vmem>>) target(%dma_start3A_1454 : memref<4096x16xi32, #tpu.memory_space<vmem_shared>>) offsets(%dma_start3A_1451 : memref<128xi32, #tpu.memory_space<vmem>>) semaphore(%run_scoped3A : memref<!tpu.dma_semaphore, #tpu.memory_space<semaphore_mem>>) {add = true}
          %dma_wait3A = arith.constant 0 : i32
          %dma_wait3A_1455 = tpu.memref_slice %arg6[%mul3A_1445, %dma_wait3A] : memref<4096x16xi32, #tpu.memory_space<vmem>> -> memref<128x16xi32, #tpu.memory_space<vmem>>
          %dma_wait3A_1456 = arith.constant 0 : i32
          %dma_wait3A_1457 = tpu.memref_slice %arg10[%scan3A_1370, %dma_wait3A_1456] : memref<16x128xi32, #tpu.memory_space<vmem>> -> memref<1x128xi32, #tpu.memory_space<vmem>>
          %dma_wait3A_1458 = tpu.memref_squeeze %dma_wait3A_1457 : memref<1x128xi32, #tpu.memory_space<vmem>> -> memref<128xi32, #tpu.memory_space<vmem>>
          %dma_wait3A_1459 = arith.constant 0 : i32
          %dma_wait3A_1460 = arith.constant 0 : i32
          %dma_wait3A_1461 = tpu.memref_slice %arg17[%dma_wait3A_1459, %dma_wait3A_1460] : memref<4096x16xi32, #tpu.memory_space<vmem_shared>> -> memref<4096x16xi32, #tpu.memory_space<vmem_shared>>
          tpu.wait_indirect_dma semaphore(%run_scoped3A : memref<!tpu.dma_semaphore, #tpu.memory_space<semaphore_mem>>) src(%dma_wait3A_1455 : memref<128x16xi32, #tpu.memory_space<vmem>>) dst(%dma_wait3A_1461 : memref<4096x16xi32, #tpu.memory_space<vmem_shared>>)
          tpu.yield
        }) : () -> ()
        %scan3A_1446 = arith.constant 0 : i32
        scf.yield %scan3A_1446 : i32
      }
      %scan3A_43 = arith.constant 32 : i32
      %barrier3A_44 = arith.constant 0 : index
      tpu.barrier barrier_id(%barrier3A_44)
      %mul3A_45 = arith.constant 256 : i32
      %mul3A_46 = arith.muli %arg1, %mul3A_45 : i32
      "tpu.region"() ({
        %run_scoped3A = tpu.sem_alloc : memref<!tpu.dma_semaphore, #tpu.memory_space<semaphore_mem>>
        %dma_start3A_1370 = arith.constant 0 : i32
        %dma_start3A_1371 = tpu.memref_slice %arg17[%mul3A_46, %dma_start3A_1370] : memref<4096x16xi32, #tpu.memory_space<vmem_shared>> -> memref<256x16xi32, #tpu.memory_space<vmem_shared>>
        %dma_start3A_1372 = arith.constant 0 : i32
        %dma_start3A_1373 = tpu.memref_slice %arg17[%mul3A_46, %dma_start3A_1372] : memref<4096x16xi32, #tpu.memory_space<vmem_shared>> -> memref<256x16xi32, #tpu.memory_space<vmem_shared>>
        tpu.enqueue_dma source(%dma_start3A_1373 : memref<256x16xi32, #tpu.memory_space<vmem_shared>>) target(%arg7 : memref<256x16xi32, #tpu.memory_space<vmem>>) target_semaphore(%run_scoped3A : memref<!tpu.dma_semaphore, #tpu.memory_space<semaphore_mem>>)
        %dma_wait3A = arith.constant 0 : i32
        %dma_wait3A_1374 = tpu.memref_slice %arg17[%mul3A_46, %dma_wait3A] : memref<4096x16xi32, #tpu.memory_space<vmem_shared>> -> memref<256x16xi32, #tpu.memory_space<vmem_shared>>
        %dma_wait3A_1375 = arith.constant 0 : i32
        %dma_wait3A_1376 = tpu.memref_slice %arg17[%mul3A_46, %dma_wait3A_1375] : memref<4096x16xi32, #tpu.memory_space<vmem_shared>> -> memref<256x16xi32, #tpu.memory_space<vmem_shared>>
        tpu.wait_dma2 semaphore(%run_scoped3A : memref<!tpu.dma_semaphore, #tpu.memory_space<semaphore_mem>>) src(%dma_wait3A_1376 : memref<256x16xi32, #tpu.memory_space<vmem_shared>>) dst(%arg7 : memref<256x16xi32, #tpu.memory_space<vmem>>)
        tpu.yield
      }) : () -> ()
      %scan3A_47 = arith.constant 0 : i32
      %scan3A_48 = arith.constant 0 : i32
      %scan3A_49 = arith.constant 256 : i32
      %scan3A_50 = arith.addi %scan3A_48, %scan3A_49 : i32
      %scan3A_51 = arith.constant 1 : i32
      %scan3A_52 = scf.for %scan3A_1370 = %scan3A_48 to %scan3A_50 step %scan3A_51 iter_args(%scan3A_1371 = %scan3A_47) -> (i32)  : i32 {
        %get3A_1372 = arith.index_cast %scan3A_1370 : i32 to index
        %get3A_1373 = arith.constant 0 : index
        %get3A_1374 = tpu.vector_load %arg7[%get3A_1372, %get3A_1373] {strides = array<i32>} : memref<256x16xi32, #tpu.memory_space<vmem>>, vector<16xi32>,
        %broadcast_in_dim3A_1375 = arith.constant true
        %broadcast_in_dim3A_1376 = vector.broadcast %broadcast_in_dim3A_1375 : i1 to vector<16xi1>
        %masked_cumsum3A = tpu.scan <sum>, %get3A_1374 masked %broadcast_in_dim3A_1376 : vector<16xi32>, vector<16xi1> -> vector<16xi32>
        %add3A_1377 = vector.broadcast %scan3A_1371 : i32 to vector<16xi32>
        %add3A_1378 = arith.addi %masked_cumsum3A, %add3A_1377 : vector<16xi32>
        %swap3A_1379 = arith.index_cast %scan3A_1370 : i32 to index
        %swap3A_1380 = arith.constant 0 : index
        %swap3A_1381 = tpu.vector_load %arg7[%swap3A_1379, %swap3A_1380] {strides = array<i32>} : memref<256x16xi32, #tpu.memory_space<vmem>>, vector<16xi32>,
        tpu.vector_store %arg7[%swap3A_1379, %swap3A_1380], %add3A_1378 {strides = array<i32>} : memref<256x16xi32, #tpu.memory_space<vmem>>, vector<16xi32>,
        %reduce_sum3A = arith.constant true
        %reduce_sum3A_1382 = vector.broadcast %reduce_sum3A : i1 to vector<16xi1>
        %reduce_sum3A_1383 = tpu.scan <sum>, %get3A_1374 masked %reduce_sum3A_1382 : vector<16xi32>, vector<16xi1> -> vector<16xi32>
        %reduce_sum3A_1384 = vector.extract %reduce_sum3A_1383[15] : i32 from vector<16xi32>
        %add3A_1385 = arith.addi %scan3A_1371, %reduce_sum3A_1384 : i32
        scf.yield %add3A_1385 : i32
      }
      %scan3A_53 = arith.constant 256 : i32
      %broadcast_in_dim3A = vector.broadcast %scan3A_52 : i32 to vector<16xi32>
      %swap3A = arith.constant 0 : index
      %swap3A_54 = tpu.vector_load %arg16[%swap3A] {strides = array<i32>} : memref<16xi32, #tpu.memory_space<vmem>>, vector<16xi32>,
      tpu.vector_store %arg16[%swap3A], %broadcast_in_dim3A {strides = array<i32>} : memref<16xi32, #tpu.memory_space<vmem>>, vector<16xi32>,
      "tpu.region"() ({
        %run_scoped3A = tpu.sem_alloc : memref<!tpu.dma_semaphore, #tpu.memory_space<semaphore_mem>>
        %dma_start3A_1370 = arith.constant 0 : i32
        %dma_start3A_1371 = tpu.memref_slice %arg18[%arg1, %dma_start3A_1370] : memref<16x16xi32, #tpu.memory_space<vmem_shared>> -> memref<1x16xi32, #tpu.memory_space<vmem_shared>>
        %dma_start3A_1372 = tpu.memref_squeeze %dma_start3A_1371 : memref<1x16xi32, #tpu.memory_space<vmem_shared>> -> memref<16xi32, #tpu.memory_space<vmem_shared>>
        %dma_start3A_1373 = arith.constant 0 : i32
        %dma_start3A_1374 = tpu.memref_slice %arg18[%arg1, %dma_start3A_1373] : memref<16x16xi32, #tpu.memory_space<vmem_shared>> -> memref<1x16xi32, #tpu.memory_space<vmem_shared>>
        %dma_start3A_1375 = tpu.memref_squeeze %dma_start3A_1374 : memref<1x16xi32, #tpu.memory_space<vmem_shared>> -> memref<16xi32, #tpu.memory_space<vmem_shared>>
        tpu.enqueue_dma source(%arg16 : memref<16xi32, #tpu.memory_space<vmem>>) target(%dma_start3A_1375 : memref<16xi32, #tpu.memory_space<vmem_shared>>) target_semaphore(%run_scoped3A : memref<!tpu.dma_semaphore, #tpu.memory_space<semaphore_mem>>)
        %dma_wait3A = arith.constant 0 : i32
        %dma_wait3A_1376 = tpu.memref_slice %arg18[%arg1, %dma_wait3A] : memref<16x16xi32, #tpu.memory_space<vmem_shared>> -> memref<1x16xi32, #tpu.memory_space<vmem_shared>>
        %dma_wait3A_1377 = tpu.memref_squeeze %dma_wait3A_1376 : memref<1x16xi32, #tpu.memory_space<vmem_shared>> -> memref<16xi32, #tpu.memory_space<vmem_shared>>
        %dma_wait3A_1378 = arith.constant 0 : i32
        %dma_wait3A_1379 = tpu.memref_slice %arg18[%arg1, %dma_wait3A_1378] : memref<16x16xi32, #tpu.memory_space<vmem_shared>> -> memref<1x16xi32, #tpu.memory_space<vmem_shared>>
        %dma_wait3A_1380 = tpu.memref_squeeze %dma_wait3A_1379 : memref<1x16xi32, #tpu.memory_space<vmem_shared>> -> memref<16xi32, #tpu.memory_space<vmem_shared>>
        tpu.wait_dma2 semaphore(%run_scoped3A : memref<!tpu.dma_semaphore, #tpu.memory_space<semaphore_mem>>) src(%arg16 : memref<16xi32, #tpu.memory_space<vmem>>) dst(%dma_wait3A_1380 : memref<16xi32, #tpu.memory_space<vmem_shared>>)
        tpu.yield
      }) : () -> ()
      %barrier3A_55 = arith.constant 0 : index
      tpu.barrier barrier_id(%barrier3A_55)
      "tpu.region"() ({
        %run_scoped3A = tpu.sem_alloc : memref<!tpu.dma_semaphore, #tpu.memory_space<semaphore_mem>>
        tpu.enqueue_dma source(%arg18 : memref<16x16xi32, #tpu.memory_space<vmem_shared>>) target(%arg12 : memref<16x16xi32, #tpu.memory_space<vmem>>) target_semaphore(%run_scoped3A : memref<!tpu.dma_semaphore, #tpu.memory_space<semaphore_mem>>)
        tpu.wait_dma2 semaphore(%run_scoped3A : memref<!tpu.dma_semaphore, #tpu.memory_space<semaphore_mem>>) src(%arg18 : memref<16x16xi32, #tpu.memory_space<vmem_shared>>) dst(%arg12 : memref<16x16xi32, #tpu.memory_space<vmem>>)
        tpu.yield
      }) : () -> ()
      %get3A = arith.constant 0 : i32
      %get3A_56 = arith.index_cast %get3A : i32 to index
      %get3A_57 = arith.constant 0 : index
      %get3A_58 = tpu.vector_load %arg12[%get3A_56, %get3A_57] {strides = array<i32>} : memref<16x16xi32, #tpu.memory_space<vmem>>, vector<16xi32>,
      %reduce_max3A = arith.constant true
      %reduce_max3A_59 = vector.broadcast %reduce_max3A : i1 to vector<16xi1>
      %reduce_max3A_60 = arith.constant -2147483648 : i32
      %reduce_max3A_61 = vector.broadcast %reduce_max3A_60 : i32 to vector<16xi32>
      %reduce_max3A_62 = arith.xori %get3A_58, %reduce_max3A_61 : vector<16xi32>
      %reduce_max3A_63 = tpu.scan <max>, %reduce_max3A_62 masked %reduce_max3A_59 : vector<16xi32>, vector<16xi1> -> vector<16xi32>
      %reduce_max3A_64 = arith.xori %reduce_max3A_63, %reduce_max3A_61 : vector<16xi32>
      %reduce_max3A_65 = vector.extract %reduce_max3A_64[15] : i32 from vector<16xi32>
      %gt3A = arith.constant 0 : i32
      %gt3A_66 = arith.cmpi sgt, %arg1, %gt3A : i32
      %jit3A = arith.constant 0 : i32
      %select_n3A = arith.select %gt3A_66, %reduce_max3A_65, %jit3A : i32
      %add3A_67 = arith.constant 0 : i32
      %add3A_68 = arith.addi %add3A_67, %select_n3A : i32
      %get3A_69 = arith.constant 1 : i32
      %get3A_70 = arith.index_cast %get3A_69 : i32 to index
      %get3A_71 = arith.constant 0 : index
      %get3A_72 = tpu.vector_load %arg12[%get3A_70, %get3A_71] {strides = array<i32>} : memref<16x16xi32, #tpu.memory_space<vmem>>, vector<16xi32>,
      %reduce_max3A_73 = arith.constant true
      %reduce_max3A_74 = vector.broadcast %reduce_max3A_73 : i1 to vector<16xi1>
      %reduce_max3A_75 = arith.constant -2147483648 : i32
      %reduce_max3A_76 = vector.broadcast %reduce_max3A_75 : i32 to vector<16xi32>
      %reduce_max3A_77 = arith.xori %get3A_72, %reduce_max3A_76 : vector<16xi32>
      %reduce_max3A_78 = tpu.scan <max>, %reduce_max3A_77 masked %reduce_max3A_74 : vector<16xi32>, vector<16xi1> -> vector<16xi32>
      %reduce_max3A_79 = arith.xori %reduce_max3A_78, %reduce_max3A_76 : vector<16xi32>
      %reduce_max3A_80 = vector.extract %reduce_max3A_79[15] : i32 from vector<16xi32>
      %gt3A_81 = arith.constant 1 : i32
      %gt3A_82 = arith.cmpi sgt, %arg1, %gt3A_81 : i32
      %jit3A_83 = arith.constant 0 : i32
      %select_n3A_84 = arith.select %gt3A_82, %reduce_max3A_80, %jit3A_83 : i32
      %add3A_85 = arith.addi %add3A_68, %select_n3A_84 : i32
      %get3A_86 = arith.constant 2 : i32
      %get3A_87 = arith.index_cast %get3A_86 : i32 to index
      %get3A_88 = arith.constant 0 : index
      %get3A_89 = tpu.vector_load %arg12[%get3A_87, %get3A_88] {strides = array<i32>} : memref<16x16xi32, #tpu.memory_space<vmem>>, vector<16xi32>,
      %reduce_max3A_90 = arith.constant true
      %reduce_max3A_91 = vector.broadcast %reduce_max3A_90 : i1 to vector<16xi1>
      %reduce_max3A_92 = arith.constant -2147483648 : i32
      %reduce_max3A_93 = vector.broadcast %reduce_max3A_92 : i32 to vector<16xi32>
      %reduce_max3A_94 = arith.xori %get3A_89, %reduce_max3A_93 : vector<16xi32>
      %reduce_max3A_95 = tpu.scan <max>, %reduce_max3A_94 masked %reduce_max3A_91 : vector<16xi32>, vector<16xi1> -> vector<16xi32>
      %reduce_max3A_96 = arith.xori %reduce_max3A_95, %reduce_max3A_93 : vector<16xi32>
      %reduce_max3A_97 = vector.extract %reduce_max3A_96[15] : i32 from vector<16xi32>
      %gt3A_98 = arith.constant 2 : i32
      %gt3A_99 = arith.cmpi sgt, %arg1, %gt3A_98 : i32
      %jit3A_100 = arith.constant 0 : i32
      %select_n3A_101 = arith.select %gt3A_99, %reduce_max3A_97, %jit3A_100 : i32
      %add3A_102 = arith.addi %add3A_85, %select_n3A_101 : i32
      %get3A_103 = arith.constant 3 : i32
      %get3A_104 = arith.index_cast %get3A_103 : i32 to index
      %get3A_105 = arith.constant 0 : index
      %get3A_106 = tpu.vector_load %arg12[%get3A_104, %get3A_105] {strides = array<i32>} : memref<16x16xi32, #tpu.memory_space<vmem>>, vector<16xi32>,
      %reduce_max3A_107 = arith.constant true
      %reduce_max3A_108 = vector.broadcast %reduce_max3A_107 : i1 to vector<16xi1>
      %reduce_max3A_109 = arith.constant -2147483648 : i32
      %reduce_max3A_110 = vector.broadcast %reduce_max3A_109 : i32 to vector<16xi32>
      %reduce_max3A_111 = arith.xori %get3A_106, %reduce_max3A_110 : vector<16xi32>
      %reduce_max3A_112 = tpu.scan <max>, %reduce_max3A_111 masked %reduce_max3A_108 : vector<16xi32>, vector<16xi1> -> vector<16xi32>
      %reduce_max3A_113 = arith.xori %reduce_max3A_112, %reduce_max3A_110 : vector<16xi32>
      %reduce_max3A_114 = vector.extract %reduce_max3A_113[15] : i32 from vector<16xi32>
      %gt3A_115 = arith.constant 3 : i32
      %gt3A_116 = arith.cmpi sgt, %arg1, %gt3A_115 : i32
      %jit3A_117 = arith.constant 0 : i32
      %select_n3A_118 = arith.select %gt3A_116, %reduce_max3A_114, %jit3A_117 : i32
      %add3A_119 = arith.addi %add3A_102, %select_n3A_118 : i32
      %get3A_120 = arith.constant 4 : i32
      %get3A_121 = arith.index_cast %get3A_120 : i32 to index
      %get3A_122 = arith.constant 0 : index
      %get3A_123 = tpu.vector_load %arg12[%get3A_121, %get3A_122] {strides = array<i32>} : memref<16x16xi32, #tpu.memory_space<vmem>>, vector<16xi32>,
      %reduce_max3A_124 = arith.constant true
      %reduce_max3A_125 = vector.broadcast %reduce_max3A_124 : i1 to vector<16xi1>
      %reduce_max3A_126 = arith.constant -2147483648 : i32
      %reduce_max3A_127 = vector.broadcast %reduce_max3A_126 : i32 to vector<16xi32>
      %reduce_max3A_128 = arith.xori %get3A_123, %reduce_max3A_127 : vector<16xi32>
      %reduce_max3A_129 = tpu.scan <max>, %reduce_max3A_128 masked %reduce_max3A_125 : vector<16xi32>, vector<16xi1> -> vector<16xi32>
      %reduce_max3A_130 = arith.xori %reduce_max3A_129, %reduce_max3A_127 : vector<16xi32>
      %reduce_max3A_131 = vector.extract %reduce_max3A_130[15] : i32 from vector<16xi32>
      %gt3A_132 = arith.constant 4 : i32
      %gt3A_133 = arith.cmpi sgt, %arg1, %gt3A_132 : i32
      %jit3A_134 = arith.constant 0 : i32
      %select_n3A_135 = arith.select %gt3A_133, %reduce_max3A_131, %jit3A_134 : i32
      %add3A_136 = arith.addi %add3A_119, %select_n3A_135 : i32
      %get3A_137 = arith.constant 5 : i32
      %get3A_138 = arith.index_cast %get3A_137 : i32 to index
      %get3A_139 = arith.constant 0 : index
      %get3A_140 = tpu.vector_load %arg12[%get3A_138, %get3A_139] {strides = array<i32>} : memref<16x16xi32, #tpu.memory_space<vmem>>, vector<16xi32>,
      %reduce_max3A_141 = arith.constant true
      %reduce_max3A_142 = vector.broadcast %reduce_max3A_141 : i1 to vector<16xi1>
      %reduce_max3A_143 = arith.constant -2147483648 : i32
      %reduce_max3A_144 = vector.broadcast %reduce_max3A_143 : i32 to vector<16xi32>
      %reduce_max3A_145 = arith.xori %get3A_140, %reduce_max3A_144 : vector<16xi32>
      %reduce_max3A_146 = tpu.scan <max>, %reduce_max3A_145 masked %reduce_max3A_142 : vector<16xi32>, vector<16xi1> -> vector<16xi32>
      %reduce_max3A_147 = arith.xori %reduce_max3A_146, %reduce_max3A_144 : vector<16xi32>
      %reduce_max3A_148 = vector.extract %reduce_max3A_147[15] : i32 from vector<16xi32>
      %gt3A_149 = arith.constant 5 : i32
      %gt3A_150 = arith.cmpi sgt, %arg1, %gt3A_149 : i32
      %jit3A_151 = arith.constant 0 : i32
      %select_n3A_152 = arith.select %gt3A_150, %reduce_max3A_148, %jit3A_151 : i32
      %add3A_153 = arith.addi %add3A_136, %select_n3A_152 : i32
      %get3A_154 = arith.constant 6 : i32
      %get3A_155 = arith.index_cast %get3A_154 : i32 to index
      %get3A_156 = arith.constant 0 : index
      %get3A_157 = tpu.vector_load %arg12[%get3A_155, %get3A_156] {strides = array<i32>} : memref<16x16xi32, #tpu.memory_space<vmem>>, vector<16xi32>,
      %reduce_max3A_158 = arith.constant true
      %reduce_max3A_159 = vector.broadcast %reduce_max3A_158 : i1 to vector<16xi1>
      %reduce_max3A_160 = arith.constant -2147483648 : i32
      %reduce_max3A_161 = vector.broadcast %reduce_max3A_160 : i32 to vector<16xi32>
      %reduce_max3A_162 = arith.xori %get3A_157, %reduce_max3A_161 : vector<16xi32>
      %reduce_max3A_163 = tpu.scan <max>, %reduce_max3A_162 masked %reduce_max3A_159 : vector<16xi32>, vector<16xi1> -> vector<16xi32>
      %reduce_max3A_164 = arith.xori %reduce_max3A_163, %reduce_max3A_161 : vector<16xi32>
      %reduce_max3A_165 = vector.extract %reduce_max3A_164[15] : i32 from vector<16xi32>
      %gt3A_166 = arith.constant 6 : i32
      %gt3A_167 = arith.cmpi sgt, %arg1, %gt3A_166 : i32
      %jit3A_168 = arith.constant 0 : i32
      %select_n3A_169 = arith.select %gt3A_167, %reduce_max3A_165, %jit3A_168 : i32
      %add3A_170 = arith.addi %add3A_153, %select_n3A_169 : i32
      %get3A_171 = arith.constant 7 : i32
      %get3A_172 = arith.index_cast %get3A_171 : i32 to index
      %get3A_173 = arith.constant 0 : index
      %get3A_174 = tpu.vector_load %arg12[%get3A_172, %get3A_173] {strides = array<i32>} : memref<16x16xi32, #tpu.memory_space<vmem>>, vector<16xi32>,
      %reduce_max3A_175 = arith.constant true
      %reduce_max3A_176 = vector.broadcast %reduce_max3A_175 : i1 to vector<16xi1>
      %reduce_max3A_177 = arith.constant -2147483648 : i32
      %reduce_max3A_178 = vector.broadcast %reduce_max3A_177 : i32 to vector<16xi32>
      %reduce_max3A_179 = arith.xori %get3A_174, %reduce_max3A_178 : vector<16xi32>
      %reduce_max3A_180 = tpu.scan <max>, %reduce_max3A_179 masked %reduce_max3A_176 : vector<16xi32>, vector<16xi1> -> vector<16xi32>
      %reduce_max3A_181 = arith.xori %reduce_max3A_180, %reduce_max3A_178 : vector<16xi32>
      %reduce_max3A_182 = vector.extract %reduce_max3A_181[15] : i32 from vector<16xi32>
      %gt3A_183 = arith.constant 7 : i32
      %gt3A_184 = arith.cmpi sgt, %arg1, %gt3A_183 : i32
      %jit3A_185 = arith.constant 0 : i32
      %select_n3A_186 = arith.select %gt3A_184, %reduce_max3A_182, %jit3A_185 : i32
      %add3A_187 = arith.addi %add3A_170, %select_n3A_186 : i32
      %get3A_188 = arith.constant 8 : i32
      %get3A_189 = arith.index_cast %get3A_188 : i32 to index
      %get3A_190 = arith.constant 0 : index
      %get3A_191 = tpu.vector_load %arg12[%get3A_189, %get3A_190] {strides = array<i32>} : memref<16x16xi32, #tpu.memory_space<vmem>>, vector<16xi32>,
      %reduce_max3A_192 = arith.constant true
      %reduce_max3A_193 = vector.broadcast %reduce_max3A_192 : i1 to vector<16xi1>
      %reduce_max3A_194 = arith.constant -2147483648 : i32
      %reduce_max3A_195 = vector.broadcast %reduce_max3A_194 : i32 to vector<16xi32>
      %reduce_max3A_196 = arith.xori %get3A_191, %reduce_max3A_195 : vector<16xi32>
      %reduce_max3A_197 = tpu.scan <max>, %reduce_max3A_196 masked %reduce_max3A_193 : vector<16xi32>, vector<16xi1> -> vector<16xi32>
      %reduce_max3A_198 = arith.xori %reduce_max3A_197, %reduce_max3A_195 : vector<16xi32>
      %reduce_max3A_199 = vector.extract %reduce_max3A_198[15] : i32 from vector<16xi32>
      %gt3A_200 = arith.constant 8 : i32
      %gt3A_201 = arith.cmpi sgt, %arg1, %gt3A_200 : i32
      %jit3A_202 = arith.constant 0 : i32
      %select_n3A_203 = arith.select %gt3A_201, %reduce_max3A_199, %jit3A_202 : i32
      %add3A_204 = arith.addi %add3A_187, %select_n3A_203 : i32
      %get3A_205 = arith.constant 9 : i32
      %get3A_206 = arith.index_cast %get3A_205 : i32 to index
      %get3A_207 = arith.constant 0 : index
      %get3A_208 = tpu.vector_load %arg12[%get3A_206, %get3A_207] {strides = array<i32>} : memref<16x16xi32, #tpu.memory_space<vmem>>, vector<16xi32>,
      %reduce_max3A_209 = arith.constant true
      %reduce_max3A_210 = vector.broadcast %reduce_max3A_209 : i1 to vector<16xi1>
      %reduce_max3A_211 = arith.constant -2147483648 : i32
      %reduce_max3A_212 = vector.broadcast %reduce_max3A_211 : i32 to vector<16xi32>
      %reduce_max3A_213 = arith.xori %get3A_208, %reduce_max3A_212 : vector<16xi32>
      %reduce_max3A_214 = tpu.scan <max>, %reduce_max3A_213 masked %reduce_max3A_210 : vector<16xi32>, vector<16xi1> -> vector<16xi32>
      %reduce_max3A_215 = arith.xori %reduce_max3A_214, %reduce_max3A_212 : vector<16xi32>
      %reduce_max3A_216 = vector.extract %reduce_max3A_215[15] : i32 from vector<16xi32>
      %gt3A_217 = arith.constant 9 : i32
      %gt3A_218 = arith.cmpi sgt, %arg1, %gt3A_217 : i32
      %jit3A_219 = arith.constant 0 : i32
      %select_n3A_220 = arith.select %gt3A_218, %reduce_max3A_216, %jit3A_219 : i32
      %add3A_221 = arith.addi %add3A_204, %select_n3A_220 : i32
      %get3A_222 = arith.constant 10 : i32
      %get3A_223 = arith.index_cast %get3A_222 : i32 to index
      %get3A_224 = arith.constant 0 : index
      %get3A_225 = tpu.vector_load %arg12[%get3A_223, %get3A_224] {strides = array<i32>} : memref<16x16xi32, #tpu.memory_space<vmem>>, vector<16xi32>,
      %reduce_max3A_226 = arith.constant true
      %reduce_max3A_227 = vector.broadcast %reduce_max3A_226 : i1 to vector<16xi1>
      %reduce_max3A_228 = arith.constant -2147483648 : i32
      %reduce_max3A_229 = vector.broadcast %reduce_max3A_228 : i32 to vector<16xi32>
      %reduce_max3A_230 = arith.xori %get3A_225, %reduce_max3A_229 : vector<16xi32>
      %reduce_max3A_231 = tpu.scan <max>, %reduce_max3A_230 masked %reduce_max3A_227 : vector<16xi32>, vector<16xi1> -> vector<16xi32>
      %reduce_max3A_232 = arith.xori %reduce_max3A_231, %reduce_max3A_229 : vector<16xi32>
      %reduce_max3A_233 = vector.extract %reduce_max3A_232[15] : i32 from vector<16xi32>
      %gt3A_234 = arith.constant 10 : i32
      %gt3A_235 = arith.cmpi sgt, %arg1, %gt3A_234 : i32
      %jit3A_236 = arith.constant 0 : i32
      %select_n3A_237 = arith.select %gt3A_235, %reduce_max3A_233, %jit3A_236 : i32
      %add3A_238 = arith.addi %add3A_221, %select_n3A_237 : i32
      %get3A_239 = arith.constant 11 : i32
      %get3A_240 = arith.index_cast %get3A_239 : i32 to index
      %get3A_241 = arith.constant 0 : index
      %get3A_242 = tpu.vector_load %arg12[%get3A_240, %get3A_241] {strides = array<i32>} : memref<16x16xi32, #tpu.memory_space<vmem>>, vector<16xi32>,
      %reduce_max3A_243 = arith.constant true
      %reduce_max3A_244 = vector.broadcast %reduce_max3A_243 : i1 to vector<16xi1>
      %reduce_max3A_245 = arith.constant -2147483648 : i32
      %reduce_max3A_246 = vector.broadcast %reduce_max3A_245 : i32 to vector<16xi32>
      %reduce_max3A_247 = arith.xori %get3A_242, %reduce_max3A_246 : vector<16xi32>
      %reduce_max3A_248 = tpu.scan <max>, %reduce_max3A_247 masked %reduce_max3A_244 : vector<16xi32>, vector<16xi1> -> vector<16xi32>
      %reduce_max3A_249 = arith.xori %reduce_max3A_248, %reduce_max3A_246 : vector<16xi32>
      %reduce_max3A_250 = vector.extract %reduce_max3A_249[15] : i32 from vector<16xi32>
      %gt3A_251 = arith.constant 11 : i32
      %gt3A_252 = arith.cmpi sgt, %arg1, %gt3A_251 : i32
      %jit3A_253 = arith.constant 0 : i32
      %select_n3A_254 = arith.select %gt3A_252, %reduce_max3A_250, %jit3A_253 : i32
      %add3A_255 = arith.addi %add3A_238, %select_n3A_254 : i32
      %get3A_256 = arith.constant 12 : i32
      %get3A_257 = arith.index_cast %get3A_256 : i32 to index
      %get3A_258 = arith.constant 0 : index
      %get3A_259 = tpu.vector_load %arg12[%get3A_257, %get3A_258] {strides = array<i32>} : memref<16x16xi32, #tpu.memory_space<vmem>>, vector<16xi32>,
      %reduce_max3A_260 = arith.constant true
      %reduce_max3A_261 = vector.broadcast %reduce_max3A_260 : i1 to vector<16xi1>
      %reduce_max3A_262 = arith.constant -2147483648 : i32
      %reduce_max3A_263 = vector.broadcast %reduce_max3A_262 : i32 to vector<16xi32>
      %reduce_max3A_264 = arith.xori %get3A_259, %reduce_max3A_263 : vector<16xi32>
      %reduce_max3A_265 = tpu.scan <max>, %reduce_max3A_264 masked %reduce_max3A_261 : vector<16xi32>, vector<16xi1> -> vector<16xi32>
      %reduce_max3A_266 = arith.xori %reduce_max3A_265, %reduce_max3A_263 : vector<16xi32>
      %reduce_max3A_267 = vector.extract %reduce_max3A_266[15] : i32 from vector<16xi32>
      %gt3A_268 = arith.constant 12 : i32
      %gt3A_269 = arith.cmpi sgt, %arg1, %gt3A_268 : i32
      %jit3A_270 = arith.constant 0 : i32
      %select_n3A_271 = arith.select %gt3A_269, %reduce_max3A_267, %jit3A_270 : i32
      %add3A_272 = arith.addi %add3A_255, %select_n3A_271 : i32
      %get3A_273 = arith.constant 13 : i32
      %get3A_274 = arith.index_cast %get3A_273 : i32 to index
      %get3A_275 = arith.constant 0 : index
      %get3A_276 = tpu.vector_load %arg12[%get3A_274, %get3A_275] {strides = array<i32>} : memref<16x16xi32, #tpu.memory_space<vmem>>, vector<16xi32>,
      %reduce_max3A_277 = arith.constant true
      %reduce_max3A_278 = vector.broadcast %reduce_max3A_277 : i1 to vector<16xi1>
      %reduce_max3A_279 = arith.constant -2147483648 : i32
      %reduce_max3A_280 = vector.broadcast %reduce_max3A_279 : i32 to vector<16xi32>
      %reduce_max3A_281 = arith.xori %get3A_276, %reduce_max3A_280 : vector<16xi32>
      %reduce_max3A_282 = tpu.scan <max>, %reduce_max3A_281 masked %reduce_max3A_278 : vector<16xi32>, vector<16xi1> -> vector<16xi32>
      %reduce_max3A_283 = arith.xori %reduce_max3A_282, %reduce_max3A_280 : vector<16xi32>
      %reduce_max3A_284 = vector.extract %reduce_max3A_283[15] : i32 from vector<16xi32>
      %gt3A_285 = arith.constant 13 : i32
      %gt3A_286 = arith.cmpi sgt, %arg1, %gt3A_285 : i32
      %jit3A_287 = arith.constant 0 : i32
      %select_n3A_288 = arith.select %gt3A_286, %reduce_max3A_284, %jit3A_287 : i32
      %add3A_289 = arith.addi %add3A_272, %select_n3A_288 : i32
      %get3A_290 = arith.constant 14 : i32
      %get3A_291 = arith.index_cast %get3A_290 : i32 to index
      %get3A_292 = arith.constant 0 : index
      %get3A_293 = tpu.vector_load %arg12[%get3A_291, %get3A_292] {strides = array<i32>} : memref<16x16xi32, #tpu.memory_space<vmem>>, vector<16xi32>,
      %reduce_max3A_294 = arith.constant true
      %reduce_max3A_295 = vector.broadcast %reduce_max3A_294 : i1 to vector<16xi1>
      %reduce_max3A_296 = arith.constant -2147483648 : i32
      %reduce_max3A_297 = vector.broadcast %reduce_max3A_296 : i32 to vector<16xi32>
      %reduce_max3A_298 = arith.xori %get3A_293, %reduce_max3A_297 : vector<16xi32>
      %reduce_max3A_299 = tpu.scan <max>, %reduce_max3A_298 masked %reduce_max3A_295 : vector<16xi32>, vector<16xi1> -> vector<16xi32>
      %reduce_max3A_300 = arith.xori %reduce_max3A_299, %reduce_max3A_297 : vector<16xi32>
      %reduce_max3A_301 = vector.extract %reduce_max3A_300[15] : i32 from vector<16xi32>
      %gt3A_302 = arith.constant 14 : i32
      %gt3A_303 = arith.cmpi sgt, %arg1, %gt3A_302 : i32
      %jit3A_304 = arith.constant 0 : i32
      %select_n3A_305 = arith.select %gt3A_303, %reduce_max3A_301, %jit3A_304 : i32
      %add3A_306 = arith.addi %add3A_289, %select_n3A_305 : i32
      %get3A_307 = arith.constant 15 : i32
      %get3A_308 = arith.index_cast %get3A_307 : i32 to index
      %get3A_309 = arith.constant 0 : index
      %get3A_310 = tpu.vector_load %arg12[%get3A_308, %get3A_309] {strides = array<i32>} : memref<16x16xi32, #tpu.memory_space<vmem>>, vector<16xi32>,
      %reduce_max3A_311 = arith.constant true
      %reduce_max3A_312 = vector.broadcast %reduce_max3A_311 : i1 to vector<16xi1>
      %reduce_max3A_313 = arith.constant -2147483648 : i32
      %reduce_max3A_314 = vector.broadcast %reduce_max3A_313 : i32 to vector<16xi32>
      %reduce_max3A_315 = arith.xori %get3A_310, %reduce_max3A_314 : vector<16xi32>
      %reduce_max3A_316 = tpu.scan <max>, %reduce_max3A_315 masked %reduce_max3A_312 : vector<16xi32>, vector<16xi1> -> vector<16xi32>
      %reduce_max3A_317 = arith.xori %reduce_max3A_316, %reduce_max3A_314 : vector<16xi32>
      %reduce_max3A_318 = vector.extract %reduce_max3A_317[15] : i32 from vector<16xi32>
      %gt3A_319 = arith.constant 15 : i32
      %gt3A_320 = arith.cmpi sgt, %arg1, %gt3A_319 : i32
      %jit3A_321 = arith.constant 0 : i32
      %select_n3A_322 = arith.select %gt3A_320, %reduce_max3A_318, %jit3A_321 : i32
      %add3A_323 = arith.addi %add3A_306, %select_n3A_322 : i32
      %scan3A_324 = arith.constant 1468005 : i32
      %scan3A_325 = arith.constant 0 : i32
      %scan3A_326 = arith.constant 0 : i32
      %scan3A_327 = arith.constant 256 : i32
      %scan3A_328 = arith.addi %scan3A_326, %scan3A_327 : i32
      %scan3A_329 = arith.constant 1 : i32
      %scan3A_330 = scf.for %scan3A_1370 = %scan3A_326 to %scan3A_328 step %scan3A_329 iter_args(%scan3A_1371 = %scan3A_325) -> (i32)  : i32 {
        %get3A_1372 = arith.index_cast %scan3A_1370 : i32 to index
        %get3A_1373 = arith.constant 0 : index
        %get3A_1374 = tpu.vector_load %arg7[%get3A_1372, %get3A_1373] {strides = array<i32>} : memref<256x16xi32, #tpu.memory_space<vmem>>, vector<16xi32>,
        %add3A_1375 = vector.broadcast %add3A_323 : i32 to vector<16xi32>
        %add3A_1376 = arith.addi %get3A_1374, %add3A_1375 : vector<16xi32>
        %le3A = vector.broadcast %scan3A_324 : i32 to vector<16xi32>
        %le3A_1377 = arith.cmpi sle, %add3A_1376, %le3A : vector<16xi32>
        %jit3A_1378 = arith.constant 1 : i32
        %jit3A_1379 = arith.constant 0 : i32
        %broadcast_in_dim3A_1380 = vector.broadcast %jit3A_1378 : i32 to vector<16xi32>
        %broadcast_in_dim3A_1381 = vector.broadcast %jit3A_1379 : i32 to vector<16xi32>
        %select_n3A_1382 = arith.select %le3A_1377, %broadcast_in_dim3A_1380, %broadcast_in_dim3A_1381 : vector<16xi1>, vector<16xi32>
        %reduce_sum3A = arith.constant true
        %reduce_sum3A_1383 = vector.broadcast %reduce_sum3A : i1 to vector<16xi1>
        %reduce_sum3A_1384 = tpu.scan <sum>, %select_n3A_1382 masked %reduce_sum3A_1383 : vector<16xi32>, vector<16xi1> -> vector<16xi32>
        %reduce_sum3A_1385 = vector.extract %reduce_sum3A_1384[15] : i32 from vector<16xi32>
        %add3A_1386 = arith.addi %scan3A_1371, %reduce_sum3A_1385 : i32
        scf.yield %add3A_1386 : i32
      }
      %scan3A_331 = arith.constant 256 : i32
      %ge3A = arith.constant 1468005 : i32
      %ge3A_332 = arith.cmpi sge, %ge3A, %add3A_323 : i32
      %add3A_333 = arith.addi %add3A_323, %scan3A_52 : i32
      %lt3A = arith.constant 1468005 : i32
      %lt3A_334 = arith.cmpi slt, %lt3A, %add3A_333 : i32
      %and3A = arith.andi %ge3A_332, %lt3A_334 : i1
      %convert_element_type3A = arith.extui %and3A : i1 to i32
      %cond3A = arith.constant 0 : i32
      %cond3A_335 = arith.cmpi ne, %convert_element_type3A, %cond3A : i32
      scf.if %cond3A_335 {
        %sub3A_1370 = arith.constant 1 : i32
        %sub3A_1371 = arith.subi %scan3A_330, %sub3A_1370 : i32
        %max3A_1372 = arith.constant 0 : i32
        %max3A_1373 = arith.maxsi %sub3A_1371, %max3A_1372 : i32
        %shift_right_logical3A = arith.constant 4 : i32
        %shift_right_logical3A_1374 = arith.shrui %max3A_1373, %shift_right_logical3A : i32
        %broadcast_in_dim3A_1375 = vector.broadcast %shift_right_logical3A_1374 : i32 to vector<16xi32>
        %and3A_1376 = arith.constant 15 : i32
        %and3A_1377 = arith.andi %max3A_1373, %and3A_1376 : i32
        %broadcast_in_dim3A_1378 = vector.broadcast %and3A_1377 : i32 to vector<16xi32>
        %gather3A = tpu.vector_load_idx %arg7[%broadcast_in_dim3A_1375, %broadcast_in_dim3A_1378] : memref<256x16xi32, #tpu.memory_space<vmem>>[vector<16xi32>, vector<16xi32>], vector<16xi32>,
        %gt3A_1379 = arith.constant 0 : i32
        %gt3A_1380 = arith.cmpi sgt, %scan3A_330, %gt3A_1379 : i32
        %reduce_max3A_1381 = arith.constant true
        %reduce_max3A_1382 = vector.broadcast %reduce_max3A_1381 : i1 to vector<16xi1>
        %reduce_max3A_1383 = arith.constant -2147483648 : i32
        %reduce_max3A_1384 = vector.broadcast %reduce_max3A_1383 : i32 to vector<16xi32>
        %reduce_max3A_1385 = arith.xori %gather3A, %reduce_max3A_1384 : vector<16xi32>
        %reduce_max3A_1386 = tpu.scan <max>, %reduce_max3A_1385 masked %reduce_max3A_1382 : vector<16xi32>, vector<16xi1> -> vector<16xi32>
        %reduce_max3A_1387 = arith.xori %reduce_max3A_1386, %reduce_max3A_1384 : vector<16xi32>
        %reduce_max3A_1388 = vector.extract %reduce_max3A_1387[15] : i32 from vector<16xi32>
        %jit3A_1389 = arith.constant 0 : i32
        %select_n3A_1390 = arith.select %gt3A_1380, %reduce_max3A_1388, %jit3A_1389 : i32
        %add3A_1391 = arith.addi %add3A_323, %select_n3A_1390 : i32
        %mul3A_1392 = arith.constant 4096 : i32
        %mul3A_1393 = arith.muli %arg1, %mul3A_1392 : i32
        %add3A_1394 = arith.addi %mul3A_1393, %scan3A_330 : i32
        %broadcast_in_dim3A_1395 = vector.broadcast %add3A_1394 : i32 to vector<16xi32>
        %swap3A_1396 = arith.constant 0 : index
        %swap3A_1397 = tpu.vector_load %arg16[%swap3A_1396] {strides = array<i32>} : memref<16xi32, #tpu.memory_space<vmem>>, vector<16xi32>,
        tpu.vector_store %arg16[%swap3A_1396], %broadcast_in_dim3A_1395 {strides = array<i32>} : memref<16xi32, #tpu.memory_space<vmem>>, vector<16xi32>,
        %run_scoped3A = arith.constant 0 : i32
        "tpu.region"() ({
          %run_scoped3A_1402 = tpu.sem_alloc : memref<!tpu.dma_semaphore, #tpu.memory_space<semaphore_mem>>
          %dma_start3A_1403 = arith.constant 0 : i32
          %dma_start3A_1404 = tpu.memref_slice %arg19[%run_scoped3A, %dma_start3A_1403] : memref<8x16xi32, #tpu.memory_space<vmem_shared>> -> memref<1x16xi32, #tpu.memory_space<vmem_shared>>
          %dma_start3A_1405 = tpu.memref_squeeze %dma_start3A_1404 : memref<1x16xi32, #tpu.memory_space<vmem_shared>> -> memref<16xi32, #tpu.memory_space<vmem_shared>>
          %dma_start3A_1406 = arith.constant 0 : i32
          %dma_start3A_1407 = tpu.memref_slice %arg19[%run_scoped3A, %dma_start3A_1406] : memref<8x16xi32, #tpu.memory_space<vmem_shared>> -> memref<1x16xi32, #tpu.memory_space<vmem_shared>>
          %dma_start3A_1408 = tpu.memref_squeeze %dma_start3A_1407 : memref<1x16xi32, #tpu.memory_space<vmem_shared>> -> memref<16xi32, #tpu.memory_space<vmem_shared>>
          tpu.enqueue_dma source(%arg16 : memref<16xi32, #tpu.memory_space<vmem>>) target(%dma_start3A_1408 : memref<16xi32, #tpu.memory_space<vmem_shared>>) target_semaphore(%run_scoped3A_1402 : memref<!tpu.dma_semaphore, #tpu.memory_space<semaphore_mem>>)
          %dma_wait3A = arith.constant 0 : i32
          %dma_wait3A_1409 = tpu.memref_slice %arg19[%run_scoped3A, %dma_wait3A] : memref<8x16xi32, #tpu.memory_space<vmem_shared>> -> memref<1x16xi32, #tpu.memory_space<vmem_shared>>
          %dma_wait3A_1410 = tpu.memref_squeeze %dma_wait3A_1409 : memref<1x16xi32, #tpu.memory_space<vmem_shared>> -> memref<16xi32, #tpu.memory_space<vmem_shared>>
          %dma_wait3A_1411 = arith.constant 0 : i32
          %dma_wait3A_1412 = tpu.memref_slice %arg19[%run_scoped3A, %dma_wait3A_1411] : memref<8x16xi32, #tpu.memory_space<vmem_shared>> -> memref<1x16xi32, #tpu.memory_space<vmem_shared>>
          %dma_wait3A_1413 = tpu.memref_squeeze %dma_wait3A_1412 : memref<1x16xi32, #tpu.memory_space<vmem_shared>> -> memref<16xi32, #tpu.memory_space<vmem_shared>>
          tpu.wait_dma2 semaphore(%run_scoped3A_1402 : memref<!tpu.dma_semaphore, #tpu.memory_space<semaphore_mem>>) src(%arg16 : memref<16xi32, #tpu.memory_space<vmem>>) dst(%dma_wait3A_1413 : memref<16xi32, #tpu.memory_space<vmem_shared>>)
          tpu.yield
        }) : () -> ()
        %broadcast_in_dim3A_1398 = vector.broadcast %add3A_1391 : i32 to vector<16xi32>
        %swap3A_1399 = arith.constant 0 : index
        %swap3A_1400 = tpu.vector_load %arg16[%swap3A_1399] {strides = array<i32>} : memref<16xi32, #tpu.memory_space<vmem>>, vector<16xi32>,
        tpu.vector_store %arg16[%swap3A_1399], %broadcast_in_dim3A_1398 {strides = array<i32>} : memref<16xi32, #tpu.memory_space<vmem>>, vector<16xi32>,
        %run_scoped3A_1401 = arith.constant 1 : i32
        "tpu.region"() ({
          %run_scoped3A_1402 = tpu.sem_alloc : memref<!tpu.dma_semaphore, #tpu.memory_space<semaphore_mem>>
          %dma_start3A_1403 = arith.constant 0 : i32
          %dma_start3A_1404 = tpu.memref_slice %arg19[%run_scoped3A_1401, %dma_start3A_1403] : memref<8x16xi32, #tpu.memory_space<vmem_shared>> -> memref<1x16xi32, #tpu.memory_space<vmem_shared>>
          %dma_start3A_1405 = tpu.memref_squeeze %dma_start3A_1404 : memref<1x16xi32, #tpu.memory_space<vmem_shared>> -> memref<16xi32, #tpu.memory_space<vmem_shared>>
          %dma_start3A_1406 = arith.constant 0 : i32
          %dma_start3A_1407 = tpu.memref_slice %arg19[%run_scoped3A_1401, %dma_start3A_1406] : memref<8x16xi32, #tpu.memory_space<vmem_shared>> -> memref<1x16xi32, #tpu.memory_space<vmem_shared>>
          %dma_start3A_1408 = tpu.memref_squeeze %dma_start3A_1407 : memref<1x16xi32, #tpu.memory_space<vmem_shared>> -> memref<16xi32, #tpu.memory_space<vmem_shared>>
          tpu.enqueue_dma source(%arg16 : memref<16xi32, #tpu.memory_space<vmem>>) target(%dma_start3A_1408 : memref<16xi32, #tpu.memory_space<vmem_shared>>) target_semaphore(%run_scoped3A_1402 : memref<!tpu.dma_semaphore, #tpu.memory_space<semaphore_mem>>)
          %dma_wait3A = arith.constant 0 : i32
          %dma_wait3A_1409 = tpu.memref_slice %arg19[%run_scoped3A_1401, %dma_wait3A] : memref<8x16xi32, #tpu.memory_space<vmem_shared>> -> memref<1x16xi32, #tpu.memory_space<vmem_shared>>
          %dma_wait3A_1410 = tpu.memref_squeeze %dma_wait3A_1409 : memref<1x16xi32, #tpu.memory_space<vmem_shared>> -> memref<16xi32, #tpu.memory_space<vmem_shared>>
          %dma_wait3A_1411 = arith.constant 0 : i32
          %dma_wait3A_1412 = tpu.memref_slice %arg19[%run_scoped3A_1401, %dma_wait3A_1411] : memref<8x16xi32, #tpu.memory_space<vmem_shared>> -> memref<1x16xi32, #tpu.memory_space<vmem_shared>>
          %dma_wait3A_1413 = tpu.memref_squeeze %dma_wait3A_1412 : memref<1x16xi32, #tpu.memory_space<vmem_shared>> -> memref<16xi32, #tpu.memory_space<vmem_shared>>
          tpu.wait_dma2 semaphore(%run_scoped3A_1402 : memref<!tpu.dma_semaphore, #tpu.memory_space<semaphore_mem>>) src(%arg16 : memref<16xi32, #tpu.memory_space<vmem>>) dst(%dma_wait3A_1413 : memref<16xi32, #tpu.memory_space<vmem_shared>>)
          tpu.yield
        }) : () -> ()
      } else {
      }
      %scan3A_336 = arith.constant 1468006 : i32
      %scan3A_337 = arith.constant 0 : i32
      %scan3A_338 = arith.constant 0 : i32
      %scan3A_339 = arith.constant 256 : i32
      %scan3A_340 = arith.addi %scan3A_338, %scan3A_339 : i32
      %scan3A_341 = arith.constant 1 : i32
      %scan3A_342 = scf.for %scan3A_1370 = %scan3A_338 to %scan3A_340 step %scan3A_341 iter_args(%scan3A_1371 = %scan3A_337) -> (i32)  : i32 {
        %get3A_1372 = arith.index_cast %scan3A_1370 : i32 to index
        %get3A_1373 = arith.constant 0 : index
        %get3A_1374 = tpu.vector_load %arg7[%get3A_1372, %get3A_1373] {strides = array<i32>} : memref<256x16xi32, #tpu.memory_space<vmem>>, vector<16xi32>,
        %add3A_1375 = vector.broadcast %add3A_323 : i32 to vector<16xi32>
        %add3A_1376 = arith.addi %get3A_1374, %add3A_1375 : vector<16xi32>
        %le3A = vector.broadcast %scan3A_336 : i32 to vector<16xi32>
        %le3A_1377 = arith.cmpi sle, %add3A_1376, %le3A : vector<16xi32>
        %jit3A_1378 = arith.constant 1 : i32
        %jit3A_1379 = arith.constant 0 : i32
        %broadcast_in_dim3A_1380 = vector.broadcast %jit3A_1378 : i32 to vector<16xi32>
        %broadcast_in_dim3A_1381 = vector.broadcast %jit3A_1379 : i32 to vector<16xi32>
        %select_n3A_1382 = arith.select %le3A_1377, %broadcast_in_dim3A_1380, %broadcast_in_dim3A_1381 : vector<16xi1>, vector<16xi32>
        %reduce_sum3A = arith.constant true
        %reduce_sum3A_1383 = vector.broadcast %reduce_sum3A : i1 to vector<16xi1>
        %reduce_sum3A_1384 = tpu.scan <sum>, %select_n3A_1382 masked %reduce_sum3A_1383 : vector<16xi32>, vector<16xi1> -> vector<16xi32>
        %reduce_sum3A_1385 = vector.extract %reduce_sum3A_1384[15] : i32 from vector<16xi32>
        %add3A_1386 = arith.addi %scan3A_1371, %reduce_sum3A_1385 : i32
        scf.yield %add3A_1386 : i32
      }
      %scan3A_343 = arith.constant 256 : i32
      %ge3A_344 = arith.constant 1468006 : i32
      %ge3A_345 = arith.cmpi sge, %ge3A_344, %add3A_323 : i32
      %add3A_346 = arith.addi %add3A_323, %scan3A_52 : i32
      %lt3A_347 = arith.constant 1468006 : i32
      %lt3A_348 = arith.cmpi slt, %lt3A_347, %add3A_346 : i32
      %and3A_349 = arith.andi %ge3A_345, %lt3A_348 : i1
      %convert_element_type3A_350 = arith.extui %and3A_349 : i1 to i32
      %cond3A_351 = arith.constant 0 : i32
      %cond3A_352 = arith.cmpi ne, %convert_element_type3A_350, %cond3A_351 : i32
      scf.if %cond3A_352 {
        %sub3A_1370 = arith.constant 1 : i32
        %sub3A_1371 = arith.subi %scan3A_342, %sub3A_1370 : i32
        %max3A_1372 = arith.constant 0 : i32
        %max3A_1373 = arith.maxsi %sub3A_1371, %max3A_1372 : i32
        %shift_right_logical3A = arith.constant 4 : i32
        %shift_right_logical3A_1374 = arith.shrui %max3A_1373, %shift_right_logical3A : i32
        %broadcast_in_dim3A_1375 = vector.broadcast %shift_right_logical3A_1374 : i32 to vector<16xi32>
        %and3A_1376 = arith.constant 15 : i32
        %and3A_1377 = arith.andi %max3A_1373, %and3A_1376 : i32
        %broadcast_in_dim3A_1378 = vector.broadcast %and3A_1377 : i32 to vector<16xi32>
        %gather3A = tpu.vector_load_idx %arg7[%broadcast_in_dim3A_1375, %broadcast_in_dim3A_1378] : memref<256x16xi32, #tpu.memory_space<vmem>>[vector<16xi32>, vector<16xi32>], vector<16xi32>,
        %gt3A_1379 = arith.constant 0 : i32
        %gt3A_1380 = arith.cmpi sgt, %scan3A_342, %gt3A_1379 : i32
        %reduce_max3A_1381 = arith.constant true
        %reduce_max3A_1382 = vector.broadcast %reduce_max3A_1381 : i1 to vector<16xi1>
        %reduce_max3A_1383 = arith.constant -2147483648 : i32
        %reduce_max3A_1384 = vector.broadcast %reduce_max3A_1383 : i32 to vector<16xi32>
        %reduce_max3A_1385 = arith.xori %gather3A, %reduce_max3A_1384 : vector<16xi32>
        %reduce_max3A_1386 = tpu.scan <max>, %reduce_max3A_1385 masked %reduce_max3A_1382 : vector<16xi32>, vector<16xi1> -> vector<16xi32>
        %reduce_max3A_1387 = arith.xori %reduce_max3A_1386, %reduce_max3A_1384 : vector<16xi32>
        %reduce_max3A_1388 = vector.extract %reduce_max3A_1387[15] : i32 from vector<16xi32>
        %jit3A_1389 = arith.constant 0 : i32
        %select_n3A_1390 = arith.select %gt3A_1380, %reduce_max3A_1388, %jit3A_1389 : i32
        %add3A_1391 = arith.addi %add3A_323, %select_n3A_1390 : i32
        %mul3A_1392 = arith.constant 4096 : i32
        %mul3A_1393 = arith.muli %arg1, %mul3A_1392 : i32
        %add3A_1394 = arith.addi %mul3A_1393, %scan3A_342 : i32
        %broadcast_in_dim3A_1395 = vector.broadcast %add3A_1394 : i32 to vector<16xi32>
        %swap3A_1396 = arith.constant 0 : index
        %swap3A_1397 = tpu.vector_load %arg16[%swap3A_1396] {strides = array<i32>} : memref<16xi32, #tpu.memory_space<vmem>>, vector<16xi32>,
        tpu.vector_store %arg16[%swap3A_1396], %broadcast_in_dim3A_1395 {strides = array<i32>} : memref<16xi32, #tpu.memory_space<vmem>>, vector<16xi32>,
        %run_scoped3A = arith.constant 2 : i32
        "tpu.region"() ({
          %run_scoped3A_1402 = tpu.sem_alloc : memref<!tpu.dma_semaphore, #tpu.memory_space<semaphore_mem>>
          %dma_start3A_1403 = arith.constant 0 : i32
          %dma_start3A_1404 = tpu.memref_slice %arg19[%run_scoped3A, %dma_start3A_1403] : memref<8x16xi32, #tpu.memory_space<vmem_shared>> -> memref<1x16xi32, #tpu.memory_space<vmem_shared>>
          %dma_start3A_1405 = tpu.memref_squeeze %dma_start3A_1404 : memref<1x16xi32, #tpu.memory_space<vmem_shared>> -> memref<16xi32, #tpu.memory_space<vmem_shared>>
          %dma_start3A_1406 = arith.constant 0 : i32
          %dma_start3A_1407 = tpu.memref_slice %arg19[%run_scoped3A, %dma_start3A_1406] : memref<8x16xi32, #tpu.memory_space<vmem_shared>> -> memref<1x16xi32, #tpu.memory_space<vmem_shared>>
          %dma_start3A_1408 = tpu.memref_squeeze %dma_start3A_1407 : memref<1x16xi32, #tpu.memory_space<vmem_shared>> -> memref<16xi32, #tpu.memory_space<vmem_shared>>
          tpu.enqueue_dma source(%arg16 : memref<16xi32, #tpu.memory_space<vmem>>) target(%dma_start3A_1408 : memref<16xi32, #tpu.memory_space<vmem_shared>>) target_semaphore(%run_scoped3A_1402 : memref<!tpu.dma_semaphore, #tpu.memory_space<semaphore_mem>>)
          %dma_wait3A = arith.constant 0 : i32
          %dma_wait3A_1409 = tpu.memref_slice %arg19[%run_scoped3A, %dma_wait3A] : memref<8x16xi32, #tpu.memory_space<vmem_shared>> -> memref<1x16xi32, #tpu.memory_space<vmem_shared>>
          %dma_wait3A_1410 = tpu.memref_squeeze %dma_wait3A_1409 : memref<1x16xi32, #tpu.memory_space<vmem_shared>> -> memref<16xi32, #tpu.memory_space<vmem_shared>>
          %dma_wait3A_1411 = arith.constant 0 : i32
          %dma_wait3A_1412 = tpu.memref_slice %arg19[%run_scoped3A, %dma_wait3A_1411] : memref<8x16xi32, #tpu.memory_space<vmem_shared>> -> memref<1x16xi32, #tpu.memory_space<vmem_shared>>
          %dma_wait3A_1413 = tpu.memref_squeeze %dma_wait3A_1412 : memref<1x16xi32, #tpu.memory_space<vmem_shared>> -> memref<16xi32, #tpu.memory_space<vmem_shared>>
          tpu.wait_dma2 semaphore(%run_scoped3A_1402 : memref<!tpu.dma_semaphore, #tpu.memory_space<semaphore_mem>>) src(%arg16 : memref<16xi32, #tpu.memory_space<vmem>>) dst(%dma_wait3A_1413 : memref<16xi32, #tpu.memory_space<vmem_shared>>)
          tpu.yield
        }) : () -> ()
        %broadcast_in_dim3A_1398 = vector.broadcast %add3A_1391 : i32 to vector<16xi32>
        %swap3A_1399 = arith.constant 0 : index
        %swap3A_1400 = tpu.vector_load %arg16[%swap3A_1399] {strides = array<i32>} : memref<16xi32, #tpu.memory_space<vmem>>, vector<16xi32>,
        tpu.vector_store %arg16[%swap3A_1399], %broadcast_in_dim3A_1398 {strides = array<i32>} : memref<16xi32, #tpu.memory_space<vmem>>, vector<16xi32>,
        %run_scoped3A_1401 = arith.constant 3 : i32
        "tpu.region"() ({
          %run_scoped3A_1402 = tpu.sem_alloc : memref<!tpu.dma_semaphore, #tpu.memory_space<semaphore_mem>>
          %dma_start3A_1403 = arith.constant 0 : i32
          %dma_start3A_1404 = tpu.memref_slice %arg19[%run_scoped3A_1401, %dma_start3A_1403] : memref<8x16xi32, #tpu.memory_space<vmem_shared>> -> memref<1x16xi32, #tpu.memory_space<vmem_shared>>
          %dma_start3A_1405 = tpu.memref_squeeze %dma_start3A_1404 : memref<1x16xi32, #tpu.memory_space<vmem_shared>> -> memref<16xi32, #tpu.memory_space<vmem_shared>>
          %dma_start3A_1406 = arith.constant 0 : i32
          %dma_start3A_1407 = tpu.memref_slice %arg19[%run_scoped3A_1401, %dma_start3A_1406] : memref<8x16xi32, #tpu.memory_space<vmem_shared>> -> memref<1x16xi32, #tpu.memory_space<vmem_shared>>
          %dma_start3A_1408 = tpu.memref_squeeze %dma_start3A_1407 : memref<1x16xi32, #tpu.memory_space<vmem_shared>> -> memref<16xi32, #tpu.memory_space<vmem_shared>>
          tpu.enqueue_dma source(%arg16 : memref<16xi32, #tpu.memory_space<vmem>>) target(%dma_start3A_1408 : memref<16xi32, #tpu.memory_space<vmem_shared>>) target_semaphore(%run_scoped3A_1402 : memref<!tpu.dma_semaphore, #tpu.memory_space<semaphore_mem>>)
          %dma_wait3A = arith.constant 0 : i32
          %dma_wait3A_1409 = tpu.memref_slice %arg19[%run_scoped3A_1401, %dma_wait3A] : memref<8x16xi32, #tpu.memory_space<vmem_shared>> -> memref<1x16xi32, #tpu.memory_space<vmem_shared>>
          %dma_wait3A_1410 = tpu.memref_squeeze %dma_wait3A_1409 : memref<1x16xi32, #tpu.memory_space<vmem_shared>> -> memref<16xi32, #tpu.memory_space<vmem_shared>>
          %dma_wait3A_1411 = arith.constant 0 : i32
          %dma_wait3A_1412 = tpu.memref_slice %arg19[%run_scoped3A_1401, %dma_wait3A_1411] : memref<8x16xi32, #tpu.memory_space<vmem_shared>> -> memref<1x16xi32, #tpu.memory_space<vmem_shared>>
          %dma_wait3A_1413 = tpu.memref_squeeze %dma_wait3A_1412 : memref<1x16xi32, #tpu.memory_space<vmem_shared>> -> memref<16xi32, #tpu.memory_space<vmem_shared>>
          tpu.wait_dma2 semaphore(%run_scoped3A_1402 : memref<!tpu.dma_semaphore, #tpu.memory_space<semaphore_mem>>) src(%arg16 : memref<16xi32, #tpu.memory_space<vmem>>) dst(%dma_wait3A_1413 : memref<16xi32, #tpu.memory_space<vmem_shared>>)
          tpu.yield
        }) : () -> ()
      } else {
      }
      %barrier3A_353 = arith.constant 0 : index
      tpu.barrier barrier_id(%barrier3A_353)
      "tpu.region"() ({
        %run_scoped3A = tpu.sem_alloc : memref<!tpu.dma_semaphore, #tpu.memory_space<semaphore_mem>>
        tpu.enqueue_dma source(%arg19 : memref<8x16xi32, #tpu.memory_space<vmem_shared>>) target(%arg13 : memref<8x16xi32, #tpu.memory_space<vmem>>) target_semaphore(%run_scoped3A : memref<!tpu.dma_semaphore, #tpu.memory_space<semaphore_mem>>)
        tpu.wait_dma2 semaphore(%run_scoped3A : memref<!tpu.dma_semaphore, #tpu.memory_space<semaphore_mem>>) src(%arg19 : memref<8x16xi32, #tpu.memory_space<vmem_shared>>) dst(%arg13 : memref<8x16xi32, #tpu.memory_space<vmem>>)
        tpu.yield
      }) : () -> ()
      %get3A_354 = arith.constant 0 : i32
      %get3A_355 = arith.index_cast %get3A_354 : i32 to index
      %get3A_356 = arith.constant 0 : index
      %get3A_357 = tpu.vector_load %arg13[%get3A_355, %get3A_356] {strides = array<i32>} : memref<8x16xi32, #tpu.memory_space<vmem>>, vector<16xi32>,
      %reduce_max3A_358 = arith.constant true
      %reduce_max3A_359 = vector.broadcast %reduce_max3A_358 : i1 to vector<16xi1>
      %reduce_max3A_360 = arith.constant -2147483648 : i32
      %reduce_max3A_361 = vector.broadcast %reduce_max3A_360 : i32 to vector<16xi32>
      %reduce_max3A_362 = arith.xori %get3A_357, %reduce_max3A_361 : vector<16xi32>
      %reduce_max3A_363 = tpu.scan <max>, %reduce_max3A_362 masked %reduce_max3A_359 : vector<16xi32>, vector<16xi1> -> vector<16xi32>
      %reduce_max3A_364 = arith.xori %reduce_max3A_363, %reduce_max3A_361 : vector<16xi32>
      %reduce_max3A_365 = vector.extract %reduce_max3A_364[15] : i32 from vector<16xi32>
      %get3A_366 = arith.constant 1 : i32
      %get3A_367 = arith.index_cast %get3A_366 : i32 to index
      %get3A_368 = arith.constant 0 : index
      %get3A_369 = tpu.vector_load %arg13[%get3A_367, %get3A_368] {strides = array<i32>} : memref<8x16xi32, #tpu.memory_space<vmem>>, vector<16xi32>,
      %reduce_max3A_370 = arith.constant true
      %reduce_max3A_371 = vector.broadcast %reduce_max3A_370 : i1 to vector<16xi1>
      %reduce_max3A_372 = arith.constant -2147483648 : i32
      %reduce_max3A_373 = vector.broadcast %reduce_max3A_372 : i32 to vector<16xi32>
      %reduce_max3A_374 = arith.xori %get3A_369, %reduce_max3A_373 : vector<16xi32>
      %reduce_max3A_375 = tpu.scan <max>, %reduce_max3A_374 masked %reduce_max3A_371 : vector<16xi32>, vector<16xi1> -> vector<16xi32>
      %reduce_max3A_376 = arith.xori %reduce_max3A_375, %reduce_max3A_373 : vector<16xi32>
      %reduce_max3A_377 = vector.extract %reduce_max3A_376[15] : i32 from vector<16xi32>
      %get3A_378 = arith.constant 2 : i32
      %get3A_379 = arith.index_cast %get3A_378 : i32 to index
      %get3A_380 = arith.constant 0 : index
      %get3A_381 = tpu.vector_load %arg13[%get3A_379, %get3A_380] {strides = array<i32>} : memref<8x16xi32, #tpu.memory_space<vmem>>, vector<16xi32>,
      %reduce_max3A_382 = arith.constant true
      %reduce_max3A_383 = vector.broadcast %reduce_max3A_382 : i1 to vector<16xi1>
      %reduce_max3A_384 = arith.constant -2147483648 : i32
      %reduce_max3A_385 = vector.broadcast %reduce_max3A_384 : i32 to vector<16xi32>
      %reduce_max3A_386 = arith.xori %get3A_381, %reduce_max3A_385 : vector<16xi32>
      %reduce_max3A_387 = tpu.scan <max>, %reduce_max3A_386 masked %reduce_max3A_383 : vector<16xi32>, vector<16xi1> -> vector<16xi32>
      %reduce_max3A_388 = arith.xori %reduce_max3A_387, %reduce_max3A_385 : vector<16xi32>
      %reduce_max3A_389 = vector.extract %reduce_max3A_388[15] : i32 from vector<16xi32>
      %get3A_390 = arith.constant 3 : i32
      %get3A_391 = arith.index_cast %get3A_390 : i32 to index
      %get3A_392 = arith.constant 0 : index
      %get3A_393 = tpu.vector_load %arg13[%get3A_391, %get3A_392] {strides = array<i32>} : memref<8x16xi32, #tpu.memory_space<vmem>>, vector<16xi32>,
      %reduce_max3A_394 = arith.constant true
      %reduce_max3A_395 = vector.broadcast %reduce_max3A_394 : i1 to vector<16xi1>
      %reduce_max3A_396 = arith.constant -2147483648 : i32
      %reduce_max3A_397 = vector.broadcast %reduce_max3A_396 : i32 to vector<16xi32>
      %reduce_max3A_398 = arith.xori %get3A_393, %reduce_max3A_397 : vector<16xi32>
      %reduce_max3A_399 = tpu.scan <max>, %reduce_max3A_398 masked %reduce_max3A_395 : vector<16xi32>, vector<16xi1> -> vector<16xi32>
      %reduce_max3A_400 = arith.xori %reduce_max3A_399, %reduce_max3A_397 : vector<16xi32>
      %reduce_max3A_401 = vector.extract %reduce_max3A_400[15] : i32 from vector<16xi32>
      %scan3A_402 = arith.constant 0 : i32
      %scan3A_403 = arith.constant 0 : i32
      %scan3A_404 = arith.constant 4096 : i32
      %scan3A_405 = arith.addi %scan3A_403, %scan3A_404 : i32
      %scan3A_406 = arith.constant 1 : i32
      %scan3A_407 = scf.for %scan3A_1370 = %scan3A_403 to %scan3A_405 step %scan3A_406 iter_args(%scan3A_1371 = %scan3A_402) -> (i32)  : i32 {
        %broadcast_in_dim3A_1372 = arith.constant 0 : i32
        %broadcast_in_dim3A_1373 = vector.broadcast %broadcast_in_dim3A_1372 : i32 to vector<16xi32>
        %swap3A_1374 = arith.index_cast %scan3A_1370 : i32 to index
        %swap3A_1375 = arith.constant 0 : index
        %swap3A_1376 = tpu.vector_load %arg6[%swap3A_1374, %swap3A_1375] {strides = array<i32>} : memref<4096x16xi32, #tpu.memory_space<vmem>>, vector<16xi32>,
        tpu.vector_store %arg6[%swap3A_1374, %swap3A_1375], %broadcast_in_dim3A_1373 {strides = array<i32>} : memref<4096x16xi32, #tpu.memory_space<vmem>>, vector<16xi32>,
        %scan3A_1377 = arith.constant 0 : i32
        scf.yield %scan3A_1377 : i32
      }
      %scan3A_408 = arith.constant 4096 : i32
      %dma_start3A_409 = tpu.memref_slice %arg2[%add3A, %mul3A_17] : memref<4x2097152xf32, #tpu.memory_space<hbm>> -> memref<1x2048xf32, #tpu.memory_space<hbm>>
      %dma_start3A_410 = tpu.memref_squeeze %dma_start3A_409 : memref<1x2048xf32, #tpu.memory_space<hbm>> -> memref<2048xf32, #tpu.memory_space<hbm>>
      %dma_start3A_411 = tpu.memref_slice %arg2[%add3A, %mul3A_17] : memref<4x2097152xf32, #tpu.memory_space<hbm>> -> memref<1x2048xf32, #tpu.memory_space<hbm>>
      %dma_start3A_412 = tpu.memref_squeeze %dma_start3A_411 : memref<1x2048xf32, #tpu.memory_space<hbm>> -> memref<2048xf32, #tpu.memory_space<hbm>>
      tpu.enqueue_dma source(%dma_start3A_412 : memref<2048xf32, #tpu.memory_space<hbm>>) target(%arg4 : memref<2048xf32, #tpu.memory_space<vmem>>) target_semaphore(%arg23 : memref<!tpu.dma_semaphore, #tpu.memory_space<semaphore_mem>>)
      %scan3A_413 = arith.constant 70000 : i32
      %scan3A_414 = arith.constant 0 : i32
      %scan3A_415 = arith.constant 32 : i32
      %scan3A_416 = arith.addi %scan3A_414, %scan3A_415 : i32
      %scan3A_417 = arith.constant 1 : i32
      %scan3A_418 = scf.for %scan3A_1370 = %scan3A_414 to %scan3A_416 step %scan3A_417 iter_args(%scan3A_1371 = %scan3A_413) -> (i32)  : i32 {
        %mul3A_1372 = arith.constant 2 : i32
        %mul3A_1373 = arith.muli %mul3A_1372, %scan3A_1370 : i32
        %add3A_1374 = arith.constant 1 : i32
        %add3A_1375 = arith.addi %mul3A_1373, %add3A_1374 : i32
        %mul3A_1376 = arith.constant 2048 : i32
        %mul3A_1377 = arith.muli %mul3A_1373, %mul3A_1376 : i32
        %add3A_1378 = arith.addi %mul3A_17, %mul3A_1377 : i32
        %dma_wait3A = tpu.memref_slice %arg2[%add3A, %add3A_1378] : memref<4x2097152xf32, #tpu.memory_space<hbm>> -> memref<1x2048xf32, #tpu.memory_space<hbm>>
        %dma_wait3A_1379 = tpu.memref_squeeze %dma_wait3A : memref<1x2048xf32, #tpu.memory_space<hbm>> -> memref<2048xf32, #tpu.memory_space<hbm>>
        %dma_wait3A_1380 = tpu.memref_slice %arg2[%add3A, %add3A_1378] : memref<4x2097152xf32, #tpu.memory_space<hbm>> -> memref<1x2048xf32, #tpu.memory_space<hbm>>
        %dma_wait3A_1381 = tpu.memref_squeeze %dma_wait3A_1380 : memref<1x2048xf32, #tpu.memory_space<hbm>> -> memref<2048xf32, #tpu.memory_space<hbm>>
        tpu.wait_dma2 semaphore(%arg23 : memref<!tpu.dma_semaphore, #tpu.memory_space<semaphore_mem>>) src(%dma_wait3A_1381 : memref<2048xf32, #tpu.memory_space<hbm>>) dst(%arg4 : memref<2048xf32, #tpu.memory_space<vmem>>)
        %mul3A_1382 = arith.constant 2048 : i32
        %mul3A_1383 = arith.muli %add3A_1375, %mul3A_1382 : i32
        %add3A_1384 = arith.addi %mul3A_17, %mul3A_1383 : i32
        %dma_start3A_1385 = tpu.memref_slice %arg2[%add3A, %add3A_1384] : memref<4x2097152xf32, #tpu.memory_space<hbm>> -> memref<1x2048xf32, #tpu.memory_space<hbm>>
        %dma_start3A_1386 = tpu.memref_squeeze %dma_start3A_1385 : memref<1x2048xf32, #tpu.memory_space<hbm>> -> memref<2048xf32, #tpu.memory_space<hbm>>
        %dma_start3A_1387 = tpu.memref_slice %arg2[%add3A, %add3A_1384] : memref<4x2097152xf32, #tpu.memory_space<hbm>> -> memref<1x2048xf32, #tpu.memory_space<hbm>>
        %dma_start3A_1388 = tpu.memref_squeeze %dma_start3A_1387 : memref<1x2048xf32, #tpu.memory_space<hbm>> -> memref<2048xf32, #tpu.memory_space<hbm>>
        tpu.enqueue_dma source(%dma_start3A_1388 : memref<2048xf32, #tpu.memory_space<hbm>>) target(%arg5 : memref<2048xf32, #tpu.memory_space<vmem>>) target_semaphore(%arg24 : memref<!tpu.dma_semaphore, #tpu.memory_space<semaphore_mem>>)
        %scan3A_1389 = arith.constant 0 : i32
        %scan3A_1390 = arith.constant 128 : i32
        %scan3A_1391 = arith.addi %scan3A_1389, %scan3A_1390 : i32
        %scan3A_1392 = arith.constant 1 : i32
        %scan3A_1393 = scf.for %scan3A_1415 = %scan3A_1389 to %scan3A_1391 step %scan3A_1392 iter_args(%scan3A_1416 = %scan3A_1371) -> (i32)  : i32 {
          %mul3A_1417 = arith.constant 16 : i32
          %mul3A_1418 = arith.muli %scan3A_1415, %mul3A_1417 : i32
          %get3A_1419 = arith.index_cast %mul3A_1418 : i32 to index
          %get3A_1420 = tpu.vector_load %arg4[%get3A_1419] {strides = array<i32>} : memref<2048xf32, #tpu.memory_space<vmem>>, vector<16xf32>,
          %bitcast_convert_type3A_1421 = tpu.bitcast %get3A_1420 : vector<16xf32> -> vector<16xi32>
          %lt3A_1422 = arith.constant 0 : i32
          %lt3A_1423 = vector.broadcast %lt3A_1422 : i32 to vector<16xi32>
          %lt3A_1424 = arith.cmpi slt, %bitcast_convert_type3A_1421, %lt3A_1423 : vector<16xi32>
          %not3A_1425 = arith.constant dense<-1> : vector<16xi32>
          %not3A_1426 = arith.xori %bitcast_convert_type3A_1421, %not3A_1425 : vector<16xi32>
          %or3A_1427 = arith.constant -2147483648 : i32
          %or3A_1428 = vector.broadcast %or3A_1427 : i32 to vector<16xi32>
          %or3A_1429 = arith.ori %bitcast_convert_type3A_1421, %or3A_1428 : vector<16xi32>
          %select_n3A_1430 = arith.select %lt3A_1424, %not3A_1426, %or3A_1429 : vector<16xi1>, vector<16xi32>
          %shift_right_logical3A = arith.constant 16 : i32
          %shift_right_logical3A_1431 = vector.broadcast %shift_right_logical3A : i32 to vector<16xi32>
          %shift_right_logical3A_1432 = arith.shrui %select_n3A_1430, %shift_right_logical3A_1431 : vector<16xi32>
          %and3A_1433 = arith.constant 65535 : i32
          %and3A_1434 = vector.broadcast %and3A_1433 : i32 to vector<16xi32>
          %and3A_1435 = arith.andi %select_n3A_1430, %and3A_1434 : vector<16xi32>
          %eq3A_1436 = vector.broadcast %reduce_max3A_365 : i32 to vector<16xi32>
          %eq3A_1437 = arith.cmpi eq, %shift_right_logical3A_1432, %eq3A_1436 : vector<16xi32>
          %unique3A, %unique3A_1438 = tpu.scan_count mask(%eq3A_1437 : vector<16xi1>) value(%and3A_1435 : vector<16xi32>) : vector<16xi1>, vector<16xi32>
          %shift_right_logical3A_1439 = arith.constant 4 : i32
          %shift_right_logical3A_1440 = vector.broadcast %shift_right_logical3A_1439 : i32 to vector<16xi32>
          %shift_right_logical3A_1441 = arith.shrui %and3A_1435, %shift_right_logical3A_1440 : vector<16xi32>
          %and3A_1442 = arith.constant 15 : i32
          %and3A_1443 = vector.broadcast %and3A_1442 : i32 to vector<16xi32>
          %and3A_1444 = arith.andi %and3A_1435, %and3A_1443 : vector<16xi32>
          tpu.vector_store_idx %arg6[%shift_right_logical3A_1441, %and3A_1444], %unique3A_1438 masked %unique3A {add = true} : memref<4096x16xi32, #tpu.memory_space<vmem>>[vector<16xi32>, vector<16xi32>], vector<16xi32>, vector<16xi1>
          %eq3A_1445 = vector.broadcast %reduce_max3A_389 : i32 to vector<16xi32>
          %eq3A_1446 = arith.cmpi eq, %shift_right_logical3A_1432, %eq3A_1445 : vector<16xi32>
          %jit3A_1447 = arith.constant 70000 : i32
          %broadcast_in_dim3A_1448 = vector.broadcast %jit3A_1447 : i32 to vector<16xi32>
          %select_n3A_1449 = arith.select %eq3A_1446, %and3A_1435, %broadcast_in_dim3A_1448 : vector<16xi1>, vector<16xi32>
          %reduce_min3A = arith.constant true
          %reduce_min3A_1450 = vector.broadcast %reduce_min3A : i1 to vector<16xi1>
          %reduce_min3A_1451 = arith.constant -2147483648 : i32
          %reduce_min3A_1452 = vector.broadcast %reduce_min3A_1451 : i32 to vector<16xi32>
          %reduce_min3A_1453 = arith.xori %select_n3A_1449, %reduce_min3A_1452 : vector<16xi32>
          %reduce_min3A_1454 = tpu.scan <min>, %reduce_min3A_1453 masked %reduce_min3A_1450 : vector<16xi32>, vector<16xi1> -> vector<16xi32>
          %reduce_min3A_1455 = arith.xori %reduce_min3A_1454, %reduce_min3A_1452 : vector<16xi32>
          %reduce_min3A_1456 = vector.extract %reduce_min3A_1455[15] : i32 from vector<16xi32>
          %min3A_1457 = arith.minsi %scan3A_1416, %reduce_min3A_1456 : i32
          scf.yield %min3A_1457 : i32
        }
        %scan3A_1394 = arith.constant 128 : i32
        %mul3A_1395 = arith.constant 2048 : i32
        %mul3A_1396 = arith.muli %add3A_1375, %mul3A_1395 : i32
        %add3A_1397 = arith.addi %mul3A_17, %mul3A_1396 : i32
        %dma_wait3A_1398 = tpu.memref_slice %arg2[%add3A, %add3A_1397] : memref<4x2097152xf32, #tpu.memory_space<hbm>> -> memref<1x2048xf32, #tpu.memory_space<hbm>>
        %dma_wait3A_1399 = tpu.memref_squeeze %dma_wait3A_1398 : memref<1x2048xf32, #tpu.memory_space<hbm>> -> memref<2048xf32, #tpu.memory_space<hbm>>
        %dma_wait3A_1400 = tpu.memref_slice %arg2[%add3A, %add3A_1397] : memref<4x2097152xf32, #tpu.memory_space<hbm>> -> memref<1x2048xf32, #tpu.memory_space<hbm>>
        %dma_wait3A_1401 = tpu.memref_squeeze %dma_wait3A_1400 : memref<1x2048xf32, #tpu.memory_space<hbm>> -> memref<2048xf32, #tpu.memory_space<hbm>>
        tpu.wait_dma2 semaphore(%arg24 : memref<!tpu.dma_semaphore, #tpu.memory_space<semaphore_mem>>) src(%dma_wait3A_1401 : memref<2048xf32, #tpu.memory_space<hbm>>) dst(%arg5 : memref<2048xf32, #tpu.memory_space<vmem>>)
        %add3A_1402 = arith.constant 1 : i32
        %add3A_1403 = arith.addi %add3A_1375, %add3A_1402 : i32
        %lt3A_1404 = arith.constant 64 : i32
        %lt3A_1405 = arith.cmpi slt, %add3A_1403, %lt3A_1404 : i32
        %convert_element_type3A_1406 = arith.extui %lt3A_1405 : i1 to i32
        %cond3A_1407 = arith.constant 0 : i32
        %cond3A_1408 = arith.cmpi ne, %convert_element_type3A_1406, %cond3A_1407 : i32
        scf.if %cond3A_1408 {
          %add3A_1415 = arith.constant 1 : i32
          %add3A_1416 = arith.addi %add3A_1375, %add3A_1415 : i32
          %mul3A_1417 = arith.constant 2048 : i32
          %mul3A_1418 = arith.muli %add3A_1416, %mul3A_1417 : i32
          %add3A_1419 = arith.addi %mul3A_17, %mul3A_1418 : i32
          %dma_start3A_1420 = tpu.memref_slice %arg2[%add3A, %add3A_1419] : memref<4x2097152xf32, #tpu.memory_space<hbm>> -> memref<1x2048xf32, #tpu.memory_space<hbm>>
          %dma_start3A_1421 = tpu.memref_squeeze %dma_start3A_1420 : memref<1x2048xf32, #tpu.memory_space<hbm>> -> memref<2048xf32, #tpu.memory_space<hbm>>
          %dma_start3A_1422 = tpu.memref_slice %arg2[%add3A, %add3A_1419] : memref<4x2097152xf32, #tpu.memory_space<hbm>> -> memref<1x2048xf32, #tpu.memory_space<hbm>>
          %dma_start3A_1423 = tpu.memref_squeeze %dma_start3A_1422 : memref<1x2048xf32, #tpu.memory_space<hbm>> -> memref<2048xf32, #tpu.memory_space<hbm>>
          tpu.enqueue_dma source(%dma_start3A_1423 : memref<2048xf32, #tpu.memory_space<hbm>>) target(%arg4 : memref<2048xf32, #tpu.memory_space<vmem>>) target_semaphore(%arg23 : memref<!tpu.dma_semaphore, #tpu.memory_space<semaphore_mem>>)
        } else {
        }
        %scan3A_1409 = arith.constant 0 : i32
        %scan3A_1410 = arith.constant 128 : i32
        %scan3A_1411 = arith.addi %scan3A_1409, %scan3A_1410 : i32
        %scan3A_1412 = arith.constant 1 : i32
        %scan3A_1413 = scf.for %scan3A_1415 = %scan3A_1409 to %scan3A_1411 step %scan3A_1412 iter_args(%scan3A_1416 = %scan3A_1393) -> (i32)  : i32 {
          %mul3A_1417 = arith.constant 16 : i32
          %mul3A_1418 = arith.muli %scan3A_1415, %mul3A_1417 : i32
          %get3A_1419 = arith.index_cast %mul3A_1418 : i32 to index
          %get3A_1420 = tpu.vector_load %arg5[%get3A_1419] {strides = array<i32>} : memref<2048xf32, #tpu.memory_space<vmem>>, vector<16xf32>,
          %bitcast_convert_type3A_1421 = tpu.bitcast %get3A_1420 : vector<16xf32> -> vector<16xi32>
          %lt3A_1422 = arith.constant 0 : i32
          %lt3A_1423 = vector.broadcast %lt3A_1422 : i32 to vector<16xi32>
          %lt3A_1424 = arith.cmpi slt, %bitcast_convert_type3A_1421, %lt3A_1423 : vector<16xi32>
          %not3A_1425 = arith.constant dense<-1> : vector<16xi32>
          %not3A_1426 = arith.xori %bitcast_convert_type3A_1421, %not3A_1425 : vector<16xi32>
          %or3A_1427 = arith.constant -2147483648 : i32
          %or3A_1428 = vector.broadcast %or3A_1427 : i32 to vector<16xi32>
          %or3A_1429 = arith.ori %bitcast_convert_type3A_1421, %or3A_1428 : vector<16xi32>
          %select_n3A_1430 = arith.select %lt3A_1424, %not3A_1426, %or3A_1429 : vector<16xi1>, vector<16xi32>
          %shift_right_logical3A = arith.constant 16 : i32
          %shift_right_logical3A_1431 = vector.broadcast %shift_right_logical3A : i32 to vector<16xi32>
          %shift_right_logical3A_1432 = arith.shrui %select_n3A_1430, %shift_right_logical3A_1431 : vector<16xi32>
          %and3A_1433 = arith.constant 65535 : i32
          %and3A_1434 = vector.broadcast %and3A_1433 : i32 to vector<16xi32>
          %and3A_1435 = arith.andi %select_n3A_1430, %and3A_1434 : vector<16xi32>
          %eq3A_1436 = vector.broadcast %reduce_max3A_365 : i32 to vector<16xi32>
          %eq3A_1437 = arith.cmpi eq, %shift_right_logical3A_1432, %eq3A_1436 : vector<16xi32>
          %unique3A, %unique3A_1438 = tpu.scan_count mask(%eq3A_1437 : vector<16xi1>) value(%and3A_1435 : vector<16xi32>) : vector<16xi1>, vector<16xi32>
          %shift_right_logical3A_1439 = arith.constant 4 : i32
          %shift_right_logical3A_1440 = vector.broadcast %shift_right_logical3A_1439 : i32 to vector<16xi32>
          %shift_right_logical3A_1441 = arith.shrui %and3A_1435, %shift_right_logical3A_1440 : vector<16xi32>
          %and3A_1442 = arith.constant 15 : i32
          %and3A_1443 = vector.broadcast %and3A_1442 : i32 to vector<16xi32>
          %and3A_1444 = arith.andi %and3A_1435, %and3A_1443 : vector<16xi32>
          tpu.vector_store_idx %arg6[%shift_right_logical3A_1441, %and3A_1444], %unique3A_1438 masked %unique3A {add = true} : memref<4096x16xi32, #tpu.memory_space<vmem>>[vector<16xi32>, vector<16xi32>], vector<16xi32>, vector<16xi1>
          %eq3A_1445 = vector.broadcast %reduce_max3A_389 : i32 to vector<16xi32>
          %eq3A_1446 = arith.cmpi eq, %shift_right_logical3A_1432, %eq3A_1445 : vector<16xi32>
          %jit3A_1447 = arith.constant 70000 : i32
          %broadcast_in_dim3A_1448 = vector.broadcast %jit3A_1447 : i32 to vector<16xi32>
          %select_n3A_1449 = arith.select %eq3A_1446, %and3A_1435, %broadcast_in_dim3A_1448 : vector<16xi1>, vector<16xi32>
          %reduce_min3A = arith.constant true
          %reduce_min3A_1450 = vector.broadcast %reduce_min3A : i1 to vector<16xi1>
          %reduce_min3A_1451 = arith.constant -2147483648 : i32
          %reduce_min3A_1452 = vector.broadcast %reduce_min3A_1451 : i32 to vector<16xi32>
          %reduce_min3A_1453 = arith.xori %select_n3A_1449, %reduce_min3A_1452 : vector<16xi32>
          %reduce_min3A_1454 = tpu.scan <min>, %reduce_min3A_1453 masked %reduce_min3A_1450 : vector<16xi32>, vector<16xi1> -> vector<16xi32>
          %reduce_min3A_1455 = arith.xori %reduce_min3A_1454, %reduce_min3A_1452 : vector<16xi32>
          %reduce_min3A_1456 = vector.extract %reduce_min3A_1455[15] : i32 from vector<16xi32>
          %min3A_1457 = arith.minsi %scan3A_1416, %reduce_min3A_1456 : i32
          scf.yield %min3A_1457 : i32
        }
        %scan3A_1414 = arith.constant 128 : i32
        scf.yield %scan3A_1413 : i32
      }
      %scan3A_419 = arith.constant 32 : i32
      %broadcast_in_dim3A_420 = vector.broadcast %scan3A_418 : i32 to vector<16xi32>
      %swap3A_421 = arith.constant 0 : index
      %swap3A_422 = tpu.vector_load %arg16[%swap3A_421] {strides = array<i32>} : memref<16xi32, #tpu.memory_space<vmem>>, vector<16xi32>,
      tpu.vector_store %arg16[%swap3A_421], %broadcast_in_dim3A_420 {strides = array<i32>} : memref<16xi32, #tpu.memory_space<vmem>>, vector<16xi32>,
      "tpu.region"() ({
        %run_scoped3A = tpu.sem_alloc : memref<!tpu.dma_semaphore, #tpu.memory_space<semaphore_mem>>
        %dma_start3A_1370 = arith.constant 0 : i32
        %dma_start3A_1371 = tpu.memref_slice %arg20[%arg1, %dma_start3A_1370] : memref<16x16xi32, #tpu.memory_space<vmem_shared>> -> memref<1x16xi32, #tpu.memory_space<vmem_shared>>
        %dma_start3A_1372 = tpu.memref_squeeze %dma_start3A_1371 : memref<1x16xi32, #tpu.memory_space<vmem_shared>> -> memref<16xi32, #tpu.memory_space<vmem_shared>>
        %dma_start3A_1373 = arith.constant 0 : i32
        %dma_start3A_1374 = tpu.memref_slice %arg20[%arg1, %dma_start3A_1373] : memref<16x16xi32, #tpu.memory_space<vmem_shared>> -> memref<1x16xi32, #tpu.memory_space<vmem_shared>>
        %dma_start3A_1375 = tpu.memref_squeeze %dma_start3A_1374 : memref<1x16xi32, #tpu.memory_space<vmem_shared>> -> memref<16xi32, #tpu.memory_space<vmem_shared>>
        tpu.enqueue_dma source(%arg16 : memref<16xi32, #tpu.memory_space<vmem>>) target(%dma_start3A_1375 : memref<16xi32, #tpu.memory_space<vmem_shared>>) target_semaphore(%run_scoped3A : memref<!tpu.dma_semaphore, #tpu.memory_space<semaphore_mem>>)
        %dma_wait3A = arith.constant 0 : i32
        %dma_wait3A_1376 = tpu.memref_slice %arg20[%arg1, %dma_wait3A] : memref<16x16xi32, #tpu.memory_space<vmem_shared>> -> memref<1x16xi32, #tpu.memory_space<vmem_shared>>
        %dma_wait3A_1377 = tpu.memref_squeeze %dma_wait3A_1376 : memref<1x16xi32, #tpu.memory_space<vmem_shared>> -> memref<16xi32, #tpu.memory_space<vmem_shared>>
        %dma_wait3A_1378 = arith.constant 0 : i32
        %dma_wait3A_1379 = tpu.memref_slice %arg20[%arg1, %dma_wait3A_1378] : memref<16x16xi32, #tpu.memory_space<vmem_shared>> -> memref<1x16xi32, #tpu.memory_space<vmem_shared>>
        %dma_wait3A_1380 = tpu.memref_squeeze %dma_wait3A_1379 : memref<1x16xi32, #tpu.memory_space<vmem_shared>> -> memref<16xi32, #tpu.memory_space<vmem_shared>>
        tpu.wait_dma2 semaphore(%run_scoped3A : memref<!tpu.dma_semaphore, #tpu.memory_space<semaphore_mem>>) src(%arg16 : memref<16xi32, #tpu.memory_space<vmem>>) dst(%dma_wait3A_1380 : memref<16xi32, #tpu.memory_space<vmem_shared>>)
        tpu.yield
      }) : () -> ()
      %mul3A_423 = arith.constant 256 : i32
      %mul3A_424 = arith.muli %arg1, %mul3A_423 : i32
      "tpu.region"() ({
        %run_scoped3A = tpu.sem_alloc : memref<!tpu.dma_semaphore, #tpu.memory_space<semaphore_mem>>
        %dma_start3A_1370 = arith.constant 0 : i32
        %dma_start3A_1371 = tpu.memref_slice %arg17[%mul3A_424, %dma_start3A_1370] : memref<4096x16xi32, #tpu.memory_space<vmem_shared>> -> memref<256x16xi32, #tpu.memory_space<vmem_shared>>
        %dma_start3A_1372 = arith.constant 0 : i32
        %dma_start3A_1373 = tpu.memref_slice %arg17[%mul3A_424, %dma_start3A_1372] : memref<4096x16xi32, #tpu.memory_space<vmem_shared>> -> memref<256x16xi32, #tpu.memory_space<vmem_shared>>
        tpu.enqueue_dma source(%arg8 : memref<256x16xi32, #tpu.memory_space<vmem>>) target(%dma_start3A_1373 : memref<256x16xi32, #tpu.memory_space<vmem_shared>>) target_semaphore(%run_scoped3A : memref<!tpu.dma_semaphore, #tpu.memory_space<semaphore_mem>>)
        %dma_wait3A = arith.constant 0 : i32
        %dma_wait3A_1374 = tpu.memref_slice %arg17[%mul3A_424, %dma_wait3A] : memref<4096x16xi32, #tpu.memory_space<vmem_shared>> -> memref<256x16xi32, #tpu.memory_space<vmem_shared>>
        %dma_wait3A_1375 = arith.constant 0 : i32
        %dma_wait3A_1376 = tpu.memref_slice %arg17[%mul3A_424, %dma_wait3A_1375] : memref<4096x16xi32, #tpu.memory_space<vmem_shared>> -> memref<256x16xi32, #tpu.memory_space<vmem_shared>>
        tpu.wait_dma2 semaphore(%run_scoped3A : memref<!tpu.dma_semaphore, #tpu.memory_space<semaphore_mem>>) src(%arg8 : memref<256x16xi32, #tpu.memory_space<vmem>>) dst(%dma_wait3A_1376 : memref<256x16xi32, #tpu.memory_space<vmem_shared>>)
        tpu.yield
      }) : () -> ()
      %barrier3A_425 = arith.constant 0 : index
      tpu.barrier barrier_id(%barrier3A_425)
      %scan3A_426 = arith.constant 0 : i32
      %scan3A_427 = arith.constant 0 : i32
      %scan3A_428 = arith.constant 32 : i32
      %scan3A_429 = arith.addi %scan3A_427, %scan3A_428 : i32
      %scan3A_430 = arith.constant 1 : i32
      %scan3A_431 = scf.for %scan3A_1370 = %scan3A_427 to %scan3A_429 step %scan3A_430 iter_args(%scan3A_1371 = %scan3A_426) -> (i32)  : i32 {
        %mul3A_1372 = arith.constant 128 : i32
        %mul3A_1373 = arith.muli %scan3A_1370, %mul3A_1372 : i32
        %add3A_1374 = arith.constant 0 : i32
        %add3A_1375 = arith.addi %mul3A_1373, %add3A_1374 : i32
        %add3A_1376 = vector.broadcast %add3A_1375 : i32 to vector<16xi32>
        %add3A_1377 = arith.addi %add3A_1376, %iota3A : vector<16xi32>
        %swap3A_1378 = arith.index_cast %scan3A_1370 : i32 to index
        %swap3A_1379 = arith.constant 0 : index
        %swap3A_1380 = tpu.vector_load %arg10[%swap3A_1378, %swap3A_1379] {strides = array<i32>} : memref<16x128xi32, #tpu.memory_space<vmem>>, vector<16xi32>,
        tpu.vector_store %arg10[%swap3A_1378, %swap3A_1379], %add3A_1377 {strides = array<i32>} : memref<16x128xi32, #tpu.memory_space<vmem>>, vector<16xi32>,
        %mul3A_1381 = arith.constant 128 : i32
        %mul3A_1382 = arith.muli %scan3A_1370, %mul3A_1381 : i32
        %add3A_1383 = arith.constant 16 : i32
        %add3A_1384 = arith.addi %mul3A_1382, %add3A_1383 : i32
        %add3A_1385 = vector.broadcast %add3A_1384 : i32 to vector<16xi32>
        %add3A_1386 = arith.addi %add3A_1385, %iota3A : vector<16xi32>
        %swap3A_1387 = arith.index_cast %scan3A_1370 : i32 to index
        %swap3A_1388 = arith.constant 16 : index
        %swap3A_1389 = tpu.vector_load %arg10[%swap3A_1387, %swap3A_1388] {strides = array<i32>} : memref<16x128xi32, #tpu.memory_space<vmem>>, vector<16xi32>,
        tpu.vector_store %arg10[%swap3A_1387, %swap3A_1388], %add3A_1386 {strides = array<i32>} : memref<16x128xi32, #tpu.memory_space<vmem>>, vector<16xi32>,
        %mul3A_1390 = arith.constant 128 : i32
        %mul3A_1391 = arith.muli %scan3A_1370, %mul3A_1390 : i32
        %add3A_1392 = arith.constant 32 : i32
        %add3A_1393 = arith.addi %mul3A_1391, %add3A_1392 : i32
        %add3A_1394 = vector.broadcast %add3A_1393 : i32 to vector<16xi32>
        %add3A_1395 = arith.addi %add3A_1394, %iota3A : vector<16xi32>
        %swap3A_1396 = arith.index_cast %scan3A_1370 : i32 to index
        %swap3A_1397 = arith.constant 32 : index
        %swap3A_1398 = tpu.vector_load %arg10[%swap3A_1396, %swap3A_1397] {strides = array<i32>} : memref<16x128xi32, #tpu.memory_space<vmem>>, vector<16xi32>,
        tpu.vector_store %arg10[%swap3A_1396, %swap3A_1397], %add3A_1395 {strides = array<i32>} : memref<16x128xi32, #tpu.memory_space<vmem>>, vector<16xi32>,
        %mul3A_1399 = arith.constant 128 : i32
        %mul3A_1400 = arith.muli %scan3A_1370, %mul3A_1399 : i32
        %add3A_1401 = arith.constant 48 : i32
        %add3A_1402 = arith.addi %mul3A_1400, %add3A_1401 : i32
        %add3A_1403 = vector.broadcast %add3A_1402 : i32 to vector<16xi32>
        %add3A_1404 = arith.addi %add3A_1403, %iota3A : vector<16xi32>
        %swap3A_1405 = arith.index_cast %scan3A_1370 : i32 to index
        %swap3A_1406 = arith.constant 48 : index
        %swap3A_1407 = tpu.vector_load %arg10[%swap3A_1405, %swap3A_1406] {strides = array<i32>} : memref<16x128xi32, #tpu.memory_space<vmem>>, vector<16xi32>,
        tpu.vector_store %arg10[%swap3A_1405, %swap3A_1406], %add3A_1404 {strides = array<i32>} : memref<16x128xi32, #tpu.memory_space<vmem>>, vector<16xi32>,
        %mul3A_1408 = arith.constant 128 : i32
        %mul3A_1409 = arith.muli %scan3A_1370, %mul3A_1408 : i32
        %add3A_1410 = arith.constant 64 : i32
        %add3A_1411 = arith.addi %mul3A_1409, %add3A_1410 : i32
        %add3A_1412 = vector.broadcast %add3A_1411 : i32 to vector<16xi32>
        %add3A_1413 = arith.addi %add3A_1412, %iota3A : vector<16xi32>
        %swap3A_1414 = arith.index_cast %scan3A_1370 : i32 to index
        %swap3A_1415 = arith.constant 64 : index
        %swap3A_1416 = tpu.vector_load %arg10[%swap3A_1414, %swap3A_1415] {strides = array<i32>} : memref<16x128xi32, #tpu.memory_space<vmem>>, vector<16xi32>,
        tpu.vector_store %arg10[%swap3A_1414, %swap3A_1415], %add3A_1413 {strides = array<i32>} : memref<16x128xi32, #tpu.memory_space<vmem>>, vector<16xi32>,
        %mul3A_1417 = arith.constant 128 : i32
        %mul3A_1418 = arith.muli %scan3A_1370, %mul3A_1417 : i32
        %add3A_1419 = arith.constant 80 : i32
        %add3A_1420 = arith.addi %mul3A_1418, %add3A_1419 : i32
        %add3A_1421 = vector.broadcast %add3A_1420 : i32 to vector<16xi32>
        %add3A_1422 = arith.addi %add3A_1421, %iota3A : vector<16xi32>
        %swap3A_1423 = arith.index_cast %scan3A_1370 : i32 to index
        %swap3A_1424 = arith.constant 80 : index
        %swap3A_1425 = tpu.vector_load %arg10[%swap3A_1423, %swap3A_1424] {strides = array<i32>} : memref<16x128xi32, #tpu.memory_space<vmem>>, vector<16xi32>,
        tpu.vector_store %arg10[%swap3A_1423, %swap3A_1424], %add3A_1422 {strides = array<i32>} : memref<16x128xi32, #tpu.memory_space<vmem>>, vector<16xi32>,
        %mul3A_1426 = arith.constant 128 : i32
        %mul3A_1427 = arith.muli %scan3A_1370, %mul3A_1426 : i32
        %add3A_1428 = arith.constant 96 : i32
        %add3A_1429 = arith.addi %mul3A_1427, %add3A_1428 : i32
        %add3A_1430 = vector.broadcast %add3A_1429 : i32 to vector<16xi32>
        %add3A_1431 = arith.addi %add3A_1430, %iota3A : vector<16xi32>
        %swap3A_1432 = arith.index_cast %scan3A_1370 : i32 to index
        %swap3A_1433 = arith.constant 96 : index
        %swap3A_1434 = tpu.vector_load %arg10[%swap3A_1432, %swap3A_1433] {strides = array<i32>} : memref<16x128xi32, #tpu.memory_space<vmem>>, vector<16xi32>,
        tpu.vector_store %arg10[%swap3A_1432, %swap3A_1433], %add3A_1431 {strides = array<i32>} : memref<16x128xi32, #tpu.memory_space<vmem>>, vector<16xi32>,
        %mul3A_1435 = arith.constant 128 : i32
        %mul3A_1436 = arith.muli %scan3A_1370, %mul3A_1435 : i32
        %add3A_1437 = arith.constant 112 : i32
        %add3A_1438 = arith.addi %mul3A_1436, %add3A_1437 : i32
        %add3A_1439 = vector.broadcast %add3A_1438 : i32 to vector<16xi32>
        %add3A_1440 = arith.addi %add3A_1439, %iota3A : vector<16xi32>
        %swap3A_1441 = arith.index_cast %scan3A_1370 : i32 to index
        %swap3A_1442 = arith.constant 112 : index
        %swap3A_1443 = tpu.vector_load %arg10[%swap3A_1441, %swap3A_1442] {strides = array<i32>} : memref<16x128xi32, #tpu.memory_space<vmem>>, vector<16xi32>,
        tpu.vector_store %arg10[%swap3A_1441, %swap3A_1442], %add3A_1440 {strides = array<i32>} : memref<16x128xi32, #tpu.memory_space<vmem>>, vector<16xi32>,
        %mul3A_1444 = arith.constant 128 : i32
        %mul3A_1445 = arith.muli %scan3A_1370, %mul3A_1444 : i32
        "tpu.region"() ({
          %run_scoped3A = tpu.sem_alloc : memref<!tpu.dma_semaphore, #tpu.memory_space<semaphore_mem>>
          %dma_start3A_1447 = arith.constant 0 : i32
          %dma_start3A_1448 = tpu.memref_slice %arg6[%mul3A_1445, %dma_start3A_1447] : memref<4096x16xi32, #tpu.memory_space<vmem>> -> memref<128x16xi32, #tpu.memory_space<vmem>>
          %dma_start3A_1449 = arith.constant 0 : i32
          %dma_start3A_1450 = tpu.memref_slice %arg10[%scan3A_1370, %dma_start3A_1449] : memref<16x128xi32, #tpu.memory_space<vmem>> -> memref<1x128xi32, #tpu.memory_space<vmem>>
          %dma_start3A_1451 = tpu.memref_squeeze %dma_start3A_1450 : memref<1x128xi32, #tpu.memory_space<vmem>> -> memref<128xi32, #tpu.memory_space<vmem>>
          %dma_start3A_1452 = arith.constant 0 : i32
          %dma_start3A_1453 = arith.constant 0 : i32
          %dma_start3A_1454 = tpu.memref_slice %arg17[%dma_start3A_1452, %dma_start3A_1453] : memref<4096x16xi32, #tpu.memory_space<vmem_shared>> -> memref<4096x16xi32, #tpu.memory_space<vmem_shared>>
          tpu.enqueue_indirect_dma source(%dma_start3A_1448 : memref<128x16xi32, #tpu.memory_space<vmem>>) target(%dma_start3A_1454 : memref<4096x16xi32, #tpu.memory_space<vmem_shared>>) offsets(%dma_start3A_1451 : memref<128xi32, #tpu.memory_space<vmem>>) semaphore(%run_scoped3A : memref<!tpu.dma_semaphore, #tpu.memory_space<semaphore_mem>>) {add = true}
          %dma_wait3A = arith.constant 0 : i32
          %dma_wait3A_1455 = tpu.memref_slice %arg6[%mul3A_1445, %dma_wait3A] : memref<4096x16xi32, #tpu.memory_space<vmem>> -> memref<128x16xi32, #tpu.memory_space<vmem>>
          %dma_wait3A_1456 = arith.constant 0 : i32
          %dma_wait3A_1457 = tpu.memref_slice %arg10[%scan3A_1370, %dma_wait3A_1456] : memref<16x128xi32, #tpu.memory_space<vmem>> -> memref<1x128xi32, #tpu.memory_space<vmem>>
          %dma_wait3A_1458 = tpu.memref_squeeze %dma_wait3A_1457 : memref<1x128xi32, #tpu.memory_space<vmem>> -> memref<128xi32, #tpu.memory_space<vmem>>
          %dma_wait3A_1459 = arith.constant 0 : i32
          %dma_wait3A_1460 = arith.constant 0 : i32
          %dma_wait3A_1461 = tpu.memref_slice %arg17[%dma_wait3A_1459, %dma_wait3A_1460] : memref<4096x16xi32, #tpu.memory_space<vmem_shared>> -> memref<4096x16xi32, #tpu.memory_space<vmem_shared>>
          tpu.wait_indirect_dma semaphore(%run_scoped3A : memref<!tpu.dma_semaphore, #tpu.memory_space<semaphore_mem>>) src(%dma_wait3A_1455 : memref<128x16xi32, #tpu.memory_space<vmem>>) dst(%dma_wait3A_1461 : memref<4096x16xi32, #tpu.memory_space<vmem_shared>>)
          tpu.yield
        }) : () -> ()
        %scan3A_1446 = arith.constant 0 : i32
        scf.yield %scan3A_1446 : i32
      }
      %scan3A_432 = arith.constant 32 : i32
      %barrier3A_433 = arith.constant 0 : index
      tpu.barrier barrier_id(%barrier3A_433)
      %mul3A_434 = arith.constant 256 : i32
      %mul3A_435 = arith.muli %arg1, %mul3A_434 : i32
      "tpu.region"() ({
        %run_scoped3A = tpu.sem_alloc : memref<!tpu.dma_semaphore, #tpu.memory_space<semaphore_mem>>
        %dma_start3A_1370 = arith.constant 0 : i32
        %dma_start3A_1371 = tpu.memref_slice %arg17[%mul3A_435, %dma_start3A_1370] : memref<4096x16xi32, #tpu.memory_space<vmem_shared>> -> memref<256x16xi32, #tpu.memory_space<vmem_shared>>
        %dma_start3A_1372 = arith.constant 0 : i32
        %dma_start3A_1373 = tpu.memref_slice %arg17[%mul3A_435, %dma_start3A_1372] : memref<4096x16xi32, #tpu.memory_space<vmem_shared>> -> memref<256x16xi32, #tpu.memory_space<vmem_shared>>
        tpu.enqueue_dma source(%dma_start3A_1373 : memref<256x16xi32, #tpu.memory_space<vmem_shared>>) target(%arg7 : memref<256x16xi32, #tpu.memory_space<vmem>>) target_semaphore(%run_scoped3A : memref<!tpu.dma_semaphore, #tpu.memory_space<semaphore_mem>>)
        %dma_wait3A = arith.constant 0 : i32
        %dma_wait3A_1374 = tpu.memref_slice %arg17[%mul3A_435, %dma_wait3A] : memref<4096x16xi32, #tpu.memory_space<vmem_shared>> -> memref<256x16xi32, #tpu.memory_space<vmem_shared>>
        %dma_wait3A_1375 = arith.constant 0 : i32
        %dma_wait3A_1376 = tpu.memref_slice %arg17[%mul3A_435, %dma_wait3A_1375] : memref<4096x16xi32, #tpu.memory_space<vmem_shared>> -> memref<256x16xi32, #tpu.memory_space<vmem_shared>>
        tpu.wait_dma2 semaphore(%run_scoped3A : memref<!tpu.dma_semaphore, #tpu.memory_space<semaphore_mem>>) src(%dma_wait3A_1376 : memref<256x16xi32, #tpu.memory_space<vmem_shared>>) dst(%arg7 : memref<256x16xi32, #tpu.memory_space<vmem>>)
        tpu.yield
      }) : () -> ()
      %scan3A_436 = arith.constant 0 : i32
      %scan3A_437 = arith.constant 0 : i32
      %scan3A_438 = arith.constant 256 : i32
      %scan3A_439 = arith.addi %scan3A_437, %scan3A_438 : i32
      %scan3A_440 = arith.constant 1 : i32
      %scan3A_441 = scf.for %scan3A_1370 = %scan3A_437 to %scan3A_439 step %scan3A_440 iter_args(%scan3A_1371 = %scan3A_436) -> (i32)  : i32 {
        %get3A_1372 = arith.index_cast %scan3A_1370 : i32 to index
        %get3A_1373 = arith.constant 0 : index
        %get3A_1374 = tpu.vector_load %arg7[%get3A_1372, %get3A_1373] {strides = array<i32>} : memref<256x16xi32, #tpu.memory_space<vmem>>, vector<16xi32>,
        %broadcast_in_dim3A_1375 = arith.constant true
        %broadcast_in_dim3A_1376 = vector.broadcast %broadcast_in_dim3A_1375 : i1 to vector<16xi1>
        %masked_cumsum3A = tpu.scan <sum>, %get3A_1374 masked %broadcast_in_dim3A_1376 : vector<16xi32>, vector<16xi1> -> vector<16xi32>
        %add3A_1377 = vector.broadcast %scan3A_1371 : i32 to vector<16xi32>
        %add3A_1378 = arith.addi %masked_cumsum3A, %add3A_1377 : vector<16xi32>
        %swap3A_1379 = arith.index_cast %scan3A_1370 : i32 to index
        %swap3A_1380 = arith.constant 0 : index
        %swap3A_1381 = tpu.vector_load %arg7[%swap3A_1379, %swap3A_1380] {strides = array<i32>} : memref<256x16xi32, #tpu.memory_space<vmem>>, vector<16xi32>,
        tpu.vector_store %arg7[%swap3A_1379, %swap3A_1380], %add3A_1378 {strides = array<i32>} : memref<256x16xi32, #tpu.memory_space<vmem>>, vector<16xi32>,
        %reduce_sum3A = arith.constant true
        %reduce_sum3A_1382 = vector.broadcast %reduce_sum3A : i1 to vector<16xi1>
        %reduce_sum3A_1383 = tpu.scan <sum>, %get3A_1374 masked %reduce_sum3A_1382 : vector<16xi32>, vector<16xi1> -> vector<16xi32>
        %reduce_sum3A_1384 = vector.extract %reduce_sum3A_1383[15] : i32 from vector<16xi32>
        %add3A_1385 = arith.addi %scan3A_1371, %reduce_sum3A_1384 : i32
        scf.yield %add3A_1385 : i32
      }
      %scan3A_442 = arith.constant 256 : i32
      %broadcast_in_dim3A_443 = vector.broadcast %scan3A_441 : i32 to vector<16xi32>
      %swap3A_444 = arith.constant 0 : index
      %swap3A_445 = tpu.vector_load %arg16[%swap3A_444] {strides = array<i32>} : memref<16xi32, #tpu.memory_space<vmem>>, vector<16xi32>,
      tpu.vector_store %arg16[%swap3A_444], %broadcast_in_dim3A_443 {strides = array<i32>} : memref<16xi32, #tpu.memory_space<vmem>>, vector<16xi32>,
      "tpu.region"() ({
        %run_scoped3A = tpu.sem_alloc : memref<!tpu.dma_semaphore, #tpu.memory_space<semaphore_mem>>
        %dma_start3A_1370 = arith.constant 0 : i32
        %dma_start3A_1371 = tpu.memref_slice %arg18[%arg1, %dma_start3A_1370] : memref<16x16xi32, #tpu.memory_space<vmem_shared>> -> memref<1x16xi32, #tpu.memory_space<vmem_shared>>
        %dma_start3A_1372 = tpu.memref_squeeze %dma_start3A_1371 : memref<1x16xi32, #tpu.memory_space<vmem_shared>> -> memref<16xi32, #tpu.memory_space<vmem_shared>>
        %dma_start3A_1373 = arith.constant 0 : i32
        %dma_start3A_1374 = tpu.memref_slice %arg18[%arg1, %dma_start3A_1373] : memref<16x16xi32, #tpu.memory_space<vmem_shared>> -> memref<1x16xi32, #tpu.memory_space<vmem_shared>>
        %dma_start3A_1375 = tpu.memref_squeeze %dma_start3A_1374 : memref<1x16xi32, #tpu.memory_space<vmem_shared>> -> memref<16xi32, #tpu.memory_space<vmem_shared>>
        tpu.enqueue_dma source(%arg16 : memref<16xi32, #tpu.memory_space<vmem>>) target(%dma_start3A_1375 : memref<16xi32, #tpu.memory_space<vmem_shared>>) target_semaphore(%run_scoped3A : memref<!tpu.dma_semaphore, #tpu.memory_space<semaphore_mem>>)
        %dma_wait3A = arith.constant 0 : i32
        %dma_wait3A_1376 = tpu.memref_slice %arg18[%arg1, %dma_wait3A] : memref<16x16xi32, #tpu.memory_space<vmem_shared>> -> memref<1x16xi32, #tpu.memory_space<vmem_shared>>
        %dma_wait3A_1377 = tpu.memref_squeeze %dma_wait3A_1376 : memref<1x16xi32, #tpu.memory_space<vmem_shared>> -> memref<16xi32, #tpu.memory_space<vmem_shared>>
        %dma_wait3A_1378 = arith.constant 0 : i32
        %dma_wait3A_1379 = tpu.memref_slice %arg18[%arg1, %dma_wait3A_1378] : memref<16x16xi32, #tpu.memory_space<vmem_shared>> -> memref<1x16xi32, #tpu.memory_space<vmem_shared>>
        %dma_wait3A_1380 = tpu.memref_squeeze %dma_wait3A_1379 : memref<1x16xi32, #tpu.memory_space<vmem_shared>> -> memref<16xi32, #tpu.memory_space<vmem_shared>>
        tpu.wait_dma2 semaphore(%run_scoped3A : memref<!tpu.dma_semaphore, #tpu.memory_space<semaphore_mem>>) src(%arg16 : memref<16xi32, #tpu.memory_space<vmem>>) dst(%dma_wait3A_1380 : memref<16xi32, #tpu.memory_space<vmem_shared>>)
        tpu.yield
      }) : () -> ()
      %barrier3A_446 = arith.constant 0 : index
      tpu.barrier barrier_id(%barrier3A_446)
      "tpu.region"() ({
        %run_scoped3A = tpu.sem_alloc : memref<!tpu.dma_semaphore, #tpu.memory_space<semaphore_mem>>
        tpu.enqueue_dma source(%arg18 : memref<16x16xi32, #tpu.memory_space<vmem_shared>>) target(%arg12 : memref<16x16xi32, #tpu.memory_space<vmem>>) target_semaphore(%run_scoped3A : memref<!tpu.dma_semaphore, #tpu.memory_space<semaphore_mem>>)
        tpu.wait_dma2 semaphore(%run_scoped3A : memref<!tpu.dma_semaphore, #tpu.memory_space<semaphore_mem>>) src(%arg18 : memref<16x16xi32, #tpu.memory_space<vmem_shared>>) dst(%arg12 : memref<16x16xi32, #tpu.memory_space<vmem>>)
        tpu.yield
      }) : () -> ()
      %get3A_447 = arith.constant 0 : i32
      %get3A_448 = arith.index_cast %get3A_447 : i32 to index
      %get3A_449 = arith.constant 0 : index
      %get3A_450 = tpu.vector_load %arg12[%get3A_448, %get3A_449] {strides = array<i32>} : memref<16x16xi32, #tpu.memory_space<vmem>>, vector<16xi32>,
      %reduce_max3A_451 = arith.constant true
      %reduce_max3A_452 = vector.broadcast %reduce_max3A_451 : i1 to vector<16xi1>
      %reduce_max3A_453 = arith.constant -2147483648 : i32
      %reduce_max3A_454 = vector.broadcast %reduce_max3A_453 : i32 to vector<16xi32>
      %reduce_max3A_455 = arith.xori %get3A_450, %reduce_max3A_454 : vector<16xi32>
      %reduce_max3A_456 = tpu.scan <max>, %reduce_max3A_455 masked %reduce_max3A_452 : vector<16xi32>, vector<16xi1> -> vector<16xi32>
      %reduce_max3A_457 = arith.xori %reduce_max3A_456, %reduce_max3A_454 : vector<16xi32>
      %reduce_max3A_458 = vector.extract %reduce_max3A_457[15] : i32 from vector<16xi32>
      %gt3A_459 = arith.constant 0 : i32
      %gt3A_460 = arith.cmpi sgt, %arg1, %gt3A_459 : i32
      %jit3A_461 = arith.constant 0 : i32
      %select_n3A_462 = arith.select %gt3A_460, %reduce_max3A_458, %jit3A_461 : i32
      %add3A_463 = arith.constant 0 : i32
      %add3A_464 = arith.addi %add3A_463, %select_n3A_462 : i32
      %get3A_465 = arith.constant 1 : i32
      %get3A_466 = arith.index_cast %get3A_465 : i32 to index
      %get3A_467 = arith.constant 0 : index
      %get3A_468 = tpu.vector_load %arg12[%get3A_466, %get3A_467] {strides = array<i32>} : memref<16x16xi32, #tpu.memory_space<vmem>>, vector<16xi32>,
      %reduce_max3A_469 = arith.constant true
      %reduce_max3A_470 = vector.broadcast %reduce_max3A_469 : i1 to vector<16xi1>
      %reduce_max3A_471 = arith.constant -2147483648 : i32
      %reduce_max3A_472 = vector.broadcast %reduce_max3A_471 : i32 to vector<16xi32>
      %reduce_max3A_473 = arith.xori %get3A_468, %reduce_max3A_472 : vector<16xi32>
      %reduce_max3A_474 = tpu.scan <max>, %reduce_max3A_473 masked %reduce_max3A_470 : vector<16xi32>, vector<16xi1> -> vector<16xi32>
      %reduce_max3A_475 = arith.xori %reduce_max3A_474, %reduce_max3A_472 : vector<16xi32>
      %reduce_max3A_476 = vector.extract %reduce_max3A_475[15] : i32 from vector<16xi32>
      %gt3A_477 = arith.constant 1 : i32
      %gt3A_478 = arith.cmpi sgt, %arg1, %gt3A_477 : i32
      %jit3A_479 = arith.constant 0 : i32
      %select_n3A_480 = arith.select %gt3A_478, %reduce_max3A_476, %jit3A_479 : i32
      %add3A_481 = arith.addi %add3A_464, %select_n3A_480 : i32
      %get3A_482 = arith.constant 2 : i32
      %get3A_483 = arith.index_cast %get3A_482 : i32 to index
      %get3A_484 = arith.constant 0 : index
      %get3A_485 = tpu.vector_load %arg12[%get3A_483, %get3A_484] {strides = array<i32>} : memref<16x16xi32, #tpu.memory_space<vmem>>, vector<16xi32>,
      %reduce_max3A_486 = arith.constant true
      %reduce_max3A_487 = vector.broadcast %reduce_max3A_486 : i1 to vector<16xi1>
      %reduce_max3A_488 = arith.constant -2147483648 : i32
      %reduce_max3A_489 = vector.broadcast %reduce_max3A_488 : i32 to vector<16xi32>
      %reduce_max3A_490 = arith.xori %get3A_485, %reduce_max3A_489 : vector<16xi32>
      %reduce_max3A_491 = tpu.scan <max>, %reduce_max3A_490 masked %reduce_max3A_487 : vector<16xi32>, vector<16xi1> -> vector<16xi32>
      %reduce_max3A_492 = arith.xori %reduce_max3A_491, %reduce_max3A_489 : vector<16xi32>
      %reduce_max3A_493 = vector.extract %reduce_max3A_492[15] : i32 from vector<16xi32>
      %gt3A_494 = arith.constant 2 : i32
      %gt3A_495 = arith.cmpi sgt, %arg1, %gt3A_494 : i32
      %jit3A_496 = arith.constant 0 : i32
      %select_n3A_497 = arith.select %gt3A_495, %reduce_max3A_493, %jit3A_496 : i32
      %add3A_498 = arith.addi %add3A_481, %select_n3A_497 : i32
      %get3A_499 = arith.constant 3 : i32
      %get3A_500 = arith.index_cast %get3A_499 : i32 to index
      %get3A_501 = arith.constant 0 : index
      %get3A_502 = tpu.vector_load %arg12[%get3A_500, %get3A_501] {strides = array<i32>} : memref<16x16xi32, #tpu.memory_space<vmem>>, vector<16xi32>,
      %reduce_max3A_503 = arith.constant true
      %reduce_max3A_504 = vector.broadcast %reduce_max3A_503 : i1 to vector<16xi1>
      %reduce_max3A_505 = arith.constant -2147483648 : i32
      %reduce_max3A_506 = vector.broadcast %reduce_max3A_505 : i32 to vector<16xi32>
      %reduce_max3A_507 = arith.xori %get3A_502, %reduce_max3A_506 : vector<16xi32>
      %reduce_max3A_508 = tpu.scan <max>, %reduce_max3A_507 masked %reduce_max3A_504 : vector<16xi32>, vector<16xi1> -> vector<16xi32>
      %reduce_max3A_509 = arith.xori %reduce_max3A_508, %reduce_max3A_506 : vector<16xi32>
      %reduce_max3A_510 = vector.extract %reduce_max3A_509[15] : i32 from vector<16xi32>
      %gt3A_511 = arith.constant 3 : i32
      %gt3A_512 = arith.cmpi sgt, %arg1, %gt3A_511 : i32
      %jit3A_513 = arith.constant 0 : i32
      %select_n3A_514 = arith.select %gt3A_512, %reduce_max3A_510, %jit3A_513 : i32
      %add3A_515 = arith.addi %add3A_498, %select_n3A_514 : i32
      %get3A_516 = arith.constant 4 : i32
      %get3A_517 = arith.index_cast %get3A_516 : i32 to index
      %get3A_518 = arith.constant 0 : index
      %get3A_519 = tpu.vector_load %arg12[%get3A_517, %get3A_518] {strides = array<i32>} : memref<16x16xi32, #tpu.memory_space<vmem>>, vector<16xi32>,
      %reduce_max3A_520 = arith.constant true
      %reduce_max3A_521 = vector.broadcast %reduce_max3A_520 : i1 to vector<16xi1>
      %reduce_max3A_522 = arith.constant -2147483648 : i32
      %reduce_max3A_523 = vector.broadcast %reduce_max3A_522 : i32 to vector<16xi32>
      %reduce_max3A_524 = arith.xori %get3A_519, %reduce_max3A_523 : vector<16xi32>
      %reduce_max3A_525 = tpu.scan <max>, %reduce_max3A_524 masked %reduce_max3A_521 : vector<16xi32>, vector<16xi1> -> vector<16xi32>
      %reduce_max3A_526 = arith.xori %reduce_max3A_525, %reduce_max3A_523 : vector<16xi32>
      %reduce_max3A_527 = vector.extract %reduce_max3A_526[15] : i32 from vector<16xi32>
      %gt3A_528 = arith.constant 4 : i32
      %gt3A_529 = arith.cmpi sgt, %arg1, %gt3A_528 : i32
      %jit3A_530 = arith.constant 0 : i32
      %select_n3A_531 = arith.select %gt3A_529, %reduce_max3A_527, %jit3A_530 : i32
      %add3A_532 = arith.addi %add3A_515, %select_n3A_531 : i32
      %get3A_533 = arith.constant 5 : i32
      %get3A_534 = arith.index_cast %get3A_533 : i32 to index
      %get3A_535 = arith.constant 0 : index
      %get3A_536 = tpu.vector_load %arg12[%get3A_534, %get3A_535] {strides = array<i32>} : memref<16x16xi32, #tpu.memory_space<vmem>>, vector<16xi32>,
      %reduce_max3A_537 = arith.constant true
      %reduce_max3A_538 = vector.broadcast %reduce_max3A_537 : i1 to vector<16xi1>
      %reduce_max3A_539 = arith.constant -2147483648 : i32
      %reduce_max3A_540 = vector.broadcast %reduce_max3A_539 : i32 to vector<16xi32>
      %reduce_max3A_541 = arith.xori %get3A_536, %reduce_max3A_540 : vector<16xi32>
      %reduce_max3A_542 = tpu.scan <max>, %reduce_max3A_541 masked %reduce_max3A_538 : vector<16xi32>, vector<16xi1> -> vector<16xi32>
      %reduce_max3A_543 = arith.xori %reduce_max3A_542, %reduce_max3A_540 : vector<16xi32>
      %reduce_max3A_544 = vector.extract %reduce_max3A_543[15] : i32 from vector<16xi32>
      %gt3A_545 = arith.constant 5 : i32
      %gt3A_546 = arith.cmpi sgt, %arg1, %gt3A_545 : i32
      %jit3A_547 = arith.constant 0 : i32
      %select_n3A_548 = arith.select %gt3A_546, %reduce_max3A_544, %jit3A_547 : i32
      %add3A_549 = arith.addi %add3A_532, %select_n3A_548 : i32
      %get3A_550 = arith.constant 6 : i32
      %get3A_551 = arith.index_cast %get3A_550 : i32 to index
      %get3A_552 = arith.constant 0 : index
      %get3A_553 = tpu.vector_load %arg12[%get3A_551, %get3A_552] {strides = array<i32>} : memref<16x16xi32, #tpu.memory_space<vmem>>, vector<16xi32>,
      %reduce_max3A_554 = arith.constant true
      %reduce_max3A_555 = vector.broadcast %reduce_max3A_554 : i1 to vector<16xi1>
      %reduce_max3A_556 = arith.constant -2147483648 : i32
      %reduce_max3A_557 = vector.broadcast %reduce_max3A_556 : i32 to vector<16xi32>
      %reduce_max3A_558 = arith.xori %get3A_553, %reduce_max3A_557 : vector<16xi32>
      %reduce_max3A_559 = tpu.scan <max>, %reduce_max3A_558 masked %reduce_max3A_555 : vector<16xi32>, vector<16xi1> -> vector<16xi32>
      %reduce_max3A_560 = arith.xori %reduce_max3A_559, %reduce_max3A_557 : vector<16xi32>
      %reduce_max3A_561 = vector.extract %reduce_max3A_560[15] : i32 from vector<16xi32>
      %gt3A_562 = arith.constant 6 : i32
      %gt3A_563 = arith.cmpi sgt, %arg1, %gt3A_562 : i32
      %jit3A_564 = arith.constant 0 : i32
      %select_n3A_565 = arith.select %gt3A_563, %reduce_max3A_561, %jit3A_564 : i32
      %add3A_566 = arith.addi %add3A_549, %select_n3A_565 : i32
      %get3A_567 = arith.constant 7 : i32
      %get3A_568 = arith.index_cast %get3A_567 : i32 to index
      %get3A_569 = arith.constant 0 : index
      %get3A_570 = tpu.vector_load %arg12[%get3A_568, %get3A_569] {strides = array<i32>} : memref<16x16xi32, #tpu.memory_space<vmem>>, vector<16xi32>,
      %reduce_max3A_571 = arith.constant true
      %reduce_max3A_572 = vector.broadcast %reduce_max3A_571 : i1 to vector<16xi1>
      %reduce_max3A_573 = arith.constant -2147483648 : i32
      %reduce_max3A_574 = vector.broadcast %reduce_max3A_573 : i32 to vector<16xi32>
      %reduce_max3A_575 = arith.xori %get3A_570, %reduce_max3A_574 : vector<16xi32>
      %reduce_max3A_576 = tpu.scan <max>, %reduce_max3A_575 masked %reduce_max3A_572 : vector<16xi32>, vector<16xi1> -> vector<16xi32>
      %reduce_max3A_577 = arith.xori %reduce_max3A_576, %reduce_max3A_574 : vector<16xi32>
      %reduce_max3A_578 = vector.extract %reduce_max3A_577[15] : i32 from vector<16xi32>
      %gt3A_579 = arith.constant 7 : i32
      %gt3A_580 = arith.cmpi sgt, %arg1, %gt3A_579 : i32
      %jit3A_581 = arith.constant 0 : i32
      %select_n3A_582 = arith.select %gt3A_580, %reduce_max3A_578, %jit3A_581 : i32
      %add3A_583 = arith.addi %add3A_566, %select_n3A_582 : i32
      %get3A_584 = arith.constant 8 : i32
      %get3A_585 = arith.index_cast %get3A_584 : i32 to index
      %get3A_586 = arith.constant 0 : index
      %get3A_587 = tpu.vector_load %arg12[%get3A_585, %get3A_586] {strides = array<i32>} : memref<16x16xi32, #tpu.memory_space<vmem>>, vector<16xi32>,
      %reduce_max3A_588 = arith.constant true
      %reduce_max3A_589 = vector.broadcast %reduce_max3A_588 : i1 to vector<16xi1>
      %reduce_max3A_590 = arith.constant -2147483648 : i32
      %reduce_max3A_591 = vector.broadcast %reduce_max3A_590 : i32 to vector<16xi32>
      %reduce_max3A_592 = arith.xori %get3A_587, %reduce_max3A_591 : vector<16xi32>
      %reduce_max3A_593 = tpu.scan <max>, %reduce_max3A_592 masked %reduce_max3A_589 : vector<16xi32>, vector<16xi1> -> vector<16xi32>
      %reduce_max3A_594 = arith.xori %reduce_max3A_593, %reduce_max3A_591 : vector<16xi32>
      %reduce_max3A_595 = vector.extract %reduce_max3A_594[15] : i32 from vector<16xi32>
      %gt3A_596 = arith.constant 8 : i32
      %gt3A_597 = arith.cmpi sgt, %arg1, %gt3A_596 : i32
      %jit3A_598 = arith.constant 0 : i32
      %select_n3A_599 = arith.select %gt3A_597, %reduce_max3A_595, %jit3A_598 : i32
      %add3A_600 = arith.addi %add3A_583, %select_n3A_599 : i32
      %get3A_601 = arith.constant 9 : i32
      %get3A_602 = arith.index_cast %get3A_601 : i32 to index
      %get3A_603 = arith.constant 0 : index
      %get3A_604 = tpu.vector_load %arg12[%get3A_602, %get3A_603] {strides = array<i32>} : memref<16x16xi32, #tpu.memory_space<vmem>>, vector<16xi32>,
      %reduce_max3A_605 = arith.constant true
      %reduce_max3A_606 = vector.broadcast %reduce_max3A_605 : i1 to vector<16xi1>
      %reduce_max3A_607 = arith.constant -2147483648 : i32
      %reduce_max3A_608 = vector.broadcast %reduce_max3A_607 : i32 to vector<16xi32>
      %reduce_max3A_609 = arith.xori %get3A_604, %reduce_max3A_608 : vector<16xi32>
      %reduce_max3A_610 = tpu.scan <max>, %reduce_max3A_609 masked %reduce_max3A_606 : vector<16xi32>, vector<16xi1> -> vector<16xi32>
      %reduce_max3A_611 = arith.xori %reduce_max3A_610, %reduce_max3A_608 : vector<16xi32>
      %reduce_max3A_612 = vector.extract %reduce_max3A_611[15] : i32 from vector<16xi32>
      %gt3A_613 = arith.constant 9 : i32
      %gt3A_614 = arith.cmpi sgt, %arg1, %gt3A_613 : i32
      %jit3A_615 = arith.constant 0 : i32
      %select_n3A_616 = arith.select %gt3A_614, %reduce_max3A_612, %jit3A_615 : i32
      %add3A_617 = arith.addi %add3A_600, %select_n3A_616 : i32
      %get3A_618 = arith.constant 10 : i32
      %get3A_619 = arith.index_cast %get3A_618 : i32 to index
      %get3A_620 = arith.constant 0 : index
      %get3A_621 = tpu.vector_load %arg12[%get3A_619, %get3A_620] {strides = array<i32>} : memref<16x16xi32, #tpu.memory_space<vmem>>, vector<16xi32>,
      %reduce_max3A_622 = arith.constant true
      %reduce_max3A_623 = vector.broadcast %reduce_max3A_622 : i1 to vector<16xi1>
      %reduce_max3A_624 = arith.constant -2147483648 : i32
      %reduce_max3A_625 = vector.broadcast %reduce_max3A_624 : i32 to vector<16xi32>
      %reduce_max3A_626 = arith.xori %get3A_621, %reduce_max3A_625 : vector<16xi32>
      %reduce_max3A_627 = tpu.scan <max>, %reduce_max3A_626 masked %reduce_max3A_623 : vector<16xi32>, vector<16xi1> -> vector<16xi32>
      %reduce_max3A_628 = arith.xori %reduce_max3A_627, %reduce_max3A_625 : vector<16xi32>
      %reduce_max3A_629 = vector.extract %reduce_max3A_628[15] : i32 from vector<16xi32>
      %gt3A_630 = arith.constant 10 : i32
      %gt3A_631 = arith.cmpi sgt, %arg1, %gt3A_630 : i32
      %jit3A_632 = arith.constant 0 : i32
      %select_n3A_633 = arith.select %gt3A_631, %reduce_max3A_629, %jit3A_632 : i32
      %add3A_634 = arith.addi %add3A_617, %select_n3A_633 : i32
      %get3A_635 = arith.constant 11 : i32
      %get3A_636 = arith.index_cast %get3A_635 : i32 to index
      %get3A_637 = arith.constant 0 : index
      %get3A_638 = tpu.vector_load %arg12[%get3A_636, %get3A_637] {strides = array<i32>} : memref<16x16xi32, #tpu.memory_space<vmem>>, vector<16xi32>,
      %reduce_max3A_639 = arith.constant true
      %reduce_max3A_640 = vector.broadcast %reduce_max3A_639 : i1 to vector<16xi1>
      %reduce_max3A_641 = arith.constant -2147483648 : i32
      %reduce_max3A_642 = vector.broadcast %reduce_max3A_641 : i32 to vector<16xi32>
      %reduce_max3A_643 = arith.xori %get3A_638, %reduce_max3A_642 : vector<16xi32>
      %reduce_max3A_644 = tpu.scan <max>, %reduce_max3A_643 masked %reduce_max3A_640 : vector<16xi32>, vector<16xi1> -> vector<16xi32>
      %reduce_max3A_645 = arith.xori %reduce_max3A_644, %reduce_max3A_642 : vector<16xi32>
      %reduce_max3A_646 = vector.extract %reduce_max3A_645[15] : i32 from vector<16xi32>
      %gt3A_647 = arith.constant 11 : i32
      %gt3A_648 = arith.cmpi sgt, %arg1, %gt3A_647 : i32
      %jit3A_649 = arith.constant 0 : i32
      %select_n3A_650 = arith.select %gt3A_648, %reduce_max3A_646, %jit3A_649 : i32
      %add3A_651 = arith.addi %add3A_634, %select_n3A_650 : i32
      %get3A_652 = arith.constant 12 : i32
      %get3A_653 = arith.index_cast %get3A_652 : i32 to index
      %get3A_654 = arith.constant 0 : index
      %get3A_655 = tpu.vector_load %arg12[%get3A_653, %get3A_654] {strides = array<i32>} : memref<16x16xi32, #tpu.memory_space<vmem>>, vector<16xi32>,
      %reduce_max3A_656 = arith.constant true
      %reduce_max3A_657 = vector.broadcast %reduce_max3A_656 : i1 to vector<16xi1>
      %reduce_max3A_658 = arith.constant -2147483648 : i32
      %reduce_max3A_659 = vector.broadcast %reduce_max3A_658 : i32 to vector<16xi32>
      %reduce_max3A_660 = arith.xori %get3A_655, %reduce_max3A_659 : vector<16xi32>
      %reduce_max3A_661 = tpu.scan <max>, %reduce_max3A_660 masked %reduce_max3A_657 : vector<16xi32>, vector<16xi1> -> vector<16xi32>
      %reduce_max3A_662 = arith.xori %reduce_max3A_661, %reduce_max3A_659 : vector<16xi32>
      %reduce_max3A_663 = vector.extract %reduce_max3A_662[15] : i32 from vector<16xi32>
      %gt3A_664 = arith.constant 12 : i32
      %gt3A_665 = arith.cmpi sgt, %arg1, %gt3A_664 : i32
      %jit3A_666 = arith.constant 0 : i32
      %select_n3A_667 = arith.select %gt3A_665, %reduce_max3A_663, %jit3A_666 : i32
      %add3A_668 = arith.addi %add3A_651, %select_n3A_667 : i32
      %get3A_669 = arith.constant 13 : i32
      %get3A_670 = arith.index_cast %get3A_669 : i32 to index
      %get3A_671 = arith.constant 0 : index
      %get3A_672 = tpu.vector_load %arg12[%get3A_670, %get3A_671] {strides = array<i32>} : memref<16x16xi32, #tpu.memory_space<vmem>>, vector<16xi32>,
      %reduce_max3A_673 = arith.constant true
      %reduce_max3A_674 = vector.broadcast %reduce_max3A_673 : i1 to vector<16xi1>
      %reduce_max3A_675 = arith.constant -2147483648 : i32
      %reduce_max3A_676 = vector.broadcast %reduce_max3A_675 : i32 to vector<16xi32>
      %reduce_max3A_677 = arith.xori %get3A_672, %reduce_max3A_676 : vector<16xi32>
      %reduce_max3A_678 = tpu.scan <max>, %reduce_max3A_677 masked %reduce_max3A_674 : vector<16xi32>, vector<16xi1> -> vector<16xi32>
      %reduce_max3A_679 = arith.xori %reduce_max3A_678, %reduce_max3A_676 : vector<16xi32>
      %reduce_max3A_680 = vector.extract %reduce_max3A_679[15] : i32 from vector<16xi32>
      %gt3A_681 = arith.constant 13 : i32
      %gt3A_682 = arith.cmpi sgt, %arg1, %gt3A_681 : i32
      %jit3A_683 = arith.constant 0 : i32
      %select_n3A_684 = arith.select %gt3A_682, %reduce_max3A_680, %jit3A_683 : i32
      %add3A_685 = arith.addi %add3A_668, %select_n3A_684 : i32
      %get3A_686 = arith.constant 14 : i32
      %get3A_687 = arith.index_cast %get3A_686 : i32 to index
      %get3A_688 = arith.constant 0 : index
      %get3A_689 = tpu.vector_load %arg12[%get3A_687, %get3A_688] {strides = array<i32>} : memref<16x16xi32, #tpu.memory_space<vmem>>, vector<16xi32>,
      %reduce_max3A_690 = arith.constant true
      %reduce_max3A_691 = vector.broadcast %reduce_max3A_690 : i1 to vector<16xi1>
      %reduce_max3A_692 = arith.constant -2147483648 : i32
      %reduce_max3A_693 = vector.broadcast %reduce_max3A_692 : i32 to vector<16xi32>
      %reduce_max3A_694 = arith.xori %get3A_689, %reduce_max3A_693 : vector<16xi32>
      %reduce_max3A_695 = tpu.scan <max>, %reduce_max3A_694 masked %reduce_max3A_691 : vector<16xi32>, vector<16xi1> -> vector<16xi32>
      %reduce_max3A_696 = arith.xori %reduce_max3A_695, %reduce_max3A_693 : vector<16xi32>
      %reduce_max3A_697 = vector.extract %reduce_max3A_696[15] : i32 from vector<16xi32>
      %gt3A_698 = arith.constant 14 : i32
      %gt3A_699 = arith.cmpi sgt, %arg1, %gt3A_698 : i32
      %jit3A_700 = arith.constant 0 : i32
      %select_n3A_701 = arith.select %gt3A_699, %reduce_max3A_697, %jit3A_700 : i32
      %add3A_702 = arith.addi %add3A_685, %select_n3A_701 : i32
      %get3A_703 = arith.constant 15 : i32
      %get3A_704 = arith.index_cast %get3A_703 : i32 to index
      %get3A_705 = arith.constant 0 : index
      %get3A_706 = tpu.vector_load %arg12[%get3A_704, %get3A_705] {strides = array<i32>} : memref<16x16xi32, #tpu.memory_space<vmem>>, vector<16xi32>,
      %reduce_max3A_707 = arith.constant true
      %reduce_max3A_708 = vector.broadcast %reduce_max3A_707 : i1 to vector<16xi1>
      %reduce_max3A_709 = arith.constant -2147483648 : i32
      %reduce_max3A_710 = vector.broadcast %reduce_max3A_709 : i32 to vector<16xi32>
      %reduce_max3A_711 = arith.xori %get3A_706, %reduce_max3A_710 : vector<16xi32>
      %reduce_max3A_712 = tpu.scan <max>, %reduce_max3A_711 masked %reduce_max3A_708 : vector<16xi32>, vector<16xi1> -> vector<16xi32>
      %reduce_max3A_713 = arith.xori %reduce_max3A_712, %reduce_max3A_710 : vector<16xi32>
      %reduce_max3A_714 = vector.extract %reduce_max3A_713[15] : i32 from vector<16xi32>
      %gt3A_715 = arith.constant 15 : i32
      %gt3A_716 = arith.cmpi sgt, %arg1, %gt3A_715 : i32
      %jit3A_717 = arith.constant 0 : i32
      %select_n3A_718 = arith.select %gt3A_716, %reduce_max3A_714, %jit3A_717 : i32
      %add3A_719 = arith.addi %add3A_702, %select_n3A_718 : i32
      %sub3A = arith.constant 1468005 : i32
      %sub3A_720 = arith.subi %sub3A, %reduce_max3A_377 : i32
      %scan3A_721 = arith.constant 0 : i32
      %scan3A_722 = arith.constant 0 : i32
      %scan3A_723 = arith.constant 256 : i32
      %scan3A_724 = arith.addi %scan3A_722, %scan3A_723 : i32
      %scan3A_725 = arith.constant 1 : i32
      %scan3A_726 = scf.for %scan3A_1370 = %scan3A_722 to %scan3A_724 step %scan3A_725 iter_args(%scan3A_1371 = %scan3A_721) -> (i32)  : i32 {
        %get3A_1372 = arith.index_cast %scan3A_1370 : i32 to index
        %get3A_1373 = arith.constant 0 : index
        %get3A_1374 = tpu.vector_load %arg7[%get3A_1372, %get3A_1373] {strides = array<i32>} : memref<256x16xi32, #tpu.memory_space<vmem>>, vector<16xi32>,
        %add3A_1375 = vector.broadcast %add3A_719 : i32 to vector<16xi32>
        %add3A_1376 = arith.addi %get3A_1374, %add3A_1375 : vector<16xi32>
        %le3A = vector.broadcast %sub3A_720 : i32 to vector<16xi32>
        %le3A_1377 = arith.cmpi sle, %add3A_1376, %le3A : vector<16xi32>
        %jit3A_1378 = arith.constant 1 : i32
        %jit3A_1379 = arith.constant 0 : i32
        %broadcast_in_dim3A_1380 = vector.broadcast %jit3A_1378 : i32 to vector<16xi32>
        %broadcast_in_dim3A_1381 = vector.broadcast %jit3A_1379 : i32 to vector<16xi32>
        %select_n3A_1382 = arith.select %le3A_1377, %broadcast_in_dim3A_1380, %broadcast_in_dim3A_1381 : vector<16xi1>, vector<16xi32>
        %reduce_sum3A = arith.constant true
        %reduce_sum3A_1383 = vector.broadcast %reduce_sum3A : i1 to vector<16xi1>
        %reduce_sum3A_1384 = tpu.scan <sum>, %select_n3A_1382 masked %reduce_sum3A_1383 : vector<16xi32>, vector<16xi1> -> vector<16xi32>
        %reduce_sum3A_1385 = vector.extract %reduce_sum3A_1384[15] : i32 from vector<16xi32>
        %add3A_1386 = arith.addi %scan3A_1371, %reduce_sum3A_1385 : i32
        scf.yield %add3A_1386 : i32
      }
      %scan3A_727 = arith.constant 256 : i32
      %ge3A_728 = arith.cmpi sge, %sub3A_720, %add3A_719 : i32
      %add3A_729 = arith.addi %add3A_719, %scan3A_441 : i32
      %lt3A_730 = arith.cmpi slt, %sub3A_720, %add3A_729 : i32
      %and3A_731 = arith.andi %ge3A_728, %lt3A_730 : i1
      %convert_element_type3A_732 = arith.extui %and3A_731 : i1 to i32
      %cond3A_733 = arith.constant 0 : i32
      %cond3A_734 = arith.cmpi ne, %convert_element_type3A_732, %cond3A_733 : i32
      scf.if %cond3A_734 {
        %sub3A_1370 = arith.constant 1 : i32
        %sub3A_1371 = arith.subi %scan3A_726, %sub3A_1370 : i32
        %max3A_1372 = arith.constant 0 : i32
        %max3A_1373 = arith.maxsi %sub3A_1371, %max3A_1372 : i32
        %shift_right_logical3A = arith.constant 4 : i32
        %shift_right_logical3A_1374 = arith.shrui %max3A_1373, %shift_right_logical3A : i32
        %broadcast_in_dim3A_1375 = vector.broadcast %shift_right_logical3A_1374 : i32 to vector<16xi32>
        %and3A_1376 = arith.constant 15 : i32
        %and3A_1377 = arith.andi %max3A_1373, %and3A_1376 : i32
        %broadcast_in_dim3A_1378 = vector.broadcast %and3A_1377 : i32 to vector<16xi32>
        %gather3A = tpu.vector_load_idx %arg7[%broadcast_in_dim3A_1375, %broadcast_in_dim3A_1378] : memref<256x16xi32, #tpu.memory_space<vmem>>[vector<16xi32>, vector<16xi32>], vector<16xi32>,
        %gt3A_1379 = arith.constant 0 : i32
        %gt3A_1380 = arith.cmpi sgt, %scan3A_726, %gt3A_1379 : i32
        %reduce_max3A_1381 = arith.constant true
        %reduce_max3A_1382 = vector.broadcast %reduce_max3A_1381 : i1 to vector<16xi1>
        %reduce_max3A_1383 = arith.constant -2147483648 : i32
        %reduce_max3A_1384 = vector.broadcast %reduce_max3A_1383 : i32 to vector<16xi32>
        %reduce_max3A_1385 = arith.xori %gather3A, %reduce_max3A_1384 : vector<16xi32>
        %reduce_max3A_1386 = tpu.scan <max>, %reduce_max3A_1385 masked %reduce_max3A_1382 : vector<16xi32>, vector<16xi1> -> vector<16xi32>
        %reduce_max3A_1387 = arith.xori %reduce_max3A_1386, %reduce_max3A_1384 : vector<16xi32>
        %reduce_max3A_1388 = vector.extract %reduce_max3A_1387[15] : i32 from vector<16xi32>
        %jit3A_1389 = arith.constant 0 : i32
        %select_n3A_1390 = arith.select %gt3A_1380, %reduce_max3A_1388, %jit3A_1389 : i32
        %add3A_1391 = arith.addi %add3A_719, %select_n3A_1390 : i32
        %mul3A_1392 = arith.constant 4096 : i32
        %mul3A_1393 = arith.muli %arg1, %mul3A_1392 : i32
        %add3A_1394 = arith.addi %mul3A_1393, %scan3A_726 : i32
        %broadcast_in_dim3A_1395 = vector.broadcast %add3A_1394 : i32 to vector<16xi32>
        %swap3A_1396 = arith.constant 0 : index
        %swap3A_1397 = tpu.vector_load %arg16[%swap3A_1396] {strides = array<i32>} : memref<16xi32, #tpu.memory_space<vmem>>, vector<16xi32>,
        tpu.vector_store %arg16[%swap3A_1396], %broadcast_in_dim3A_1395 {strides = array<i32>} : memref<16xi32, #tpu.memory_space<vmem>>, vector<16xi32>,
        %run_scoped3A = arith.constant 4 : i32
        "tpu.region"() ({
          %run_scoped3A_1398 = tpu.sem_alloc : memref<!tpu.dma_semaphore, #tpu.memory_space<semaphore_mem>>
          %dma_start3A_1399 = arith.constant 0 : i32
          %dma_start3A_1400 = tpu.memref_slice %arg19[%run_scoped3A, %dma_start3A_1399] : memref<8x16xi32, #tpu.memory_space<vmem_shared>> -> memref<1x16xi32, #tpu.memory_space<vmem_shared>>
          %dma_start3A_1401 = tpu.memref_squeeze %dma_start3A_1400 : memref<1x16xi32, #tpu.memory_space<vmem_shared>> -> memref<16xi32, #tpu.memory_space<vmem_shared>>
          %dma_start3A_1402 = arith.constant 0 : i32
          %dma_start3A_1403 = tpu.memref_slice %arg19[%run_scoped3A, %dma_start3A_1402] : memref<8x16xi32, #tpu.memory_space<vmem_shared>> -> memref<1x16xi32, #tpu.memory_space<vmem_shared>>
          %dma_start3A_1404 = tpu.memref_squeeze %dma_start3A_1403 : memref<1x16xi32, #tpu.memory_space<vmem_shared>> -> memref<16xi32, #tpu.memory_space<vmem_shared>>
          tpu.enqueue_dma source(%arg16 : memref<16xi32, #tpu.memory_space<vmem>>) target(%dma_start3A_1404 : memref<16xi32, #tpu.memory_space<vmem_shared>>) target_semaphore(%run_scoped3A_1398 : memref<!tpu.dma_semaphore, #tpu.memory_space<semaphore_mem>>)
          %dma_wait3A = arith.constant 0 : i32
          %dma_wait3A_1405 = tpu.memref_slice %arg19[%run_scoped3A, %dma_wait3A] : memref<8x16xi32, #tpu.memory_space<vmem_shared>> -> memref<1x16xi32, #tpu.memory_space<vmem_shared>>
          %dma_wait3A_1406 = tpu.memref_squeeze %dma_wait3A_1405 : memref<1x16xi32, #tpu.memory_space<vmem_shared>> -> memref<16xi32, #tpu.memory_space<vmem_shared>>
          %dma_wait3A_1407 = arith.constant 0 : i32
          %dma_wait3A_1408 = tpu.memref_slice %arg19[%run_scoped3A, %dma_wait3A_1407] : memref<8x16xi32, #tpu.memory_space<vmem_shared>> -> memref<1x16xi32, #tpu.memory_space<vmem_shared>>
          %dma_wait3A_1409 = tpu.memref_squeeze %dma_wait3A_1408 : memref<1x16xi32, #tpu.memory_space<vmem_shared>> -> memref<16xi32, #tpu.memory_space<vmem_shared>>
          tpu.wait_dma2 semaphore(%run_scoped3A_1398 : memref<!tpu.dma_semaphore, #tpu.memory_space<semaphore_mem>>) src(%arg16 : memref<16xi32, #tpu.memory_space<vmem>>) dst(%dma_wait3A_1409 : memref<16xi32, #tpu.memory_space<vmem_shared>>)
          tpu.yield
        }) : () -> ()
      } else {
      }
      %sub3A_735 = arith.constant 1468006 : i32
      %sub3A_736 = arith.subi %sub3A_735, %reduce_max3A_401 : i32
      %scan3A_737 = arith.constant 0 : i32
      %scan3A_738 = arith.constant 0 : i32
      %scan3A_739 = arith.constant 256 : i32
      %scan3A_740 = arith.addi %scan3A_738, %scan3A_739 : i32
      %scan3A_741 = arith.constant 1 : i32
      %scan3A_742 = scf.for %scan3A_1370 = %scan3A_738 to %scan3A_740 step %scan3A_741 iter_args(%scan3A_1371 = %scan3A_737) -> (i32)  : i32 {
        %get3A_1372 = arith.index_cast %scan3A_1370 : i32 to index
        %get3A_1373 = arith.constant 0 : index
        %get3A_1374 = tpu.vector_load %arg7[%get3A_1372, %get3A_1373] {strides = array<i32>} : memref<256x16xi32, #tpu.memory_space<vmem>>, vector<16xi32>,
        %add3A_1375 = vector.broadcast %add3A_719 : i32 to vector<16xi32>
        %add3A_1376 = arith.addi %get3A_1374, %add3A_1375 : vector<16xi32>
        %le3A = vector.broadcast %sub3A_736 : i32 to vector<16xi32>
        %le3A_1377 = arith.cmpi sle, %add3A_1376, %le3A : vector<16xi32>
        %jit3A_1378 = arith.constant 1 : i32
        %jit3A_1379 = arith.constant 0 : i32
        %broadcast_in_dim3A_1380 = vector.broadcast %jit3A_1378 : i32 to vector<16xi32>
        %broadcast_in_dim3A_1381 = vector.broadcast %jit3A_1379 : i32 to vector<16xi32>
        %select_n3A_1382 = arith.select %le3A_1377, %broadcast_in_dim3A_1380, %broadcast_in_dim3A_1381 : vector<16xi1>, vector<16xi32>
        %reduce_sum3A = arith.constant true
        %reduce_sum3A_1383 = vector.broadcast %reduce_sum3A : i1 to vector<16xi1>
        %reduce_sum3A_1384 = tpu.scan <sum>, %select_n3A_1382 masked %reduce_sum3A_1383 : vector<16xi32>, vector<16xi1> -> vector<16xi32>
        %reduce_sum3A_1385 = vector.extract %reduce_sum3A_1384[15] : i32 from vector<16xi32>
        %add3A_1386 = arith.addi %scan3A_1371, %reduce_sum3A_1385 : i32
        scf.yield %add3A_1386 : i32
      }
      %scan3A_743 = arith.constant 256 : i32
      %ge3A_744 = arith.cmpi sge, %sub3A_736, %add3A_719 : i32
      %add3A_745 = arith.addi %add3A_719, %scan3A_441 : i32
      %lt3A_746 = arith.cmpi slt, %sub3A_736, %add3A_745 : i32
      %and3A_747 = arith.andi %ge3A_744, %lt3A_746 : i1
      %convert_element_type3A_748 = arith.extui %and3A_747 : i1 to i32
      %cond3A_749 = arith.constant 0 : i32
      %cond3A_750 = arith.cmpi ne, %convert_element_type3A_748, %cond3A_749 : i32
      scf.if %cond3A_750 {
        %sub3A_1370 = arith.constant 1 : i32
        %sub3A_1371 = arith.subi %scan3A_742, %sub3A_1370 : i32
        %max3A_1372 = arith.constant 0 : i32
        %max3A_1373 = arith.maxsi %sub3A_1371, %max3A_1372 : i32
        %shift_right_logical3A = arith.constant 4 : i32
        %shift_right_logical3A_1374 = arith.shrui %max3A_1373, %shift_right_logical3A : i32
        %broadcast_in_dim3A_1375 = vector.broadcast %shift_right_logical3A_1374 : i32 to vector<16xi32>
        %and3A_1376 = arith.constant 15 : i32
        %and3A_1377 = arith.andi %max3A_1373, %and3A_1376 : i32
        %broadcast_in_dim3A_1378 = vector.broadcast %and3A_1377 : i32 to vector<16xi32>
        %gather3A = tpu.vector_load_idx %arg7[%broadcast_in_dim3A_1375, %broadcast_in_dim3A_1378] : memref<256x16xi32, #tpu.memory_space<vmem>>[vector<16xi32>, vector<16xi32>], vector<16xi32>,
        %gt3A_1379 = arith.constant 0 : i32
        %gt3A_1380 = arith.cmpi sgt, %scan3A_742, %gt3A_1379 : i32
        %reduce_max3A_1381 = arith.constant true
        %reduce_max3A_1382 = vector.broadcast %reduce_max3A_1381 : i1 to vector<16xi1>
        %reduce_max3A_1383 = arith.constant -2147483648 : i32
        %reduce_max3A_1384 = vector.broadcast %reduce_max3A_1383 : i32 to vector<16xi32>
        %reduce_max3A_1385 = arith.xori %gather3A, %reduce_max3A_1384 : vector<16xi32>
        %reduce_max3A_1386 = tpu.scan <max>, %reduce_max3A_1385 masked %reduce_max3A_1382 : vector<16xi32>, vector<16xi1> -> vector<16xi32>
        %reduce_max3A_1387 = arith.xori %reduce_max3A_1386, %reduce_max3A_1384 : vector<16xi32>
        %reduce_max3A_1388 = vector.extract %reduce_max3A_1387[15] : i32 from vector<16xi32>
        %jit3A_1389 = arith.constant 0 : i32
        %select_n3A_1390 = arith.select %gt3A_1380, %reduce_max3A_1388, %jit3A_1389 : i32
        %add3A_1391 = arith.addi %add3A_719, %select_n3A_1390 : i32
        %mul3A_1392 = arith.constant 4096 : i32
        %mul3A_1393 = arith.muli %arg1, %mul3A_1392 : i32
        %add3A_1394 = arith.addi %mul3A_1393, %scan3A_742 : i32
        %broadcast_in_dim3A_1395 = vector.broadcast %add3A_1394 : i32 to vector<16xi32>
        %swap3A_1396 = arith.constant 0 : index
        %swap3A_1397 = tpu.vector_load %arg16[%swap3A_1396] {strides = array<i32>} : memref<16xi32, #tpu.memory_space<vmem>>, vector<16xi32>,
        tpu.vector_store %arg16[%swap3A_1396], %broadcast_in_dim3A_1395 {strides = array<i32>} : memref<16xi32, #tpu.memory_space<vmem>>, vector<16xi32>,
        %run_scoped3A = arith.constant 5 : i32
        "tpu.region"() ({
          %run_scoped3A_1398 = tpu.sem_alloc : memref<!tpu.dma_semaphore, #tpu.memory_space<semaphore_mem>>
          %dma_start3A_1399 = arith.constant 0 : i32
          %dma_start3A_1400 = tpu.memref_slice %arg19[%run_scoped3A, %dma_start3A_1399] : memref<8x16xi32, #tpu.memory_space<vmem_shared>> -> memref<1x16xi32, #tpu.memory_space<vmem_shared>>
          %dma_start3A_1401 = tpu.memref_squeeze %dma_start3A_1400 : memref<1x16xi32, #tpu.memory_space<vmem_shared>> -> memref<16xi32, #tpu.memory_space<vmem_shared>>
          %dma_start3A_1402 = arith.constant 0 : i32
          %dma_start3A_1403 = tpu.memref_slice %arg19[%run_scoped3A, %dma_start3A_1402] : memref<8x16xi32, #tpu.memory_space<vmem_shared>> -> memref<1x16xi32, #tpu.memory_space<vmem_shared>>
          %dma_start3A_1404 = tpu.memref_squeeze %dma_start3A_1403 : memref<1x16xi32, #tpu.memory_space<vmem_shared>> -> memref<16xi32, #tpu.memory_space<vmem_shared>>
          tpu.enqueue_dma source(%arg16 : memref<16xi32, #tpu.memory_space<vmem>>) target(%dma_start3A_1404 : memref<16xi32, #tpu.memory_space<vmem_shared>>) target_semaphore(%run_scoped3A_1398 : memref<!tpu.dma_semaphore, #tpu.memory_space<semaphore_mem>>)
          %dma_wait3A = arith.constant 0 : i32
          %dma_wait3A_1405 = tpu.memref_slice %arg19[%run_scoped3A, %dma_wait3A] : memref<8x16xi32, #tpu.memory_space<vmem_shared>> -> memref<1x16xi32, #tpu.memory_space<vmem_shared>>
          %dma_wait3A_1406 = tpu.memref_squeeze %dma_wait3A_1405 : memref<1x16xi32, #tpu.memory_space<vmem_shared>> -> memref<16xi32, #tpu.memory_space<vmem_shared>>
          %dma_wait3A_1407 = arith.constant 0 : i32
          %dma_wait3A_1408 = tpu.memref_slice %arg19[%run_scoped3A, %dma_wait3A_1407] : memref<8x16xi32, #tpu.memory_space<vmem_shared>> -> memref<1x16xi32, #tpu.memory_space<vmem_shared>>
          %dma_wait3A_1409 = tpu.memref_squeeze %dma_wait3A_1408 : memref<1x16xi32, #tpu.memory_space<vmem_shared>> -> memref<16xi32, #tpu.memory_space<vmem_shared>>
          tpu.wait_dma2 semaphore(%run_scoped3A_1398 : memref<!tpu.dma_semaphore, #tpu.memory_space<semaphore_mem>>) src(%arg16 : memref<16xi32, #tpu.memory_space<vmem>>) dst(%dma_wait3A_1409 : memref<16xi32, #tpu.memory_space<vmem_shared>>)
          tpu.yield
        }) : () -> ()
      } else {
      }
      %barrier3A_751 = arith.constant 0 : index
      tpu.barrier barrier_id(%barrier3A_751)
      "tpu.region"() ({
        %run_scoped3A = tpu.sem_alloc : memref<!tpu.dma_semaphore, #tpu.memory_space<semaphore_mem>>
        tpu.enqueue_dma source(%arg19 : memref<8x16xi32, #tpu.memory_space<vmem_shared>>) target(%arg13 : memref<8x16xi32, #tpu.memory_space<vmem>>) target_semaphore(%run_scoped3A : memref<!tpu.dma_semaphore, #tpu.memory_space<semaphore_mem>>)
        tpu.wait_dma2 semaphore(%run_scoped3A : memref<!tpu.dma_semaphore, #tpu.memory_space<semaphore_mem>>) src(%arg19 : memref<8x16xi32, #tpu.memory_space<vmem_shared>>) dst(%arg13 : memref<8x16xi32, #tpu.memory_space<vmem>>)
        tpu.yield
      }) : () -> ()
      "tpu.region"() ({
        %run_scoped3A = tpu.sem_alloc : memref<!tpu.dma_semaphore, #tpu.memory_space<semaphore_mem>>
        tpu.enqueue_dma source(%arg20 : memref<16x16xi32, #tpu.memory_space<vmem_shared>>) target(%arg14 : memref<16x16xi32, #tpu.memory_space<vmem>>) target_semaphore(%run_scoped3A : memref<!tpu.dma_semaphore, #tpu.memory_space<semaphore_mem>>)
        tpu.wait_dma2 semaphore(%run_scoped3A : memref<!tpu.dma_semaphore, #tpu.memory_space<semaphore_mem>>) src(%arg20 : memref<16x16xi32, #tpu.memory_space<vmem_shared>>) dst(%arg14 : memref<16x16xi32, #tpu.memory_space<vmem>>)
        tpu.yield
      }) : () -> ()
      %get3A_752 = arith.constant 4 : i32
      %get3A_753 = arith.index_cast %get3A_752 : i32 to index
      %get3A_754 = arith.constant 0 : index
      %get3A_755 = tpu.vector_load %arg13[%get3A_753, %get3A_754] {strides = array<i32>} : memref<8x16xi32, #tpu.memory_space<vmem>>, vector<16xi32>,
      %reduce_max3A_756 = arith.constant true
      %reduce_max3A_757 = vector.broadcast %reduce_max3A_756 : i1 to vector<16xi1>
      %reduce_max3A_758 = arith.constant -2147483648 : i32
      %reduce_max3A_759 = vector.broadcast %reduce_max3A_758 : i32 to vector<16xi32>
      %reduce_max3A_760 = arith.xori %get3A_755, %reduce_max3A_759 : vector<16xi32>
      %reduce_max3A_761 = tpu.scan <max>, %reduce_max3A_760 masked %reduce_max3A_757 : vector<16xi32>, vector<16xi1> -> vector<16xi32>
      %reduce_max3A_762 = arith.xori %reduce_max3A_761, %reduce_max3A_759 : vector<16xi32>
      %reduce_max3A_763 = vector.extract %reduce_max3A_762[15] : i32 from vector<16xi32>
      %get3A_764 = arith.constant 5 : i32
      %get3A_765 = arith.index_cast %get3A_764 : i32 to index
      %get3A_766 = arith.constant 0 : index
      %get3A_767 = tpu.vector_load %arg13[%get3A_765, %get3A_766] {strides = array<i32>} : memref<8x16xi32, #tpu.memory_space<vmem>>, vector<16xi32>,
      %reduce_max3A_768 = arith.constant true
      %reduce_max3A_769 = vector.broadcast %reduce_max3A_768 : i1 to vector<16xi1>
      %reduce_max3A_770 = arith.constant -2147483648 : i32
      %reduce_max3A_771 = vector.broadcast %reduce_max3A_770 : i32 to vector<16xi32>
      %reduce_max3A_772 = arith.xori %get3A_767, %reduce_max3A_771 : vector<16xi32>
      %reduce_max3A_773 = tpu.scan <max>, %reduce_max3A_772 masked %reduce_max3A_769 : vector<16xi32>, vector<16xi1> -> vector<16xi32>
      %reduce_max3A_774 = arith.xori %reduce_max3A_773, %reduce_max3A_771 : vector<16xi32>
      %reduce_max3A_775 = vector.extract %reduce_max3A_774[15] : i32 from vector<16xi32>
      %get3A_776 = arith.constant 0 : i32
      %get3A_777 = arith.index_cast %get3A_776 : i32 to index
      %get3A_778 = arith.constant 0 : index
      %get3A_779 = tpu.vector_load %arg14[%get3A_777, %get3A_778] {strides = array<i32>} : memref<16x16xi32, #tpu.memory_space<vmem>>, vector<16xi32>,
      %reduce_max3A_780 = arith.constant true
      %reduce_max3A_781 = vector.broadcast %reduce_max3A_780 : i1 to vector<16xi1>
      %reduce_max3A_782 = arith.constant -2147483648 : i32
      %reduce_max3A_783 = vector.broadcast %reduce_max3A_782 : i32 to vector<16xi32>
      %reduce_max3A_784 = arith.xori %get3A_779, %reduce_max3A_783 : vector<16xi32>
      %reduce_max3A_785 = tpu.scan <max>, %reduce_max3A_784 masked %reduce_max3A_781 : vector<16xi32>, vector<16xi1> -> vector<16xi32>
      %reduce_max3A_786 = arith.xori %reduce_max3A_785, %reduce_max3A_783 : vector<16xi32>
      %reduce_max3A_787 = vector.extract %reduce_max3A_786[15] : i32 from vector<16xi32>
      %min3A = arith.constant 70000 : i32
      %min3A_788 = arith.minsi %min3A, %reduce_max3A_787 : i32
      %get3A_789 = arith.constant 1 : i32
      %get3A_790 = arith.index_cast %get3A_789 : i32 to index
      %get3A_791 = arith.constant 0 : index
      %get3A_792 = tpu.vector_load %arg14[%get3A_790, %get3A_791] {strides = array<i32>} : memref<16x16xi32, #tpu.memory_space<vmem>>, vector<16xi32>,
      %reduce_max3A_793 = arith.constant true
      %reduce_max3A_794 = vector.broadcast %reduce_max3A_793 : i1 to vector<16xi1>
      %reduce_max3A_795 = arith.constant -2147483648 : i32
      %reduce_max3A_796 = vector.broadcast %reduce_max3A_795 : i32 to vector<16xi32>
      %reduce_max3A_797 = arith.xori %get3A_792, %reduce_max3A_796 : vector<16xi32>
      %reduce_max3A_798 = tpu.scan <max>, %reduce_max3A_797 masked %reduce_max3A_794 : vector<16xi32>, vector<16xi1> -> vector<16xi32>
      %reduce_max3A_799 = arith.xori %reduce_max3A_798, %reduce_max3A_796 : vector<16xi32>
      %reduce_max3A_800 = vector.extract %reduce_max3A_799[15] : i32 from vector<16xi32>
      %min3A_801 = arith.minsi %min3A_788, %reduce_max3A_800 : i32
      %get3A_802 = arith.constant 2 : i32
      %get3A_803 = arith.index_cast %get3A_802 : i32 to index
      %get3A_804 = arith.constant 0 : index
      %get3A_805 = tpu.vector_load %arg14[%get3A_803, %get3A_804] {strides = array<i32>} : memref<16x16xi32, #tpu.memory_space<vmem>>, vector<16xi32>,
      %reduce_max3A_806 = arith.constant true
      %reduce_max3A_807 = vector.broadcast %reduce_max3A_806 : i1 to vector<16xi1>
      %reduce_max3A_808 = arith.constant -2147483648 : i32
      %reduce_max3A_809 = vector.broadcast %reduce_max3A_808 : i32 to vector<16xi32>
      %reduce_max3A_810 = arith.xori %get3A_805, %reduce_max3A_809 : vector<16xi32>
      %reduce_max3A_811 = tpu.scan <max>, %reduce_max3A_810 masked %reduce_max3A_807 : vector<16xi32>, vector<16xi1> -> vector<16xi32>
      %reduce_max3A_812 = arith.xori %reduce_max3A_811, %reduce_max3A_809 : vector<16xi32>
      %reduce_max3A_813 = vector.extract %reduce_max3A_812[15] : i32 from vector<16xi32>
      %min3A_814 = arith.minsi %min3A_801, %reduce_max3A_813 : i32
      %get3A_815 = arith.constant 3 : i32
      %get3A_816 = arith.index_cast %get3A_815 : i32 to index
      %get3A_817 = arith.constant 0 : index
      %get3A_818 = tpu.vector_load %arg14[%get3A_816, %get3A_817] {strides = array<i32>} : memref<16x16xi32, #tpu.memory_space<vmem>>, vector<16xi32>,
      %reduce_max3A_819 = arith.constant true
      %reduce_max3A_820 = vector.broadcast %reduce_max3A_819 : i1 to vector<16xi1>
      %reduce_max3A_821 = arith.constant -2147483648 : i32
      %reduce_max3A_822 = vector.broadcast %reduce_max3A_821 : i32 to vector<16xi32>
      %reduce_max3A_823 = arith.xori %get3A_818, %reduce_max3A_822 : vector<16xi32>
      %reduce_max3A_824 = tpu.scan <max>, %reduce_max3A_823 masked %reduce_max3A_820 : vector<16xi32>, vector<16xi1> -> vector<16xi32>
      %reduce_max3A_825 = arith.xori %reduce_max3A_824, %reduce_max3A_822 : vector<16xi32>
      %reduce_max3A_826 = vector.extract %reduce_max3A_825[15] : i32 from vector<16xi32>
      %min3A_827 = arith.minsi %min3A_814, %reduce_max3A_826 : i32
      %get3A_828 = arith.constant 4 : i32
      %get3A_829 = arith.index_cast %get3A_828 : i32 to index
      %get3A_830 = arith.constant 0 : index
      %get3A_831 = tpu.vector_load %arg14[%get3A_829, %get3A_830] {strides = array<i32>} : memref<16x16xi32, #tpu.memory_space<vmem>>, vector<16xi32>,
      %reduce_max3A_832 = arith.constant true
      %reduce_max3A_833 = vector.broadcast %reduce_max3A_832 : i1 to vector<16xi1>
      %reduce_max3A_834 = arith.constant -2147483648 : i32
      %reduce_max3A_835 = vector.broadcast %reduce_max3A_834 : i32 to vector<16xi32>
      %reduce_max3A_836 = arith.xori %get3A_831, %reduce_max3A_835 : vector<16xi32>
      %reduce_max3A_837 = tpu.scan <max>, %reduce_max3A_836 masked %reduce_max3A_833 : vector<16xi32>, vector<16xi1> -> vector<16xi32>
      %reduce_max3A_838 = arith.xori %reduce_max3A_837, %reduce_max3A_835 : vector<16xi32>
      %reduce_max3A_839 = vector.extract %reduce_max3A_838[15] : i32 from vector<16xi32>
      %min3A_840 = arith.minsi %min3A_827, %reduce_max3A_839 : i32
      %get3A_841 = arith.constant 5 : i32
      %get3A_842 = arith.index_cast %get3A_841 : i32 to index
      %get3A_843 = arith.constant 0 : index
      %get3A_844 = tpu.vector_load %arg14[%get3A_842, %get3A_843] {strides = array<i32>} : memref<16x16xi32, #tpu.memory_space<vmem>>, vector<16xi32>,
      %reduce_max3A_845 = arith.constant true
      %reduce_max3A_846 = vector.broadcast %reduce_max3A_845 : i1 to vector<16xi1>
      %reduce_max3A_847 = arith.constant -2147483648 : i32
      %reduce_max3A_848 = vector.broadcast %reduce_max3A_847 : i32 to vector<16xi32>
      %reduce_max3A_849 = arith.xori %get3A_844, %reduce_max3A_848 : vector<16xi32>
      %reduce_max3A_850 = tpu.scan <max>, %reduce_max3A_849 masked %reduce_max3A_846 : vector<16xi32>, vector<16xi1> -> vector<16xi32>
      %reduce_max3A_851 = arith.xori %reduce_max3A_850, %reduce_max3A_848 : vector<16xi32>
      %reduce_max3A_852 = vector.extract %reduce_max3A_851[15] : i32 from vector<16xi32>
      %min3A_853 = arith.minsi %min3A_840, %reduce_max3A_852 : i32
      %get3A_854 = arith.constant 6 : i32
      %get3A_855 = arith.index_cast %get3A_854 : i32 to index
      %get3A_856 = arith.constant 0 : index
      %get3A_857 = tpu.vector_load %arg14[%get3A_855, %get3A_856] {strides = array<i32>} : memref<16x16xi32, #tpu.memory_space<vmem>>, vector<16xi32>,
      %reduce_max3A_858 = arith.constant true
      %reduce_max3A_859 = vector.broadcast %reduce_max3A_858 : i1 to vector<16xi1>
      %reduce_max3A_860 = arith.constant -2147483648 : i32
      %reduce_max3A_861 = vector.broadcast %reduce_max3A_860 : i32 to vector<16xi32>
      %reduce_max3A_862 = arith.xori %get3A_857, %reduce_max3A_861 : vector<16xi32>
      %reduce_max3A_863 = tpu.scan <max>, %reduce_max3A_862 masked %reduce_max3A_859 : vector<16xi32>, vector<16xi1> -> vector<16xi32>
      %reduce_max3A_864 = arith.xori %reduce_max3A_863, %reduce_max3A_861 : vector<16xi32>
      %reduce_max3A_865 = vector.extract %reduce_max3A_864[15] : i32 from vector<16xi32>
      %min3A_866 = arith.minsi %min3A_853, %reduce_max3A_865 : i32
      %get3A_867 = arith.constant 7 : i32
      %get3A_868 = arith.index_cast %get3A_867 : i32 to index
      %get3A_869 = arith.constant 0 : index
      %get3A_870 = tpu.vector_load %arg14[%get3A_868, %get3A_869] {strides = array<i32>} : memref<16x16xi32, #tpu.memory_space<vmem>>, vector<16xi32>,
      %reduce_max3A_871 = arith.constant true
      %reduce_max3A_872 = vector.broadcast %reduce_max3A_871 : i1 to vector<16xi1>
      %reduce_max3A_873 = arith.constant -2147483648 : i32
      %reduce_max3A_874 = vector.broadcast %reduce_max3A_873 : i32 to vector<16xi32>
      %reduce_max3A_875 = arith.xori %get3A_870, %reduce_max3A_874 : vector<16xi32>
      %reduce_max3A_876 = tpu.scan <max>, %reduce_max3A_875 masked %reduce_max3A_872 : vector<16xi32>, vector<16xi1> -> vector<16xi32>
      %reduce_max3A_877 = arith.xori %reduce_max3A_876, %reduce_max3A_874 : vector<16xi32>
      %reduce_max3A_878 = vector.extract %reduce_max3A_877[15] : i32 from vector<16xi32>
      %min3A_879 = arith.minsi %min3A_866, %reduce_max3A_878 : i32
      %get3A_880 = arith.constant 8 : i32
      %get3A_881 = arith.index_cast %get3A_880 : i32 to index
      %get3A_882 = arith.constant 0 : index
      %get3A_883 = tpu.vector_load %arg14[%get3A_881, %get3A_882] {strides = array<i32>} : memref<16x16xi32, #tpu.memory_space<vmem>>, vector<16xi32>,
      %reduce_max3A_884 = arith.constant true
      %reduce_max3A_885 = vector.broadcast %reduce_max3A_884 : i1 to vector<16xi1>
      %reduce_max3A_886 = arith.constant -2147483648 : i32
      %reduce_max3A_887 = vector.broadcast %reduce_max3A_886 : i32 to vector<16xi32>
      %reduce_max3A_888 = arith.xori %get3A_883, %reduce_max3A_887 : vector<16xi32>
      %reduce_max3A_889 = tpu.scan <max>, %reduce_max3A_888 masked %reduce_max3A_885 : vector<16xi32>, vector<16xi1> -> vector<16xi32>
      %reduce_max3A_890 = arith.xori %reduce_max3A_889, %reduce_max3A_887 : vector<16xi32>
      %reduce_max3A_891 = vector.extract %reduce_max3A_890[15] : i32 from vector<16xi32>
      %min3A_892 = arith.minsi %min3A_879, %reduce_max3A_891 : i32
      %get3A_893 = arith.constant 9 : i32
      %get3A_894 = arith.index_cast %get3A_893 : i32 to index
      %get3A_895 = arith.constant 0 : index
      %get3A_896 = tpu.vector_load %arg14[%get3A_894, %get3A_895] {strides = array<i32>} : memref<16x16xi32, #tpu.memory_space<vmem>>, vector<16xi32>,
      %reduce_max3A_897 = arith.constant true
      %reduce_max3A_898 = vector.broadcast %reduce_max3A_897 : i1 to vector<16xi1>
      %reduce_max3A_899 = arith.constant -2147483648 : i32
      %reduce_max3A_900 = vector.broadcast %reduce_max3A_899 : i32 to vector<16xi32>
      %reduce_max3A_901 = arith.xori %get3A_896, %reduce_max3A_900 : vector<16xi32>
      %reduce_max3A_902 = tpu.scan <max>, %reduce_max3A_901 masked %reduce_max3A_898 : vector<16xi32>, vector<16xi1> -> vector<16xi32>
      %reduce_max3A_903 = arith.xori %reduce_max3A_902, %reduce_max3A_900 : vector<16xi32>
      %reduce_max3A_904 = vector.extract %reduce_max3A_903[15] : i32 from vector<16xi32>
      %min3A_905 = arith.minsi %min3A_892, %reduce_max3A_904 : i32
      %get3A_906 = arith.constant 10 : i32
      %get3A_907 = arith.index_cast %get3A_906 : i32 to index
      %get3A_908 = arith.constant 0 : index
      %get3A_909 = tpu.vector_load %arg14[%get3A_907, %get3A_908] {strides = array<i32>} : memref<16x16xi32, #tpu.memory_space<vmem>>, vector<16xi32>,
      %reduce_max3A_910 = arith.constant true
      %reduce_max3A_911 = vector.broadcast %reduce_max3A_910 : i1 to vector<16xi1>
      %reduce_max3A_912 = arith.constant -2147483648 : i32
      %reduce_max3A_913 = vector.broadcast %reduce_max3A_912 : i32 to vector<16xi32>
      %reduce_max3A_914 = arith.xori %get3A_909, %reduce_max3A_913 : vector<16xi32>
      %reduce_max3A_915 = tpu.scan <max>, %reduce_max3A_914 masked %reduce_max3A_911 : vector<16xi32>, vector<16xi1> -> vector<16xi32>
      %reduce_max3A_916 = arith.xori %reduce_max3A_915, %reduce_max3A_913 : vector<16xi32>
      %reduce_max3A_917 = vector.extract %reduce_max3A_916[15] : i32 from vector<16xi32>
      %min3A_918 = arith.minsi %min3A_905, %reduce_max3A_917 : i32
      %get3A_919 = arith.constant 11 : i32
      %get3A_920 = arith.index_cast %get3A_919 : i32 to index
      %get3A_921 = arith.constant 0 : index
      %get3A_922 = tpu.vector_load %arg14[%get3A_920, %get3A_921] {strides = array<i32>} : memref<16x16xi32, #tpu.memory_space<vmem>>, vector<16xi32>,
      %reduce_max3A_923 = arith.constant true
      %reduce_max3A_924 = vector.broadcast %reduce_max3A_923 : i1 to vector<16xi1>
      %reduce_max3A_925 = arith.constant -2147483648 : i32
      %reduce_max3A_926 = vector.broadcast %reduce_max3A_925 : i32 to vector<16xi32>
      %reduce_max3A_927 = arith.xori %get3A_922, %reduce_max3A_926 : vector<16xi32>
      %reduce_max3A_928 = tpu.scan <max>, %reduce_max3A_927 masked %reduce_max3A_924 : vector<16xi32>, vector<16xi1> -> vector<16xi32>
      %reduce_max3A_929 = arith.xori %reduce_max3A_928, %reduce_max3A_926 : vector<16xi32>
      %reduce_max3A_930 = vector.extract %reduce_max3A_929[15] : i32 from vector<16xi32>
      %min3A_931 = arith.minsi %min3A_918, %reduce_max3A_930 : i32
      %get3A_932 = arith.constant 12 : i32
      %get3A_933 = arith.index_cast %get3A_932 : i32 to index
      %get3A_934 = arith.constant 0 : index
      %get3A_935 = tpu.vector_load %arg14[%get3A_933, %get3A_934] {strides = array<i32>} : memref<16x16xi32, #tpu.memory_space<vmem>>, vector<16xi32>,
      %reduce_max3A_936 = arith.constant true
      %reduce_max3A_937 = vector.broadcast %reduce_max3A_936 : i1 to vector<16xi1>
      %reduce_max3A_938 = arith.constant -2147483648 : i32
      %reduce_max3A_939 = vector.broadcast %reduce_max3A_938 : i32 to vector<16xi32>
      %reduce_max3A_940 = arith.xori %get3A_935, %reduce_max3A_939 : vector<16xi32>
      %reduce_max3A_941 = tpu.scan <max>, %reduce_max3A_940 masked %reduce_max3A_937 : vector<16xi32>, vector<16xi1> -> vector<16xi32>
      %reduce_max3A_942 = arith.xori %reduce_max3A_941, %reduce_max3A_939 : vector<16xi32>
      %reduce_max3A_943 = vector.extract %reduce_max3A_942[15] : i32 from vector<16xi32>
      %min3A_944 = arith.minsi %min3A_931, %reduce_max3A_943 : i32
      %get3A_945 = arith.constant 13 : i32
      %get3A_946 = arith.index_cast %get3A_945 : i32 to index
      %get3A_947 = arith.constant 0 : index
      %get3A_948 = tpu.vector_load %arg14[%get3A_946, %get3A_947] {strides = array<i32>} : memref<16x16xi32, #tpu.memory_space<vmem>>, vector<16xi32>,
      %reduce_max3A_949 = arith.constant true
      %reduce_max3A_950 = vector.broadcast %reduce_max3A_949 : i1 to vector<16xi1>
      %reduce_max3A_951 = arith.constant -2147483648 : i32
      %reduce_max3A_952 = vector.broadcast %reduce_max3A_951 : i32 to vector<16xi32>
      %reduce_max3A_953 = arith.xori %get3A_948, %reduce_max3A_952 : vector<16xi32>
      %reduce_max3A_954 = tpu.scan <max>, %reduce_max3A_953 masked %reduce_max3A_950 : vector<16xi32>, vector<16xi1> -> vector<16xi32>
      %reduce_max3A_955 = arith.xori %reduce_max3A_954, %reduce_max3A_952 : vector<16xi32>
      %reduce_max3A_956 = vector.extract %reduce_max3A_955[15] : i32 from vector<16xi32>
      %min3A_957 = arith.minsi %min3A_944, %reduce_max3A_956 : i32
      %get3A_958 = arith.constant 14 : i32
      %get3A_959 = arith.index_cast %get3A_958 : i32 to index
      %get3A_960 = arith.constant 0 : index
      %get3A_961 = tpu.vector_load %arg14[%get3A_959, %get3A_960] {strides = array<i32>} : memref<16x16xi32, #tpu.memory_space<vmem>>, vector<16xi32>,
      %reduce_max3A_962 = arith.constant true
      %reduce_max3A_963 = vector.broadcast %reduce_max3A_962 : i1 to vector<16xi1>
      %reduce_max3A_964 = arith.constant -2147483648 : i32
      %reduce_max3A_965 = vector.broadcast %reduce_max3A_964 : i32 to vector<16xi32>
      %reduce_max3A_966 = arith.xori %get3A_961, %reduce_max3A_965 : vector<16xi32>
      %reduce_max3A_967 = tpu.scan <max>, %reduce_max3A_966 masked %reduce_max3A_963 : vector<16xi32>, vector<16xi1> -> vector<16xi32>
      %reduce_max3A_968 = arith.xori %reduce_max3A_967, %reduce_max3A_965 : vector<16xi32>
      %reduce_max3A_969 = vector.extract %reduce_max3A_968[15] : i32 from vector<16xi32>
      %min3A_970 = arith.minsi %min3A_957, %reduce_max3A_969 : i32
      %get3A_971 = arith.constant 15 : i32
      %get3A_972 = arith.index_cast %get3A_971 : i32 to index
      %get3A_973 = arith.constant 0 : index
      %get3A_974 = tpu.vector_load %arg14[%get3A_972, %get3A_973] {strides = array<i32>} : memref<16x16xi32, #tpu.memory_space<vmem>>, vector<16xi32>,
      %reduce_max3A_975 = arith.constant true
      %reduce_max3A_976 = vector.broadcast %reduce_max3A_975 : i1 to vector<16xi1>
      %reduce_max3A_977 = arith.constant -2147483648 : i32
      %reduce_max3A_978 = vector.broadcast %reduce_max3A_977 : i32 to vector<16xi32>
      %reduce_max3A_979 = arith.xori %get3A_974, %reduce_max3A_978 : vector<16xi32>
      %reduce_max3A_980 = tpu.scan <max>, %reduce_max3A_979 masked %reduce_max3A_976 : vector<16xi32>, vector<16xi1> -> vector<16xi32>
      %reduce_max3A_981 = arith.xori %reduce_max3A_980, %reduce_max3A_978 : vector<16xi32>
      %reduce_max3A_982 = vector.extract %reduce_max3A_981[15] : i32 from vector<16xi32>
      %min3A_983 = arith.minsi %min3A_970, %reduce_max3A_982 : i32
      %eq3A = arith.cmpi eq, %reduce_max3A_389, %reduce_max3A_365 : i32
      %select_n3A_984 = arith.select %eq3A, %reduce_max3A_775, %min3A_983 : i32
      %shift_left3A = arith.constant 16 : i32
      %shift_left3A_985 = arith.shli %reduce_max3A_365, %shift_left3A : i32
      %or3A = arith.ori %shift_left3A_985, %reduce_max3A_763 : i32
      %shift_left3A_986 = arith.constant 16 : i32
      %shift_left3A_987 = arith.shli %reduce_max3A_389, %shift_left3A_986 : i32
      %or3A_988 = arith.ori %shift_left3A_987, %select_n3A_984 : i32
      %broadcast_in_dim3A_989 = vector.broadcast %or3A : i32 to vector<16xi32>
      %lt3A_990 = arith.constant 0 : i32
      %lt3A_991 = vector.broadcast %lt3A_990 : i32 to vector<16xi32>
      %lt3A_992 = arith.cmpi slt, %broadcast_in_dim3A_989, %lt3A_991 : vector<16xi32>
      %and3A_993 = arith.constant 2147483647 : i32
      %and3A_994 = vector.broadcast %and3A_993 : i32 to vector<16xi32>
      %and3A_995 = arith.andi %broadcast_in_dim3A_989, %and3A_994 : vector<16xi32>
      %not3A = arith.constant dense<-1> : vector<16xi32>
      %not3A_996 = arith.xori %broadcast_in_dim3A_989, %not3A : vector<16xi32>
      %select_n3A_997 = arith.select %lt3A_992, %and3A_995, %not3A_996 : vector<16xi1>, vector<16xi32>
      %bitcast_convert_type3A = tpu.bitcast %select_n3A_997 : vector<16xi32> -> vector<16xf32>
      %broadcast_in_dim3A_998 = vector.broadcast %or3A_988 : i32 to vector<16xi32>
      %lt3A_999 = arith.constant 0 : i32
      %lt3A_1000 = vector.broadcast %lt3A_999 : i32 to vector<16xi32>
      %lt3A_1001 = arith.cmpi slt, %broadcast_in_dim3A_998, %lt3A_1000 : vector<16xi32>
      %and3A_1002 = arith.constant 2147483647 : i32
      %and3A_1003 = vector.broadcast %and3A_1002 : i32 to vector<16xi32>
      %and3A_1004 = arith.andi %broadcast_in_dim3A_998, %and3A_1003 : vector<16xi32>
      %not3A_1005 = arith.constant dense<-1> : vector<16xi32>
      %not3A_1006 = arith.xori %broadcast_in_dim3A_998, %not3A_1005 : vector<16xi32>
      %select_n3A_1007 = arith.select %lt3A_1001, %and3A_1004, %not3A_1006 : vector<16xi1>, vector<16xi32>
      %bitcast_convert_type3A_1008 = tpu.bitcast %select_n3A_1007 : vector<16xi32> -> vector<16xf32>
      %sub3A_1009 = arith.subf %bitcast_convert_type3A_1008, %bitcast_convert_type3A : vector<16xf32>
      %mul3A_1010 = arith.constant 6.250000e-01 : f32
      %mul3A_1011 = vector.broadcast %mul3A_1010 : f32 to vector<16xf32>
      %mul3A_1012 = arith.mulf %mul3A_1011, %sub3A_1009 : vector<16xf32>
      %add3A_1013 = arith.addf %bitcast_convert_type3A, %mul3A_1012 : vector<16xf32>
      %dma_start3A_1014 = tpu.memref_slice %arg2[%add3A, %mul3A_17] : memref<4x2097152xf32, #tpu.memory_space<hbm>> -> memref<1x2048xf32, #tpu.memory_space<hbm>>
      %dma_start3A_1015 = tpu.memref_squeeze %dma_start3A_1014 : memref<1x2048xf32, #tpu.memory_space<hbm>> -> memref<2048xf32, #tpu.memory_space<hbm>>
      %dma_start3A_1016 = tpu.memref_slice %arg2[%add3A, %mul3A_17] : memref<4x2097152xf32, #tpu.memory_space<hbm>> -> memref<1x2048xf32, #tpu.memory_space<hbm>>
      %dma_start3A_1017 = tpu.memref_squeeze %dma_start3A_1016 : memref<1x2048xf32, #tpu.memory_space<hbm>> -> memref<2048xf32, #tpu.memory_space<hbm>>
      tpu.enqueue_dma source(%dma_start3A_1017 : memref<2048xf32, #tpu.memory_space<hbm>>) target(%arg4 : memref<2048xf32, #tpu.memory_space<vmem>>) target_semaphore(%arg23 : memref<!tpu.dma_semaphore, #tpu.memory_space<semaphore_mem>>)
      %scan3A_1018 = arith.constant 0 : i32
      %scan3A_1019 = arith.constant 0 : i32
      %scan3A_1020 = arith.constant 32 : i32
      %scan3A_1021 = arith.addi %scan3A_1019, %scan3A_1020 : i32
      %scan3A_1022 = arith.constant 1 : i32
      %scan3A_1023 = scf.for %scan3A_1370 = %scan3A_1019 to %scan3A_1021 step %scan3A_1022 iter_args(%scan3A_1371 = %scan3A_1018) -> (i32)  : i32 {
        %mul3A_1372 = arith.constant 2 : i32
        %mul3A_1373 = arith.muli %mul3A_1372, %scan3A_1370 : i32
        %add3A_1374 = arith.constant 1 : i32
        %add3A_1375 = arith.addi %mul3A_1373, %add3A_1374 : i32
        %mul3A_1376 = arith.constant 2048 : i32
        %mul3A_1377 = arith.muli %mul3A_1373, %mul3A_1376 : i32
        %add3A_1378 = arith.addi %mul3A_17, %mul3A_1377 : i32
        %dma_wait3A = tpu.memref_slice %arg2[%add3A, %add3A_1378] : memref<4x2097152xf32, #tpu.memory_space<hbm>> -> memref<1x2048xf32, #tpu.memory_space<hbm>>
        %dma_wait3A_1379 = tpu.memref_squeeze %dma_wait3A : memref<1x2048xf32, #tpu.memory_space<hbm>> -> memref<2048xf32, #tpu.memory_space<hbm>>
        %dma_wait3A_1380 = tpu.memref_slice %arg2[%add3A, %add3A_1378] : memref<4x2097152xf32, #tpu.memory_space<hbm>> -> memref<1x2048xf32, #tpu.memory_space<hbm>>
        %dma_wait3A_1381 = tpu.memref_squeeze %dma_wait3A_1380 : memref<1x2048xf32, #tpu.memory_space<hbm>> -> memref<2048xf32, #tpu.memory_space<hbm>>
        tpu.wait_dma2 semaphore(%arg23 : memref<!tpu.dma_semaphore, #tpu.memory_space<semaphore_mem>>) src(%dma_wait3A_1381 : memref<2048xf32, #tpu.memory_space<hbm>>) dst(%arg4 : memref<2048xf32, #tpu.memory_space<vmem>>)
        %mul3A_1382 = arith.constant 2048 : i32
        %mul3A_1383 = arith.muli %add3A_1375, %mul3A_1382 : i32
        %add3A_1384 = arith.addi %mul3A_17, %mul3A_1383 : i32
        %dma_start3A_1385 = tpu.memref_slice %arg2[%add3A, %add3A_1384] : memref<4x2097152xf32, #tpu.memory_space<hbm>> -> memref<1x2048xf32, #tpu.memory_space<hbm>>
        %dma_start3A_1386 = tpu.memref_squeeze %dma_start3A_1385 : memref<1x2048xf32, #tpu.memory_space<hbm>> -> memref<2048xf32, #tpu.memory_space<hbm>>
        %dma_start3A_1387 = tpu.memref_slice %arg2[%add3A, %add3A_1384] : memref<4x2097152xf32, #tpu.memory_space<hbm>> -> memref<1x2048xf32, #tpu.memory_space<hbm>>
        %dma_start3A_1388 = tpu.memref_squeeze %dma_start3A_1387 : memref<1x2048xf32, #tpu.memory_space<hbm>> -> memref<2048xf32, #tpu.memory_space<hbm>>
        tpu.enqueue_dma source(%dma_start3A_1388 : memref<2048xf32, #tpu.memory_space<hbm>>) target(%arg5 : memref<2048xf32, #tpu.memory_space<vmem>>) target_semaphore(%arg24 : memref<!tpu.dma_semaphore, #tpu.memory_space<semaphore_mem>>)
        %scan3A_1389 = arith.constant 0 : i32
        %scan3A_1390 = arith.constant 128 : i32
        %scan3A_1391 = arith.addi %scan3A_1389, %scan3A_1390 : i32
        %scan3A_1392 = arith.constant 1 : i32
        %scan3A_1393 = scf.for %scan3A_1415 = %scan3A_1389 to %scan3A_1391 step %scan3A_1392 iter_args(%scan3A_1416 = %scan3A_1371) -> (i32)  : i32 {
          %mul3A_1417 = arith.constant 16 : i32
          %mul3A_1418 = arith.muli %scan3A_1415, %mul3A_1417 : i32
          %get3A_1419 = arith.index_cast %mul3A_1418 : i32 to index
          %get3A_1420 = tpu.vector_load %arg4[%get3A_1419] {strides = array<i32>} : memref<2048xf32, #tpu.memory_space<vmem>>, vector<16xf32>,
          %gt3A_1421 = arith.cmpf ogt, %get3A_1420, %add3A_1013 : vector<16xf32>
          %jit3A_1422 = arith.constant 1 : i32
          %jit3A_1423 = arith.constant 0 : i32
          %broadcast_in_dim3A_1424 = vector.broadcast %jit3A_1422 : i32 to vector<16xi32>
          %broadcast_in_dim3A_1425 = vector.broadcast %jit3A_1423 : i32 to vector<16xi32>
          %select_n3A_1426 = arith.select %gt3A_1421, %broadcast_in_dim3A_1424, %broadcast_in_dim3A_1425 : vector<16xi1>, vector<16xi32>
          %reduce_sum3A = arith.constant true
          %reduce_sum3A_1427 = vector.broadcast %reduce_sum3A : i1 to vector<16xi1>
          %reduce_sum3A_1428 = tpu.scan <sum>, %select_n3A_1426 masked %reduce_sum3A_1427 : vector<16xi32>, vector<16xi1> -> vector<16xi32>
          %reduce_sum3A_1429 = vector.extract %reduce_sum3A_1428[15] : i32 from vector<16xi32>
          %add3A_1430 = arith.addi %scan3A_1416, %reduce_sum3A_1429 : i32
          scf.yield %add3A_1430 : i32
        }
        %scan3A_1394 = arith.constant 128 : i32
        %mul3A_1395 = arith.constant 2048 : i32
        %mul3A_1396 = arith.muli %add3A_1375, %mul3A_1395 : i32
        %add3A_1397 = arith.addi %mul3A_17, %mul3A_1396 : i32
        %dma_wait3A_1398 = tpu.memref_slice %arg2[%add3A, %add3A_1397] : memref<4x2097152xf32, #tpu.memory_space<hbm>> -> memref<1x2048xf32, #tpu.memory_space<hbm>>
        %dma_wait3A_1399 = tpu.memref_squeeze %dma_wait3A_1398 : memref<1x2048xf32, #tpu.memory_space<hbm>> -> memref<2048xf32, #tpu.memory_space<hbm>>
        %dma_wait3A_1400 = tpu.memref_slice %arg2[%add3A, %add3A_1397] : memref<4x2097152xf32, #tpu.memory_space<hbm>> -> memref<1x2048xf32, #tpu.memory_space<hbm>>
        %dma_wait3A_1401 = tpu.memref_squeeze %dma_wait3A_1400 : memref<1x2048xf32, #tpu.memory_space<hbm>> -> memref<2048xf32, #tpu.memory_space<hbm>>
        tpu.wait_dma2 semaphore(%arg24 : memref<!tpu.dma_semaphore, #tpu.memory_space<semaphore_mem>>) src(%dma_wait3A_1401 : memref<2048xf32, #tpu.memory_space<hbm>>) dst(%arg5 : memref<2048xf32, #tpu.memory_space<vmem>>)
        %add3A_1402 = arith.constant 1 : i32
        %add3A_1403 = arith.addi %add3A_1375, %add3A_1402 : i32
        %lt3A_1404 = arith.constant 64 : i32
        %lt3A_1405 = arith.cmpi slt, %add3A_1403, %lt3A_1404 : i32
        %convert_element_type3A_1406 = arith.extui %lt3A_1405 : i1 to i32
        %cond3A_1407 = arith.constant 0 : i32
        %cond3A_1408 = arith.cmpi ne, %convert_element_type3A_1406, %cond3A_1407 : i32
        scf.if %cond3A_1408 {
          %add3A_1415 = arith.constant 1 : i32
          %add3A_1416 = arith.addi %add3A_1375, %add3A_1415 : i32
          %mul3A_1417 = arith.constant 2048 : i32
          %mul3A_1418 = arith.muli %add3A_1416, %mul3A_1417 : i32
          %add3A_1419 = arith.addi %mul3A_17, %mul3A_1418 : i32
          %dma_start3A_1420 = tpu.memref_slice %arg2[%add3A, %add3A_1419] : memref<4x2097152xf32, #tpu.memory_space<hbm>> -> memref<1x2048xf32, #tpu.memory_space<hbm>>
          %dma_start3A_1421 = tpu.memref_squeeze %dma_start3A_1420 : memref<1x2048xf32, #tpu.memory_space<hbm>> -> memref<2048xf32, #tpu.memory_space<hbm>>
          %dma_start3A_1422 = tpu.memref_slice %arg2[%add3A, %add3A_1419] : memref<4x2097152xf32, #tpu.memory_space<hbm>> -> memref<1x2048xf32, #tpu.memory_space<hbm>>
          %dma_start3A_1423 = tpu.memref_squeeze %dma_start3A_1422 : memref<1x2048xf32, #tpu.memory_space<hbm>> -> memref<2048xf32, #tpu.memory_space<hbm>>
          tpu.enqueue_dma source(%dma_start3A_1423 : memref<2048xf32, #tpu.memory_space<hbm>>) target(%arg4 : memref<2048xf32, #tpu.memory_space<vmem>>) target_semaphore(%arg23 : memref<!tpu.dma_semaphore, #tpu.memory_space<semaphore_mem>>)
        } else {
        }
        %scan3A_1409 = arith.constant 0 : i32
        %scan3A_1410 = arith.constant 128 : i32
        %scan3A_1411 = arith.addi %scan3A_1409, %scan3A_1410 : i32
        %scan3A_1412 = arith.constant 1 : i32
        %scan3A_1413 = scf.for %scan3A_1415 = %scan3A_1409 to %scan3A_1411 step %scan3A_1412 iter_args(%scan3A_1416 = %scan3A_1393) -> (i32)  : i32 {
          %mul3A_1417 = arith.constant 16 : i32
          %mul3A_1418 = arith.muli %scan3A_1415, %mul3A_1417 : i32
          %get3A_1419 = arith.index_cast %mul3A_1418 : i32 to index
          %get3A_1420 = tpu.vector_load %arg5[%get3A_1419] {strides = array<i32>} : memref<2048xf32, #tpu.memory_space<vmem>>, vector<16xf32>,
          %gt3A_1421 = arith.cmpf ogt, %get3A_1420, %add3A_1013 : vector<16xf32>
          %jit3A_1422 = arith.constant 1 : i32
          %jit3A_1423 = arith.constant 0 : i32
          %broadcast_in_dim3A_1424 = vector.broadcast %jit3A_1422 : i32 to vector<16xi32>
          %broadcast_in_dim3A_1425 = vector.broadcast %jit3A_1423 : i32 to vector<16xi32>
          %select_n3A_1426 = arith.select %gt3A_1421, %broadcast_in_dim3A_1424, %broadcast_in_dim3A_1425 : vector<16xi1>, vector<16xi32>
          %reduce_sum3A = arith.constant true
          %reduce_sum3A_1427 = vector.broadcast %reduce_sum3A : i1 to vector<16xi1>
          %reduce_sum3A_1428 = tpu.scan <sum>, %select_n3A_1426 masked %reduce_sum3A_1427 : vector<16xi32>, vector<16xi1> -> vector<16xi32>
          %reduce_sum3A_1429 = vector.extract %reduce_sum3A_1428[15] : i32 from vector<16xi32>
          %add3A_1430 = arith.addi %scan3A_1416, %reduce_sum3A_1429 : i32
          scf.yield %add3A_1430 : i32
        }
        %scan3A_1414 = arith.constant 128 : i32
        scf.yield %scan3A_1413 : i32
      }
      %scan3A_1024 = arith.constant 32 : i32
      %broadcast_in_dim3A_1025 = vector.broadcast %scan3A_1023 : i32 to vector<16xi32>
      %swap3A_1026 = arith.constant 0 : index
      %swap3A_1027 = tpu.vector_load %arg16[%swap3A_1026] {strides = array<i32>} : memref<16xi32, #tpu.memory_space<vmem>>, vector<16xi32>,
      tpu.vector_store %arg16[%swap3A_1026], %broadcast_in_dim3A_1025 {strides = array<i32>} : memref<16xi32, #tpu.memory_space<vmem>>, vector<16xi32>,
      "tpu.region"() ({
        %run_scoped3A = tpu.sem_alloc : memref<!tpu.dma_semaphore, #tpu.memory_space<semaphore_mem>>
        %dma_start3A_1370 = arith.constant 0 : i32
        %dma_start3A_1371 = tpu.memref_slice %arg21[%arg1, %dma_start3A_1370] : memref<16x16xi32, #tpu.memory_space<vmem_shared>> -> memref<1x16xi32, #tpu.memory_space<vmem_shared>>
        %dma_start3A_1372 = tpu.memref_squeeze %dma_start3A_1371 : memref<1x16xi32, #tpu.memory_space<vmem_shared>> -> memref<16xi32, #tpu.memory_space<vmem_shared>>
        %dma_start3A_1373 = arith.constant 0 : i32
        %dma_start3A_1374 = tpu.memref_slice %arg21[%arg1, %dma_start3A_1373] : memref<16x16xi32, #tpu.memory_space<vmem_shared>> -> memref<1x16xi32, #tpu.memory_space<vmem_shared>>
        %dma_start3A_1375 = tpu.memref_squeeze %dma_start3A_1374 : memref<1x16xi32, #tpu.memory_space<vmem_shared>> -> memref<16xi32, #tpu.memory_space<vmem_shared>>
        tpu.enqueue_dma source(%arg16 : memref<16xi32, #tpu.memory_space<vmem>>) target(%dma_start3A_1375 : memref<16xi32, #tpu.memory_space<vmem_shared>>) target_semaphore(%run_scoped3A : memref<!tpu.dma_semaphore, #tpu.memory_space<semaphore_mem>>)
        %dma_wait3A = arith.constant 0 : i32
        %dma_wait3A_1376 = tpu.memref_slice %arg21[%arg1, %dma_wait3A] : memref<16x16xi32, #tpu.memory_space<vmem_shared>> -> memref<1x16xi32, #tpu.memory_space<vmem_shared>>
        %dma_wait3A_1377 = tpu.memref_squeeze %dma_wait3A_1376 : memref<1x16xi32, #tpu.memory_space<vmem_shared>> -> memref<16xi32, #tpu.memory_space<vmem_shared>>
        %dma_wait3A_1378 = arith.constant 0 : i32
        %dma_wait3A_1379 = tpu.memref_slice %arg21[%arg1, %dma_wait3A_1378] : memref<16x16xi32, #tpu.memory_space<vmem_shared>> -> memref<1x16xi32, #tpu.memory_space<vmem_shared>>
        %dma_wait3A_1380 = tpu.memref_squeeze %dma_wait3A_1379 : memref<1x16xi32, #tpu.memory_space<vmem_shared>> -> memref<16xi32, #tpu.memory_space<vmem_shared>>
        tpu.wait_dma2 semaphore(%run_scoped3A : memref<!tpu.dma_semaphore, #tpu.memory_space<semaphore_mem>>) src(%arg16 : memref<16xi32, #tpu.memory_space<vmem>>) dst(%dma_wait3A_1380 : memref<16xi32, #tpu.memory_space<vmem_shared>>)
        tpu.yield
      }) : () -> ()
      %barrier3A_1028 = arith.constant 0 : index
      tpu.barrier barrier_id(%barrier3A_1028)
      "tpu.region"() ({
        %run_scoped3A = tpu.sem_alloc : memref<!tpu.dma_semaphore, #tpu.memory_space<semaphore_mem>>
        tpu.enqueue_dma source(%arg21 : memref<16x16xi32, #tpu.memory_space<vmem_shared>>) target(%arg15 : memref<16x16xi32, #tpu.memory_space<vmem>>) target_semaphore(%run_scoped3A : memref<!tpu.dma_semaphore, #tpu.memory_space<semaphore_mem>>)
        tpu.wait_dma2 semaphore(%run_scoped3A : memref<!tpu.dma_semaphore, #tpu.memory_space<semaphore_mem>>) src(%arg21 : memref<16x16xi32, #tpu.memory_space<vmem_shared>>) dst(%arg15 : memref<16x16xi32, #tpu.memory_space<vmem>>)
        tpu.yield
      }) : () -> ()
      %get3A_1029 = arith.constant 0 : i32
      %get3A_1030 = arith.index_cast %get3A_1029 : i32 to index
      %get3A_1031 = arith.constant 0 : index
      %get3A_1032 = tpu.vector_load %arg15[%get3A_1030, %get3A_1031] {strides = array<i32>} : memref<16x16xi32, #tpu.memory_space<vmem>>, vector<16xi32>,
      %reduce_max3A_1033 = arith.constant true
      %reduce_max3A_1034 = vector.broadcast %reduce_max3A_1033 : i1 to vector<16xi1>
      %reduce_max3A_1035 = arith.constant -2147483648 : i32
      %reduce_max3A_1036 = vector.broadcast %reduce_max3A_1035 : i32 to vector<16xi32>
      %reduce_max3A_1037 = arith.xori %get3A_1032, %reduce_max3A_1036 : vector<16xi32>
      %reduce_max3A_1038 = tpu.scan <max>, %reduce_max3A_1037 masked %reduce_max3A_1034 : vector<16xi32>, vector<16xi1> -> vector<16xi32>
      %reduce_max3A_1039 = arith.xori %reduce_max3A_1038, %reduce_max3A_1036 : vector<16xi32>
      %reduce_max3A_1040 = vector.extract %reduce_max3A_1039[15] : i32 from vector<16xi32>
      %gt3A_1041 = arith.constant 0 : i32
      %gt3A_1042 = arith.cmpi sgt, %arg1, %gt3A_1041 : i32
      %jit3A_1043 = arith.constant 0 : i32
      %select_n3A_1044 = arith.select %gt3A_1042, %reduce_max3A_1040, %jit3A_1043 : i32
      %add3A_1045 = arith.constant 0 : i32
      %add3A_1046 = arith.addi %add3A_1045, %select_n3A_1044 : i32
      %add3A_1047 = arith.constant 0 : i32
      %add3A_1048 = arith.addi %add3A_1047, %reduce_max3A_1040 : i32
      %get3A_1049 = arith.constant 1 : i32
      %get3A_1050 = arith.index_cast %get3A_1049 : i32 to index
      %get3A_1051 = arith.constant 0 : index
      %get3A_1052 = tpu.vector_load %arg15[%get3A_1050, %get3A_1051] {strides = array<i32>} : memref<16x16xi32, #tpu.memory_space<vmem>>, vector<16xi32>,
      %reduce_max3A_1053 = arith.constant true
      %reduce_max3A_1054 = vector.broadcast %reduce_max3A_1053 : i1 to vector<16xi1>
      %reduce_max3A_1055 = arith.constant -2147483648 : i32
      %reduce_max3A_1056 = vector.broadcast %reduce_max3A_1055 : i32 to vector<16xi32>
      %reduce_max3A_1057 = arith.xori %get3A_1052, %reduce_max3A_1056 : vector<16xi32>
      %reduce_max3A_1058 = tpu.scan <max>, %reduce_max3A_1057 masked %reduce_max3A_1054 : vector<16xi32>, vector<16xi1> -> vector<16xi32>
      %reduce_max3A_1059 = arith.xori %reduce_max3A_1058, %reduce_max3A_1056 : vector<16xi32>
      %reduce_max3A_1060 = vector.extract %reduce_max3A_1059[15] : i32 from vector<16xi32>
      %gt3A_1061 = arith.constant 1 : i32
      %gt3A_1062 = arith.cmpi sgt, %arg1, %gt3A_1061 : i32
      %jit3A_1063 = arith.constant 0 : i32
      %select_n3A_1064 = arith.select %gt3A_1062, %reduce_max3A_1060, %jit3A_1063 : i32
      %add3A_1065 = arith.addi %add3A_1046, %select_n3A_1064 : i32
      %add3A_1066 = arith.addi %add3A_1048, %reduce_max3A_1060 : i32
      %get3A_1067 = arith.constant 2 : i32
      %get3A_1068 = arith.index_cast %get3A_1067 : i32 to index
      %get3A_1069 = arith.constant 0 : index
      %get3A_1070 = tpu.vector_load %arg15[%get3A_1068, %get3A_1069] {strides = array<i32>} : memref<16x16xi32, #tpu.memory_space<vmem>>, vector<16xi32>,
      %reduce_max3A_1071 = arith.constant true
      %reduce_max3A_1072 = vector.broadcast %reduce_max3A_1071 : i1 to vector<16xi1>
      %reduce_max3A_1073 = arith.constant -2147483648 : i32
      %reduce_max3A_1074 = vector.broadcast %reduce_max3A_1073 : i32 to vector<16xi32>
      %reduce_max3A_1075 = arith.xori %get3A_1070, %reduce_max3A_1074 : vector<16xi32>
      %reduce_max3A_1076 = tpu.scan <max>, %reduce_max3A_1075 masked %reduce_max3A_1072 : vector<16xi32>, vector<16xi1> -> vector<16xi32>
      %reduce_max3A_1077 = arith.xori %reduce_max3A_1076, %reduce_max3A_1074 : vector<16xi32>
      %reduce_max3A_1078 = vector.extract %reduce_max3A_1077[15] : i32 from vector<16xi32>
      %gt3A_1079 = arith.constant 2 : i32
      %gt3A_1080 = arith.cmpi sgt, %arg1, %gt3A_1079 : i32
      %jit3A_1081 = arith.constant 0 : i32
      %select_n3A_1082 = arith.select %gt3A_1080, %reduce_max3A_1078, %jit3A_1081 : i32
      %add3A_1083 = arith.addi %add3A_1065, %select_n3A_1082 : i32
      %add3A_1084 = arith.addi %add3A_1066, %reduce_max3A_1078 : i32
      %get3A_1085 = arith.constant 3 : i32
      %get3A_1086 = arith.index_cast %get3A_1085 : i32 to index
      %get3A_1087 = arith.constant 0 : index
      %get3A_1088 = tpu.vector_load %arg15[%get3A_1086, %get3A_1087] {strides = array<i32>} : memref<16x16xi32, #tpu.memory_space<vmem>>, vector<16xi32>,
      %reduce_max3A_1089 = arith.constant true
      %reduce_max3A_1090 = vector.broadcast %reduce_max3A_1089 : i1 to vector<16xi1>
      %reduce_max3A_1091 = arith.constant -2147483648 : i32
      %reduce_max3A_1092 = vector.broadcast %reduce_max3A_1091 : i32 to vector<16xi32>
      %reduce_max3A_1093 = arith.xori %get3A_1088, %reduce_max3A_1092 : vector<16xi32>
      %reduce_max3A_1094 = tpu.scan <max>, %reduce_max3A_1093 masked %reduce_max3A_1090 : vector<16xi32>, vector<16xi1> -> vector<16xi32>
      %reduce_max3A_1095 = arith.xori %reduce_max3A_1094, %reduce_max3A_1092 : vector<16xi32>
      %reduce_max3A_1096 = vector.extract %reduce_max3A_1095[15] : i32 from vector<16xi32>
      %gt3A_1097 = arith.constant 3 : i32
      %gt3A_1098 = arith.cmpi sgt, %arg1, %gt3A_1097 : i32
      %jit3A_1099 = arith.constant 0 : i32
      %select_n3A_1100 = arith.select %gt3A_1098, %reduce_max3A_1096, %jit3A_1099 : i32
      %add3A_1101 = arith.addi %add3A_1083, %select_n3A_1100 : i32
      %add3A_1102 = arith.addi %add3A_1084, %reduce_max3A_1096 : i32
      %get3A_1103 = arith.constant 4 : i32
      %get3A_1104 = arith.index_cast %get3A_1103 : i32 to index
      %get3A_1105 = arith.constant 0 : index
      %get3A_1106 = tpu.vector_load %arg15[%get3A_1104, %get3A_1105] {strides = array<i32>} : memref<16x16xi32, #tpu.memory_space<vmem>>, vector<16xi32>,
      %reduce_max3A_1107 = arith.constant true
      %reduce_max3A_1108 = vector.broadcast %reduce_max3A_1107 : i1 to vector<16xi1>
      %reduce_max3A_1109 = arith.constant -2147483648 : i32
      %reduce_max3A_1110 = vector.broadcast %reduce_max3A_1109 : i32 to vector<16xi32>
      %reduce_max3A_1111 = arith.xori %get3A_1106, %reduce_max3A_1110 : vector<16xi32>
      %reduce_max3A_1112 = tpu.scan <max>, %reduce_max3A_1111 masked %reduce_max3A_1108 : vector<16xi32>, vector<16xi1> -> vector<16xi32>
      %reduce_max3A_1113 = arith.xori %reduce_max3A_1112, %reduce_max3A_1110 : vector<16xi32>
      %reduce_max3A_1114 = vector.extract %reduce_max3A_1113[15] : i32 from vector<16xi32>
      %gt3A_1115 = arith.constant 4 : i32
      %gt3A_1116 = arith.cmpi sgt, %arg1, %gt3A_1115 : i32
      %jit3A_1117 = arith.constant 0 : i32
      %select_n3A_1118 = arith.select %gt3A_1116, %reduce_max3A_1114, %jit3A_1117 : i32
      %add3A_1119 = arith.addi %add3A_1101, %select_n3A_1118 : i32
      %add3A_1120 = arith.addi %add3A_1102, %reduce_max3A_1114 : i32
      %get3A_1121 = arith.constant 5 : i32
      %get3A_1122 = arith.index_cast %get3A_1121 : i32 to index
      %get3A_1123 = arith.constant 0 : index
      %get3A_1124 = tpu.vector_load %arg15[%get3A_1122, %get3A_1123] {strides = array<i32>} : memref<16x16xi32, #tpu.memory_space<vmem>>, vector<16xi32>,
      %reduce_max3A_1125 = arith.constant true
      %reduce_max3A_1126 = vector.broadcast %reduce_max3A_1125 : i1 to vector<16xi1>
      %reduce_max3A_1127 = arith.constant -2147483648 : i32
      %reduce_max3A_1128 = vector.broadcast %reduce_max3A_1127 : i32 to vector<16xi32>
      %reduce_max3A_1129 = arith.xori %get3A_1124, %reduce_max3A_1128 : vector<16xi32>
      %reduce_max3A_1130 = tpu.scan <max>, %reduce_max3A_1129 masked %reduce_max3A_1126 : vector<16xi32>, vector<16xi1> -> vector<16xi32>
      %reduce_max3A_1131 = arith.xori %reduce_max3A_1130, %reduce_max3A_1128 : vector<16xi32>
      %reduce_max3A_1132 = vector.extract %reduce_max3A_1131[15] : i32 from vector<16xi32>
      %gt3A_1133 = arith.constant 5 : i32
      %gt3A_1134 = arith.cmpi sgt, %arg1, %gt3A_1133 : i32
      %jit3A_1135 = arith.constant 0 : i32
      %select_n3A_1136 = arith.select %gt3A_1134, %reduce_max3A_1132, %jit3A_1135 : i32
      %add3A_1137 = arith.addi %add3A_1119, %select_n3A_1136 : i32
      %add3A_1138 = arith.addi %add3A_1120, %reduce_max3A_1132 : i32
      %get3A_1139 = arith.constant 6 : i32
      %get3A_1140 = arith.index_cast %get3A_1139 : i32 to index
      %get3A_1141 = arith.constant 0 : index
      %get3A_1142 = tpu.vector_load %arg15[%get3A_1140, %get3A_1141] {strides = array<i32>} : memref<16x16xi32, #tpu.memory_space<vmem>>, vector<16xi32>,
      %reduce_max3A_1143 = arith.constant true
      %reduce_max3A_1144 = vector.broadcast %reduce_max3A_1143 : i1 to vector<16xi1>
      %reduce_max3A_1145 = arith.constant -2147483648 : i32
      %reduce_max3A_1146 = vector.broadcast %reduce_max3A_1145 : i32 to vector<16xi32>
      %reduce_max3A_1147 = arith.xori %get3A_1142, %reduce_max3A_1146 : vector<16xi32>
      %reduce_max3A_1148 = tpu.scan <max>, %reduce_max3A_1147 masked %reduce_max3A_1144 : vector<16xi32>, vector<16xi1> -> vector<16xi32>
      %reduce_max3A_1149 = arith.xori %reduce_max3A_1148, %reduce_max3A_1146 : vector<16xi32>
      %reduce_max3A_1150 = vector.extract %reduce_max3A_1149[15] : i32 from vector<16xi32>
      %gt3A_1151 = arith.constant 6 : i32
      %gt3A_1152 = arith.cmpi sgt, %arg1, %gt3A_1151 : i32
      %jit3A_1153 = arith.constant 0 : i32
      %select_n3A_1154 = arith.select %gt3A_1152, %reduce_max3A_1150, %jit3A_1153 : i32
      %add3A_1155 = arith.addi %add3A_1137, %select_n3A_1154 : i32
      %add3A_1156 = arith.addi %add3A_1138, %reduce_max3A_1150 : i32
      %get3A_1157 = arith.constant 7 : i32
      %get3A_1158 = arith.index_cast %get3A_1157 : i32 to index
      %get3A_1159 = arith.constant 0 : index
      %get3A_1160 = tpu.vector_load %arg15[%get3A_1158, %get3A_1159] {strides = array<i32>} : memref<16x16xi32, #tpu.memory_space<vmem>>, vector<16xi32>,
      %reduce_max3A_1161 = arith.constant true
      %reduce_max3A_1162 = vector.broadcast %reduce_max3A_1161 : i1 to vector<16xi1>
      %reduce_max3A_1163 = arith.constant -2147483648 : i32
      %reduce_max3A_1164 = vector.broadcast %reduce_max3A_1163 : i32 to vector<16xi32>
      %reduce_max3A_1165 = arith.xori %get3A_1160, %reduce_max3A_1164 : vector<16xi32>
      %reduce_max3A_1166 = tpu.scan <max>, %reduce_max3A_1165 masked %reduce_max3A_1162 : vector<16xi32>, vector<16xi1> -> vector<16xi32>
      %reduce_max3A_1167 = arith.xori %reduce_max3A_1166, %reduce_max3A_1164 : vector<16xi32>
      %reduce_max3A_1168 = vector.extract %reduce_max3A_1167[15] : i32 from vector<16xi32>
      %gt3A_1169 = arith.constant 7 : i32
      %gt3A_1170 = arith.cmpi sgt, %arg1, %gt3A_1169 : i32
      %jit3A_1171 = arith.constant 0 : i32
      %select_n3A_1172 = arith.select %gt3A_1170, %reduce_max3A_1168, %jit3A_1171 : i32
      %add3A_1173 = arith.addi %add3A_1155, %select_n3A_1172 : i32
      %add3A_1174 = arith.addi %add3A_1156, %reduce_max3A_1168 : i32
      %get3A_1175 = arith.constant 8 : i32
      %get3A_1176 = arith.index_cast %get3A_1175 : i32 to index
      %get3A_1177 = arith.constant 0 : index
      %get3A_1178 = tpu.vector_load %arg15[%get3A_1176, %get3A_1177] {strides = array<i32>} : memref<16x16xi32, #tpu.memory_space<vmem>>, vector<16xi32>,
      %reduce_max3A_1179 = arith.constant true
      %reduce_max3A_1180 = vector.broadcast %reduce_max3A_1179 : i1 to vector<16xi1>
      %reduce_max3A_1181 = arith.constant -2147483648 : i32
      %reduce_max3A_1182 = vector.broadcast %reduce_max3A_1181 : i32 to vector<16xi32>
      %reduce_max3A_1183 = arith.xori %get3A_1178, %reduce_max3A_1182 : vector<16xi32>
      %reduce_max3A_1184 = tpu.scan <max>, %reduce_max3A_1183 masked %reduce_max3A_1180 : vector<16xi32>, vector<16xi1> -> vector<16xi32>
      %reduce_max3A_1185 = arith.xori %reduce_max3A_1184, %reduce_max3A_1182 : vector<16xi32>
      %reduce_max3A_1186 = vector.extract %reduce_max3A_1185[15] : i32 from vector<16xi32>
      %gt3A_1187 = arith.constant 8 : i32
      %gt3A_1188 = arith.cmpi sgt, %arg1, %gt3A_1187 : i32
      %jit3A_1189 = arith.constant 0 : i32
      %select_n3A_1190 = arith.select %gt3A_1188, %reduce_max3A_1186, %jit3A_1189 : i32
      %add3A_1191 = arith.addi %add3A_1173, %select_n3A_1190 : i32
      %add3A_1192 = arith.addi %add3A_1174, %reduce_max3A_1186 : i32
      %get3A_1193 = arith.constant 9 : i32
      %get3A_1194 = arith.index_cast %get3A_1193 : i32 to index
      %get3A_1195 = arith.constant 0 : index
      %get3A_1196 = tpu.vector_load %arg15[%get3A_1194, %get3A_1195] {strides = array<i32>} : memref<16x16xi32, #tpu.memory_space<vmem>>, vector<16xi32>,
      %reduce_max3A_1197 = arith.constant true
      %reduce_max3A_1198 = vector.broadcast %reduce_max3A_1197 : i1 to vector<16xi1>
      %reduce_max3A_1199 = arith.constant -2147483648 : i32
      %reduce_max3A_1200 = vector.broadcast %reduce_max3A_1199 : i32 to vector<16xi32>
      %reduce_max3A_1201 = arith.xori %get3A_1196, %reduce_max3A_1200 : vector<16xi32>
      %reduce_max3A_1202 = tpu.scan <max>, %reduce_max3A_1201 masked %reduce_max3A_1198 : vector<16xi32>, vector<16xi1> -> vector<16xi32>
      %reduce_max3A_1203 = arith.xori %reduce_max3A_1202, %reduce_max3A_1200 : vector<16xi32>
      %reduce_max3A_1204 = vector.extract %reduce_max3A_1203[15] : i32 from vector<16xi32>
      %gt3A_1205 = arith.constant 9 : i32
      %gt3A_1206 = arith.cmpi sgt, %arg1, %gt3A_1205 : i32
      %jit3A_1207 = arith.constant 0 : i32
      %select_n3A_1208 = arith.select %gt3A_1206, %reduce_max3A_1204, %jit3A_1207 : i32
      %add3A_1209 = arith.addi %add3A_1191, %select_n3A_1208 : i32
      %add3A_1210 = arith.addi %add3A_1192, %reduce_max3A_1204 : i32
      %get3A_1211 = arith.constant 10 : i32
      %get3A_1212 = arith.index_cast %get3A_1211 : i32 to index
      %get3A_1213 = arith.constant 0 : index
      %get3A_1214 = tpu.vector_load %arg15[%get3A_1212, %get3A_1213] {strides = array<i32>} : memref<16x16xi32, #tpu.memory_space<vmem>>, vector<16xi32>,
      %reduce_max3A_1215 = arith.constant true
      %reduce_max3A_1216 = vector.broadcast %reduce_max3A_1215 : i1 to vector<16xi1>
      %reduce_max3A_1217 = arith.constant -2147483648 : i32
      %reduce_max3A_1218 = vector.broadcast %reduce_max3A_1217 : i32 to vector<16xi32>
      %reduce_max3A_1219 = arith.xori %get3A_1214, %reduce_max3A_1218 : vector<16xi32>
      %reduce_max3A_1220 = tpu.scan <max>, %reduce_max3A_1219 masked %reduce_max3A_1216 : vector<16xi32>, vector<16xi1> -> vector<16xi32>
      %reduce_max3A_1221 = arith.xori %reduce_max3A_1220, %reduce_max3A_1218 : vector<16xi32>
      %reduce_max3A_1222 = vector.extract %reduce_max3A_1221[15] : i32 from vector<16xi32>
      %gt3A_1223 = arith.constant 10 : i32
      %gt3A_1224 = arith.cmpi sgt, %arg1, %gt3A_1223 : i32
      %jit3A_1225 = arith.constant 0 : i32
      %select_n3A_1226 = arith.select %gt3A_1224, %reduce_max3A_1222, %jit3A_1225 : i32
      %add3A_1227 = arith.addi %add3A_1209, %select_n3A_1226 : i32
      %add3A_1228 = arith.addi %add3A_1210, %reduce_max3A_1222 : i32
      %get3A_1229 = arith.constant 11 : i32
      %get3A_1230 = arith.index_cast %get3A_1229 : i32 to index
      %get3A_1231 = arith.constant 0 : index
      %get3A_1232 = tpu.vector_load %arg15[%get3A_1230, %get3A_1231] {strides = array<i32>} : memref<16x16xi32, #tpu.memory_space<vmem>>, vector<16xi32>,
      %reduce_max3A_1233 = arith.constant true
      %reduce_max3A_1234 = vector.broadcast %reduce_max3A_1233 : i1 to vector<16xi1>
      %reduce_max3A_1235 = arith.constant -2147483648 : i32
      %reduce_max3A_1236 = vector.broadcast %reduce_max3A_1235 : i32 to vector<16xi32>
      %reduce_max3A_1237 = arith.xori %get3A_1232, %reduce_max3A_1236 : vector<16xi32>
      %reduce_max3A_1238 = tpu.scan <max>, %reduce_max3A_1237 masked %reduce_max3A_1234 : vector<16xi32>, vector<16xi1> -> vector<16xi32>
      %reduce_max3A_1239 = arith.xori %reduce_max3A_1238, %reduce_max3A_1236 : vector<16xi32>
      %reduce_max3A_1240 = vector.extract %reduce_max3A_1239[15] : i32 from vector<16xi32>
      %gt3A_1241 = arith.constant 11 : i32
      %gt3A_1242 = arith.cmpi sgt, %arg1, %gt3A_1241 : i32
      %jit3A_1243 = arith.constant 0 : i32
      %select_n3A_1244 = arith.select %gt3A_1242, %reduce_max3A_1240, %jit3A_1243 : i32
      %add3A_1245 = arith.addi %add3A_1227, %select_n3A_1244 : i32
      %add3A_1246 = arith.addi %add3A_1228, %reduce_max3A_1240 : i32
      %get3A_1247 = arith.constant 12 : i32
      %get3A_1248 = arith.index_cast %get3A_1247 : i32 to index
      %get3A_1249 = arith.constant 0 : index
      %get3A_1250 = tpu.vector_load %arg15[%get3A_1248, %get3A_1249] {strides = array<i32>} : memref<16x16xi32, #tpu.memory_space<vmem>>, vector<16xi32>,
      %reduce_max3A_1251 = arith.constant true
      %reduce_max3A_1252 = vector.broadcast %reduce_max3A_1251 : i1 to vector<16xi1>
      %reduce_max3A_1253 = arith.constant -2147483648 : i32
      %reduce_max3A_1254 = vector.broadcast %reduce_max3A_1253 : i32 to vector<16xi32>
      %reduce_max3A_1255 = arith.xori %get3A_1250, %reduce_max3A_1254 : vector<16xi32>
      %reduce_max3A_1256 = tpu.scan <max>, %reduce_max3A_1255 masked %reduce_max3A_1252 : vector<16xi32>, vector<16xi1> -> vector<16xi32>
      %reduce_max3A_1257 = arith.xori %reduce_max3A_1256, %reduce_max3A_1254 : vector<16xi32>
      %reduce_max3A_1258 = vector.extract %reduce_max3A_1257[15] : i32 from vector<16xi32>
      %gt3A_1259 = arith.constant 12 : i32
      %gt3A_1260 = arith.cmpi sgt, %arg1, %gt3A_1259 : i32
      %jit3A_1261 = arith.constant 0 : i32
      %select_n3A_1262 = arith.select %gt3A_1260, %reduce_max3A_1258, %jit3A_1261 : i32
      %add3A_1263 = arith.addi %add3A_1245, %select_n3A_1262 : i32
      %add3A_1264 = arith.addi %add3A_1246, %reduce_max3A_1258 : i32
      %get3A_1265 = arith.constant 13 : i32
      %get3A_1266 = arith.index_cast %get3A_1265 : i32 to index
      %get3A_1267 = arith.constant 0 : index
      %get3A_1268 = tpu.vector_load %arg15[%get3A_1266, %get3A_1267] {strides = array<i32>} : memref<16x16xi32, #tpu.memory_space<vmem>>, vector<16xi32>,
      %reduce_max3A_1269 = arith.constant true
      %reduce_max3A_1270 = vector.broadcast %reduce_max3A_1269 : i1 to vector<16xi1>
      %reduce_max3A_1271 = arith.constant -2147483648 : i32
      %reduce_max3A_1272 = vector.broadcast %reduce_max3A_1271 : i32 to vector<16xi32>
      %reduce_max3A_1273 = arith.xori %get3A_1268, %reduce_max3A_1272 : vector<16xi32>
      %reduce_max3A_1274 = tpu.scan <max>, %reduce_max3A_1273 masked %reduce_max3A_1270 : vector<16xi32>, vector<16xi1> -> vector<16xi32>
      %reduce_max3A_1275 = arith.xori %reduce_max3A_1274, %reduce_max3A_1272 : vector<16xi32>
      %reduce_max3A_1276 = vector.extract %reduce_max3A_1275[15] : i32 from vector<16xi32>
      %gt3A_1277 = arith.constant 13 : i32
      %gt3A_1278 = arith.cmpi sgt, %arg1, %gt3A_1277 : i32
      %jit3A_1279 = arith.constant 0 : i32
      %select_n3A_1280 = arith.select %gt3A_1278, %reduce_max3A_1276, %jit3A_1279 : i32
      %add3A_1281 = arith.addi %add3A_1263, %select_n3A_1280 : i32
      %add3A_1282 = arith.addi %add3A_1264, %reduce_max3A_1276 : i32
      %get3A_1283 = arith.constant 14 : i32
      %get3A_1284 = arith.index_cast %get3A_1283 : i32 to index
      %get3A_1285 = arith.constant 0 : index
      %get3A_1286 = tpu.vector_load %arg15[%get3A_1284, %get3A_1285] {strides = array<i32>} : memref<16x16xi32, #tpu.memory_space<vmem>>, vector<16xi32>,
      %reduce_max3A_1287 = arith.constant true
      %reduce_max3A_1288 = vector.broadcast %reduce_max3A_1287 : i1 to vector<16xi1>
      %reduce_max3A_1289 = arith.constant -2147483648 : i32
      %reduce_max3A_1290 = vector.broadcast %reduce_max3A_1289 : i32 to vector<16xi32>
      %reduce_max3A_1291 = arith.xori %get3A_1286, %reduce_max3A_1290 : vector<16xi32>
      %reduce_max3A_1292 = tpu.scan <max>, %reduce_max3A_1291 masked %reduce_max3A_1288 : vector<16xi32>, vector<16xi1> -> vector<16xi32>
      %reduce_max3A_1293 = arith.xori %reduce_max3A_1292, %reduce_max3A_1290 : vector<16xi32>
      %reduce_max3A_1294 = vector.extract %reduce_max3A_1293[15] : i32 from vector<16xi32>
      %gt3A_1295 = arith.constant 14 : i32
      %gt3A_1296 = arith.cmpi sgt, %arg1, %gt3A_1295 : i32
      %jit3A_1297 = arith.constant 0 : i32
      %select_n3A_1298 = arith.select %gt3A_1296, %reduce_max3A_1294, %jit3A_1297 : i32
      %add3A_1299 = arith.addi %add3A_1281, %select_n3A_1298 : i32
      %add3A_1300 = arith.addi %add3A_1282, %reduce_max3A_1294 : i32
      %get3A_1301 = arith.constant 15 : i32
      %get3A_1302 = arith.index_cast %get3A_1301 : i32 to index
      %get3A_1303 = arith.constant 0 : index
      %get3A_1304 = tpu.vector_load %arg15[%get3A_1302, %get3A_1303] {strides = array<i32>} : memref<16x16xi32, #tpu.memory_space<vmem>>, vector<16xi32>,
      %reduce_max3A_1305 = arith.constant true
      %reduce_max3A_1306 = vector.broadcast %reduce_max3A_1305 : i1 to vector<16xi1>
      %reduce_max3A_1307 = arith.constant -2147483648 : i32
      %reduce_max3A_1308 = vector.broadcast %reduce_max3A_1307 : i32 to vector<16xi32>
      %reduce_max3A_1309 = arith.xori %get3A_1304, %reduce_max3A_1308 : vector<16xi32>
      %reduce_max3A_1310 = tpu.scan <max>, %reduce_max3A_1309 masked %reduce_max3A_1306 : vector<16xi32>, vector<16xi1> -> vector<16xi32>
      %reduce_max3A_1311 = arith.xori %reduce_max3A_1310, %reduce_max3A_1308 : vector<16xi32>
      %reduce_max3A_1312 = vector.extract %reduce_max3A_1311[15] : i32 from vector<16xi32>
      %gt3A_1313 = arith.constant 15 : i32
      %gt3A_1314 = arith.cmpi sgt, %arg1, %gt3A_1313 : i32
      %jit3A_1315 = arith.constant 0 : i32
      %select_n3A_1316 = arith.select %gt3A_1314, %reduce_max3A_1312, %jit3A_1315 : i32
      %add3A_1317 = arith.addi %add3A_1299, %select_n3A_1316 : i32
      %add3A_1318 = arith.addi %add3A_1300, %reduce_max3A_1312 : i32
      %mul3A_1319 = arith.constant 629146 : i32
      %mul3A_1320 = arith.muli %add3A, %mul3A_1319 : i32
      %add3A_1321 = arith.addi %mul3A_1320, %add3A_1317 : i32
      %dma_start3A_1322 = tpu.memref_slice %arg2[%add3A, %mul3A_17] : memref<4x2097152xf32, #tpu.memory_space<hbm>> -> memref<1x2048xf32, #tpu.memory_space<hbm>>
      %dma_start3A_1323 = tpu.memref_squeeze %dma_start3A_1322 : memref<1x2048xf32, #tpu.memory_space<hbm>> -> memref<2048xf32, #tpu.memory_space<hbm>>
      %dma_start3A_1324 = tpu.memref_slice %arg2[%add3A, %mul3A_17] : memref<4x2097152xf32, #tpu.memory_space<hbm>> -> memref<1x2048xf32, #tpu.memory_space<hbm>>
      %dma_start3A_1325 = tpu.memref_squeeze %dma_start3A_1324 : memref<1x2048xf32, #tpu.memory_space<hbm>> -> memref<2048xf32, #tpu.memory_space<hbm>>
      tpu.enqueue_dma source(%dma_start3A_1325 : memref<2048xf32, #tpu.memory_space<hbm>>) target(%arg4 : memref<2048xf32, #tpu.memory_space<vmem>>) target_semaphore(%arg23 : memref<!tpu.dma_semaphore, #tpu.memory_space<semaphore_mem>>)
      %scan3A_1326 = arith.constant 0 : i32
      %scan3A_1327 = arith.constant 0 : i32
      %scan3A_1328 = arith.constant 32 : i32
      %scan3A_1329 = arith.addi %scan3A_1327, %scan3A_1328 : i32
      %scan3A_1330 = arith.constant 1 : i32
      %scan3A_1331 = scf.for %scan3A_1370 = %scan3A_1327 to %scan3A_1329 step %scan3A_1330 iter_args(%scan3A_1371 = %scan3A_1326) -> (i32)  : i32 {
        %mul3A_1372 = arith.constant 2 : i32
        %mul3A_1373 = arith.muli %mul3A_1372, %scan3A_1370 : i32
        %add3A_1374 = arith.constant 1 : i32
        %add3A_1375 = arith.addi %mul3A_1373, %add3A_1374 : i32
        %mul3A_1376 = arith.constant 2048 : i32
        %mul3A_1377 = arith.muli %mul3A_1373, %mul3A_1376 : i32
        %add3A_1378 = arith.addi %mul3A_17, %mul3A_1377 : i32
        %dma_wait3A = tpu.memref_slice %arg2[%add3A, %add3A_1378] : memref<4x2097152xf32, #tpu.memory_space<hbm>> -> memref<1x2048xf32, #tpu.memory_space<hbm>>
        %dma_wait3A_1379 = tpu.memref_squeeze %dma_wait3A : memref<1x2048xf32, #tpu.memory_space<hbm>> -> memref<2048xf32, #tpu.memory_space<hbm>>
        %dma_wait3A_1380 = tpu.memref_slice %arg2[%add3A, %add3A_1378] : memref<4x2097152xf32, #tpu.memory_space<hbm>> -> memref<1x2048xf32, #tpu.memory_space<hbm>>
        %dma_wait3A_1381 = tpu.memref_squeeze %dma_wait3A_1380 : memref<1x2048xf32, #tpu.memory_space<hbm>> -> memref<2048xf32, #tpu.memory_space<hbm>>
        tpu.wait_dma2 semaphore(%arg23 : memref<!tpu.dma_semaphore, #tpu.memory_space<semaphore_mem>>) src(%dma_wait3A_1381 : memref<2048xf32, #tpu.memory_space<hbm>>) dst(%arg4 : memref<2048xf32, #tpu.memory_space<vmem>>)
        %mul3A_1382 = arith.constant 2048 : i32
        %mul3A_1383 = arith.muli %add3A_1375, %mul3A_1382 : i32
        %add3A_1384 = arith.addi %mul3A_17, %mul3A_1383 : i32
        %dma_start3A_1385 = tpu.memref_slice %arg2[%add3A, %add3A_1384] : memref<4x2097152xf32, #tpu.memory_space<hbm>> -> memref<1x2048xf32, #tpu.memory_space<hbm>>
        %dma_start3A_1386 = tpu.memref_squeeze %dma_start3A_1385 : memref<1x2048xf32, #tpu.memory_space<hbm>> -> memref<2048xf32, #tpu.memory_space<hbm>>
        %dma_start3A_1387 = tpu.memref_slice %arg2[%add3A, %add3A_1384] : memref<4x2097152xf32, #tpu.memory_space<hbm>> -> memref<1x2048xf32, #tpu.memory_space<hbm>>
        %dma_start3A_1388 = tpu.memref_squeeze %dma_start3A_1387 : memref<1x2048xf32, #tpu.memory_space<hbm>> -> memref<2048xf32, #tpu.memory_space<hbm>>
        tpu.enqueue_dma source(%dma_start3A_1388 : memref<2048xf32, #tpu.memory_space<hbm>>) target(%arg5 : memref<2048xf32, #tpu.memory_space<vmem>>) target_semaphore(%arg24 : memref<!tpu.dma_semaphore, #tpu.memory_space<semaphore_mem>>)
        %scan3A_1389 = arith.constant 0 : i32
        %scan3A_1390 = arith.constant 0 : i32
        %scan3A_1391 = arith.constant 128 : i32
        %scan3A_1392 = arith.addi %scan3A_1390, %scan3A_1391 : i32
        %scan3A_1393 = arith.constant 1 : i32
        %scan3A_1394 = scf.for %scan3A_1496 = %scan3A_1390 to %scan3A_1392 step %scan3A_1393 iter_args(%scan3A_1497 = %scan3A_1389) -> (i32)  : i32 {
          %mul3A_1498 = arith.constant 16 : i32
          %mul3A_1499 = arith.muli %scan3A_1496, %mul3A_1498 : i32
          %get3A_1500 = arith.index_cast %mul3A_1499 : i32 to index
          %get3A_1501 = tpu.vector_load %arg4[%get3A_1500] {strides = array<i32>} : memref<2048xf32, #tpu.memory_space<vmem>>, vector<16xf32>,
          %gt3A_1502 = arith.cmpf ogt, %get3A_1501, %add3A_1013 : vector<16xf32>
          %convert_element_type3A_1503 = arith.extui %gt3A_1502 : vector<16xi1> to vector<16xi32>
          %broadcast_in_dim3A_1504 = arith.constant true
          %broadcast_in_dim3A_1505 = vector.broadcast %broadcast_in_dim3A_1504 : i1 to vector<16xi1>
          %masked_cumsum3A = tpu.scan <sum>, %convert_element_type3A_1503 masked %broadcast_in_dim3A_1505 : vector<16xi32>, vector<16xi1> -> vector<16xi32>
          %add3A_1506 = vector.broadcast %scan3A_1497 : i32 to vector<16xi32>
          %add3A_1507 = arith.addi %add3A_1506, %masked_cumsum3A : vector<16xi32>
          %sub3A_1508 = arith.constant 1 : i32
          %sub3A_1509 = vector.broadcast %sub3A_1508 : i32 to vector<16xi32>
          %sub3A_1510 = arith.subi %add3A_1507, %sub3A_1509 : vector<16xi32>
          %max3A_1511 = arith.constant 0 : i32
          %max3A_1512 = vector.broadcast %max3A_1511 : i32 to vector<16xi32>
          %max3A_1513 = arith.maxsi %sub3A_1510, %max3A_1512 : vector<16xi32>
          %mul3A_1514 = arith.constant 2048 : i32
          %mul3A_1515 = arith.muli %mul3A_1373, %mul3A_1514 : i32
          %add3A_1516 = arith.addi %mul3A_17, %mul3A_1515 : i32
          %mul3A_1517 = arith.constant 16 : i32
          %mul3A_1518 = arith.muli %scan3A_1496, %mul3A_1517 : i32
          %add3A_1519 = arith.addi %add3A_1516, %mul3A_1518 : i32
          %add3A_1520 = vector.broadcast %add3A_1519 : i32 to vector<16xi32>
          %add3A_1521 = arith.addi %add3A_1520, %iota3A : vector<16xi32>
          %shift_right_logical3A = arith.constant 16 : i32
          %shift_right_logical3A_1522 = vector.broadcast %shift_right_logical3A : i32 to vector<16xi32>
          %shift_right_logical3A_1523 = arith.shrui %add3A_1521, %shift_right_logical3A_1522 : vector<16xi32>
          %and3A_1524 = arith.constant 65535 : i32
          %and3A_1525 = vector.broadcast %and3A_1524 : i32 to vector<16xi32>
          %and3A_1526 = arith.andi %add3A_1521, %and3A_1525 : vector<16xi32>
          %shift_right_logical3A_1527 = arith.constant 8 : i32
          %shift_right_logical3A_1528 = vector.broadcast %shift_right_logical3A_1527 : i32 to vector<16xi32>
          %shift_right_logical3A_1529 = arith.shrui %and3A_1526, %shift_right_logical3A_1528 : vector<16xi32>
          %and3A_1530 = arith.constant 255 : i32
          %and3A_1531 = vector.broadcast %and3A_1530 : i32 to vector<16xi32>
          %and3A_1532 = arith.andi %and3A_1526, %and3A_1531 : vector<16xi32>
          %convert_element_type3A_1533 = arith.sitofp %and3A_1532 : vector<16xi32> to vector<16xf32>
          %mul3A_1534 = arith.constant 3.125000e-01 : f32
          %mul3A_1535 = vector.broadcast %mul3A_1534 : f32 to vector<16xf32>
          %mul3A_1536 = arith.mulf %convert_element_type3A_1533, %mul3A_1535 : vector<16xf32>
          %convert_element_type3A_1537 = arith.sitofp %shift_right_logical3A_1529 : vector<16xi32> to vector<16xf32>
          %mul3A_1538 = arith.constant 3.125000e-01 : f32
          %mul3A_1539 = vector.broadcast %mul3A_1538 : f32 to vector<16xf32>
          %mul3A_1540 = arith.mulf %convert_element_type3A_1537, %mul3A_1539 : vector<16xf32>
          %sub3A_1541 = arith.constant 4.000000e+01 : f32
          %sub3A_1542 = vector.broadcast %sub3A_1541 : f32 to vector<16xf32>
          %sub3A_1543 = arith.subf %mul3A_1540, %sub3A_1542 : vector<16xf32>
          %convert_element_type3A_1544 = arith.sitofp %shift_right_logical3A_1523 : vector<16xi32> to vector<16xf32>
          %mul3A_1545 = arith.constant 2.500000e-01 : f32
          %mul3A_1546 = vector.broadcast %mul3A_1545 : f32 to vector<16xf32>
          %mul3A_1547 = arith.mulf %convert_element_type3A_1544, %mul3A_1546 : vector<16xf32>
          %sub3A_1548 = arith.constant 2.000000e+00 : f32
          %sub3A_1549 = vector.broadcast %sub3A_1548 : f32 to vector<16xf32>
          %sub3A_1550 = arith.subf %mul3A_1547, %sub3A_1549 : vector<16xf32>
          %div3A_1551 = arith.constant 9.99999982E+12 : f32
          %div3A_1552 = vector.broadcast %div3A_1551 : f32 to vector<16xf32>
          %div3A_1553 = arith.divf %get3A_1501, %div3A_1552 : vector<16xf32>
          %broadcast_in_dim3A_1554 = vector.broadcast %add3A : i32 to vector<16xi32>
          %bitcast_convert_type3A_1555 = tpu.bitcast %mul3A_1536 : vector<16xf32> -> vector<16xi32>
          %bitcast_convert_type3A_1556 = tpu.bitcast %sub3A_1543 : vector<16xf32> -> vector<16xi32>
          %bitcast_convert_type3A_1557 = tpu.bitcast %sub3A_1550 : vector<16xf32> -> vector<16xi32>
          %bitcast_convert_type3A_1558 = tpu.bitcast %div3A_1553 : vector<16xf32> -> vector<16xi32>
          %broadcast_in_dim3A_1559 = arith.constant 0 : i32
          %broadcast_in_dim3A_1560 = vector.broadcast %broadcast_in_dim3A_1559 : i32 to vector<16xi32>
          tpu.vector_store_idx %arg9[%max3A_1513, %broadcast_in_dim3A_1560], %bitcast_convert_type3A_1555 masked %gt3A_1502 : memref<2048x16xi32, #tpu.memory_space<vmem>>[vector<16xi32>, vector<16xi32>], vector<16xi32>, vector<16xi1>
          %broadcast_in_dim3A_1561 = arith.constant 1 : i32
          %broadcast_in_dim3A_1562 = vector.broadcast %broadcast_in_dim3A_1561 : i32 to vector<16xi32>
          tpu.vector_store_idx %arg9[%max3A_1513, %broadcast_in_dim3A_1562], %bitcast_convert_type3A_1556 masked %gt3A_1502 : memref<2048x16xi32, #tpu.memory_space<vmem>>[vector<16xi32>, vector<16xi32>], vector<16xi32>, vector<16xi1>
          %broadcast_in_dim3A_1563 = arith.constant 2 : i32
          %broadcast_in_dim3A_1564 = vector.broadcast %broadcast_in_dim3A_1563 : i32 to vector<16xi32>
          tpu.vector_store_idx %arg9[%max3A_1513, %broadcast_in_dim3A_1564], %bitcast_convert_type3A_1557 masked %gt3A_1502 : memref<2048x16xi32, #tpu.memory_space<vmem>>[vector<16xi32>, vector<16xi32>], vector<16xi32>, vector<16xi1>
          %broadcast_in_dim3A_1565 = arith.constant 3 : i32
          %broadcast_in_dim3A_1566 = vector.broadcast %broadcast_in_dim3A_1565 : i32 to vector<16xi32>
          tpu.vector_store_idx %arg9[%max3A_1513, %broadcast_in_dim3A_1566], %bitcast_convert_type3A_1558 masked %gt3A_1502 : memref<2048x16xi32, #tpu.memory_space<vmem>>[vector<16xi32>, vector<16xi32>], vector<16xi32>, vector<16xi1>
          %broadcast_in_dim3A_1567 = arith.constant 4 : i32
          %broadcast_in_dim3A_1568 = vector.broadcast %broadcast_in_dim3A_1567 : i32 to vector<16xi32>
          tpu.vector_store_idx %arg9[%max3A_1513, %broadcast_in_dim3A_1568], %broadcast_in_dim3A_1554 masked %gt3A_1502 : memref<2048x16xi32, #tpu.memory_space<vmem>>[vector<16xi32>, vector<16xi32>], vector<16xi32>, vector<16xi1>
          %broadcast_in_dim3A_1569 = arith.constant 5 : i32
          %broadcast_in_dim3A_1570 = vector.broadcast %broadcast_in_dim3A_1569 : i32 to vector<16xi32>
          tpu.vector_store_idx %arg9[%max3A_1513, %broadcast_in_dim3A_1570], %shift_right_logical3A_1523 masked %gt3A_1502 : memref<2048x16xi32, #tpu.memory_space<vmem>>[vector<16xi32>, vector<16xi32>], vector<16xi32>, vector<16xi1>
          %broadcast_in_dim3A_1571 = arith.constant 6 : i32
          %broadcast_in_dim3A_1572 = vector.broadcast %broadcast_in_dim3A_1571 : i32 to vector<16xi32>
          tpu.vector_store_idx %arg9[%max3A_1513, %broadcast_in_dim3A_1572], %shift_right_logical3A_1529 masked %gt3A_1502 : memref<2048x16xi32, #tpu.memory_space<vmem>>[vector<16xi32>, vector<16xi32>], vector<16xi32>, vector<16xi1>
          %broadcast_in_dim3A_1573 = arith.constant 7 : i32
          %broadcast_in_dim3A_1574 = vector.broadcast %broadcast_in_dim3A_1573 : i32 to vector<16xi32>
          tpu.vector_store_idx %arg9[%max3A_1513, %broadcast_in_dim3A_1574], %and3A_1532 masked %gt3A_1502 : memref<2048x16xi32, #tpu.memory_space<vmem>>[vector<16xi32>, vector<16xi32>], vector<16xi32>, vector<16xi1>
          %reduce_sum3A = arith.constant true
          %reduce_sum3A_1575 = vector.broadcast %reduce_sum3A : i1 to vector<16xi1>
          %reduce_sum3A_1576 = tpu.scan <sum>, %convert_element_type3A_1503 masked %reduce_sum3A_1575 : vector<16xi32>, vector<16xi1> -> vector<16xi32>
          %reduce_sum3A_1577 = vector.extract %reduce_sum3A_1576[15] : i32 from vector<16xi32>
          %add3A_1578 = arith.addi %scan3A_1497, %reduce_sum3A_1577 : i32
          scf.yield %add3A_1578 : i32
        }
        %scan3A_1395 = arith.constant 128 : i32
        %add3A_1396 = arith.addi %add3A_1321, %scan3A_1371 : i32
        %add3A_1397 = arith.constant 127 : i32
        %add3A_1398 = arith.addi %scan3A_1394, %add3A_1397 : i32
        %jit3A_1399 = arith.constant 128 : i32
        %div3A_1400 = arith.divsi %add3A_1398, %jit3A_1399 : i32
        %sign3A_1401 = arith.constant 0 : i32
        %sign3A_1402 = arith.cmpi sgt, %add3A_1398, %sign3A_1401 : i32
        %sign3A_1403 = arith.extui %sign3A_1402 : i1 to i32
        %sign3A_1404 = arith.constant 0 : i32
        %sign3A_1405 = arith.cmpi slt, %add3A_1398, %sign3A_1404 : i32
        %sign3A_1406 = arith.extui %sign3A_1405 : i1 to i32
        %sign3A_1407 = arith.subi %sign3A_1403, %sign3A_1406 : i32
        %sign3A_1408 = arith.constant 0 : i32
        %sign3A_1409 = arith.cmpi sgt, %jit3A_1399, %sign3A_1408 : i32
        %sign3A_1410 = arith.extui %sign3A_1409 : i1 to i32
        %sign3A_1411 = arith.constant 0 : i32
        %sign3A_1412 = arith.cmpi slt, %jit3A_1399, %sign3A_1411 : i32
        %sign3A_1413 = arith.extui %sign3A_1412 : i1 to i32
        %sign3A_1414 = arith.subi %sign3A_1410, %sign3A_1413 : i32
        %ne3A_1415 = arith.cmpi ne, %sign3A_1407, %sign3A_1414 : i32
        %rem3A_1416 = arith.remsi %add3A_1398, %jit3A_1399 : i32
        %ne3A_1417 = arith.constant 0 : i32
        %ne3A_1418 = arith.cmpi ne, %rem3A_1416, %ne3A_1417 : i32
        %and3A_1419 = arith.andi %ne3A_1415, %ne3A_1418 : i1
        %sub3A_1420 = arith.constant 1 : i32
        %sub3A_1421 = arith.subi %div3A_1400, %sub3A_1420 : i32
        %select_n3A_1422 = arith.select %and3A_1419, %sub3A_1421, %div3A_1400 : i32
        %while3A = arith.constant 0 : i32
        %while3A_1423 = arith.constant 0 : i32
        %while3A_1424 = arith.subi %select_n3A_1422, %while3A : i32
        %while3A_1425 = arith.addi %while3A, %while3A_1424 : i32
        %while3A_1426 = arith.constant 1 : i32
        %while3A_1427 = arith.divsi %while3A_1424, %while3A_1426 : i32
        %while3A_1428 = arith.muli %while3A_1427, %while3A_1426 : i32
        %while3A_1429 = arith.addi %while3A, %while3A_1428 : i32
        %while3A_1430 = arith.constant 1 : i32
        %while3A_1431 = scf.for %while3A_1496 = %while3A to %while3A_1429 step %while3A_1430 iter_args(%while3A_1497 = %while3A_1423) -> (i32)  : i32 {
          %mul3A_1498 = arith.constant 128 : i32
          %mul3A_1499 = arith.muli %while3A_1496, %mul3A_1498 : i32
          %add3A_1500 = arith.constant 0 : i32
          %add3A_1501 = arith.addi %mul3A_1499, %add3A_1500 : i32
          %add3A_1502 = vector.broadcast %add3A_1501 : i32 to vector<16xi32>
          %add3A_1503 = arith.addi %add3A_1502, %iota3A : vector<16xi32>
          %lt3A_1504 = vector.broadcast %scan3A_1394 : i32 to vector<16xi32>
          %lt3A_1505 = arith.cmpi slt, %add3A_1503, %lt3A_1504 : vector<16xi32>
          %add3A_1506 = vector.broadcast %add3A_1396 : i32 to vector<16xi32>
          %add3A_1507 = arith.addi %add3A_1506, %add3A_1503 : vector<16xi32>
          %add3A_1508 = arith.constant 2516584 : i32
          %add3A_1509 = vector.broadcast %add3A_1508 : i32 to vector<16xi32>
          %add3A_1510 = arith.addi %add3A_1509, %iota3A : vector<16xi32>
          %select_n3A_1511 = arith.select %lt3A_1505, %add3A_1507, %add3A_1510 : vector<16xi1>, vector<16xi32>
          %swap3A_1512 = arith.index_cast %while3A_1496 : i32 to index
          %swap3A_1513 = arith.constant 0 : index
          %swap3A_1514 = tpu.vector_load %arg10[%swap3A_1512, %swap3A_1513] {strides = array<i32>} : memref<16x128xi32, #tpu.memory_space<vmem>>, vector<16xi32>,
          tpu.vector_store %arg10[%swap3A_1512, %swap3A_1513], %select_n3A_1511 {strides = array<i32>} : memref<16x128xi32, #tpu.memory_space<vmem>>, vector<16xi32>,
          %mul3A_1515 = arith.constant 128 : i32
          %mul3A_1516 = arith.muli %while3A_1496, %mul3A_1515 : i32
          %add3A_1517 = arith.constant 16 : i32
          %add3A_1518 = arith.addi %mul3A_1516, %add3A_1517 : i32
          %add3A_1519 = vector.broadcast %add3A_1518 : i32 to vector<16xi32>
          %add3A_1520 = arith.addi %add3A_1519, %iota3A : vector<16xi32>
          %lt3A_1521 = vector.broadcast %scan3A_1394 : i32 to vector<16xi32>
          %lt3A_1522 = arith.cmpi slt, %add3A_1520, %lt3A_1521 : vector<16xi32>
          %add3A_1523 = vector.broadcast %add3A_1396 : i32 to vector<16xi32>
          %add3A_1524 = arith.addi %add3A_1523, %add3A_1520 : vector<16xi32>
          %add3A_1525 = arith.constant 2516600 : i32
          %add3A_1526 = vector.broadcast %add3A_1525 : i32 to vector<16xi32>
          %add3A_1527 = arith.addi %add3A_1526, %iota3A : vector<16xi32>
          %select_n3A_1528 = arith.select %lt3A_1522, %add3A_1524, %add3A_1527 : vector<16xi1>, vector<16xi32>
          %swap3A_1529 = arith.index_cast %while3A_1496 : i32 to index
          %swap3A_1530 = arith.constant 16 : index
          %swap3A_1531 = tpu.vector_load %arg10[%swap3A_1529, %swap3A_1530] {strides = array<i32>} : memref<16x128xi32, #tpu.memory_space<vmem>>, vector<16xi32>,
          tpu.vector_store %arg10[%swap3A_1529, %swap3A_1530], %select_n3A_1528 {strides = array<i32>} : memref<16x128xi32, #tpu.memory_space<vmem>>, vector<16xi32>,
          %mul3A_1532 = arith.constant 128 : i32
          %mul3A_1533 = arith.muli %while3A_1496, %mul3A_1532 : i32
          %add3A_1534 = arith.constant 32 : i32
          %add3A_1535 = arith.addi %mul3A_1533, %add3A_1534 : i32
          %add3A_1536 = vector.broadcast %add3A_1535 : i32 to vector<16xi32>
          %add3A_1537 = arith.addi %add3A_1536, %iota3A : vector<16xi32>
          %lt3A_1538 = vector.broadcast %scan3A_1394 : i32 to vector<16xi32>
          %lt3A_1539 = arith.cmpi slt, %add3A_1537, %lt3A_1538 : vector<16xi32>
          %add3A_1540 = vector.broadcast %add3A_1396 : i32 to vector<16xi32>
          %add3A_1541 = arith.addi %add3A_1540, %add3A_1537 : vector<16xi32>
          %add3A_1542 = arith.constant 2516616 : i32
          %add3A_1543 = vector.broadcast %add3A_1542 : i32 to vector<16xi32>
          %add3A_1544 = arith.addi %add3A_1543, %iota3A : vector<16xi32>
          %select_n3A_1545 = arith.select %lt3A_1539, %add3A_1541, %add3A_1544 : vector<16xi1>, vector<16xi32>
          %swap3A_1546 = arith.index_cast %while3A_1496 : i32 to index
          %swap3A_1547 = arith.constant 32 : index
          %swap3A_1548 = tpu.vector_load %arg10[%swap3A_1546, %swap3A_1547] {strides = array<i32>} : memref<16x128xi32, #tpu.memory_space<vmem>>, vector<16xi32>,
          tpu.vector_store %arg10[%swap3A_1546, %swap3A_1547], %select_n3A_1545 {strides = array<i32>} : memref<16x128xi32, #tpu.memory_space<vmem>>, vector<16xi32>,
          %mul3A_1549 = arith.constant 128 : i32
          %mul3A_1550 = arith.muli %while3A_1496, %mul3A_1549 : i32
          %add3A_1551 = arith.constant 48 : i32
          %add3A_1552 = arith.addi %mul3A_1550, %add3A_1551 : i32
          %add3A_1553 = vector.broadcast %add3A_1552 : i32 to vector<16xi32>
          %add3A_1554 = arith.addi %add3A_1553, %iota3A : vector<16xi32>
          %lt3A_1555 = vector.broadcast %scan3A_1394 : i32 to vector<16xi32>
          %lt3A_1556 = arith.cmpi slt, %add3A_1554, %lt3A_1555 : vector<16xi32>
          %add3A_1557 = vector.broadcast %add3A_1396 : i32 to vector<16xi32>
          %add3A_1558 = arith.addi %add3A_1557, %add3A_1554 : vector<16xi32>
          %add3A_1559 = arith.constant 2516632 : i32
          %add3A_1560 = vector.broadcast %add3A_1559 : i32 to vector<16xi32>
          %add3A_1561 = arith.addi %add3A_1560, %iota3A : vector<16xi32>
          %select_n3A_1562 = arith.select %lt3A_1556, %add3A_1558, %add3A_1561 : vector<16xi1>, vector<16xi32>
          %swap3A_1563 = arith.index_cast %while3A_1496 : i32 to index
          %swap3A_1564 = arith.constant 48 : index
          %swap3A_1565 = tpu.vector_load %arg10[%swap3A_1563, %swap3A_1564] {strides = array<i32>} : memref<16x128xi32, #tpu.memory_space<vmem>>, vector<16xi32>,
          tpu.vector_store %arg10[%swap3A_1563, %swap3A_1564], %select_n3A_1562 {strides = array<i32>} : memref<16x128xi32, #tpu.memory_space<vmem>>, vector<16xi32>,
          %mul3A_1566 = arith.constant 128 : i32
          %mul3A_1567 = arith.muli %while3A_1496, %mul3A_1566 : i32
          %add3A_1568 = arith.constant 64 : i32
          %add3A_1569 = arith.addi %mul3A_1567, %add3A_1568 : i32
          %add3A_1570 = vector.broadcast %add3A_1569 : i32 to vector<16xi32>
          %add3A_1571 = arith.addi %add3A_1570, %iota3A : vector<16xi32>
          %lt3A_1572 = vector.broadcast %scan3A_1394 : i32 to vector<16xi32>
          %lt3A_1573 = arith.cmpi slt, %add3A_1571, %lt3A_1572 : vector<16xi32>
          %add3A_1574 = vector.broadcast %add3A_1396 : i32 to vector<16xi32>
          %add3A_1575 = arith.addi %add3A_1574, %add3A_1571 : vector<16xi32>
          %add3A_1576 = arith.constant 2516648 : i32
          %add3A_1577 = vector.broadcast %add3A_1576 : i32 to vector<16xi32>
          %add3A_1578 = arith.addi %add3A_1577, %iota3A : vector<16xi32>
          %select_n3A_1579 = arith.select %lt3A_1573, %add3A_1575, %add3A_1578 : vector<16xi1>, vector<16xi32>
          %swap3A_1580 = arith.index_cast %while3A_1496 : i32 to index
          %swap3A_1581 = arith.constant 64 : index
          %swap3A_1582 = tpu.vector_load %arg10[%swap3A_1580, %swap3A_1581] {strides = array<i32>} : memref<16x128xi32, #tpu.memory_space<vmem>>, vector<16xi32>,
          tpu.vector_store %arg10[%swap3A_1580, %swap3A_1581], %select_n3A_1579 {strides = array<i32>} : memref<16x128xi32, #tpu.memory_space<vmem>>, vector<16xi32>,
          %mul3A_1583 = arith.constant 128 : i32
          %mul3A_1584 = arith.muli %while3A_1496, %mul3A_1583 : i32
          %add3A_1585 = arith.constant 80 : i32
          %add3A_1586 = arith.addi %mul3A_1584, %add3A_1585 : i32
          %add3A_1587 = vector.broadcast %add3A_1586 : i32 to vector<16xi32>
          %add3A_1588 = arith.addi %add3A_1587, %iota3A : vector<16xi32>
          %lt3A_1589 = vector.broadcast %scan3A_1394 : i32 to vector<16xi32>
          %lt3A_1590 = arith.cmpi slt, %add3A_1588, %lt3A_1589 : vector<16xi32>
          %add3A_1591 = vector.broadcast %add3A_1396 : i32 to vector<16xi32>
          %add3A_1592 = arith.addi %add3A_1591, %add3A_1588 : vector<16xi32>
          %add3A_1593 = arith.constant 2516664 : i32
          %add3A_1594 = vector.broadcast %add3A_1593 : i32 to vector<16xi32>
          %add3A_1595 = arith.addi %add3A_1594, %iota3A : vector<16xi32>
          %select_n3A_1596 = arith.select %lt3A_1590, %add3A_1592, %add3A_1595 : vector<16xi1>, vector<16xi32>
          %swap3A_1597 = arith.index_cast %while3A_1496 : i32 to index
          %swap3A_1598 = arith.constant 80 : index
          %swap3A_1599 = tpu.vector_load %arg10[%swap3A_1597, %swap3A_1598] {strides = array<i32>} : memref<16x128xi32, #tpu.memory_space<vmem>>, vector<16xi32>,
          tpu.vector_store %arg10[%swap3A_1597, %swap3A_1598], %select_n3A_1596 {strides = array<i32>} : memref<16x128xi32, #tpu.memory_space<vmem>>, vector<16xi32>,
          %mul3A_1600 = arith.constant 128 : i32
          %mul3A_1601 = arith.muli %while3A_1496, %mul3A_1600 : i32
          %add3A_1602 = arith.constant 96 : i32
          %add3A_1603 = arith.addi %mul3A_1601, %add3A_1602 : i32
          %add3A_1604 = vector.broadcast %add3A_1603 : i32 to vector<16xi32>
          %add3A_1605 = arith.addi %add3A_1604, %iota3A : vector<16xi32>
          %lt3A_1606 = vector.broadcast %scan3A_1394 : i32 to vector<16xi32>
          %lt3A_1607 = arith.cmpi slt, %add3A_1605, %lt3A_1606 : vector<16xi32>
          %add3A_1608 = vector.broadcast %add3A_1396 : i32 to vector<16xi32>
          %add3A_1609 = arith.addi %add3A_1608, %add3A_1605 : vector<16xi32>
          %add3A_1610 = arith.constant 2516680 : i32
          %add3A_1611 = vector.broadcast %add3A_1610 : i32 to vector<16xi32>
          %add3A_1612 = arith.addi %add3A_1611, %iota3A : vector<16xi32>
          %select_n3A_1613 = arith.select %lt3A_1607, %add3A_1609, %add3A_1612 : vector<16xi1>, vector<16xi32>
          %swap3A_1614 = arith.index_cast %while3A_1496 : i32 to index
          %swap3A_1615 = arith.constant 96 : index
          %swap3A_1616 = tpu.vector_load %arg10[%swap3A_1614, %swap3A_1615] {strides = array<i32>} : memref<16x128xi32, #tpu.memory_space<vmem>>, vector<16xi32>,
          tpu.vector_store %arg10[%swap3A_1614, %swap3A_1615], %select_n3A_1613 {strides = array<i32>} : memref<16x128xi32, #tpu.memory_space<vmem>>, vector<16xi32>,
          %mul3A_1617 = arith.constant 128 : i32
          %mul3A_1618 = arith.muli %while3A_1496, %mul3A_1617 : i32
          %add3A_1619 = arith.constant 112 : i32
          %add3A_1620 = arith.addi %mul3A_1618, %add3A_1619 : i32
          %add3A_1621 = vector.broadcast %add3A_1620 : i32 to vector<16xi32>
          %add3A_1622 = arith.addi %add3A_1621, %iota3A : vector<16xi32>
          %lt3A_1623 = vector.broadcast %scan3A_1394 : i32 to vector<16xi32>
          %lt3A_1624 = arith.cmpi slt, %add3A_1622, %lt3A_1623 : vector<16xi32>
          %add3A_1625 = vector.broadcast %add3A_1396 : i32 to vector<16xi32>
          %add3A_1626 = arith.addi %add3A_1625, %add3A_1622 : vector<16xi32>
          %add3A_1627 = arith.constant 2516696 : i32
          %add3A_1628 = vector.broadcast %add3A_1627 : i32 to vector<16xi32>
          %add3A_1629 = arith.addi %add3A_1628, %iota3A : vector<16xi32>
          %select_n3A_1630 = arith.select %lt3A_1624, %add3A_1626, %add3A_1629 : vector<16xi1>, vector<16xi32>
          %swap3A_1631 = arith.index_cast %while3A_1496 : i32 to index
          %swap3A_1632 = arith.constant 112 : index
          %swap3A_1633 = tpu.vector_load %arg10[%swap3A_1631, %swap3A_1632] {strides = array<i32>} : memref<16x128xi32, #tpu.memory_space<vmem>>, vector<16xi32>,
          tpu.vector_store %arg10[%swap3A_1631, %swap3A_1632], %select_n3A_1630 {strides = array<i32>} : memref<16x128xi32, #tpu.memory_space<vmem>>, vector<16xi32>,
          %mul3A_1634 = arith.constant 128 : i32
          %mul3A_1635 = arith.muli %while3A_1496, %mul3A_1634 : i32
          %dma_start3A_1636 = arith.constant 0 : i32
          %dma_start3A_1637 = tpu.memref_slice %arg9[%mul3A_1635, %dma_start3A_1636] : memref<2048x16xi32, #tpu.memory_space<vmem>> -> memref<128x16xi32, #tpu.memory_space<vmem>>
          %dma_start3A_1638 = arith.constant 0 : i32
          %dma_start3A_1639 = tpu.memref_slice %arg10[%while3A_1496, %dma_start3A_1638] : memref<16x128xi32, #tpu.memory_space<vmem>> -> memref<1x128xi32, #tpu.memory_space<vmem>>
          %dma_start3A_1640 = tpu.memref_squeeze %dma_start3A_1639 : memref<1x128xi32, #tpu.memory_space<vmem>> -> memref<128xi32, #tpu.memory_space<vmem>>
          %dma_start3A_1641 = arith.constant 0 : i32
          %dma_start3A_1642 = arith.constant 0 : i32
          %dma_start3A_1643 = tpu.memref_slice %arg3[%dma_start3A_1641, %dma_start3A_1642] : memref<2516712x16xi32, #tpu.memory_space<hbm>> -> memref<2516712x16xi32, #tpu.memory_space<hbm>>
          tpu.enqueue_indirect_dma source(%dma_start3A_1637 : memref<128x16xi32, #tpu.memory_space<vmem>>) target(%dma_start3A_1643 : memref<2516712x16xi32, #tpu.memory_space<hbm>>) offsets(%dma_start3A_1640 : memref<128xi32, #tpu.memory_space<vmem>>) semaphore(%arg22 : memref<!tpu.dma_semaphore, #tpu.memory_space<semaphore_mem>>)
          %dma_wait3A_1644 = arith.constant 0 : i32
          %dma_wait3A_1645 = tpu.memref_slice %arg9[%mul3A_1635, %dma_wait3A_1644] : memref<2048x16xi32, #tpu.memory_space<vmem>> -> memref<128x16xi32, #tpu.memory_space<vmem>>
          %dma_wait3A_1646 = arith.constant 0 : i32
          %dma_wait3A_1647 = tpu.memref_slice %arg10[%while3A_1496, %dma_wait3A_1646] : memref<16x128xi32, #tpu.memory_space<vmem>> -> memref<1x128xi32, #tpu.memory_space<vmem>>
          %dma_wait3A_1648 = tpu.memref_squeeze %dma_wait3A_1647 : memref<1x128xi32, #tpu.memory_space<vmem>> -> memref<128xi32, #tpu.memory_space<vmem>>
          %dma_wait3A_1649 = arith.constant 0 : i32
          %dma_wait3A_1650 = arith.constant 0 : i32
          %dma_wait3A_1651 = tpu.memref_slice %arg3[%dma_wait3A_1649, %dma_wait3A_1650] : memref<2516712x16xi32, #tpu.memory_space<hbm>> -> memref<2516712x16xi32, #tpu.memory_space<hbm>>
          tpu.wait_indirect_dma semaphore(%arg22 : memref<!tpu.dma_semaphore, #tpu.memory_space<semaphore_mem>>) src(%dma_wait3A_1645 : memref<128x16xi32, #tpu.memory_space<vmem>>) dst(%dma_wait3A_1651 : memref<2516712x16xi32, #tpu.memory_space<hbm>>)
          %while3A_1652 = arith.constant 0 : i32
          scf.yield %while3A_1652 : i32
        }
        %while3A_1432 = arith.constant 1 : i32
        %while3A_1433 = scf.for %while3A_1496 = %while3A_1429 to %while3A_1425 step %while3A_1432 iter_args(%while3A_1497 = %while3A_1431) -> (i32)  : i32 {
          %mul3A_1498 = arith.constant 128 : i32
          %mul3A_1499 = arith.muli %while3A_1496, %mul3A_1498 : i32
          %add3A_1500 = arith.constant 0 : i32
          %add3A_1501 = arith.addi %mul3A_1499, %add3A_1500 : i32
          %add3A_1502 = vector.broadcast %add3A_1501 : i32 to vector<16xi32>
          %add3A_1503 = arith.addi %add3A_1502, %iota3A : vector<16xi32>
          %lt3A_1504 = vector.broadcast %scan3A_1394 : i32 to vector<16xi32>
          %lt3A_1505 = arith.cmpi slt, %add3A_1503, %lt3A_1504 : vector<16xi32>
          %add3A_1506 = vector.broadcast %add3A_1396 : i32 to vector<16xi32>
          %add3A_1507 = arith.addi %add3A_1506, %add3A_1503 : vector<16xi32>
          %add3A_1508 = arith.constant 2516584 : i32
          %add3A_1509 = vector.broadcast %add3A_1508 : i32 to vector<16xi32>
          %add3A_1510 = arith.addi %add3A_1509, %iota3A : vector<16xi32>
          %select_n3A_1511 = arith.select %lt3A_1505, %add3A_1507, %add3A_1510 : vector<16xi1>, vector<16xi32>
          %swap3A_1512 = arith.index_cast %while3A_1496 : i32 to index
          %swap3A_1513 = arith.constant 0 : index
          %swap3A_1514 = tpu.vector_load %arg10[%swap3A_1512, %swap3A_1513] {strides = array<i32>} : memref<16x128xi32, #tpu.memory_space<vmem>>, vector<16xi32>,
          tpu.vector_store %arg10[%swap3A_1512, %swap3A_1513], %select_n3A_1511 {strides = array<i32>} : memref<16x128xi32, #tpu.memory_space<vmem>>, vector<16xi32>,
          %mul3A_1515 = arith.constant 128 : i32
          %mul3A_1516 = arith.muli %while3A_1496, %mul3A_1515 : i32
          %add3A_1517 = arith.constant 16 : i32
          %add3A_1518 = arith.addi %mul3A_1516, %add3A_1517 : i32
          %add3A_1519 = vector.broadcast %add3A_1518 : i32 to vector<16xi32>
          %add3A_1520 = arith.addi %add3A_1519, %iota3A : vector<16xi32>
          %lt3A_1521 = vector.broadcast %scan3A_1394 : i32 to vector<16xi32>
          %lt3A_1522 = arith.cmpi slt, %add3A_1520, %lt3A_1521 : vector<16xi32>
          %add3A_1523 = vector.broadcast %add3A_1396 : i32 to vector<16xi32>
          %add3A_1524 = arith.addi %add3A_1523, %add3A_1520 : vector<16xi32>
          %add3A_1525 = arith.constant 2516600 : i32
          %add3A_1526 = vector.broadcast %add3A_1525 : i32 to vector<16xi32>
          %add3A_1527 = arith.addi %add3A_1526, %iota3A : vector<16xi32>
          %select_n3A_1528 = arith.select %lt3A_1522, %add3A_1524, %add3A_1527 : vector<16xi1>, vector<16xi32>
          %swap3A_1529 = arith.index_cast %while3A_1496 : i32 to index
          %swap3A_1530 = arith.constant 16 : index
          %swap3A_1531 = tpu.vector_load %arg10[%swap3A_1529, %swap3A_1530] {strides = array<i32>} : memref<16x128xi32, #tpu.memory_space<vmem>>, vector<16xi32>,
          tpu.vector_store %arg10[%swap3A_1529, %swap3A_1530], %select_n3A_1528 {strides = array<i32>} : memref<16x128xi32, #tpu.memory_space<vmem>>, vector<16xi32>,
          %mul3A_1532 = arith.constant 128 : i32
          %mul3A_1533 = arith.muli %while3A_1496, %mul3A_1532 : i32
          %add3A_1534 = arith.constant 32 : i32
          %add3A_1535 = arith.addi %mul3A_1533, %add3A_1534 : i32
          %add3A_1536 = vector.broadcast %add3A_1535 : i32 to vector<16xi32>
          %add3A_1537 = arith.addi %add3A_1536, %iota3A : vector<16xi32>
          %lt3A_1538 = vector.broadcast %scan3A_1394 : i32 to vector<16xi32>
          %lt3A_1539 = arith.cmpi slt, %add3A_1537, %lt3A_1538 : vector<16xi32>
          %add3A_1540 = vector.broadcast %add3A_1396 : i32 to vector<16xi32>
          %add3A_1541 = arith.addi %add3A_1540, %add3A_1537 : vector<16xi32>
          %add3A_1542 = arith.constant 2516616 : i32
          %add3A_1543 = vector.broadcast %add3A_1542 : i32 to vector<16xi32>
          %add3A_1544 = arith.addi %add3A_1543, %iota3A : vector<16xi32>
          %select_n3A_1545 = arith.select %lt3A_1539, %add3A_1541, %add3A_1544 : vector<16xi1>, vector<16xi32>
          %swap3A_1546 = arith.index_cast %while3A_1496 : i32 to index
          %swap3A_1547 = arith.constant 32 : index
          %swap3A_1548 = tpu.vector_load %arg10[%swap3A_1546, %swap3A_1547] {strides = array<i32>} : memref<16x128xi32, #tpu.memory_space<vmem>>, vector<16xi32>,
          tpu.vector_store %arg10[%swap3A_1546, %swap3A_1547], %select_n3A_1545 {strides = array<i32>} : memref<16x128xi32, #tpu.memory_space<vmem>>, vector<16xi32>,
          %mul3A_1549 = arith.constant 128 : i32
          %mul3A_1550 = arith.muli %while3A_1496, %mul3A_1549 : i32
          %add3A_1551 = arith.constant 48 : i32
          %add3A_1552 = arith.addi %mul3A_1550, %add3A_1551 : i32
          %add3A_1553 = vector.broadcast %add3A_1552 : i32 to vector<16xi32>
          %add3A_1554 = arith.addi %add3A_1553, %iota3A : vector<16xi32>
          %lt3A_1555 = vector.broadcast %scan3A_1394 : i32 to vector<16xi32>
          %lt3A_1556 = arith.cmpi slt, %add3A_1554, %lt3A_1555 : vector<16xi32>
          %add3A_1557 = vector.broadcast %add3A_1396 : i32 to vector<16xi32>
          %add3A_1558 = arith.addi %add3A_1557, %add3A_1554 : vector<16xi32>
          %add3A_1559 = arith.constant 2516632 : i32
          %add3A_1560 = vector.broadcast %add3A_1559 : i32 to vector<16xi32>
          %add3A_1561 = arith.addi %add3A_1560, %iota3A : vector<16xi32>
          %select_n3A_1562 = arith.select %lt3A_1556, %add3A_1558, %add3A_1561 : vector<16xi1>, vector<16xi32>
          %swap3A_1563 = arith.index_cast %while3A_1496 : i32 to index
          %swap3A_1564 = arith.constant 48 : index
          %swap3A_1565 = tpu.vector_load %arg10[%swap3A_1563, %swap3A_1564] {strides = array<i32>} : memref<16x128xi32, #tpu.memory_space<vmem>>, vector<16xi32>,
          tpu.vector_store %arg10[%swap3A_1563, %swap3A_1564], %select_n3A_1562 {strides = array<i32>} : memref<16x128xi32, #tpu.memory_space<vmem>>, vector<16xi32>,
          %mul3A_1566 = arith.constant 128 : i32
          %mul3A_1567 = arith.muli %while3A_1496, %mul3A_1566 : i32
          %add3A_1568 = arith.constant 64 : i32
          %add3A_1569 = arith.addi %mul3A_1567, %add3A_1568 : i32
          %add3A_1570 = vector.broadcast %add3A_1569 : i32 to vector<16xi32>
          %add3A_1571 = arith.addi %add3A_1570, %iota3A : vector<16xi32>
          %lt3A_1572 = vector.broadcast %scan3A_1394 : i32 to vector<16xi32>
          %lt3A_1573 = arith.cmpi slt, %add3A_1571, %lt3A_1572 : vector<16xi32>
          %add3A_1574 = vector.broadcast %add3A_1396 : i32 to vector<16xi32>
          %add3A_1575 = arith.addi %add3A_1574, %add3A_1571 : vector<16xi32>
          %add3A_1576 = arith.constant 2516648 : i32
          %add3A_1577 = vector.broadcast %add3A_1576 : i32 to vector<16xi32>
          %add3A_1578 = arith.addi %add3A_1577, %iota3A : vector<16xi32>
          %select_n3A_1579 = arith.select %lt3A_1573, %add3A_1575, %add3A_1578 : vector<16xi1>, vector<16xi32>
          %swap3A_1580 = arith.index_cast %while3A_1496 : i32 to index
          %swap3A_1581 = arith.constant 64 : index
          %swap3A_1582 = tpu.vector_load %arg10[%swap3A_1580, %swap3A_1581] {strides = array<i32>} : memref<16x128xi32, #tpu.memory_space<vmem>>, vector<16xi32>,
          tpu.vector_store %arg10[%swap3A_1580, %swap3A_1581], %select_n3A_1579 {strides = array<i32>} : memref<16x128xi32, #tpu.memory_space<vmem>>, vector<16xi32>,
          %mul3A_1583 = arith.constant 128 : i32
          %mul3A_1584 = arith.muli %while3A_1496, %mul3A_1583 : i32
          %add3A_1585 = arith.constant 80 : i32
          %add3A_1586 = arith.addi %mul3A_1584, %add3A_1585 : i32
          %add3A_1587 = vector.broadcast %add3A_1586 : i32 to vector<16xi32>
          %add3A_1588 = arith.addi %add3A_1587, %iota3A : vector<16xi32>
          %lt3A_1589 = vector.broadcast %scan3A_1394 : i32 to vector<16xi32>
          %lt3A_1590 = arith.cmpi slt, %add3A_1588, %lt3A_1589 : vector<16xi32>
          %add3A_1591 = vector.broadcast %add3A_1396 : i32 to vector<16xi32>
          %add3A_1592 = arith.addi %add3A_1591, %add3A_1588 : vector<16xi32>
          %add3A_1593 = arith.constant 2516664 : i32
          %add3A_1594 = vector.broadcast %add3A_1593 : i32 to vector<16xi32>
          %add3A_1595 = arith.addi %add3A_1594, %iota3A : vector<16xi32>
          %select_n3A_1596 = arith.select %lt3A_1590, %add3A_1592, %add3A_1595 : vector<16xi1>, vector<16xi32>
          %swap3A_1597 = arith.index_cast %while3A_1496 : i32 to index
          %swap3A_1598 = arith.constant 80 : index
          %swap3A_1599 = tpu.vector_load %arg10[%swap3A_1597, %swap3A_1598] {strides = array<i32>} : memref<16x128xi32, #tpu.memory_space<vmem>>, vector<16xi32>,
          tpu.vector_store %arg10[%swap3A_1597, %swap3A_1598], %select_n3A_1596 {strides = array<i32>} : memref<16x128xi32, #tpu.memory_space<vmem>>, vector<16xi32>,
          %mul3A_1600 = arith.constant 128 : i32
          %mul3A_1601 = arith.muli %while3A_1496, %mul3A_1600 : i32
          %add3A_1602 = arith.constant 96 : i32
          %add3A_1603 = arith.addi %mul3A_1601, %add3A_1602 : i32
          %add3A_1604 = vector.broadcast %add3A_1603 : i32 to vector<16xi32>
          %add3A_1605 = arith.addi %add3A_1604, %iota3A : vector<16xi32>
          %lt3A_1606 = vector.broadcast %scan3A_1394 : i32 to vector<16xi32>
          %lt3A_1607 = arith.cmpi slt, %add3A_1605, %lt3A_1606 : vector<16xi32>
          %add3A_1608 = vector.broadcast %add3A_1396 : i32 to vector<16xi32>
          %add3A_1609 = arith.addi %add3A_1608, %add3A_1605 : vector<16xi32>
          %add3A_1610 = arith.constant 2516680 : i32
          %add3A_1611 = vector.broadcast %add3A_1610 : i32 to vector<16xi32>
          %add3A_1612 = arith.addi %add3A_1611, %iota3A : vector<16xi32>
          %select_n3A_1613 = arith.select %lt3A_1607, %add3A_1609, %add3A_1612 : vector<16xi1>, vector<16xi32>
          %swap3A_1614 = arith.index_cast %while3A_1496 : i32 to index
          %swap3A_1615 = arith.constant 96 : index
          %swap3A_1616 = tpu.vector_load %arg10[%swap3A_1614, %swap3A_1615] {strides = array<i32>} : memref<16x128xi32, #tpu.memory_space<vmem>>, vector<16xi32>,
          tpu.vector_store %arg10[%swap3A_1614, %swap3A_1615], %select_n3A_1613 {strides = array<i32>} : memref<16x128xi32, #tpu.memory_space<vmem>>, vector<16xi32>,
          %mul3A_1617 = arith.constant 128 : i32
          %mul3A_1618 = arith.muli %while3A_1496, %mul3A_1617 : i32
          %add3A_1619 = arith.constant 112 : i32
          %add3A_1620 = arith.addi %mul3A_1618, %add3A_1619 : i32
          %add3A_1621 = vector.broadcast %add3A_1620 : i32 to vector<16xi32>
          %add3A_1622 = arith.addi %add3A_1621, %iota3A : vector<16xi32>
          %lt3A_1623 = vector.broadcast %scan3A_1394 : i32 to vector<16xi32>
          %lt3A_1624 = arith.cmpi slt, %add3A_1622, %lt3A_1623 : vector<16xi32>
          %add3A_1625 = vector.broadcast %add3A_1396 : i32 to vector<16xi32>
          %add3A_1626 = arith.addi %add3A_1625, %add3A_1622 : vector<16xi32>
          %add3A_1627 = arith.constant 2516696 : i32
          %add3A_1628 = vector.broadcast %add3A_1627 : i32 to vector<16xi32>
          %add3A_1629 = arith.addi %add3A_1628, %iota3A : vector<16xi32>
          %select_n3A_1630 = arith.select %lt3A_1624, %add3A_1626, %add3A_1629 : vector<16xi1>, vector<16xi32>
          %swap3A_1631 = arith.index_cast %while3A_1496 : i32 to index
          %swap3A_1632 = arith.constant 112 : index
          %swap3A_1633 = tpu.vector_load %arg10[%swap3A_1631, %swap3A_1632] {strides = array<i32>} : memref<16x128xi32, #tpu.memory_space<vmem>>, vector<16xi32>,
          tpu.vector_store %arg10[%swap3A_1631, %swap3A_1632], %select_n3A_1630 {strides = array<i32>} : memref<16x128xi32, #tpu.memory_space<vmem>>, vector<16xi32>,
          %mul3A_1634 = arith.constant 128 : i32
          %mul3A_1635 = arith.muli %while3A_1496, %mul3A_1634 : i32
          %dma_start3A_1636 = arith.constant 0 : i32
          %dma_start3A_1637 = tpu.memref_slice %arg9[%mul3A_1635, %dma_start3A_1636] : memref<2048x16xi32, #tpu.memory_space<vmem>> -> memref<128x16xi32, #tpu.memory_space<vmem>>
          %dma_start3A_1638 = arith.constant 0 : i32
          %dma_start3A_1639 = tpu.memref_slice %arg10[%while3A_1496, %dma_start3A_1638] : memref<16x128xi32, #tpu.memory_space<vmem>> -> memref<1x128xi32, #tpu.memory_space<vmem>>
          %dma_start3A_1640 = tpu.memref_squeeze %dma_start3A_1639 : memref<1x128xi32, #tpu.memory_space<vmem>> -> memref<128xi32, #tpu.memory_space<vmem>>
          %dma_start3A_1641 = arith.constant 0 : i32
          %dma_start3A_1642 = arith.constant 0 : i32
          %dma_start3A_1643 = tpu.memref_slice %arg3[%dma_start3A_1641, %dma_start3A_1642] : memref<2516712x16xi32, #tpu.memory_space<hbm>> -> memref<2516712x16xi32, #tpu.memory_space<hbm>>
          tpu.enqueue_indirect_dma source(%dma_start3A_1637 : memref<128x16xi32, #tpu.memory_space<vmem>>) target(%dma_start3A_1643 : memref<2516712x16xi32, #tpu.memory_space<hbm>>) offsets(%dma_start3A_1640 : memref<128xi32, #tpu.memory_space<vmem>>) semaphore(%arg22 : memref<!tpu.dma_semaphore, #tpu.memory_space<semaphore_mem>>)
          %dma_wait3A_1644 = arith.constant 0 : i32
          %dma_wait3A_1645 = tpu.memref_slice %arg9[%mul3A_1635, %dma_wait3A_1644] : memref<2048x16xi32, #tpu.memory_space<vmem>> -> memref<128x16xi32, #tpu.memory_space<vmem>>
          %dma_wait3A_1646 = arith.constant 0 : i32
          %dma_wait3A_1647 = tpu.memref_slice %arg10[%while3A_1496, %dma_wait3A_1646] : memref<16x128xi32, #tpu.memory_space<vmem>> -> memref<1x128xi32, #tpu.memory_space<vmem>>
          %dma_wait3A_1648 = tpu.memref_squeeze %dma_wait3A_1647 : memref<1x128xi32, #tpu.memory_space<vmem>> -> memref<128xi32, #tpu.memory_space<vmem>>
          %dma_wait3A_1649 = arith.constant 0 : i32
          %dma_wait3A_1650 = arith.constant 0 : i32
          %dma_wait3A_1651 = tpu.memref_slice %arg3[%dma_wait3A_1649, %dma_wait3A_1650] : memref<2516712x16xi32, #tpu.memory_space<hbm>> -> memref<2516712x16xi32, #tpu.memory_space<hbm>>
          tpu.wait_indirect_dma semaphore(%arg22 : memref<!tpu.dma_semaphore, #tpu.memory_space<semaphore_mem>>) src(%dma_wait3A_1645 : memref<128x16xi32, #tpu.memory_space<vmem>>) dst(%dma_wait3A_1651 : memref<2516712x16xi32, #tpu.memory_space<hbm>>)
          %while3A_1652 = arith.constant 0 : i32
          scf.yield %while3A_1652 : i32
        }
        %add3A_1434 = arith.addi %scan3A_1371, %scan3A_1394 : i32
        %mul3A_1435 = arith.constant 2048 : i32
        %mul3A_1436 = arith.muli %add3A_1375, %mul3A_1435 : i32
        %add3A_1437 = arith.addi %mul3A_17, %mul3A_1436 : i32
        %dma_wait3A_1438 = tpu.memref_slice %arg2[%add3A, %add3A_1437] : memref<4x2097152xf32, #tpu.memory_space<hbm>> -> memref<1x2048xf32, #tpu.memory_space<hbm>>
        %dma_wait3A_1439 = tpu.memref_squeeze %dma_wait3A_1438 : memref<1x2048xf32, #tpu.memory_space<hbm>> -> memref<2048xf32, #tpu.memory_space<hbm>>
        %dma_wait3A_1440 = tpu.memref_slice %arg2[%add3A, %add3A_1437] : memref<4x2097152xf32, #tpu.memory_space<hbm>> -> memref<1x2048xf32, #tpu.memory_space<hbm>>
        %dma_wait3A_1441 = tpu.memref_squeeze %dma_wait3A_1440 : memref<1x2048xf32, #tpu.memory_space<hbm>> -> memref<2048xf32, #tpu.memory_space<hbm>>
        tpu.wait_dma2 semaphore(%arg24 : memref<!tpu.dma_semaphore, #tpu.memory_space<semaphore_mem>>) src(%dma_wait3A_1441 : memref<2048xf32, #tpu.memory_space<hbm>>) dst(%arg5 : memref<2048xf32, #tpu.memory_space<vmem>>)
        %add3A_1442 = arith.constant 1 : i32
        %add3A_1443 = arith.addi %add3A_1375, %add3A_1442 : i32
        %lt3A_1444 = arith.constant 64 : i32
        %lt3A_1445 = arith.cmpi slt, %add3A_1443, %lt3A_1444 : i32
        %convert_element_type3A_1446 = arith.extui %lt3A_1445 : i1 to i32
        %cond3A_1447 = arith.constant 0 : i32
        %cond3A_1448 = arith.cmpi ne, %convert_element_type3A_1446, %cond3A_1447 : i32
        scf.if %cond3A_1448 {
          %add3A_1496 = arith.constant 1 : i32
          %add3A_1497 = arith.addi %add3A_1375, %add3A_1496 : i32
          %mul3A_1498 = arith.constant 2048 : i32
          %mul3A_1499 = arith.muli %add3A_1497, %mul3A_1498 : i32
          %add3A_1500 = arith.addi %mul3A_17, %mul3A_1499 : i32
          %dma_start3A_1501 = tpu.memref_slice %arg2[%add3A, %add3A_1500] : memref<4x2097152xf32, #tpu.memory_space<hbm>> -> memref<1x2048xf32, #tpu.memory_space<hbm>>
          %dma_start3A_1502 = tpu.memref_squeeze %dma_start3A_1501 : memref<1x2048xf32, #tpu.memory_space<hbm>> -> memref<2048xf32, #tpu.memory_space<hbm>>
          %dma_start3A_1503 = tpu.memref_slice %arg2[%add3A, %add3A_1500] : memref<4x2097152xf32, #tpu.memory_space<hbm>> -> memref<1x2048xf32, #tpu.memory_space<hbm>>
          %dma_start3A_1504 = tpu.memref_squeeze %dma_start3A_1503 : memref<1x2048xf32, #tpu.memory_space<hbm>> -> memref<2048xf32, #tpu.memory_space<hbm>>
          tpu.enqueue_dma source(%dma_start3A_1504 : memref<2048xf32, #tpu.memory_space<hbm>>) target(%arg4 : memref<2048xf32, #tpu.memory_space<vmem>>) target_semaphore(%arg23 : memref<!tpu.dma_semaphore, #tpu.memory_space<semaphore_mem>>)
        } else {
        }
        %scan3A_1449 = arith.constant 0 : i32
        %scan3A_1450 = arith.constant 0 : i32
        %scan3A_1451 = arith.constant 128 : i32
        %scan3A_1452 = arith.addi %scan3A_1450, %scan3A_1451 : i32
        %scan3A_1453 = arith.constant 1 : i32
        %scan3A_1454 = scf.for %scan3A_1496 = %scan3A_1450 to %scan3A_1452 step %scan3A_1453 iter_args(%scan3A_1497 = %scan3A_1449) -> (i32)  : i32 {
          %mul3A_1498 = arith.constant 16 : i32
          %mul3A_1499 = arith.muli %scan3A_1496, %mul3A_1498 : i32
          %get3A_1500 = arith.index_cast %mul3A_1499 : i32 to index
          %get3A_1501 = tpu.vector_load %arg5[%get3A_1500] {strides = array<i32>} : memref<2048xf32, #tpu.memory_space<vmem>>, vector<16xf32>,
          %gt3A_1502 = arith.cmpf ogt, %get3A_1501, %add3A_1013 : vector<16xf32>
          %convert_element_type3A_1503 = arith.extui %gt3A_1502 : vector<16xi1> to vector<16xi32>
          %broadcast_in_dim3A_1504 = arith.constant true
          %broadcast_in_dim3A_1505 = vector.broadcast %broadcast_in_dim3A_1504 : i1 to vector<16xi1>
          %masked_cumsum3A = tpu.scan <sum>, %convert_element_type3A_1503 masked %broadcast_in_dim3A_1505 : vector<16xi32>, vector<16xi1> -> vector<16xi32>
          %add3A_1506 = vector.broadcast %scan3A_1497 : i32 to vector<16xi32>
          %add3A_1507 = arith.addi %add3A_1506, %masked_cumsum3A : vector<16xi32>
          %sub3A_1508 = arith.constant 1 : i32
          %sub3A_1509 = vector.broadcast %sub3A_1508 : i32 to vector<16xi32>
          %sub3A_1510 = arith.subi %add3A_1507, %sub3A_1509 : vector<16xi32>
          %max3A_1511 = arith.constant 0 : i32
          %max3A_1512 = vector.broadcast %max3A_1511 : i32 to vector<16xi32>
          %max3A_1513 = arith.maxsi %sub3A_1510, %max3A_1512 : vector<16xi32>
          %mul3A_1514 = arith.constant 2048 : i32
          %mul3A_1515 = arith.muli %add3A_1375, %mul3A_1514 : i32
          %add3A_1516 = arith.addi %mul3A_17, %mul3A_1515 : i32
          %mul3A_1517 = arith.constant 16 : i32
          %mul3A_1518 = arith.muli %scan3A_1496, %mul3A_1517 : i32
          %add3A_1519 = arith.addi %add3A_1516, %mul3A_1518 : i32
          %add3A_1520 = vector.broadcast %add3A_1519 : i32 to vector<16xi32>
          %add3A_1521 = arith.addi %add3A_1520, %iota3A : vector<16xi32>
          %shift_right_logical3A = arith.constant 16 : i32
          %shift_right_logical3A_1522 = vector.broadcast %shift_right_logical3A : i32 to vector<16xi32>
          %shift_right_logical3A_1523 = arith.shrui %add3A_1521, %shift_right_logical3A_1522 : vector<16xi32>
          %and3A_1524 = arith.constant 65535 : i32
          %and3A_1525 = vector.broadcast %and3A_1524 : i32 to vector<16xi32>
          %and3A_1526 = arith.andi %add3A_1521, %and3A_1525 : vector<16xi32>
          %shift_right_logical3A_1527 = arith.constant 8 : i32
          %shift_right_logical3A_1528 = vector.broadcast %shift_right_logical3A_1527 : i32 to vector<16xi32>
          %shift_right_logical3A_1529 = arith.shrui %and3A_1526, %shift_right_logical3A_1528 : vector<16xi32>
          %and3A_1530 = arith.constant 255 : i32
          %and3A_1531 = vector.broadcast %and3A_1530 : i32 to vector<16xi32>
          %and3A_1532 = arith.andi %and3A_1526, %and3A_1531 : vector<16xi32>
          %convert_element_type3A_1533 = arith.sitofp %and3A_1532 : vector<16xi32> to vector<16xf32>
          %mul3A_1534 = arith.constant 3.125000e-01 : f32
          %mul3A_1535 = vector.broadcast %mul3A_1534 : f32 to vector<16xf32>
          %mul3A_1536 = arith.mulf %convert_element_type3A_1533, %mul3A_1535 : vector<16xf32>
          %convert_element_type3A_1537 = arith.sitofp %shift_right_logical3A_1529 : vector<16xi32> to vector<16xf32>
          %mul3A_1538 = arith.constant 3.125000e-01 : f32
          %mul3A_1539 = vector.broadcast %mul3A_1538 : f32 to vector<16xf32>
          %mul3A_1540 = arith.mulf %convert_element_type3A_1537, %mul3A_1539 : vector<16xf32>
          %sub3A_1541 = arith.constant 4.000000e+01 : f32
          %sub3A_1542 = vector.broadcast %sub3A_1541 : f32 to vector<16xf32>
          %sub3A_1543 = arith.subf %mul3A_1540, %sub3A_1542 : vector<16xf32>
          %convert_element_type3A_1544 = arith.sitofp %shift_right_logical3A_1523 : vector<16xi32> to vector<16xf32>
          %mul3A_1545 = arith.constant 2.500000e-01 : f32
          %mul3A_1546 = vector.broadcast %mul3A_1545 : f32 to vector<16xf32>
          %mul3A_1547 = arith.mulf %convert_element_type3A_1544, %mul3A_1546 : vector<16xf32>
          %sub3A_1548 = arith.constant 2.000000e+00 : f32
          %sub3A_1549 = vector.broadcast %sub3A_1548 : f32 to vector<16xf32>
          %sub3A_1550 = arith.subf %mul3A_1547, %sub3A_1549 : vector<16xf32>
          %div3A_1551 = arith.constant 9.99999982E+12 : f32
          %div3A_1552 = vector.broadcast %div3A_1551 : f32 to vector<16xf32>
          %div3A_1553 = arith.divf %get3A_1501, %div3A_1552 : vector<16xf32>
          %broadcast_in_dim3A_1554 = vector.broadcast %add3A : i32 to vector<16xi32>
          %bitcast_convert_type3A_1555 = tpu.bitcast %mul3A_1536 : vector<16xf32> -> vector<16xi32>
          %bitcast_convert_type3A_1556 = tpu.bitcast %sub3A_1543 : vector<16xf32> -> vector<16xi32>
          %bitcast_convert_type3A_1557 = tpu.bitcast %sub3A_1550 : vector<16xf32> -> vector<16xi32>
          %bitcast_convert_type3A_1558 = tpu.bitcast %div3A_1553 : vector<16xf32> -> vector<16xi32>
          %broadcast_in_dim3A_1559 = arith.constant 0 : i32
          %broadcast_in_dim3A_1560 = vector.broadcast %broadcast_in_dim3A_1559 : i32 to vector<16xi32>
          tpu.vector_store_idx %arg9[%max3A_1513, %broadcast_in_dim3A_1560], %bitcast_convert_type3A_1555 masked %gt3A_1502 : memref<2048x16xi32, #tpu.memory_space<vmem>>[vector<16xi32>, vector<16xi32>], vector<16xi32>, vector<16xi1>
          %broadcast_in_dim3A_1561 = arith.constant 1 : i32
          %broadcast_in_dim3A_1562 = vector.broadcast %broadcast_in_dim3A_1561 : i32 to vector<16xi32>
          tpu.vector_store_idx %arg9[%max3A_1513, %broadcast_in_dim3A_1562], %bitcast_convert_type3A_1556 masked %gt3A_1502 : memref<2048x16xi32, #tpu.memory_space<vmem>>[vector<16xi32>, vector<16xi32>], vector<16xi32>, vector<16xi1>
          %broadcast_in_dim3A_1563 = arith.constant 2 : i32
          %broadcast_in_dim3A_1564 = vector.broadcast %broadcast_in_dim3A_1563 : i32 to vector<16xi32>
          tpu.vector_store_idx %arg9[%max3A_1513, %broadcast_in_dim3A_1564], %bitcast_convert_type3A_1557 masked %gt3A_1502 : memref<2048x16xi32, #tpu.memory_space<vmem>>[vector<16xi32>, vector<16xi32>], vector<16xi32>, vector<16xi1>
          %broadcast_in_dim3A_1565 = arith.constant 3 : i32
          %broadcast_in_dim3A_1566 = vector.broadcast %broadcast_in_dim3A_1565 : i32 to vector<16xi32>
          tpu.vector_store_idx %arg9[%max3A_1513, %broadcast_in_dim3A_1566], %bitcast_convert_type3A_1558 masked %gt3A_1502 : memref<2048x16xi32, #tpu.memory_space<vmem>>[vector<16xi32>, vector<16xi32>], vector<16xi32>, vector<16xi1>
          %broadcast_in_dim3A_1567 = arith.constant 4 : i32
          %broadcast_in_dim3A_1568 = vector.broadcast %broadcast_in_dim3A_1567 : i32 to vector<16xi32>
          tpu.vector_store_idx %arg9[%max3A_1513, %broadcast_in_dim3A_1568], %broadcast_in_dim3A_1554 masked %gt3A_1502 : memref<2048x16xi32, #tpu.memory_space<vmem>>[vector<16xi32>, vector<16xi32>], vector<16xi32>, vector<16xi1>
          %broadcast_in_dim3A_1569 = arith.constant 5 : i32
          %broadcast_in_dim3A_1570 = vector.broadcast %broadcast_in_dim3A_1569 : i32 to vector<16xi32>
          tpu.vector_store_idx %arg9[%max3A_1513, %broadcast_in_dim3A_1570], %shift_right_logical3A_1523 masked %gt3A_1502 : memref<2048x16xi32, #tpu.memory_space<vmem>>[vector<16xi32>, vector<16xi32>], vector<16xi32>, vector<16xi1>
          %broadcast_in_dim3A_1571 = arith.constant 6 : i32
          %broadcast_in_dim3A_1572 = vector.broadcast %broadcast_in_dim3A_1571 : i32 to vector<16xi32>
          tpu.vector_store_idx %arg9[%max3A_1513, %broadcast_in_dim3A_1572], %shift_right_logical3A_1529 masked %gt3A_1502 : memref<2048x16xi32, #tpu.memory_space<vmem>>[vector<16xi32>, vector<16xi32>], vector<16xi32>, vector<16xi1>
          %broadcast_in_dim3A_1573 = arith.constant 7 : i32
          %broadcast_in_dim3A_1574 = vector.broadcast %broadcast_in_dim3A_1573 : i32 to vector<16xi32>
          tpu.vector_store_idx %arg9[%max3A_1513, %broadcast_in_dim3A_1574], %and3A_1532 masked %gt3A_1502 : memref<2048x16xi32, #tpu.memory_space<vmem>>[vector<16xi32>, vector<16xi32>], vector<16xi32>, vector<16xi1>
          %reduce_sum3A = arith.constant true
          %reduce_sum3A_1575 = vector.broadcast %reduce_sum3A : i1 to vector<16xi1>
          %reduce_sum3A_1576 = tpu.scan <sum>, %convert_element_type3A_1503 masked %reduce_sum3A_1575 : vector<16xi32>, vector<16xi1> -> vector<16xi32>
          %reduce_sum3A_1577 = vector.extract %reduce_sum3A_1576[15] : i32 from vector<16xi32>
          %add3A_1578 = arith.addi %scan3A_1497, %reduce_sum3A_1577 : i32
          scf.yield %add3A_1578 : i32
        }
        %scan3A_1455 = arith.constant 128 : i32
        %add3A_1456 = arith.addi %add3A_1321, %add3A_1434 : i32
        %add3A_1457 = arith.constant 127 : i32
        %add3A_1458 = arith.addi %scan3A_1454, %add3A_1457 : i32
        %jit3A_1459 = arith.constant 128 : i32
        %div3A_1460 = arith.divsi %add3A_1458, %jit3A_1459 : i32
        %sign3A_1461 = arith.constant 0 : i32
        %sign3A_1462 = arith.cmpi sgt, %add3A_1458, %sign3A_1461 : i32
        %sign3A_1463 = arith.extui %sign3A_1462 : i1 to i32
        %sign3A_1464 = arith.constant 0 : i32
        %sign3A_1465 = arith.cmpi slt, %add3A_1458, %sign3A_1464 : i32
        %sign3A_1466 = arith.extui %sign3A_1465 : i1 to i32
        %sign3A_1467 = arith.subi %sign3A_1463, %sign3A_1466 : i32
        %sign3A_1468 = arith.constant 0 : i32
        %sign3A_1469 = arith.cmpi sgt, %jit3A_1459, %sign3A_1468 : i32
        %sign3A_1470 = arith.extui %sign3A_1469 : i1 to i32
        %sign3A_1471 = arith.constant 0 : i32
        %sign3A_1472 = arith.cmpi slt, %jit3A_1459, %sign3A_1471 : i32
        %sign3A_1473 = arith.extui %sign3A_1472 : i1 to i32
        %sign3A_1474 = arith.subi %sign3A_1470, %sign3A_1473 : i32
        %ne3A_1475 = arith.cmpi ne, %sign3A_1467, %sign3A_1474 : i32
        %rem3A_1476 = arith.remsi %add3A_1458, %jit3A_1459 : i32
        %ne3A_1477 = arith.constant 0 : i32
        %ne3A_1478 = arith.cmpi ne, %rem3A_1476, %ne3A_1477 : i32
        %and3A_1479 = arith.andi %ne3A_1475, %ne3A_1478 : i1
        %sub3A_1480 = arith.constant 1 : i32
        %sub3A_1481 = arith.subi %div3A_1460, %sub3A_1480 : i32
        %select_n3A_1482 = arith.select %and3A_1479, %sub3A_1481, %div3A_1460 : i32
        %while3A_1483 = arith.constant 0 : i32
        %while3A_1484 = arith.constant 0 : i32
        %while3A_1485 = arith.subi %select_n3A_1482, %while3A_1483 : i32
        %while3A_1486 = arith.addi %while3A_1483, %while3A_1485 : i32
        %while3A_1487 = arith.constant 1 : i32
        %while3A_1488 = arith.divsi %while3A_1485, %while3A_1487 : i32
        %while3A_1489 = arith.muli %while3A_1488, %while3A_1487 : i32
        %while3A_1490 = arith.addi %while3A_1483, %while3A_1489 : i32
        %while3A_1491 = arith.constant 1 : i32
        %while3A_1492 = scf.for %while3A_1496 = %while3A_1483 to %while3A_1490 step %while3A_1491 iter_args(%while3A_1497 = %while3A_1484) -> (i32)  : i32 {
          %mul3A_1498 = arith.constant 128 : i32
          %mul3A_1499 = arith.muli %while3A_1496, %mul3A_1498 : i32
          %add3A_1500 = arith.constant 0 : i32
          %add3A_1501 = arith.addi %mul3A_1499, %add3A_1500 : i32
          %add3A_1502 = vector.broadcast %add3A_1501 : i32 to vector<16xi32>
          %add3A_1503 = arith.addi %add3A_1502, %iota3A : vector<16xi32>
          %lt3A_1504 = vector.broadcast %scan3A_1454 : i32 to vector<16xi32>
          %lt3A_1505 = arith.cmpi slt, %add3A_1503, %lt3A_1504 : vector<16xi32>
          %add3A_1506 = vector.broadcast %add3A_1456 : i32 to vector<16xi32>
          %add3A_1507 = arith.addi %add3A_1506, %add3A_1503 : vector<16xi32>
          %add3A_1508 = arith.constant 2516584 : i32
          %add3A_1509 = vector.broadcast %add3A_1508 : i32 to vector<16xi32>
          %add3A_1510 = arith.addi %add3A_1509, %iota3A : vector<16xi32>
          %select_n3A_1511 = arith.select %lt3A_1505, %add3A_1507, %add3A_1510 : vector<16xi1>, vector<16xi32>
          %swap3A_1512 = arith.index_cast %while3A_1496 : i32 to index
          %swap3A_1513 = arith.constant 0 : index
          %swap3A_1514 = tpu.vector_load %arg10[%swap3A_1512, %swap3A_1513] {strides = array<i32>} : memref<16x128xi32, #tpu.memory_space<vmem>>, vector<16xi32>,
          tpu.vector_store %arg10[%swap3A_1512, %swap3A_1513], %select_n3A_1511 {strides = array<i32>} : memref<16x128xi32, #tpu.memory_space<vmem>>, vector<16xi32>,
          %mul3A_1515 = arith.constant 128 : i32
          %mul3A_1516 = arith.muli %while3A_1496, %mul3A_1515 : i32
          %add3A_1517 = arith.constant 16 : i32
          %add3A_1518 = arith.addi %mul3A_1516, %add3A_1517 : i32
          %add3A_1519 = vector.broadcast %add3A_1518 : i32 to vector<16xi32>
          %add3A_1520 = arith.addi %add3A_1519, %iota3A : vector<16xi32>
          %lt3A_1521 = vector.broadcast %scan3A_1454 : i32 to vector<16xi32>
          %lt3A_1522 = arith.cmpi slt, %add3A_1520, %lt3A_1521 : vector<16xi32>
          %add3A_1523 = vector.broadcast %add3A_1456 : i32 to vector<16xi32>
          %add3A_1524 = arith.addi %add3A_1523, %add3A_1520 : vector<16xi32>
          %add3A_1525 = arith.constant 2516600 : i32
          %add3A_1526 = vector.broadcast %add3A_1525 : i32 to vector<16xi32>
          %add3A_1527 = arith.addi %add3A_1526, %iota3A : vector<16xi32>
          %select_n3A_1528 = arith.select %lt3A_1522, %add3A_1524, %add3A_1527 : vector<16xi1>, vector<16xi32>
          %swap3A_1529 = arith.index_cast %while3A_1496 : i32 to index
          %swap3A_1530 = arith.constant 16 : index
          %swap3A_1531 = tpu.vector_load %arg10[%swap3A_1529, %swap3A_1530] {strides = array<i32>} : memref<16x128xi32, #tpu.memory_space<vmem>>, vector<16xi32>,
          tpu.vector_store %arg10[%swap3A_1529, %swap3A_1530], %select_n3A_1528 {strides = array<i32>} : memref<16x128xi32, #tpu.memory_space<vmem>>, vector<16xi32>,
          %mul3A_1532 = arith.constant 128 : i32
          %mul3A_1533 = arith.muli %while3A_1496, %mul3A_1532 : i32
          %add3A_1534 = arith.constant 32 : i32
          %add3A_1535 = arith.addi %mul3A_1533, %add3A_1534 : i32
          %add3A_1536 = vector.broadcast %add3A_1535 : i32 to vector<16xi32>
          %add3A_1537 = arith.addi %add3A_1536, %iota3A : vector<16xi32>
          %lt3A_1538 = vector.broadcast %scan3A_1454 : i32 to vector<16xi32>
          %lt3A_1539 = arith.cmpi slt, %add3A_1537, %lt3A_1538 : vector<16xi32>
          %add3A_1540 = vector.broadcast %add3A_1456 : i32 to vector<16xi32>
          %add3A_1541 = arith.addi %add3A_1540, %add3A_1537 : vector<16xi32>
          %add3A_1542 = arith.constant 2516616 : i32
          %add3A_1543 = vector.broadcast %add3A_1542 : i32 to vector<16xi32>
          %add3A_1544 = arith.addi %add3A_1543, %iota3A : vector<16xi32>
          %select_n3A_1545 = arith.select %lt3A_1539, %add3A_1541, %add3A_1544 : vector<16xi1>, vector<16xi32>
          %swap3A_1546 = arith.index_cast %while3A_1496 : i32 to index
          %swap3A_1547 = arith.constant 32 : index
          %swap3A_1548 = tpu.vector_load %arg10[%swap3A_1546, %swap3A_1547] {strides = array<i32>} : memref<16x128xi32, #tpu.memory_space<vmem>>, vector<16xi32>,
          tpu.vector_store %arg10[%swap3A_1546, %swap3A_1547], %select_n3A_1545 {strides = array<i32>} : memref<16x128xi32, #tpu.memory_space<vmem>>, vector<16xi32>,
          %mul3A_1549 = arith.constant 128 : i32
          %mul3A_1550 = arith.muli %while3A_1496, %mul3A_1549 : i32
          %add3A_1551 = arith.constant 48 : i32
          %add3A_1552 = arith.addi %mul3A_1550, %add3A_1551 : i32
          %add3A_1553 = vector.broadcast %add3A_1552 : i32 to vector<16xi32>
          %add3A_1554 = arith.addi %add3A_1553, %iota3A : vector<16xi32>
          %lt3A_1555 = vector.broadcast %scan3A_1454 : i32 to vector<16xi32>
          %lt3A_1556 = arith.cmpi slt, %add3A_1554, %lt3A_1555 : vector<16xi32>
          %add3A_1557 = vector.broadcast %add3A_1456 : i32 to vector<16xi32>
          %add3A_1558 = arith.addi %add3A_1557, %add3A_1554 : vector<16xi32>
          %add3A_1559 = arith.constant 2516632 : i32
          %add3A_1560 = vector.broadcast %add3A_1559 : i32 to vector<16xi32>
          %add3A_1561 = arith.addi %add3A_1560, %iota3A : vector<16xi32>
          %select_n3A_1562 = arith.select %lt3A_1556, %add3A_1558, %add3A_1561 : vector<16xi1>, vector<16xi32>
          %swap3A_1563 = arith.index_cast %while3A_1496 : i32 to index
          %swap3A_1564 = arith.constant 48 : index
          %swap3A_1565 = tpu.vector_load %arg10[%swap3A_1563, %swap3A_1564] {strides = array<i32>} : memref<16x128xi32, #tpu.memory_space<vmem>>, vector<16xi32>,
          tpu.vector_store %arg10[%swap3A_1563, %swap3A_1564], %select_n3A_1562 {strides = array<i32>} : memref<16x128xi32, #tpu.memory_space<vmem>>, vector<16xi32>,
          %mul3A_1566 = arith.constant 128 : i32
          %mul3A_1567 = arith.muli %while3A_1496, %mul3A_1566 : i32
          %add3A_1568 = arith.constant 64 : i32
          %add3A_1569 = arith.addi %mul3A_1567, %add3A_1568 : i32
          %add3A_1570 = vector.broadcast %add3A_1569 : i32 to vector<16xi32>
          %add3A_1571 = arith.addi %add3A_1570, %iota3A : vector<16xi32>
          %lt3A_1572 = vector.broadcast %scan3A_1454 : i32 to vector<16xi32>
          %lt3A_1573 = arith.cmpi slt, %add3A_1571, %lt3A_1572 : vector<16xi32>
          %add3A_1574 = vector.broadcast %add3A_1456 : i32 to vector<16xi32>
          %add3A_1575 = arith.addi %add3A_1574, %add3A_1571 : vector<16xi32>
          %add3A_1576 = arith.constant 2516648 : i32
          %add3A_1577 = vector.broadcast %add3A_1576 : i32 to vector<16xi32>
          %add3A_1578 = arith.addi %add3A_1577, %iota3A : vector<16xi32>
          %select_n3A_1579 = arith.select %lt3A_1573, %add3A_1575, %add3A_1578 : vector<16xi1>, vector<16xi32>
          %swap3A_1580 = arith.index_cast %while3A_1496 : i32 to index
          %swap3A_1581 = arith.constant 64 : index
          %swap3A_1582 = tpu.vector_load %arg10[%swap3A_1580, %swap3A_1581] {strides = array<i32>} : memref<16x128xi32, #tpu.memory_space<vmem>>, vector<16xi32>,
          tpu.vector_store %arg10[%swap3A_1580, %swap3A_1581], %select_n3A_1579 {strides = array<i32>} : memref<16x128xi32, #tpu.memory_space<vmem>>, vector<16xi32>,
          %mul3A_1583 = arith.constant 128 : i32
          %mul3A_1584 = arith.muli %while3A_1496, %mul3A_1583 : i32
          %add3A_1585 = arith.constant 80 : i32
          %add3A_1586 = arith.addi %mul3A_1584, %add3A_1585 : i32
          %add3A_1587 = vector.broadcast %add3A_1586 : i32 to vector<16xi32>
          %add3A_1588 = arith.addi %add3A_1587, %iota3A : vector<16xi32>
          %lt3A_1589 = vector.broadcast %scan3A_1454 : i32 to vector<16xi32>
          %lt3A_1590 = arith.cmpi slt, %add3A_1588, %lt3A_1589 : vector<16xi32>
          %add3A_1591 = vector.broadcast %add3A_1456 : i32 to vector<16xi32>
          %add3A_1592 = arith.addi %add3A_1591, %add3A_1588 : vector<16xi32>
          %add3A_1593 = arith.constant 2516664 : i32
          %add3A_1594 = vector.broadcast %add3A_1593 : i32 to vector<16xi32>
          %add3A_1595 = arith.addi %add3A_1594, %iota3A : vector<16xi32>
          %select_n3A_1596 = arith.select %lt3A_1590, %add3A_1592, %add3A_1595 : vector<16xi1>, vector<16xi32>
          %swap3A_1597 = arith.index_cast %while3A_1496 : i32 to index
          %swap3A_1598 = arith.constant 80 : index
          %swap3A_1599 = tpu.vector_load %arg10[%swap3A_1597, %swap3A_1598] {strides = array<i32>} : memref<16x128xi32, #tpu.memory_space<vmem>>, vector<16xi32>,
          tpu.vector_store %arg10[%swap3A_1597, %swap3A_1598], %select_n3A_1596 {strides = array<i32>} : memref<16x128xi32, #tpu.memory_space<vmem>>, vector<16xi32>,
          %mul3A_1600 = arith.constant 128 : i32
          %mul3A_1601 = arith.muli %while3A_1496, %mul3A_1600 : i32
          %add3A_1602 = arith.constant 96 : i32
          %add3A_1603 = arith.addi %mul3A_1601, %add3A_1602 : i32
          %add3A_1604 = vector.broadcast %add3A_1603 : i32 to vector<16xi32>
          %add3A_1605 = arith.addi %add3A_1604, %iota3A : vector<16xi32>
          %lt3A_1606 = vector.broadcast %scan3A_1454 : i32 to vector<16xi32>
          %lt3A_1607 = arith.cmpi slt, %add3A_1605, %lt3A_1606 : vector<16xi32>
          %add3A_1608 = vector.broadcast %add3A_1456 : i32 to vector<16xi32>
          %add3A_1609 = arith.addi %add3A_1608, %add3A_1605 : vector<16xi32>
          %add3A_1610 = arith.constant 2516680 : i32
          %add3A_1611 = vector.broadcast %add3A_1610 : i32 to vector<16xi32>
          %add3A_1612 = arith.addi %add3A_1611, %iota3A : vector<16xi32>
          %select_n3A_1613 = arith.select %lt3A_1607, %add3A_1609, %add3A_1612 : vector<16xi1>, vector<16xi32>
          %swap3A_1614 = arith.index_cast %while3A_1496 : i32 to index
          %swap3A_1615 = arith.constant 96 : index
          %swap3A_1616 = tpu.vector_load %arg10[%swap3A_1614, %swap3A_1615] {strides = array<i32>} : memref<16x128xi32, #tpu.memory_space<vmem>>, vector<16xi32>,
          tpu.vector_store %arg10[%swap3A_1614, %swap3A_1615], %select_n3A_1613 {strides = array<i32>} : memref<16x128xi32, #tpu.memory_space<vmem>>, vector<16xi32>,
          %mul3A_1617 = arith.constant 128 : i32
          %mul3A_1618 = arith.muli %while3A_1496, %mul3A_1617 : i32
          %add3A_1619 = arith.constant 112 : i32
          %add3A_1620 = arith.addi %mul3A_1618, %add3A_1619 : i32
          %add3A_1621 = vector.broadcast %add3A_1620 : i32 to vector<16xi32>
          %add3A_1622 = arith.addi %add3A_1621, %iota3A : vector<16xi32>
          %lt3A_1623 = vector.broadcast %scan3A_1454 : i32 to vector<16xi32>
          %lt3A_1624 = arith.cmpi slt, %add3A_1622, %lt3A_1623 : vector<16xi32>
          %add3A_1625 = vector.broadcast %add3A_1456 : i32 to vector<16xi32>
          %add3A_1626 = arith.addi %add3A_1625, %add3A_1622 : vector<16xi32>
          %add3A_1627 = arith.constant 2516696 : i32
          %add3A_1628 = vector.broadcast %add3A_1627 : i32 to vector<16xi32>
          %add3A_1629 = arith.addi %add3A_1628, %iota3A : vector<16xi32>
          %select_n3A_1630 = arith.select %lt3A_1624, %add3A_1626, %add3A_1629 : vector<16xi1>, vector<16xi32>
          %swap3A_1631 = arith.index_cast %while3A_1496 : i32 to index
          %swap3A_1632 = arith.constant 112 : index
          %swap3A_1633 = tpu.vector_load %arg10[%swap3A_1631, %swap3A_1632] {strides = array<i32>} : memref<16x128xi32, #tpu.memory_space<vmem>>, vector<16xi32>,
          tpu.vector_store %arg10[%swap3A_1631, %swap3A_1632], %select_n3A_1630 {strides = array<i32>} : memref<16x128xi32, #tpu.memory_space<vmem>>, vector<16xi32>,
          %mul3A_1634 = arith.constant 128 : i32
          %mul3A_1635 = arith.muli %while3A_1496, %mul3A_1634 : i32
          %dma_start3A_1636 = arith.constant 0 : i32
          %dma_start3A_1637 = tpu.memref_slice %arg9[%mul3A_1635, %dma_start3A_1636] : memref<2048x16xi32, #tpu.memory_space<vmem>> -> memref<128x16xi32, #tpu.memory_space<vmem>>
          %dma_start3A_1638 = arith.constant 0 : i32
          %dma_start3A_1639 = tpu.memref_slice %arg10[%while3A_1496, %dma_start3A_1638] : memref<16x128xi32, #tpu.memory_space<vmem>> -> memref<1x128xi32, #tpu.memory_space<vmem>>
          %dma_start3A_1640 = tpu.memref_squeeze %dma_start3A_1639 : memref<1x128xi32, #tpu.memory_space<vmem>> -> memref<128xi32, #tpu.memory_space<vmem>>
          %dma_start3A_1641 = arith.constant 0 : i32
          %dma_start3A_1642 = arith.constant 0 : i32
          %dma_start3A_1643 = tpu.memref_slice %arg3[%dma_start3A_1641, %dma_start3A_1642] : memref<2516712x16xi32, #tpu.memory_space<hbm>> -> memref<2516712x16xi32, #tpu.memory_space<hbm>>
          tpu.enqueue_indirect_dma source(%dma_start3A_1637 : memref<128x16xi32, #tpu.memory_space<vmem>>) target(%dma_start3A_1643 : memref<2516712x16xi32, #tpu.memory_space<hbm>>) offsets(%dma_start3A_1640 : memref<128xi32, #tpu.memory_space<vmem>>) semaphore(%arg22 : memref<!tpu.dma_semaphore, #tpu.memory_space<semaphore_mem>>)
          %dma_wait3A_1644 = arith.constant 0 : i32
          %dma_wait3A_1645 = tpu.memref_slice %arg9[%mul3A_1635, %dma_wait3A_1644] : memref<2048x16xi32, #tpu.memory_space<vmem>> -> memref<128x16xi32, #tpu.memory_space<vmem>>
          %dma_wait3A_1646 = arith.constant 0 : i32
          %dma_wait3A_1647 = tpu.memref_slice %arg10[%while3A_1496, %dma_wait3A_1646] : memref<16x128xi32, #tpu.memory_space<vmem>> -> memref<1x128xi32, #tpu.memory_space<vmem>>
          %dma_wait3A_1648 = tpu.memref_squeeze %dma_wait3A_1647 : memref<1x128xi32, #tpu.memory_space<vmem>> -> memref<128xi32, #tpu.memory_space<vmem>>
          %dma_wait3A_1649 = arith.constant 0 : i32
          %dma_wait3A_1650 = arith.constant 0 : i32
          %dma_wait3A_1651 = tpu.memref_slice %arg3[%dma_wait3A_1649, %dma_wait3A_1650] : memref<2516712x16xi32, #tpu.memory_space<hbm>> -> memref<2516712x16xi32, #tpu.memory_space<hbm>>
          tpu.wait_indirect_dma semaphore(%arg22 : memref<!tpu.dma_semaphore, #tpu.memory_space<semaphore_mem>>) src(%dma_wait3A_1645 : memref<128x16xi32, #tpu.memory_space<vmem>>) dst(%dma_wait3A_1651 : memref<2516712x16xi32, #tpu.memory_space<hbm>>)
          %while3A_1652 = arith.constant 0 : i32
          scf.yield %while3A_1652 : i32
        }
        %while3A_1493 = arith.constant 1 : i32
        %while3A_1494 = scf.for %while3A_1496 = %while3A_1490 to %while3A_1486 step %while3A_1493 iter_args(%while3A_1497 = %while3A_1492) -> (i32)  : i32 {
          %mul3A_1498 = arith.constant 128 : i32
          %mul3A_1499 = arith.muli %while3A_1496, %mul3A_1498 : i32
          %add3A_1500 = arith.constant 0 : i32
          %add3A_1501 = arith.addi %mul3A_1499, %add3A_1500 : i32
          %add3A_1502 = vector.broadcast %add3A_1501 : i32 to vector<16xi32>
          %add3A_1503 = arith.addi %add3A_1502, %iota3A : vector<16xi32>
          %lt3A_1504 = vector.broadcast %scan3A_1454 : i32 to vector<16xi32>
          %lt3A_1505 = arith.cmpi slt, %add3A_1503, %lt3A_1504 : vector<16xi32>
          %add3A_1506 = vector.broadcast %add3A_1456 : i32 to vector<16xi32>
          %add3A_1507 = arith.addi %add3A_1506, %add3A_1503 : vector<16xi32>
          %add3A_1508 = arith.constant 2516584 : i32
          %add3A_1509 = vector.broadcast %add3A_1508 : i32 to vector<16xi32>
          %add3A_1510 = arith.addi %add3A_1509, %iota3A : vector<16xi32>
          %select_n3A_1511 = arith.select %lt3A_1505, %add3A_1507, %add3A_1510 : vector<16xi1>, vector<16xi32>
          %swap3A_1512 = arith.index_cast %while3A_1496 : i32 to index
          %swap3A_1513 = arith.constant 0 : index
          %swap3A_1514 = tpu.vector_load %arg10[%swap3A_1512, %swap3A_1513] {strides = array<i32>} : memref<16x128xi32, #tpu.memory_space<vmem>>, vector<16xi32>,
          tpu.vector_store %arg10[%swap3A_1512, %swap3A_1513], %select_n3A_1511 {strides = array<i32>} : memref<16x128xi32, #tpu.memory_space<vmem>>, vector<16xi32>,
          %mul3A_1515 = arith.constant 128 : i32
          %mul3A_1516 = arith.muli %while3A_1496, %mul3A_1515 : i32
          %add3A_1517 = arith.constant 16 : i32
          %add3A_1518 = arith.addi %mul3A_1516, %add3A_1517 : i32
          %add3A_1519 = vector.broadcast %add3A_1518 : i32 to vector<16xi32>
          %add3A_1520 = arith.addi %add3A_1519, %iota3A : vector<16xi32>
          %lt3A_1521 = vector.broadcast %scan3A_1454 : i32 to vector<16xi32>
          %lt3A_1522 = arith.cmpi slt, %add3A_1520, %lt3A_1521 : vector<16xi32>
          %add3A_1523 = vector.broadcast %add3A_1456 : i32 to vector<16xi32>
          %add3A_1524 = arith.addi %add3A_1523, %add3A_1520 : vector<16xi32>
          %add3A_1525 = arith.constant 2516600 : i32
          %add3A_1526 = vector.broadcast %add3A_1525 : i32 to vector<16xi32>
          %add3A_1527 = arith.addi %add3A_1526, %iota3A : vector<16xi32>
          %select_n3A_1528 = arith.select %lt3A_1522, %add3A_1524, %add3A_1527 : vector<16xi1>, vector<16xi32>
          %swap3A_1529 = arith.index_cast %while3A_1496 : i32 to index
          %swap3A_1530 = arith.constant 16 : index
          %swap3A_1531 = tpu.vector_load %arg10[%swap3A_1529, %swap3A_1530] {strides = array<i32>} : memref<16x128xi32, #tpu.memory_space<vmem>>, vector<16xi32>,
          tpu.vector_store %arg10[%swap3A_1529, %swap3A_1530], %select_n3A_1528 {strides = array<i32>} : memref<16x128xi32, #tpu.memory_space<vmem>>, vector<16xi32>,
          %mul3A_1532 = arith.constant 128 : i32
          %mul3A_1533 = arith.muli %while3A_1496, %mul3A_1532 : i32
          %add3A_1534 = arith.constant 32 : i32
          %add3A_1535 = arith.addi %mul3A_1533, %add3A_1534 : i32
          %add3A_1536 = vector.broadcast %add3A_1535 : i32 to vector<16xi32>
          %add3A_1537 = arith.addi %add3A_1536, %iota3A : vector<16xi32>
          %lt3A_1538 = vector.broadcast %scan3A_1454 : i32 to vector<16xi32>
          %lt3A_1539 = arith.cmpi slt, %add3A_1537, %lt3A_1538 : vector<16xi32>
          %add3A_1540 = vector.broadcast %add3A_1456 : i32 to vector<16xi32>
          %add3A_1541 = arith.addi %add3A_1540, %add3A_1537 : vector<16xi32>
          %add3A_1542 = arith.constant 2516616 : i32
          %add3A_1543 = vector.broadcast %add3A_1542 : i32 to vector<16xi32>
          %add3A_1544 = arith.addi %add3A_1543, %iota3A : vector<16xi32>
          %select_n3A_1545 = arith.select %lt3A_1539, %add3A_1541, %add3A_1544 : vector<16xi1>, vector<16xi32>
          %swap3A_1546 = arith.index_cast %while3A_1496 : i32 to index
          %swap3A_1547 = arith.constant 32 : index
          %swap3A_1548 = tpu.vector_load %arg10[%swap3A_1546, %swap3A_1547] {strides = array<i32>} : memref<16x128xi32, #tpu.memory_space<vmem>>, vector<16xi32>,
          tpu.vector_store %arg10[%swap3A_1546, %swap3A_1547], %select_n3A_1545 {strides = array<i32>} : memref<16x128xi32, #tpu.memory_space<vmem>>, vector<16xi32>,
          %mul3A_1549 = arith.constant 128 : i32
          %mul3A_1550 = arith.muli %while3A_1496, %mul3A_1549 : i32
          %add3A_1551 = arith.constant 48 : i32
          %add3A_1552 = arith.addi %mul3A_1550, %add3A_1551 : i32
          %add3A_1553 = vector.broadcast %add3A_1552 : i32 to vector<16xi32>
          %add3A_1554 = arith.addi %add3A_1553, %iota3A : vector<16xi32>
          %lt3A_1555 = vector.broadcast %scan3A_1454 : i32 to vector<16xi32>
          %lt3A_1556 = arith.cmpi slt, %add3A_1554, %lt3A_1555 : vector<16xi32>
          %add3A_1557 = vector.broadcast %add3A_1456 : i32 to vector<16xi32>
          %add3A_1558 = arith.addi %add3A_1557, %add3A_1554 : vector<16xi32>
          %add3A_1559 = arith.constant 2516632 : i32
          %add3A_1560 = vector.broadcast %add3A_1559 : i32 to vector<16xi32>
          %add3A_1561 = arith.addi %add3A_1560, %iota3A : vector<16xi32>
          %select_n3A_1562 = arith.select %lt3A_1556, %add3A_1558, %add3A_1561 : vector<16xi1>, vector<16xi32>
          %swap3A_1563 = arith.index_cast %while3A_1496 : i32 to index
          %swap3A_1564 = arith.constant 48 : index
          %swap3A_1565 = tpu.vector_load %arg10[%swap3A_1563, %swap3A_1564] {strides = array<i32>} : memref<16x128xi32, #tpu.memory_space<vmem>>, vector<16xi32>,
          tpu.vector_store %arg10[%swap3A_1563, %swap3A_1564], %select_n3A_1562 {strides = array<i32>} : memref<16x128xi32, #tpu.memory_space<vmem>>, vector<16xi32>,
          %mul3A_1566 = arith.constant 128 : i32
          %mul3A_1567 = arith.muli %while3A_1496, %mul3A_1566 : i32
          %add3A_1568 = arith.constant 64 : i32
          %add3A_1569 = arith.addi %mul3A_1567, %add3A_1568 : i32
          %add3A_1570 = vector.broadcast %add3A_1569 : i32 to vector<16xi32>
          %add3A_1571 = arith.addi %add3A_1570, %iota3A : vector<16xi32>
          %lt3A_1572 = vector.broadcast %scan3A_1454 : i32 to vector<16xi32>
          %lt3A_1573 = arith.cmpi slt, %add3A_1571, %lt3A_1572 : vector<16xi32>
          %add3A_1574 = vector.broadcast %add3A_1456 : i32 to vector<16xi32>
          %add3A_1575 = arith.addi %add3A_1574, %add3A_1571 : vector<16xi32>
          %add3A_1576 = arith.constant 2516648 : i32
          %add3A_1577 = vector.broadcast %add3A_1576 : i32 to vector<16xi32>
          %add3A_1578 = arith.addi %add3A_1577, %iota3A : vector<16xi32>
          %select_n3A_1579 = arith.select %lt3A_1573, %add3A_1575, %add3A_1578 : vector<16xi1>, vector<16xi32>
          %swap3A_1580 = arith.index_cast %while3A_1496 : i32 to index
          %swap3A_1581 = arith.constant 64 : index
          %swap3A_1582 = tpu.vector_load %arg10[%swap3A_1580, %swap3A_1581] {strides = array<i32>} : memref<16x128xi32, #tpu.memory_space<vmem>>, vector<16xi32>,
          tpu.vector_store %arg10[%swap3A_1580, %swap3A_1581], %select_n3A_1579 {strides = array<i32>} : memref<16x128xi32, #tpu.memory_space<vmem>>, vector<16xi32>,
          %mul3A_1583 = arith.constant 128 : i32
          %mul3A_1584 = arith.muli %while3A_1496, %mul3A_1583 : i32
          %add3A_1585 = arith.constant 80 : i32
          %add3A_1586 = arith.addi %mul3A_1584, %add3A_1585 : i32
          %add3A_1587 = vector.broadcast %add3A_1586 : i32 to vector<16xi32>
          %add3A_1588 = arith.addi %add3A_1587, %iota3A : vector<16xi32>
          %lt3A_1589 = vector.broadcast %scan3A_1454 : i32 to vector<16xi32>
          %lt3A_1590 = arith.cmpi slt, %add3A_1588, %lt3A_1589 : vector<16xi32>
          %add3A_1591 = vector.broadcast %add3A_1456 : i32 to vector<16xi32>
          %add3A_1592 = arith.addi %add3A_1591, %add3A_1588 : vector<16xi32>
          %add3A_1593 = arith.constant 2516664 : i32
          %add3A_1594 = vector.broadcast %add3A_1593 : i32 to vector<16xi32>
          %add3A_1595 = arith.addi %add3A_1594, %iota3A : vector<16xi32>
          %select_n3A_1596 = arith.select %lt3A_1590, %add3A_1592, %add3A_1595 : vector<16xi1>, vector<16xi32>
          %swap3A_1597 = arith.index_cast %while3A_1496 : i32 to index
          %swap3A_1598 = arith.constant 80 : index
          %swap3A_1599 = tpu.vector_load %arg10[%swap3A_1597, %swap3A_1598] {strides = array<i32>} : memref<16x128xi32, #tpu.memory_space<vmem>>, vector<16xi32>,
          tpu.vector_store %arg10[%swap3A_1597, %swap3A_1598], %select_n3A_1596 {strides = array<i32>} : memref<16x128xi32, #tpu.memory_space<vmem>>, vector<16xi32>,
          %mul3A_1600 = arith.constant 128 : i32
          %mul3A_1601 = arith.muli %while3A_1496, %mul3A_1600 : i32
          %add3A_1602 = arith.constant 96 : i32
          %add3A_1603 = arith.addi %mul3A_1601, %add3A_1602 : i32
          %add3A_1604 = vector.broadcast %add3A_1603 : i32 to vector<16xi32>
          %add3A_1605 = arith.addi %add3A_1604, %iota3A : vector<16xi32>
          %lt3A_1606 = vector.broadcast %scan3A_1454 : i32 to vector<16xi32>
          %lt3A_1607 = arith.cmpi slt, %add3A_1605, %lt3A_1606 : vector<16xi32>
          %add3A_1608 = vector.broadcast %add3A_1456 : i32 to vector<16xi32>
          %add3A_1609 = arith.addi %add3A_1608, %add3A_1605 : vector<16xi32>
          %add3A_1610 = arith.constant 2516680 : i32
          %add3A_1611 = vector.broadcast %add3A_1610 : i32 to vector<16xi32>
          %add3A_1612 = arith.addi %add3A_1611, %iota3A : vector<16xi32>
          %select_n3A_1613 = arith.select %lt3A_1607, %add3A_1609, %add3A_1612 : vector<16xi1>, vector<16xi32>
          %swap3A_1614 = arith.index_cast %while3A_1496 : i32 to index
          %swap3A_1615 = arith.constant 96 : index
          %swap3A_1616 = tpu.vector_load %arg10[%swap3A_1614, %swap3A_1615] {strides = array<i32>} : memref<16x128xi32, #tpu.memory_space<vmem>>, vector<16xi32>,
          tpu.vector_store %arg10[%swap3A_1614, %swap3A_1615], %select_n3A_1613 {strides = array<i32>} : memref<16x128xi32, #tpu.memory_space<vmem>>, vector<16xi32>,
          %mul3A_1617 = arith.constant 128 : i32
          %mul3A_1618 = arith.muli %while3A_1496, %mul3A_1617 : i32
          %add3A_1619 = arith.constant 112 : i32
          %add3A_1620 = arith.addi %mul3A_1618, %add3A_1619 : i32
          %add3A_1621 = vector.broadcast %add3A_1620 : i32 to vector<16xi32>
          %add3A_1622 = arith.addi %add3A_1621, %iota3A : vector<16xi32>
          %lt3A_1623 = vector.broadcast %scan3A_1454 : i32 to vector<16xi32>
          %lt3A_1624 = arith.cmpi slt, %add3A_1622, %lt3A_1623 : vector<16xi32>
          %add3A_1625 = vector.broadcast %add3A_1456 : i32 to vector<16xi32>
          %add3A_1626 = arith.addi %add3A_1625, %add3A_1622 : vector<16xi32>
          %add3A_1627 = arith.constant 2516696 : i32
          %add3A_1628 = vector.broadcast %add3A_1627 : i32 to vector<16xi32>
          %add3A_1629 = arith.addi %add3A_1628, %iota3A : vector<16xi32>
          %select_n3A_1630 = arith.select %lt3A_1624, %add3A_1626, %add3A_1629 : vector<16xi1>, vector<16xi32>
          %swap3A_1631 = arith.index_cast %while3A_1496 : i32 to index
          %swap3A_1632 = arith.constant 112 : index
          %swap3A_1633 = tpu.vector_load %arg10[%swap3A_1631, %swap3A_1632] {strides = array<i32>} : memref<16x128xi32, #tpu.memory_space<vmem>>, vector<16xi32>,
          tpu.vector_store %arg10[%swap3A_1631, %swap3A_1632], %select_n3A_1630 {strides = array<i32>} : memref<16x128xi32, #tpu.memory_space<vmem>>, vector<16xi32>,
          %mul3A_1634 = arith.constant 128 : i32
          %mul3A_1635 = arith.muli %while3A_1496, %mul3A_1634 : i32
          %dma_start3A_1636 = arith.constant 0 : i32
          %dma_start3A_1637 = tpu.memref_slice %arg9[%mul3A_1635, %dma_start3A_1636] : memref<2048x16xi32, #tpu.memory_space<vmem>> -> memref<128x16xi32, #tpu.memory_space<vmem>>
          %dma_start3A_1638 = arith.constant 0 : i32
          %dma_start3A_1639 = tpu.memref_slice %arg10[%while3A_1496, %dma_start3A_1638] : memref<16x128xi32, #tpu.memory_space<vmem>> -> memref<1x128xi32, #tpu.memory_space<vmem>>
          %dma_start3A_1640 = tpu.memref_squeeze %dma_start3A_1639 : memref<1x128xi32, #tpu.memory_space<vmem>> -> memref<128xi32, #tpu.memory_space<vmem>>
          %dma_start3A_1641 = arith.constant 0 : i32
          %dma_start3A_1642 = arith.constant 0 : i32
          %dma_start3A_1643 = tpu.memref_slice %arg3[%dma_start3A_1641, %dma_start3A_1642] : memref<2516712x16xi32, #tpu.memory_space<hbm>> -> memref<2516712x16xi32, #tpu.memory_space<hbm>>
          tpu.enqueue_indirect_dma source(%dma_start3A_1637 : memref<128x16xi32, #tpu.memory_space<vmem>>) target(%dma_start3A_1643 : memref<2516712x16xi32, #tpu.memory_space<hbm>>) offsets(%dma_start3A_1640 : memref<128xi32, #tpu.memory_space<vmem>>) semaphore(%arg22 : memref<!tpu.dma_semaphore, #tpu.memory_space<semaphore_mem>>)
          %dma_wait3A_1644 = arith.constant 0 : i32
          %dma_wait3A_1645 = tpu.memref_slice %arg9[%mul3A_1635, %dma_wait3A_1644] : memref<2048x16xi32, #tpu.memory_space<vmem>> -> memref<128x16xi32, #tpu.memory_space<vmem>>
          %dma_wait3A_1646 = arith.constant 0 : i32
          %dma_wait3A_1647 = tpu.memref_slice %arg10[%while3A_1496, %dma_wait3A_1646] : memref<16x128xi32, #tpu.memory_space<vmem>> -> memref<1x128xi32, #tpu.memory_space<vmem>>
          %dma_wait3A_1648 = tpu.memref_squeeze %dma_wait3A_1647 : memref<1x128xi32, #tpu.memory_space<vmem>> -> memref<128xi32, #tpu.memory_space<vmem>>
          %dma_wait3A_1649 = arith.constant 0 : i32
          %dma_wait3A_1650 = arith.constant 0 : i32
          %dma_wait3A_1651 = tpu.memref_slice %arg3[%dma_wait3A_1649, %dma_wait3A_1650] : memref<2516712x16xi32, #tpu.memory_space<hbm>> -> memref<2516712x16xi32, #tpu.memory_space<hbm>>
          tpu.wait_indirect_dma semaphore(%arg22 : memref<!tpu.dma_semaphore, #tpu.memory_space<semaphore_mem>>) src(%dma_wait3A_1645 : memref<128x16xi32, #tpu.memory_space<vmem>>) dst(%dma_wait3A_1651 : memref<2516712x16xi32, #tpu.memory_space<hbm>>)
          %while3A_1652 = arith.constant 0 : i32
          scf.yield %while3A_1652 : i32
        }
        %add3A_1495 = arith.addi %add3A_1434, %scan3A_1454 : i32
        scf.yield %add3A_1495 : i32
      }
      %scan3A_1332 = arith.constant 32 : i32
      %sub3A_1333 = arith.constant 629146 : i32
      %sub3A_1334 = arith.subi %sub3A_1333, %add3A_1318 : i32
      %add3A_1335 = arith.constant 16 : i32
      %add3A_1336 = arith.addi %sub3A_1334, %add3A_1335 : i32
      %sub3A_1337 = arith.constant 1 : i32
      %sub3A_1338 = arith.subi %add3A_1336, %sub3A_1337 : i32
      %jit3A_1339 = arith.constant 16 : i32
      %div3A = arith.divsi %sub3A_1338, %jit3A_1339 : i32
      %sign3A = arith.constant 0 : i32
      %sign3A_1340 = arith.cmpi sgt, %sub3A_1338, %sign3A : i32
      %sign3A_1341 = arith.extui %sign3A_1340 : i1 to i32
      %sign3A_1342 = arith.constant 0 : i32
      %sign3A_1343 = arith.cmpi slt, %sub3A_1338, %sign3A_1342 : i32
      %sign3A_1344 = arith.extui %sign3A_1343 : i1 to i32
      %sign3A_1345 = arith.subi %sign3A_1341, %sign3A_1344 : i32
      %sign3A_1346 = arith.constant 0 : i32
      %sign3A_1347 = arith.cmpi sgt, %jit3A_1339, %sign3A_1346 : i32
      %sign3A_1348 = arith.extui %sign3A_1347 : i1 to i32
      %sign3A_1349 = arith.constant 0 : i32
      %sign3A_1350 = arith.cmpi slt, %jit3A_1339, %sign3A_1349 : i32
      %sign3A_1351 = arith.extui %sign3A_1350 : i1 to i32
      %sign3A_1352 = arith.subi %sign3A_1348, %sign3A_1351 : i32
      %ne3A = arith.cmpi ne, %sign3A_1345, %sign3A_1352 : i32
      %rem3A = arith.remsi %sub3A_1338, %jit3A_1339 : i32
      %ne3A_1353 = arith.constant 0 : i32
      %ne3A_1354 = arith.cmpi ne, %rem3A, %ne3A_1353 : i32
      %and3A_1355 = arith.andi %ne3A, %ne3A_1354 : i1
      %sub3A_1356 = arith.constant 1 : i32
      %sub3A_1357 = arith.subi %div3A, %sub3A_1356 : i32
      %select_n3A_1358 = arith.select %and3A_1355, %sub3A_1357, %div3A : i32
      %mul3A_1359 = arith.muli %arg1, %select_n3A_1358 : i32
      %sub3A_1360 = arith.subi %sub3A_1334, %mul3A_1359 : i32
      %jit3A_1361 = arith.constant 0 : i32
      %max3A = arith.maxsi %jit3A_1361, %sub3A_1360 : i32
      %min3A_1362 = arith.minsi %select_n3A_1358, %max3A : i32
      %gt3A_1363 = arith.constant 0 : i32
      %gt3A_1364 = arith.cmpi sgt, %min3A_1362, %gt3A_1363 : i32
      %convert_element_type3A_1365 = arith.extui %gt3A_1364 : i1 to i32
      %cond3A_1366 = arith.constant 0 : i32
      %cond3A_1367 = arith.cmpi ne, %convert_element_type3A_1365, %cond3A_1366 : i32
      scf.if %cond3A_1367 {
        "tpu.region"() ({
          %run_scoped3A = tpu.sem_alloc : memref<!tpu.dma_semaphore, #tpu.memory_space<semaphore_mem>>
          %dma_start3A_1457 = arith.constant 0 : i32
          %dma_start3A_1458 = tpu.memref_slice %arg4[%dma_start3A_1457] : memref<2048xf32, #tpu.memory_space<vmem>> -> memref<16xf32, #tpu.memory_space<vmem>>
          %dma_start3A_1459 = arith.constant 0 : i32
          %dma_start3A_1460 = tpu.memref_slice %arg2[%add3A, %dma_start3A_1459] : memref<4x2097152xf32, #tpu.memory_space<hbm>> -> memref<1x16xf32, #tpu.memory_space<hbm>>
          %dma_start3A_1461 = tpu.memref_squeeze %dma_start3A_1460 : memref<1x16xf32, #tpu.memory_space<hbm>> -> memref<16xf32, #tpu.memory_space<hbm>>
          %dma_start3A_1462 = arith.constant 0 : i32
          %dma_start3A_1463 = tpu.memref_slice %arg4[%dma_start3A_1462] : memref<2048xf32, #tpu.memory_space<vmem>> -> memref<16xf32, #tpu.memory_space<vmem>>
          %dma_start3A_1464 = arith.constant 0 : i32
          %dma_start3A_1465 = tpu.memref_slice %arg2[%add3A, %dma_start3A_1464] : memref<4x2097152xf32, #tpu.memory_space<hbm>> -> memref<1x16xf32, #tpu.memory_space<hbm>>
          %dma_start3A_1466 = tpu.memref_squeeze %dma_start3A_1465 : memref<1x16xf32, #tpu.memory_space<hbm>> -> memref<16xf32, #tpu.memory_space<hbm>>
          tpu.enqueue_dma source(%dma_start3A_1466 : memref<16xf32, #tpu.memory_space<hbm>>) target(%dma_start3A_1463 : memref<16xf32, #tpu.memory_space<vmem>>) target_semaphore(%run_scoped3A : memref<!tpu.dma_semaphore, #tpu.memory_space<semaphore_mem>>)
          %dma_wait3A = arith.constant 0 : i32
          %dma_wait3A_1467 = tpu.memref_slice %arg4[%dma_wait3A] : memref<2048xf32, #tpu.memory_space<vmem>> -> memref<16xf32, #tpu.memory_space<vmem>>
          %dma_wait3A_1468 = arith.constant 0 : i32
          %dma_wait3A_1469 = tpu.memref_slice %arg2[%add3A, %dma_wait3A_1468] : memref<4x2097152xf32, #tpu.memory_space<hbm>> -> memref<1x16xf32, #tpu.memory_space<hbm>>
          %dma_wait3A_1470 = tpu.memref_squeeze %dma_wait3A_1469 : memref<1x16xf32, #tpu.memory_space<hbm>> -> memref<16xf32, #tpu.memory_space<hbm>>
          %dma_wait3A_1471 = arith.constant 0 : i32
          %dma_wait3A_1472 = tpu.memref_slice %arg4[%dma_wait3A_1471] : memref<2048xf32, #tpu.memory_space<vmem>> -> memref<16xf32, #tpu.memory_space<vmem>>
          %dma_wait3A_1473 = arith.constant 0 : i32
          %dma_wait3A_1474 = tpu.memref_slice %arg2[%add3A, %dma_wait3A_1473] : memref<4x2097152xf32, #tpu.memory_space<hbm>> -> memref<1x16xf32, #tpu.memory_space<hbm>>
          %dma_wait3A_1475 = tpu.memref_squeeze %dma_wait3A_1474 : memref<1x16xf32, #tpu.memory_space<hbm>> -> memref<16xf32, #tpu.memory_space<hbm>>
          tpu.wait_dma2 semaphore(%run_scoped3A : memref<!tpu.dma_semaphore, #tpu.memory_space<semaphore_mem>>) src(%dma_wait3A_1475 : memref<16xf32, #tpu.memory_space<hbm>>) dst(%dma_wait3A_1472 : memref<16xf32, #tpu.memory_space<vmem>>)
          tpu.yield
        }) : () -> ()
        %get3A_1370 = arith.constant 0 : index
        %get3A_1371 = tpu.vector_load %arg4[%get3A_1370] {strides = array<i32>} : memref<2048xf32, #tpu.memory_space<vmem>>, vector<16xf32>,
        %div3A_1372 = arith.constant 9.99999982E+12 : f32
        %div3A_1373 = vector.broadcast %div3A_1372 : f32 to vector<16xf32>
        %div3A_1374 = arith.divf %get3A_1371, %div3A_1373 : vector<16xf32>
        %eq3A_1375 = arith.constant 0 : i32
        %eq3A_1376 = vector.broadcast %eq3A_1375 : i32 to vector<16xi32>
        %eq3A_1377 = arith.cmpi eq, %iota3A, %eq3A_1376 : vector<16xi32>
        %jit3A_1378 = arith.constant 0.000000e+00 : f32
        %broadcast_in_dim3A_1379 = vector.broadcast %jit3A_1378 : f32 to vector<16xf32>
        %select_n3A_1380 = arith.select %eq3A_1377, %div3A_1374, %broadcast_in_dim3A_1379 : vector<16xi1>, vector<16xf32>
        %reduce_sum3A = arith.constant true
        %reduce_sum3A_1381 = vector.broadcast %reduce_sum3A : i1 to vector<16xi1>
        %reduce_sum3A_1382 = tpu.scan <sum>, %select_n3A_1380 masked %reduce_sum3A_1381 : vector<16xf32>, vector<16xi1> -> vector<16xf32>
        %reduce_sum3A_1383 = vector.extract %reduce_sum3A_1382[15] : f32 from vector<16xf32>
        %broadcast_in_dim3A_1384 = vector.broadcast %reduce_sum3A_1383 : f32 to vector<16xf32>
        %bitcast_convert_type3A_1385 = tpu.bitcast %broadcast_in_dim3A_1384 : vector<16xf32> -> vector<16xi32>
        %broadcast_in_dim3A_1386 = vector.broadcast %add3A : i32 to vector<16xi32>
        %eq3A_1387 = arith.constant 1 : i32
        %eq3A_1388 = vector.broadcast %eq3A_1387 : i32 to vector<16xi32>
        %eq3A_1389 = arith.cmpi eq, %iota3A, %eq3A_1388 : vector<16xi32>
        %eq3A_1390 = arith.constant 2 : i32
        %eq3A_1391 = vector.broadcast %eq3A_1390 : i32 to vector<16xi32>
        %eq3A_1392 = arith.cmpi eq, %iota3A, %eq3A_1391 : vector<16xi32>
        %eq3A_1393 = arith.constant 3 : i32
        %eq3A_1394 = vector.broadcast %eq3A_1393 : i32 to vector<16xi32>
        %eq3A_1395 = arith.cmpi eq, %iota3A, %eq3A_1394 : vector<16xi32>
        %eq3A_1396 = arith.constant 4 : i32
        %eq3A_1397 = vector.broadcast %eq3A_1396 : i32 to vector<16xi32>
        %eq3A_1398 = arith.cmpi eq, %iota3A, %eq3A_1397 : vector<16xi32>
        %jit3A_1399 = arith.constant 0 : i32
        %broadcast_in_dim3A_1400 = vector.broadcast %jit3A_1399 : i32 to vector<16xi32>
        %select_n3A_1401 = arith.select %eq3A_1398, %broadcast_in_dim3A_1386, %broadcast_in_dim3A_1400 : vector<16xi1>, vector<16xi32>
        %select_n3A_1402 = arith.select %eq3A_1395, %bitcast_convert_type3A_1385, %select_n3A_1401 : vector<16xi1>, vector<16xi32>
        %jit3A_1403 = arith.constant -1073741824 : i32
        %broadcast_in_dim3A_1404 = vector.broadcast %jit3A_1403 : i32 to vector<16xi32>
        %select_n3A_1405 = arith.select %eq3A_1392, %broadcast_in_dim3A_1404, %select_n3A_1402 : vector<16xi1>, vector<16xi32>
        %jit3A_1406 = arith.constant -1038090240 : i32
        %broadcast_in_dim3A_1407 = vector.broadcast %jit3A_1406 : i32 to vector<16xi32>
        %select_n3A_1408 = arith.select %eq3A_1389, %broadcast_in_dim3A_1407, %select_n3A_1405 : vector<16xi1>, vector<16xi32>
        %scan3A_1409 = arith.constant 0 : i32
        %scan3A_1410 = arith.constant 0 : i32
        %scan3A_1411 = arith.constant 128 : i32
        %scan3A_1412 = arith.addi %scan3A_1410, %scan3A_1411 : i32
        %scan3A_1413 = arith.constant 1 : i32
        %scan3A_1414 = scf.for %scan3A_1457 = %scan3A_1410 to %scan3A_1412 step %scan3A_1413 iter_args(%scan3A_1458 = %scan3A_1409) -> (i32)  : i32 {
          %broadcast_in_dim3A_1459 = vector.broadcast %scan3A_1457 : i32 to vector<16xi32>
          tpu.vector_store_idx %arg11[%broadcast_in_dim3A_1459, %iota3A], %select_n3A_1408 : memref<128x16xi32, #tpu.memory_space<vmem>>[vector<16xi32>, vector<16xi32>], vector<16xi32>,
          %scan3A_1460 = arith.constant 0 : i32
          scf.yield %scan3A_1460 : i32
        }
        %scan3A_1415 = arith.constant 128 : i32
        %mul3A_1416 = arith.constant 629146 : i32
        %mul3A_1417 = arith.muli %add3A, %mul3A_1416 : i32
        %add3A_1418 = arith.addi %mul3A_1417, %add3A_1318 : i32
        %add3A_1419 = arith.addi %add3A_1418, %mul3A_1359 : i32
        %add3A_1420 = arith.constant 127 : i32
        %add3A_1421 = arith.addi %min3A_1362, %add3A_1420 : i32
        %jit3A_1422 = arith.constant 128 : i32
        %div3A_1423 = arith.divsi %add3A_1421, %jit3A_1422 : i32
        %sign3A_1424 = arith.constant 0 : i32
        %sign3A_1425 = arith.cmpi sgt, %add3A_1421, %sign3A_1424 : i32
        %sign3A_1426 = arith.extui %sign3A_1425 : i1 to i32
        %sign3A_1427 = arith.constant 0 : i32
        %sign3A_1428 = arith.cmpi slt, %add3A_1421, %sign3A_1427 : i32
        %sign3A_1429 = arith.extui %sign3A_1428 : i1 to i32
        %sign3A_1430 = arith.subi %sign3A_1426, %sign3A_1429 : i32
        %sign3A_1431 = arith.constant 0 : i32
        %sign3A_1432 = arith.cmpi sgt, %jit3A_1422, %sign3A_1431 : i32
        %sign3A_1433 = arith.extui %sign3A_1432 : i1 to i32
        %sign3A_1434 = arith.constant 0 : i32
        %sign3A_1435 = arith.cmpi slt, %jit3A_1422, %sign3A_1434 : i32
        %sign3A_1436 = arith.extui %sign3A_1435 : i1 to i32
        %sign3A_1437 = arith.subi %sign3A_1433, %sign3A_1436 : i32
        %ne3A_1438 = arith.cmpi ne, %sign3A_1430, %sign3A_1437 : i32
        %rem3A_1439 = arith.remsi %add3A_1421, %jit3A_1422 : i32
        %ne3A_1440 = arith.constant 0 : i32
        %ne3A_1441 = arith.cmpi ne, %rem3A_1439, %ne3A_1440 : i32
        %and3A_1442 = arith.andi %ne3A_1438, %ne3A_1441 : i1
        %sub3A_1443 = arith.constant 1 : i32
        %sub3A_1444 = arith.subi %div3A_1423, %sub3A_1443 : i32
        %select_n3A_1445 = arith.select %and3A_1442, %sub3A_1444, %div3A_1423 : i32
        %while3A = arith.constant 0 : i32
        %while3A_1446 = arith.constant 0 : i32
        %while3A_1447 = arith.subi %select_n3A_1445, %while3A : i32
        %while3A_1448 = arith.addi %while3A, %while3A_1447 : i32
        %while3A_1449 = arith.constant 1 : i32
        %while3A_1450 = arith.divsi %while3A_1447, %while3A_1449 : i32
        %while3A_1451 = arith.muli %while3A_1450, %while3A_1449 : i32
        %while3A_1452 = arith.addi %while3A, %while3A_1451 : i32
        %while3A_1453 = arith.constant 1 : i32
        %while3A_1454 = scf.for %while3A_1457 = %while3A to %while3A_1452 step %while3A_1453 iter_args(%while3A_1458 = %while3A_1446) -> (i32)  : i32 {
          %mul3A_1459 = arith.constant 128 : i32
          %mul3A_1460 = arith.muli %while3A_1457, %mul3A_1459 : i32
          %add3A_1461 = arith.constant 0 : i32
          %add3A_1462 = arith.addi %mul3A_1460, %add3A_1461 : i32
          %add3A_1463 = vector.broadcast %add3A_1462 : i32 to vector<16xi32>
          %add3A_1464 = arith.addi %add3A_1463, %iota3A : vector<16xi32>
          %lt3A_1465 = vector.broadcast %min3A_1362 : i32 to vector<16xi32>
          %lt3A_1466 = arith.cmpi slt, %add3A_1464, %lt3A_1465 : vector<16xi32>
          %add3A_1467 = vector.broadcast %add3A_1419 : i32 to vector<16xi32>
          %add3A_1468 = arith.addi %add3A_1467, %add3A_1464 : vector<16xi32>
          %add3A_1469 = arith.constant 2516584 : i32
          %add3A_1470 = vector.broadcast %add3A_1469 : i32 to vector<16xi32>
          %add3A_1471 = arith.addi %add3A_1470, %iota3A : vector<16xi32>
          %select_n3A_1472 = arith.select %lt3A_1466, %add3A_1468, %add3A_1471 : vector<16xi1>, vector<16xi32>
          %swap3A_1473 = arith.index_cast %while3A_1457 : i32 to index
          %swap3A_1474 = arith.constant 0 : index
          %swap3A_1475 = tpu.vector_load %arg10[%swap3A_1473, %swap3A_1474] {strides = array<i32>} : memref<16x128xi32, #tpu.memory_space<vmem>>, vector<16xi32>,
          tpu.vector_store %arg10[%swap3A_1473, %swap3A_1474], %select_n3A_1472 {strides = array<i32>} : memref<16x128xi32, #tpu.memory_space<vmem>>, vector<16xi32>,
          %mul3A_1476 = arith.constant 128 : i32
          %mul3A_1477 = arith.muli %while3A_1457, %mul3A_1476 : i32
          %add3A_1478 = arith.constant 16 : i32
          %add3A_1479 = arith.addi %mul3A_1477, %add3A_1478 : i32
          %add3A_1480 = vector.broadcast %add3A_1479 : i32 to vector<16xi32>
          %add3A_1481 = arith.addi %add3A_1480, %iota3A : vector<16xi32>
          %lt3A_1482 = vector.broadcast %min3A_1362 : i32 to vector<16xi32>
          %lt3A_1483 = arith.cmpi slt, %add3A_1481, %lt3A_1482 : vector<16xi32>
          %add3A_1484 = vector.broadcast %add3A_1419 : i32 to vector<16xi32>
          %add3A_1485 = arith.addi %add3A_1484, %add3A_1481 : vector<16xi32>
          %add3A_1486 = arith.constant 2516600 : i32
          %add3A_1487 = vector.broadcast %add3A_1486 : i32 to vector<16xi32>
          %add3A_1488 = arith.addi %add3A_1487, %iota3A : vector<16xi32>
          %select_n3A_1489 = arith.select %lt3A_1483, %add3A_1485, %add3A_1488 : vector<16xi1>, vector<16xi32>
          %swap3A_1490 = arith.index_cast %while3A_1457 : i32 to index
          %swap3A_1491 = arith.constant 16 : index
          %swap3A_1492 = tpu.vector_load %arg10[%swap3A_1490, %swap3A_1491] {strides = array<i32>} : memref<16x128xi32, #tpu.memory_space<vmem>>, vector<16xi32>,
          tpu.vector_store %arg10[%swap3A_1490, %swap3A_1491], %select_n3A_1489 {strides = array<i32>} : memref<16x128xi32, #tpu.memory_space<vmem>>, vector<16xi32>,
          %mul3A_1493 = arith.constant 128 : i32
          %mul3A_1494 = arith.muli %while3A_1457, %mul3A_1493 : i32
          %add3A_1495 = arith.constant 32 : i32
          %add3A_1496 = arith.addi %mul3A_1494, %add3A_1495 : i32
          %add3A_1497 = vector.broadcast %add3A_1496 : i32 to vector<16xi32>
          %add3A_1498 = arith.addi %add3A_1497, %iota3A : vector<16xi32>
          %lt3A_1499 = vector.broadcast %min3A_1362 : i32 to vector<16xi32>
          %lt3A_1500 = arith.cmpi slt, %add3A_1498, %lt3A_1499 : vector<16xi32>
          %add3A_1501 = vector.broadcast %add3A_1419 : i32 to vector<16xi32>
          %add3A_1502 = arith.addi %add3A_1501, %add3A_1498 : vector<16xi32>
          %add3A_1503 = arith.constant 2516616 : i32
          %add3A_1504 = vector.broadcast %add3A_1503 : i32 to vector<16xi32>
          %add3A_1505 = arith.addi %add3A_1504, %iota3A : vector<16xi32>
          %select_n3A_1506 = arith.select %lt3A_1500, %add3A_1502, %add3A_1505 : vector<16xi1>, vector<16xi32>
          %swap3A_1507 = arith.index_cast %while3A_1457 : i32 to index
          %swap3A_1508 = arith.constant 32 : index
          %swap3A_1509 = tpu.vector_load %arg10[%swap3A_1507, %swap3A_1508] {strides = array<i32>} : memref<16x128xi32, #tpu.memory_space<vmem>>, vector<16xi32>,
          tpu.vector_store %arg10[%swap3A_1507, %swap3A_1508], %select_n3A_1506 {strides = array<i32>} : memref<16x128xi32, #tpu.memory_space<vmem>>, vector<16xi32>,
          %mul3A_1510 = arith.constant 128 : i32
          %mul3A_1511 = arith.muli %while3A_1457, %mul3A_1510 : i32
          %add3A_1512 = arith.constant 48 : i32
          %add3A_1513 = arith.addi %mul3A_1511, %add3A_1512 : i32
          %add3A_1514 = vector.broadcast %add3A_1513 : i32 to vector<16xi32>
          %add3A_1515 = arith.addi %add3A_1514, %iota3A : vector<16xi32>
          %lt3A_1516 = vector.broadcast %min3A_1362 : i32 to vector<16xi32>
          %lt3A_1517 = arith.cmpi slt, %add3A_1515, %lt3A_1516 : vector<16xi32>
          %add3A_1518 = vector.broadcast %add3A_1419 : i32 to vector<16xi32>
          %add3A_1519 = arith.addi %add3A_1518, %add3A_1515 : vector<16xi32>
          %add3A_1520 = arith.constant 2516632 : i32
          %add3A_1521 = vector.broadcast %add3A_1520 : i32 to vector<16xi32>
          %add3A_1522 = arith.addi %add3A_1521, %iota3A : vector<16xi32>
          %select_n3A_1523 = arith.select %lt3A_1517, %add3A_1519, %add3A_1522 : vector<16xi1>, vector<16xi32>
          %swap3A_1524 = arith.index_cast %while3A_1457 : i32 to index
          %swap3A_1525 = arith.constant 48 : index
          %swap3A_1526 = tpu.vector_load %arg10[%swap3A_1524, %swap3A_1525] {strides = array<i32>} : memref<16x128xi32, #tpu.memory_space<vmem>>, vector<16xi32>,
          tpu.vector_store %arg10[%swap3A_1524, %swap3A_1525], %select_n3A_1523 {strides = array<i32>} : memref<16x128xi32, #tpu.memory_space<vmem>>, vector<16xi32>,
          %mul3A_1527 = arith.constant 128 : i32
          %mul3A_1528 = arith.muli %while3A_1457, %mul3A_1527 : i32
          %add3A_1529 = arith.constant 64 : i32
          %add3A_1530 = arith.addi %mul3A_1528, %add3A_1529 : i32
          %add3A_1531 = vector.broadcast %add3A_1530 : i32 to vector<16xi32>
          %add3A_1532 = arith.addi %add3A_1531, %iota3A : vector<16xi32>
          %lt3A_1533 = vector.broadcast %min3A_1362 : i32 to vector<16xi32>
          %lt3A_1534 = arith.cmpi slt, %add3A_1532, %lt3A_1533 : vector<16xi32>
          %add3A_1535 = vector.broadcast %add3A_1419 : i32 to vector<16xi32>
          %add3A_1536 = arith.addi %add3A_1535, %add3A_1532 : vector<16xi32>
          %add3A_1537 = arith.constant 2516648 : i32
          %add3A_1538 = vector.broadcast %add3A_1537 : i32 to vector<16xi32>
          %add3A_1539 = arith.addi %add3A_1538, %iota3A : vector<16xi32>
          %select_n3A_1540 = arith.select %lt3A_1534, %add3A_1536, %add3A_1539 : vector<16xi1>, vector<16xi32>
          %swap3A_1541 = arith.index_cast %while3A_1457 : i32 to index
          %swap3A_1542 = arith.constant 64 : index
          %swap3A_1543 = tpu.vector_load %arg10[%swap3A_1541, %swap3A_1542] {strides = array<i32>} : memref<16x128xi32, #tpu.memory_space<vmem>>, vector<16xi32>,
          tpu.vector_store %arg10[%swap3A_1541, %swap3A_1542], %select_n3A_1540 {strides = array<i32>} : memref<16x128xi32, #tpu.memory_space<vmem>>, vector<16xi32>,
          %mul3A_1544 = arith.constant 128 : i32
          %mul3A_1545 = arith.muli %while3A_1457, %mul3A_1544 : i32
          %add3A_1546 = arith.constant 80 : i32
          %add3A_1547 = arith.addi %mul3A_1545, %add3A_1546 : i32
          %add3A_1548 = vector.broadcast %add3A_1547 : i32 to vector<16xi32>
          %add3A_1549 = arith.addi %add3A_1548, %iota3A : vector<16xi32>
          %lt3A_1550 = vector.broadcast %min3A_1362 : i32 to vector<16xi32>
          %lt3A_1551 = arith.cmpi slt, %add3A_1549, %lt3A_1550 : vector<16xi32>
          %add3A_1552 = vector.broadcast %add3A_1419 : i32 to vector<16xi32>
          %add3A_1553 = arith.addi %add3A_1552, %add3A_1549 : vector<16xi32>
          %add3A_1554 = arith.constant 2516664 : i32
          %add3A_1555 = vector.broadcast %add3A_1554 : i32 to vector<16xi32>
          %add3A_1556 = arith.addi %add3A_1555, %iota3A : vector<16xi32>
          %select_n3A_1557 = arith.select %lt3A_1551, %add3A_1553, %add3A_1556 : vector<16xi1>, vector<16xi32>
          %swap3A_1558 = arith.index_cast %while3A_1457 : i32 to index
          %swap3A_1559 = arith.constant 80 : index
          %swap3A_1560 = tpu.vector_load %arg10[%swap3A_1558, %swap3A_1559] {strides = array<i32>} : memref<16x128xi32, #tpu.memory_space<vmem>>, vector<16xi32>,
          tpu.vector_store %arg10[%swap3A_1558, %swap3A_1559], %select_n3A_1557 {strides = array<i32>} : memref<16x128xi32, #tpu.memory_space<vmem>>, vector<16xi32>,
          %mul3A_1561 = arith.constant 128 : i32
          %mul3A_1562 = arith.muli %while3A_1457, %mul3A_1561 : i32
          %add3A_1563 = arith.constant 96 : i32
          %add3A_1564 = arith.addi %mul3A_1562, %add3A_1563 : i32
          %add3A_1565 = vector.broadcast %add3A_1564 : i32 to vector<16xi32>
          %add3A_1566 = arith.addi %add3A_1565, %iota3A : vector<16xi32>
          %lt3A_1567 = vector.broadcast %min3A_1362 : i32 to vector<16xi32>
          %lt3A_1568 = arith.cmpi slt, %add3A_1566, %lt3A_1567 : vector<16xi32>
          %add3A_1569 = vector.broadcast %add3A_1419 : i32 to vector<16xi32>
          %add3A_1570 = arith.addi %add3A_1569, %add3A_1566 : vector<16xi32>
          %add3A_1571 = arith.constant 2516680 : i32
          %add3A_1572 = vector.broadcast %add3A_1571 : i32 to vector<16xi32>
          %add3A_1573 = arith.addi %add3A_1572, %iota3A : vector<16xi32>
          %select_n3A_1574 = arith.select %lt3A_1568, %add3A_1570, %add3A_1573 : vector<16xi1>, vector<16xi32>
          %swap3A_1575 = arith.index_cast %while3A_1457 : i32 to index
          %swap3A_1576 = arith.constant 96 : index
          %swap3A_1577 = tpu.vector_load %arg10[%swap3A_1575, %swap3A_1576] {strides = array<i32>} : memref<16x128xi32, #tpu.memory_space<vmem>>, vector<16xi32>,
          tpu.vector_store %arg10[%swap3A_1575, %swap3A_1576], %select_n3A_1574 {strides = array<i32>} : memref<16x128xi32, #tpu.memory_space<vmem>>, vector<16xi32>,
          %mul3A_1578 = arith.constant 128 : i32
          %mul3A_1579 = arith.muli %while3A_1457, %mul3A_1578 : i32
          %add3A_1580 = arith.constant 112 : i32
          %add3A_1581 = arith.addi %mul3A_1579, %add3A_1580 : i32
          %add3A_1582 = vector.broadcast %add3A_1581 : i32 to vector<16xi32>
          %add3A_1583 = arith.addi %add3A_1582, %iota3A : vector<16xi32>
          %lt3A_1584 = vector.broadcast %min3A_1362 : i32 to vector<16xi32>
          %lt3A_1585 = arith.cmpi slt, %add3A_1583, %lt3A_1584 : vector<16xi32>
          %add3A_1586 = vector.broadcast %add3A_1419 : i32 to vector<16xi32>
          %add3A_1587 = arith.addi %add3A_1586, %add3A_1583 : vector<16xi32>
          %add3A_1588 = arith.constant 2516696 : i32
          %add3A_1589 = vector.broadcast %add3A_1588 : i32 to vector<16xi32>
          %add3A_1590 = arith.addi %add3A_1589, %iota3A : vector<16xi32>
          %select_n3A_1591 = arith.select %lt3A_1585, %add3A_1587, %add3A_1590 : vector<16xi1>, vector<16xi32>
          %swap3A_1592 = arith.index_cast %while3A_1457 : i32 to index
          %swap3A_1593 = arith.constant 112 : index
          %swap3A_1594 = tpu.vector_load %arg10[%swap3A_1592, %swap3A_1593] {strides = array<i32>} : memref<16x128xi32, #tpu.memory_space<vmem>>, vector<16xi32>,
          tpu.vector_store %arg10[%swap3A_1592, %swap3A_1593], %select_n3A_1591 {strides = array<i32>} : memref<16x128xi32, #tpu.memory_space<vmem>>, vector<16xi32>,
          %dma_start3A_1595 = arith.constant 0 : i32
          %dma_start3A_1596 = arith.constant 0 : i32
          %dma_start3A_1597 = tpu.memref_slice %arg11[%dma_start3A_1595, %dma_start3A_1596] : memref<128x16xi32, #tpu.memory_space<vmem>> -> memref<128x16xi32, #tpu.memory_space<vmem>>
          %dma_start3A_1598 = arith.constant 0 : i32
          %dma_start3A_1599 = tpu.memref_slice %arg10[%while3A_1457, %dma_start3A_1598] : memref<16x128xi32, #tpu.memory_space<vmem>> -> memref<1x128xi32, #tpu.memory_space<vmem>>
          %dma_start3A_1600 = tpu.memref_squeeze %dma_start3A_1599 : memref<1x128xi32, #tpu.memory_space<vmem>> -> memref<128xi32, #tpu.memory_space<vmem>>
          %dma_start3A_1601 = arith.constant 0 : i32
          %dma_start3A_1602 = arith.constant 0 : i32
          %dma_start3A_1603 = tpu.memref_slice %arg3[%dma_start3A_1601, %dma_start3A_1602] : memref<2516712x16xi32, #tpu.memory_space<hbm>> -> memref<2516712x16xi32, #tpu.memory_space<hbm>>
          tpu.enqueue_indirect_dma source(%dma_start3A_1597 : memref<128x16xi32, #tpu.memory_space<vmem>>) target(%dma_start3A_1603 : memref<2516712x16xi32, #tpu.memory_space<hbm>>) offsets(%dma_start3A_1600 : memref<128xi32, #tpu.memory_space<vmem>>) semaphore(%arg22 : memref<!tpu.dma_semaphore, #tpu.memory_space<semaphore_mem>>)
          %dma_wait3A = arith.constant 0 : i32
          %dma_wait3A_1604 = arith.constant 0 : i32
          %dma_wait3A_1605 = tpu.memref_slice %arg11[%dma_wait3A, %dma_wait3A_1604] : memref<128x16xi32, #tpu.memory_space<vmem>> -> memref<128x16xi32, #tpu.memory_space<vmem>>
          %dma_wait3A_1606 = arith.constant 0 : i32
          %dma_wait3A_1607 = tpu.memref_slice %arg10[%while3A_1457, %dma_wait3A_1606] : memref<16x128xi32, #tpu.memory_space<vmem>> -> memref<1x128xi32, #tpu.memory_space<vmem>>
          %dma_wait3A_1608 = tpu.memref_squeeze %dma_wait3A_1607 : memref<1x128xi32, #tpu.memory_space<vmem>> -> memref<128xi32, #tpu.memory_space<vmem>>
          %dma_wait3A_1609 = arith.constant 0 : i32
          %dma_wait3A_1610 = arith.constant 0 : i32
          %dma_wait3A_1611 = tpu.memref_slice %arg3[%dma_wait3A_1609, %dma_wait3A_1610] : memref<2516712x16xi32, #tpu.memory_space<hbm>> -> memref<2516712x16xi32, #tpu.memory_space<hbm>>
          tpu.wait_indirect_dma semaphore(%arg22 : memref<!tpu.dma_semaphore, #tpu.memory_space<semaphore_mem>>) src(%dma_wait3A_1605 : memref<128x16xi32, #tpu.memory_space<vmem>>) dst(%dma_wait3A_1611 : memref<2516712x16xi32, #tpu.memory_space<hbm>>)
          %while3A_1612 = arith.constant 0 : i32
          scf.yield %while3A_1612 : i32
        }
        %while3A_1455 = arith.constant 1 : i32
        %while3A_1456 = scf.for %while3A_1457 = %while3A_1452 to %while3A_1448 step %while3A_1455 iter_args(%while3A_1458 = %while3A_1454) -> (i32)  : i32 {
          %mul3A_1459 = arith.constant 128 : i32
          %mul3A_1460 = arith.muli %while3A_1457, %mul3A_1459 : i32
          %add3A_1461 = arith.constant 0 : i32
          %add3A_1462 = arith.addi %mul3A_1460, %add3A_1461 : i32
          %add3A_1463 = vector.broadcast %add3A_1462 : i32 to vector<16xi32>
          %add3A_1464 = arith.addi %add3A_1463, %iota3A : vector<16xi32>
          %lt3A_1465 = vector.broadcast %min3A_1362 : i32 to vector<16xi32>
          %lt3A_1466 = arith.cmpi slt, %add3A_1464, %lt3A_1465 : vector<16xi32>
          %add3A_1467 = vector.broadcast %add3A_1419 : i32 to vector<16xi32>
          %add3A_1468 = arith.addi %add3A_1467, %add3A_1464 : vector<16xi32>
          %add3A_1469 = arith.constant 2516584 : i32
          %add3A_1470 = vector.broadcast %add3A_1469 : i32 to vector<16xi32>
          %add3A_1471 = arith.addi %add3A_1470, %iota3A : vector<16xi32>
          %select_n3A_1472 = arith.select %lt3A_1466, %add3A_1468, %add3A_1471 : vector<16xi1>, vector<16xi32>
          %swap3A_1473 = arith.index_cast %while3A_1457 : i32 to index
          %swap3A_1474 = arith.constant 0 : index
          %swap3A_1475 = tpu.vector_load %arg10[%swap3A_1473, %swap3A_1474] {strides = array<i32>} : memref<16x128xi32, #tpu.memory_space<vmem>>, vector<16xi32>,
          tpu.vector_store %arg10[%swap3A_1473, %swap3A_1474], %select_n3A_1472 {strides = array<i32>} : memref<16x128xi32, #tpu.memory_space<vmem>>, vector<16xi32>,
          %mul3A_1476 = arith.constant 128 : i32
          %mul3A_1477 = arith.muli %while3A_1457, %mul3A_1476 : i32
          %add3A_1478 = arith.constant 16 : i32
          %add3A_1479 = arith.addi %mul3A_1477, %add3A_1478 : i32
          %add3A_1480 = vector.broadcast %add3A_1479 : i32 to vector<16xi32>
          %add3A_1481 = arith.addi %add3A_1480, %iota3A : vector<16xi32>
          %lt3A_1482 = vector.broadcast %min3A_1362 : i32 to vector<16xi32>
          %lt3A_1483 = arith.cmpi slt, %add3A_1481, %lt3A_1482 : vector<16xi32>
          %add3A_1484 = vector.broadcast %add3A_1419 : i32 to vector<16xi32>
          %add3A_1485 = arith.addi %add3A_1484, %add3A_1481 : vector<16xi32>
          %add3A_1486 = arith.constant 2516600 : i32
          %add3A_1487 = vector.broadcast %add3A_1486 : i32 to vector<16xi32>
          %add3A_1488 = arith.addi %add3A_1487, %iota3A : vector<16xi32>
          %select_n3A_1489 = arith.select %lt3A_1483, %add3A_1485, %add3A_1488 : vector<16xi1>, vector<16xi32>
          %swap3A_1490 = arith.index_cast %while3A_1457 : i32 to index
          %swap3A_1491 = arith.constant 16 : index
          %swap3A_1492 = tpu.vector_load %arg10[%swap3A_1490, %swap3A_1491] {strides = array<i32>} : memref<16x128xi32, #tpu.memory_space<vmem>>, vector<16xi32>,
          tpu.vector_store %arg10[%swap3A_1490, %swap3A_1491], %select_n3A_1489 {strides = array<i32>} : memref<16x128xi32, #tpu.memory_space<vmem>>, vector<16xi32>,
          %mul3A_1493 = arith.constant 128 : i32
          %mul3A_1494 = arith.muli %while3A_1457, %mul3A_1493 : i32
          %add3A_1495 = arith.constant 32 : i32
          %add3A_1496 = arith.addi %mul3A_1494, %add3A_1495 : i32
          %add3A_1497 = vector.broadcast %add3A_1496 : i32 to vector<16xi32>
          %add3A_1498 = arith.addi %add3A_1497, %iota3A : vector<16xi32>
          %lt3A_1499 = vector.broadcast %min3A_1362 : i32 to vector<16xi32>
          %lt3A_1500 = arith.cmpi slt, %add3A_1498, %lt3A_1499 : vector<16xi32>
          %add3A_1501 = vector.broadcast %add3A_1419 : i32 to vector<16xi32>
          %add3A_1502 = arith.addi %add3A_1501, %add3A_1498 : vector<16xi32>
          %add3A_1503 = arith.constant 2516616 : i32
          %add3A_1504 = vector.broadcast %add3A_1503 : i32 to vector<16xi32>
          %add3A_1505 = arith.addi %add3A_1504, %iota3A : vector<16xi32>
          %select_n3A_1506 = arith.select %lt3A_1500, %add3A_1502, %add3A_1505 : vector<16xi1>, vector<16xi32>
          %swap3A_1507 = arith.index_cast %while3A_1457 : i32 to index
          %swap3A_1508 = arith.constant 32 : index
          %swap3A_1509 = tpu.vector_load %arg10[%swap3A_1507, %swap3A_1508] {strides = array<i32>} : memref<16x128xi32, #tpu.memory_space<vmem>>, vector<16xi32>,
          tpu.vector_store %arg10[%swap3A_1507, %swap3A_1508], %select_n3A_1506 {strides = array<i32>} : memref<16x128xi32, #tpu.memory_space<vmem>>, vector<16xi32>,
          %mul3A_1510 = arith.constant 128 : i32
          %mul3A_1511 = arith.muli %while3A_1457, %mul3A_1510 : i32
          %add3A_1512 = arith.constant 48 : i32
          %add3A_1513 = arith.addi %mul3A_1511, %add3A_1512 : i32
          %add3A_1514 = vector.broadcast %add3A_1513 : i32 to vector<16xi32>
          %add3A_1515 = arith.addi %add3A_1514, %iota3A : vector<16xi32>
          %lt3A_1516 = vector.broadcast %min3A_1362 : i32 to vector<16xi32>
          %lt3A_1517 = arith.cmpi slt, %add3A_1515, %lt3A_1516 : vector<16xi32>
          %add3A_1518 = vector.broadcast %add3A_1419 : i32 to vector<16xi32>
          %add3A_1519 = arith.addi %add3A_1518, %add3A_1515 : vector<16xi32>
          %add3A_1520 = arith.constant 2516632 : i32
          %add3A_1521 = vector.broadcast %add3A_1520 : i32 to vector<16xi32>
          %add3A_1522 = arith.addi %add3A_1521, %iota3A : vector<16xi32>
          %select_n3A_1523 = arith.select %lt3A_1517, %add3A_1519, %add3A_1522 : vector<16xi1>, vector<16xi32>
          %swap3A_1524 = arith.index_cast %while3A_1457 : i32 to index
          %swap3A_1525 = arith.constant 48 : index
          %swap3A_1526 = tpu.vector_load %arg10[%swap3A_1524, %swap3A_1525] {strides = array<i32>} : memref<16x128xi32, #tpu.memory_space<vmem>>, vector<16xi32>,
          tpu.vector_store %arg10[%swap3A_1524, %swap3A_1525], %select_n3A_1523 {strides = array<i32>} : memref<16x128xi32, #tpu.memory_space<vmem>>, vector<16xi32>,
          %mul3A_1527 = arith.constant 128 : i32
          %mul3A_1528 = arith.muli %while3A_1457, %mul3A_1527 : i32
          %add3A_1529 = arith.constant 64 : i32
          %add3A_1530 = arith.addi %mul3A_1528, %add3A_1529 : i32
          %add3A_1531 = vector.broadcast %add3A_1530 : i32 to vector<16xi32>
          %add3A_1532 = arith.addi %add3A_1531, %iota3A : vector<16xi32>
          %lt3A_1533 = vector.broadcast %min3A_1362 : i32 to vector<16xi32>
          %lt3A_1534 = arith.cmpi slt, %add3A_1532, %lt3A_1533 : vector<16xi32>
          %add3A_1535 = vector.broadcast %add3A_1419 : i32 to vector<16xi32>
          %add3A_1536 = arith.addi %add3A_1535, %add3A_1532 : vector<16xi32>
          %add3A_1537 = arith.constant 2516648 : i32
          %add3A_1538 = vector.broadcast %add3A_1537 : i32 to vector<16xi32>
          %add3A_1539 = arith.addi %add3A_1538, %iota3A : vector<16xi32>
          %select_n3A_1540 = arith.select %lt3A_1534, %add3A_1536, %add3A_1539 : vector<16xi1>, vector<16xi32>
          %swap3A_1541 = arith.index_cast %while3A_1457 : i32 to index
          %swap3A_1542 = arith.constant 64 : index
          %swap3A_1543 = tpu.vector_load %arg10[%swap3A_1541, %swap3A_1542] {strides = array<i32>} : memref<16x128xi32, #tpu.memory_space<vmem>>, vector<16xi32>,
          tpu.vector_store %arg10[%swap3A_1541, %swap3A_1542], %select_n3A_1540 {strides = array<i32>} : memref<16x128xi32, #tpu.memory_space<vmem>>, vector<16xi32>,
          %mul3A_1544 = arith.constant 128 : i32
          %mul3A_1545 = arith.muli %while3A_1457, %mul3A_1544 : i32
          %add3A_1546 = arith.constant 80 : i32
          %add3A_1547 = arith.addi %mul3A_1545, %add3A_1546 : i32
          %add3A_1548 = vector.broadcast %add3A_1547 : i32 to vector<16xi32>
          %add3A_1549 = arith.addi %add3A_1548, %iota3A : vector<16xi32>
          %lt3A_1550 = vector.broadcast %min3A_1362 : i32 to vector<16xi32>
          %lt3A_1551 = arith.cmpi slt, %add3A_1549, %lt3A_1550 : vector<16xi32>
          %add3A_1552 = vector.broadcast %add3A_1419 : i32 to vector<16xi32>
          %add3A_1553 = arith.addi %add3A_1552, %add3A_1549 : vector<16xi32>
          %add3A_1554 = arith.constant 2516664 : i32
          %add3A_1555 = vector.broadcast %add3A_1554 : i32 to vector<16xi32>
          %add3A_1556 = arith.addi %add3A_1555, %iota3A : vector<16xi32>
          %select_n3A_1557 = arith.select %lt3A_1551, %add3A_1553, %add3A_1556 : vector<16xi1>, vector<16xi32>
          %swap3A_1558 = arith.index_cast %while3A_1457 : i32 to index
          %swap3A_1559 = arith.constant 80 : index
          %swap3A_1560 = tpu.vector_load %arg10[%swap3A_1558, %swap3A_1559] {strides = array<i32>} : memref<16x128xi32, #tpu.memory_space<vmem>>, vector<16xi32>,
          tpu.vector_store %arg10[%swap3A_1558, %swap3A_1559], %select_n3A_1557 {strides = array<i32>} : memref<16x128xi32, #tpu.memory_space<vmem>>, vector<16xi32>,
          %mul3A_1561 = arith.constant 128 : i32
          %mul3A_1562 = arith.muli %while3A_1457, %mul3A_1561 : i32
          %add3A_1563 = arith.constant 96 : i32
          %add3A_1564 = arith.addi %mul3A_1562, %add3A_1563 : i32
          %add3A_1565 = vector.broadcast %add3A_1564 : i32 to vector<16xi32>
          %add3A_1566 = arith.addi %add3A_1565, %iota3A : vector<16xi32>
          %lt3A_1567 = vector.broadcast %min3A_1362 : i32 to vector<16xi32>
          %lt3A_1568 = arith.cmpi slt, %add3A_1566, %lt3A_1567 : vector<16xi32>
          %add3A_1569 = vector.broadcast %add3A_1419 : i32 to vector<16xi32>
          %add3A_1570 = arith.addi %add3A_1569, %add3A_1566 : vector<16xi32>
          %add3A_1571 = arith.constant 2516680 : i32
          %add3A_1572 = vector.broadcast %add3A_1571 : i32 to vector<16xi32>
          %add3A_1573 = arith.addi %add3A_1572, %iota3A : vector<16xi32>
          %select_n3A_1574 = arith.select %lt3A_1568, %add3A_1570, %add3A_1573 : vector<16xi1>, vector<16xi32>
          %swap3A_1575 = arith.index_cast %while3A_1457 : i32 to index
          %swap3A_1576 = arith.constant 96 : index
          %swap3A_1577 = tpu.vector_load %arg10[%swap3A_1575, %swap3A_1576] {strides = array<i32>} : memref<16x128xi32, #tpu.memory_space<vmem>>, vector<16xi32>,
          tpu.vector_store %arg10[%swap3A_1575, %swap3A_1576], %select_n3A_1574 {strides = array<i32>} : memref<16x128xi32, #tpu.memory_space<vmem>>, vector<16xi32>,
          %mul3A_1578 = arith.constant 128 : i32
          %mul3A_1579 = arith.muli %while3A_1457, %mul3A_1578 : i32
          %add3A_1580 = arith.constant 112 : i32
          %add3A_1581 = arith.addi %mul3A_1579, %add3A_1580 : i32
          %add3A_1582 = vector.broadcast %add3A_1581 : i32 to vector<16xi32>
          %add3A_1583 = arith.addi %add3A_1582, %iota3A : vector<16xi32>
          %lt3A_1584 = vector.broadcast %min3A_1362 : i32 to vector<16xi32>
          %lt3A_1585 = arith.cmpi slt, %add3A_1583, %lt3A_1584 : vector<16xi32>
          %add3A_1586 = vector.broadcast %add3A_1419 : i32 to vector<16xi32>
          %add3A_1587 = arith.addi %add3A_1586, %add3A_1583 : vector<16xi32>
          %add3A_1588 = arith.constant 2516696 : i32
          %add3A_1589 = vector.broadcast %add3A_1588 : i32 to vector<16xi32>
          %add3A_1590 = arith.addi %add3A_1589, %iota3A : vector<16xi32>
          %select_n3A_1591 = arith.select %lt3A_1585, %add3A_1587, %add3A_1590 : vector<16xi1>, vector<16xi32>
          %swap3A_1592 = arith.index_cast %while3A_1457 : i32 to index
          %swap3A_1593 = arith.constant 112 : index
          %swap3A_1594 = tpu.vector_load %arg10[%swap3A_1592, %swap3A_1593] {strides = array<i32>} : memref<16x128xi32, #tpu.memory_space<vmem>>, vector<16xi32>,
          tpu.vector_store %arg10[%swap3A_1592, %swap3A_1593], %select_n3A_1591 {strides = array<i32>} : memref<16x128xi32, #tpu.memory_space<vmem>>, vector<16xi32>,
          %dma_start3A_1595 = arith.constant 0 : i32
          %dma_start3A_1596 = arith.constant 0 : i32
          %dma_start3A_1597 = tpu.memref_slice %arg11[%dma_start3A_1595, %dma_start3A_1596] : memref<128x16xi32, #tpu.memory_space<vmem>> -> memref<128x16xi32, #tpu.memory_space<vmem>>
          %dma_start3A_1598 = arith.constant 0 : i32
          %dma_start3A_1599 = tpu.memref_slice %arg10[%while3A_1457, %dma_start3A_1598] : memref<16x128xi32, #tpu.memory_space<vmem>> -> memref<1x128xi32, #tpu.memory_space<vmem>>
          %dma_start3A_1600 = tpu.memref_squeeze %dma_start3A_1599 : memref<1x128xi32, #tpu.memory_space<vmem>> -> memref<128xi32, #tpu.memory_space<vmem>>
          %dma_start3A_1601 = arith.constant 0 : i32
          %dma_start3A_1602 = arith.constant 0 : i32
          %dma_start3A_1603 = tpu.memref_slice %arg3[%dma_start3A_1601, %dma_start3A_1602] : memref<2516712x16xi32, #tpu.memory_space<hbm>> -> memref<2516712x16xi32, #tpu.memory_space<hbm>>
          tpu.enqueue_indirect_dma source(%dma_start3A_1597 : memref<128x16xi32, #tpu.memory_space<vmem>>) target(%dma_start3A_1603 : memref<2516712x16xi32, #tpu.memory_space<hbm>>) offsets(%dma_start3A_1600 : memref<128xi32, #tpu.memory_space<vmem>>) semaphore(%arg22 : memref<!tpu.dma_semaphore, #tpu.memory_space<semaphore_mem>>)
          %dma_wait3A = arith.constant 0 : i32
          %dma_wait3A_1604 = arith.constant 0 : i32
          %dma_wait3A_1605 = tpu.memref_slice %arg11[%dma_wait3A, %dma_wait3A_1604] : memref<128x16xi32, #tpu.memory_space<vmem>> -> memref<128x16xi32, #tpu.memory_space<vmem>>
          %dma_wait3A_1606 = arith.constant 0 : i32
          %dma_wait3A_1607 = tpu.memref_slice %arg10[%while3A_1457, %dma_wait3A_1606] : memref<16x128xi32, #tpu.memory_space<vmem>> -> memref<1x128xi32, #tpu.memory_space<vmem>>
          %dma_wait3A_1608 = tpu.memref_squeeze %dma_wait3A_1607 : memref<1x128xi32, #tpu.memory_space<vmem>> -> memref<128xi32, #tpu.memory_space<vmem>>
          %dma_wait3A_1609 = arith.constant 0 : i32
          %dma_wait3A_1610 = arith.constant 0 : i32
          %dma_wait3A_1611 = tpu.memref_slice %arg3[%dma_wait3A_1609, %dma_wait3A_1610] : memref<2516712x16xi32, #tpu.memory_space<hbm>> -> memref<2516712x16xi32, #tpu.memory_space<hbm>>
          tpu.wait_indirect_dma semaphore(%arg22 : memref<!tpu.dma_semaphore, #tpu.memory_space<semaphore_mem>>) src(%dma_wait3A_1605 : memref<128x16xi32, #tpu.memory_space<vmem>>) dst(%dma_wait3A_1611 : memref<2516712x16xi32, #tpu.memory_space<hbm>>)
          %while3A_1612 = arith.constant 0 : i32
          scf.yield %while3A_1612 : i32
        }
      } else {
      }
      %barrier3A_1368 = arith.constant 0 : index
      tpu.barrier barrier_id(%barrier3A_1368)
      %scan3A_1369 = arith.constant 0 : i32
      scf.yield %scan3A_1369 : i32
    }
    %scan3A_12 = arith.constant 2 : i32
    return
  }
}

</mosaic_0001>

<sc_bundles>
// kernel: kernel.3.cloned.1.call-start
scs
__scs_entry_jumppad:
0x0: {  	(pc) =	sbr.rel $0x88, $3  }
0x1: {  	(tag) =	ssettag $0x0;
	lr =	simm.s32 $0x1  }
0x2: {  	[smem:$0x3FA0] =	sst lr;
	_ =	strace $0xD0000000  }
0x3: {  	_ = 	snop  }
0x4: {  	_ = 	snop  }
0x5: {  	_ = 	snop  }
0x6: {  	_ = 	snop  }
0x7: {  	_ = 	snop  }
__scs_overlays_trampoline_lowered:
0x8: {  	[smem:$0x3FAF] =	sst s0  }
0x9: {  	[smem:$0x3FB0] =	sst s1  }
0xa: {  	[smem:$0x3FB1] =	sst s2  }
0xb: {  	[smem:$0x3FB2] =	sst s3  }
0xc: {  	[smem:$0x3FB3] =	sst s4  }
0xd: {  	[smem:$0x3FB4] =	sst s5  }
0xe: {  	[smem:$0x3FB5] =	sst s6  }
0xf: {  	[smem:$0x3FB6] =	sst s7  }
0x10: {  	[smem:$0x3FB7] =	sst s8  }
0x11: {  	[smem:$0x3FB8] =	sst s9;
	s0 =	simm.s32 @!p0 $0x0  }
0x12: {  	s1 =	sld [smem:$0x3F9E];
	s0 =	simm.s32 @p0 $0x1  }
0x13: {  	[smem:$0x3FB9] =	sst s0;
	s0 =	simm.s32 @!p1 $0x0  }
0x14: {  	s2 =	sld [smem:$0x3F9D];
	s0 =	simm.s32 @p1 $0x1  }
0x15: {  	[smem:$0x3FBA] =	sst s0;
	s0 =	simm.s32 @!p2 $0x0  }
0x16: {  	s3 =	sld [smem:$0x3FDB];
	s0 =	simm.s32 @p2 $0x1  }
0x17: {  	s4 =	simm.s32 $0x1BF5;
	[smem:$0x3FBC] =	sst s0  }
0x18: {  	s0 =	sld [smem:$0x3F9F];
	_ =	swait.ge [sflag:s4], $0x0  }
0x19: {  	s7 =	sld [smem:$0x3FA0]  }
0x1a: {  	s8 =	sadd.s32 $0xFFFFE003, lr  }
0x1b: {  	s9 =	sadd.s32 $0xFFFFFEF7, lr;
	s5 =	simm.s32 $0xFFFFFFFF;
	p2 =	slt.u32 s8, $0xFFFFF086  }
0x1c: {  	p1 =	slt.u32 s9, $0xF7A;
	s5 =	simm.s32 @!p2 $0x0  }
0x1d: {  	s5 =	simm.s32 @p1 $0x1;
	p0 =	seq.s32 s7, s2  }
0x1e: {  	s7 =	smul.u32 @!p0 $0xF7A, s2;
	p2 =	seq.s32 @!p0 s5, $0x0  }
0x1f: {  	s9 =	smul.u32 $0xF7A, s1;
	s8 =	simm.s32 @!p0 $0x1BF5;
	p2 =	por !p2, p0  }
0x20: {  	[sflag:s8] =	ssyncset.s32 @!p0 $0xFFFFF086;
	s6 =	sadd.s32 @!p0 s3, s7;
	s7 =	simm.s32 @!p0 $0x108  }
0x21: {  	s3 =	sadd.s32 s3, s9;
	s6 =	sadd.s32 @!p0 $0x88, s6;
	s7 =	simm.s32 @p2 $0x1082  }
0x22: {  	[simem:s7], [sflag:s8] =	dma.local @!p0 [hbm:s6], $0xF7A  }
0x23: {  	s9 =	sor.u32 $0xD0000000, s2;
	s6 =	simm.s32 $0x108;
	_ =	swait.ge @!p0 [sflag:s8], $0x0  }
0x24: {  	s3 =	sadd.s32 $0x88, s3;
	s6 =	simm.s32 @!p1 $0x1082;
	[sflag:s4] =	ssyncset.s32 $0xFFFFF086  }
0x25: {  	[simem:s6], [sflag:s4] =	dma.local [hbm:s3], $0xF7A  }
0x26: {  	[smem:$0x3FA0] =	sst s1;
	(tag) =	ssettag s2;
	_ =	strace s9  }
0x27: {  	s1 =	sld [smem:$0x3FB0]  }
0x28: {  	s2 =	sld [smem:$0x3FB1]  }
0x29: {  	s4 =	sld [smem:$0x3FB3]  }
0x2a: {  	p0 =	seq.s32 s5, $0x0;
	s5 =	sld [smem:$0x3FB4]  }
0x2b: {  	s6 =	sld [smem:$0x3FB5]  }
0x2c: {  	s7 =	sld [smem:$0x3FB6]  }
0x2d: {  	s3 =	simm.s32 $0x108;
	s8 =	sld [smem:$0x3FB7]  }
0x2e: {  	s3 =	simm.s32 @!p0 $0x1082;
	s9 =	sld [smem:$0x3FB8]  }
0x2f: {  	lr =	sadd.s32 s0, s3;
	s0 =	sld [smem:$0x3FAF]  }
0x30: {  	s3 =	sld [smem:$0x3FB2]  }
0x31: {  	[smem:$0x3FBB] =	sst s10  }
0x32: {  	s10 =	sld [smem:$0x3FB9];
	_ =	sdelay $0x3  }
0x33: {  	p0 =	seq.s32 s10, $0x1;
	s10 =	sld [smem:$0x3FBB];
	_ =	sdelay $0x3  }
0x34: {  	[smem:$0x3FBB] =	sst s10  }
0x35: {  	s10 =	sld [smem:$0x3FBA];
	_ =	sdelay $0x3  }
0x36: {  	p1 =	seq.s32 s10, $0x1;
	s10 =	sld [smem:$0x3FBB];
	_ =	sdelay $0x3  }
0x37: {  	[smem:$0x3FBB] =	sst s10  }
0x38: {  	s10 =	sld [smem:$0x3FBC]  }
0x39: {  	_ = 	snop;
	(pc) =	sbr.ind lr, $3  }
0x3a: {  	_ = 	snop  }
0x3b: {  	_ = 	snop  }
0x3c: {  	p2 =	seq.s32 s10, $0x1;
	s10 =	sld [smem:$0x3FBB]  }
0x3d: {  	_ =	shalt  }
0x3e: {  	_ =	shalt  }
0x3f: {  	_ =	shalt  }
0x40: {  	_ =	shalt  }
0x41: {  	_ =	shalt  }
0x42: {  	_ =	shalt  }
0x43: {  	_ =	shalt  }
0x44: {  	_ =	shalt  }
0x45: {  	_ =	shalt  }
0x46: {  	_ =	shalt  }
0x47: {  	_ =	shalt  }
0x48: {  	_ =	shalt  }
0x49: {  	_ =	shalt  }
0x4a: {  	_ =	shalt  }
0x4b: {  	_ =	shalt  }
0x4c: {  	_ =	shalt  }
0x4d: {  	_ =	shalt  }
0x4e: {  	_ =	shalt  }
0x4f: {  	_ =	shalt  }
0x50: {  	_ =	shalt  }
0x51: {  	_ =	shalt  }
0x52: {  	_ =	shalt  }
0x53: {  	_ =	shalt  }
0x54: {  	_ =	shalt  }
0x55: {  	_ =	shalt  }
0x56: {  	_ =	shalt  }
0x57: {  	_ =	shalt  }
0x58: {  	_ =	shalt  }
0x59: {  	_ =	shalt  }
0x5a: {  	_ =	shalt  }
0x5b: {  	_ =	shalt  }
0x5c: {  	_ =	shalt  }
0x5d: {  	_ =	shalt  }
0x5e: {  	_ =	shalt  }
0x5f: {  	_ =	shalt  }
0x60: {  	_ =	shalt  }
0x61: {  	_ =	shalt  }
0x62: {  	_ =	shalt  }
0x63: {  	_ =	shalt  }
0x64: {  	_ =	shalt  }
0x65: {  	_ =	shalt  }
0x66: {  	_ =	shalt  }
0x67: {  	_ =	shalt  }
0x68: {  	_ =	shalt  }
0x69: {  	_ =	shalt  }
0x6a: {  	_ =	shalt  }
0x6b: {  	_ =	shalt  }
0x6c: {  	_ =	shalt  }
0x6d: {  	_ =	shalt  }
0x6e: {  	_ =	shalt  }
0x6f: {  	_ =	shalt  }
0x70: {  	_ =	shalt  }
0x71: {  	_ =	shalt  }
0x72: {  	_ =	shalt  }
0x73: {  	_ =	shalt  }
0x74: {  	_ =	shalt  }
0x75: {  	_ =	shalt  }
0x76: {  	_ =	shalt  }
0x77: {  	_ =	shalt  }
0x78: {  	_ =	shalt  }
0x79: {  	_ =	shalt  }
0x7a: {  	_ =	shalt  }
0x7b: {  	_ =	shalt  }
0x7c: {  	_ =	shalt  }
0x7d: {  	_ =	shalt  }
0x7e: {  	_ =	shalt  }
0x7f: {  	_ =	shalt  }
0x80: {  	_ =	shalt  }
0x81: {  	_ =	shalt  }
0x82: {  	_ =	shalt  }
0x83: {  	_ =	shalt  }
0x84: {  	_ =	shalt  }
0x85: {  	_ =	shalt  }
0x86: {  	_ =	shalt  }
0x87: {  	_ =	shalt  }
.Lfunc_end0:
.L_simem_size_0:
called_computation.3_lowered:
.L_overlay_start_0:
0x88: {  	s2 =	sld [smem:$0x3FD9]  }
0x89: {  	s3 =	sld [smem:$0x3FFE];
	_ =	sdelay $0x1  }
0x8a: {  	s1 =	srdreg.scid  }
0x8b: {  	s0 =	sand.u32 $0x1, s1  }
0x8c: {  	s14 =	sshll.u32 s0, $0xA;
	s2 =	sadd.s32 s3, s2  }
0x8d: {  	s2 =	sadd.s32 s2, s14  }
0x8e: {  	[smem:$0x3FC7] =	sst s2  }
0x8f: {  	_ = 	snop  }
0x90: {  	s2 =	sld [smem:$0x3FD0];
	_ =	sdelay $0x2  }
0x91: {  	s15 =	simm.s32 $0xB;
	s4 =	simm.s32 $0x10  }
0x92: {  	[smem:s4], [sflag:s15] =	dma.local [hbm:s2], $0x1  }
0x93: {  	_ =	swait.eq [sflag:s15], $0x1  }
0x94: {  	[sflag:s15] =	ssyncset.done $0x0  }
0x95: {  	[sflag:s15] =	ssyncadd.s32 $0xFFFFFFFF  }
0x96: {  	s16 =	sld [smem:$0x10];
	(tm) =	ssettm $0x1  }
0x97: {  	s17 =	sld [smem:$0x3FFB];
	_ =	sdelay $0x3  }
0x98: {  	_ =	strace s17  }
0x99: {  	s3 =	sld [smem:$0x3FFC];
	_ =	sdelay $0x3  }
0x9a: {  	_ =	strace s3  }
0x9b: {  	s3 =	sld [smem:$0x3FFD];
	_ =	sdelay $0x3  }
0x9c: {  	_ =	strace s3  }
0x9d: {  	_ =	strace $0x8FFFFFFF  }
0x9e: {  	s18 =	sld [smem:$0x3FDB];
	_ =	sdelay $0x1  }
0x9f: {  	s19 =	simm.s32 $_scs_section_size  }
0xa0: {  	s5 =	simm.s32 $_size__tile_overlayer_lowered;
	s6 =	simm.s32 $_tile_overlayer_lowered  }
0xa1: {  	s22 =	simm.s32 $0x1BFF;
	s21 =	sshll.u32 s6, $0x1;
	s3 =	sadd.s32 s19, s18  }
0xa2: {  	s7 =	simm.s32 $0x0;
	s20 =	sshll.u32 s5, $0x1;
	s5 =	sadd.s32 s21, s3  }
0xa3: {  	[timem:s7], [sflag:s22] =	dma.local [hbm:s5], s20  }
0xa4: {  	_ =	swait.ge [sflag:s22], s20  }
0xa5: {  	s4 =	ssub.s32 $0x0, s20;
	[sflag:s22] =	ssyncset.done $0x0  }
0xa6: {  	[sflag:s22] =	ssyncadd.s32 s4;
	_ =	sdelay $0x1  }
0xa7: {  	s23 =	simm.s32 $0x1B8B  }
0xa8: {  	_ =	swait.ge [sflag:s23], $0x1  }
0xa9: {  	[sflag:s23] =	ssyncset.done $0x0  }
0xaa: {  	s25 =	simm.s32 $0x1B8E;
	s24 =	sld [smem:$0x3FFE];
	[sflag:s23] =	ssyncadd.s32 $0xFFFFFFFF  }
0xab: {  	s26 =	simm.s32 $execute0_lowered;
	[smem:$0x3FD2] =	sst s25  }
0xac: {  	s5 =	sshll.u32 s26, $0x1;
	_ =	strace $0x80000049;
	[dreg:$0x1] =	wrdreg $0xFFFFFFFF  }
0xad: {  	s28 =	simm.s32 $_size_execute0_lowered;
	s3 =	sadd.s32 s3, s5;
	[dreg:$0x0] =	wrdreg $0x0  }
0xae: {  	s5 =	sshll.u32 s28, $0x1;
	[dreg:$0x2] =	wrdreg s3  }
0xaf: {  	[dreg:$0x3] =	wrdreg s5  }
0xb0: {  	[dreg:$0x4] =	wrdreg $0xC0  }
0xb1: {  	_ =	task [dreg:s7], $0x5FFFF  }
0xb2: {  	[dreg:$0x1] =	wrdreg $0xFFFFFFFF  }
0xb3: {  	[dreg:$0x0] =	wrdreg $0x60  }
0xb4: {  	[dreg:$0x2] =	wrdreg s16  }
0xb5: {  	[dreg:$0x3] =	wrdreg s24  }
0xb6: {  	[dreg:$0x4] =	wrdreg $0x1C3900  }
0xb7: {  	[dreg:$0x5] =	wrdreg $0x1D3900  }
0xb8: {  	[dreg:$0x6] =	wrdreg $0x1D3A00  }
0xb9: {  	[dreg:$0x7] =	wrdreg $0x1D3A80  }
0xba: {  	[dreg:$0x8] =	wrdreg $0x1D3B80  }
0xbb: {  	[dreg:$0x9] =	wrdreg $0x9  }
0xbc: {  	_ =	task.clear_ibuf [dreg:s7], $0xAFFFF;
	_ =	strace $0x90000049  }
0xbd: {  	s29 =	simm.s32 $0x9;
	_ =	strace $0x8000004B  }
0xbe: {  	_ =	swait.ge [sflag:s29], $0x1  }
0xbf: {  	[sflag:s29] =	ssyncadd.s32 $0xFFFFFFFF  }
0xc0: {  	_ =	strace $0x9000004B  }
0xc1: {  	_ =	sfence  }
0xc2: {  	s30 =	sld [smem:$0x0];
	_ =	sdelay $0x2  }
0xc3: {  	s31 =	sshll.u32 s1, $0xD;
	s1 =	sshrl.u32 s1, $0x2  }
0xc4: {  	s3 =	sand.u32 $0x4000, s31;
	s1 =	sadd.s32 s1, s30  }
0xc5: {  	s0 =	sor.u32 s3, s0;
	s1 =	sshll.u32 s1, $0x11  }
0xc6: {  	s0 =	sor.u32 s1, s0  }
0xc7: {  	s0 =	sadd.s32 $0x8F2B, s0  }
0xc8: {  	[sflag:s0] =	ssyncadd.remote.s32 $0x1  }
0xc9: {  	_ =	sfence.sel $0xFFFF  }
0xca: {  	[dreg:$0x0] =	wrdreg $0xFFFFFFFF;
	(pc) =	sbr.abs _section_cstart, $3  }
0xcb: {  	[dreg:$0x1] =	wrdreg $0xFFFFFFFF  }
0xcc: {  	_ =	task.clear_ibuf [dreg:s7], $0x2FFFF;
	_ =	strace $0x9FFFFFFF  }
0xcd: {  	(tm) =	ssettm $0x7FFFFFFF  }
tec
execute0_lowered:
.L_overlay_start_1:
0x0: {  	(tag) =	ssettag $0x1  }
0x1: {  	s0 =	rddreg [dreg:$0x0]  }
0x2: {  	s1 =	rddreg [dreg:$0x1]  }
0x3: {  	s2 =	rddreg [dreg:$0x2]  }
0x4: {  	s13 =	rddreg [dreg:$0x3]  }
0x5: {  	s14 =	rddreg [dreg:$0x4]  }
0x6: {  	s5 =	rddreg [dreg:$0x5]  }
0x7: {  	s6 =	rddreg [dreg:$0x6]  }
0x8: {  	s3 =	srdreg.scid;
	s7 =	simm.s32 $0x0;
	s4 =	simm.s32 $0x0  }
0x9: {  	s12 =	stileid.u32;
	s28 =	simm.s32 $0x3;
	s29 =	simm.s32 $0x12000  }
0xa: {  	s30 =	simm.s32 $0x4;
	s31 =	simm.s32 $0x80;
	[dreg:$0x8] =	wrdreg s4  }
0xb: {  	s8 =	simm.s32 $0x1;
	s3 =	sand.u32 $0x1, s3;
	[smem:$0x7FF] =	sst s7  }
0xc: {  	s9 =	sadd.s32 $0x1000, s1;
	s21 =	sshll.u32 s12, $0x11;
	s17 =	sshll.u32 s12, $0xC  }
0xd: {  	s15 =	sshll.u32 s12, $0x4;
	s16 =	sadd.s32 $0x10, s14;
	s10 =	ssub.s32 $0x2, s3  }
0xe: {  	s18 =	sadd.s32 $0x20, s14;
	s19 =	sadd.s32 $0x30, s14;
	s11 =	sshrl.u32 s10, $0x1  }
0xf: {  	s24 =	sadd.s32 $0x40, s14;
	s25 =	sadd.s32 $0x50, s14;
	s1 =	ssub.s32 s10, s11  }
0x10: {  	p3 =	seq.s32 s12, $0xF;
	p1 =	sgt.u32 s12, $0x9;
	s1 =	smax.u32 s1, $0x1  }
0x11: {  	_ =	strace $0x8000004A;
	[dreg:$0x14] =	wrdreg s1;
	s1 =	simm.s32 @!p1 $0x0  }
0x12: {  	[dreg:$0xd] =	wrdreg s16;
	s1 =	simm.s32 @p1 $0x1;
	p1 =	sgt.u32 s12, $0x8  }
0x13: {  	p4 =	sgt.u32 s12, $0xD;
	[smem:$0x7F2] =	sst s1;
	s1 =	simm.s32 @!p1 $0x0  }
0x14: {  	[dreg:$0xe] =	wrdreg s18;
	s1 =	simm.s32 @p1 $0x1;
	p1 =	sgt.u32 s12, $0x7  }
0x15: {  	p5 =	sgt.u32 s12, $0xC;
	[smem:$0x7F3] =	sst s1;
	s1 =	simm.s32 @!p1 $0x0  }
0x16: {  	[dreg:$0xf] =	wrdreg s19;
	s1 =	simm.s32 @p1 $0x1;
	p1 =	sgt.u32 s12, $0x6  }
0x17: {  	p0 =	sgt.u32 s12, $0xB;
	[smem:$0x7F4] =	sst s1;
	s1 =	simm.s32 @!p1 $0x0  }
0x18: {  	[dreg:$0x11] =	wrdreg s24;
	s1 =	simm.s32 @p1 $0x1;
	p1 =	sgt.u32 s12, $0x5  }
0x19: {  	p6 =	sgt.u32 s12, $0xA;
	[smem:$0x7F5] =	sst s1;
	s1 =	simm.s32 @!p1 $0x0  }
0x1a: {  	[dreg:$0x12] =	wrdreg s25;
	s1 =	simm.s32 @p1 $0x1;
	p1 =	sgt.u32 s12, $0x4  }
0x1b: {  	s3 =	sshll.u32 s3, $0x1;
	[smem:$0x7F6] =	sst s1;
	s1 =	simm.s32 @!p1 $0x0  }
0x1c: {  	[dreg:$0xa] =	wrdreg s17;
	s1 =	simm.s32 @p1 $0x1;
	p1 =	sgt.u32 s12, $0x3  }
0x1d: {  	s22 =	sadd.s32 s17, s2;
	[smem:$0x7F7] =	sst s1;
	s1 =	simm.s32 @!p1 $0x0  }
0x1e: {  	[dreg:$0x9] =	wrdreg s3;
	s1 =	simm.s32 @p1 $0x1;
	p1 =	sgt.u32 s12, $0x2  }
0x1f: {  	v0 =	vimm.f32 $9.999999820e+12;
	s20 =	sadd.s32 s15, s5;
	[smem:$0x7F8] =	sst s1;
	s1 =	simm.s32 @!p1 $0x0  }
0x20: {  	[dreg:$0x10] =	wrdreg s20;
	(erf) = vrcp.f32 v0;
	s1 =	simm.s32 @p1 $0x1;
	p1 =	sgt.u32 s12, $0x1  }
0x21: {  	s26 =	sor.u32 $0x800, s21;
	[smem:$0x7F9] =	sst s1;
	s1 =	simm.s32 @!p1 $0x0  }
0x22: {  	[dreg:$0x15] =	wrdreg s26;
	s1 =	simm.s32 @p1 $0x1;
	p1 =	seq.s32 s12, $0x0  }
0x23: {  	s23 =	sadd.s32 s15, s13;
	[smem:$0x7FA] =	sst s1;
	s1 =	simm.s32 @!p1 $0x0  }
0x24: {  	s24 =	simm.s32 $0x2;
	[dreg:$0xb] =	wrdreg s22;
	s1 =	simm.s32 @p1 $0x1  }
.Ltmp0:
0x25: {  	[smem:$0x7FB] =	sst s1;
	s1 =	simm.s32 @!p0 $0x0;
	(pc) =	sbr.rel .LBB2_1-.Ltmp0, $4  }
0x26: {  	s25 =	simm.s32 $0x800;
	[dreg:$0xc] =	wrdreg s23;
	s1 =	simm.s32 @p0 $0x1  }
0x27: {  	v1 =	vlaneseq.u32;
	vm0 =	vcmask $0x1310;
	s3 =	sadd.s32 s15, s6;
	[smem:$0x7FC] =	sst s1;
	s1 =	simm.s32 @!p6 $0x0  }
0x28: {  	v3 =	vimm.s32 $0xC2200000;
	vm2 =	vcmask $0xB08;
	vm1 =	vcmask $0xF0C;
	s26 =	simm.s32 $0x1000;
	[dreg:$0x13] =	wrdreg s3;
	s1 =	simm.s32 @p6 $0x1  }
0x29: {  	v3 =	vsel vm2, $0xC0000000, v3;
	vm2 =	vcmask $0x30C;
	v0 =	vimm.s32 $0x0;
	s6 =	simm.s32 $0x13000;
	s3 =	simm.s32 $0x1B800;
	v2 =	vpop (erf);
	[smem:$0x7FD] =	sst s1  }
.LBB2_63:
0x2a: {  	s1 =	rddreg [dreg:$0x8]  }
0x2b: {  	s4 =	rddreg [dreg:$0x14];
	s1 =	sadd.s32 $0x1, s1  }
0x2c: {  	p1 =	sne.s32 s1, s4  }
.Ltmp1:
0x2d: {  	_ = 	snop;
	(pc) =	sbr.rel @!p1 .LBB2_64-.Ltmp1, $2  }
0x2e: {  	_ =	sdelay $0x2  }
0x2f: {  	[dreg:$0x8] =	wrdreg s1  }
.LBB2_1:
0x30: {  	s1 =	simm.s32 $0x0  }
.LBB2_2:
0x31: {  	p1 =	sne.s32 s1, $0x3FC0  }
.Ltmp2:
0x32: {  	_ = 	snop;
	(pc) =	sbr.rel @p1 .LBB2_2-.Ltmp2, $3  }
0x33: {  	_ =	sdelay $0x1  }
0x34: {  	s4 =	sshra.s32 s1, $0x2  }
0x35: {  	s1 =	sadd.s32 $0x40, s1;
	[tilespmem:s4+$0x12000] =	vst v0  }
.Ltmp3:
0x36: {  	(pc) =	sbr.rel .LBB2_4-.Ltmp3, $2  }
0x37: {  	_ =	sdelay $0x2  }
0x38: {  	s1 =	simm.s32 $0x0;
	p1 =	por $0x1, $0x1  }
.LBB2_61:
0x39: {  	[tilespmem:s1+$0x40] =	vst v17  }
0x3a: {  	[tilespmem:s1+$0x0] =	vst v16  }
0x3b: {  	[tilespmem:s1+$0x10] =	vst v15  }
0x3c: {  	[tilespmem:s1+$0x50] =	vst v14  }
0x3d: {  	[hbm4b:s9+s31] =	stream.indirect.scatter [tilespmem:s3], [sflag:$0x1], $0x10, s1, s31, $0xb8;
	[tilespmem:$0x1D3C8] =	vst v63  }
0x3e: {  	_ =	swait.ge [sflag:s8], $0x800  }
0x3f: {  	[sflag:s8] =	ssyncset.done $0x0  }
0x40: {  	[sflag:s8] =	ssyncadd.s32 $0xFFFFF800  }
.LBB2_62:
0x41: {  	[bflag:$0x0] =	sbarrier.arrive $0xFFFF  }
0x42: {  	s4 =	sld [smem:$0x7F1];
	_ =	sdelay $0x2  }
0x43: {  	p2 =	seq.s32 s4, $0x1  }
.Ltmp4:
0x44: {  	_ = 	snop;
	(pc) =	sbr.rel @!p2 .LBB2_63-.Ltmp4, $2  }
0x45: {  	_ =	sdelay $0x2  }
0x46: {  	s1 =	simm.s32 $0x1;
	p1 =	por $0x0, $0x0  }
.LBB2_4:
0x47: {  	s4 =	simm.s32 @!p1 $0x0  }
0x48: {  	s4 =	simm.s32 @p1 $0x1  }
0x49: {  	s5 =	simm.s32 $0x0;
	[smem:$0x7F1] =	sst s4;
	s4 =	simm.s32 $0x40  }
.LBB2_5:
0x4a: {  	p1 =	sne.s32 s4, $0x3FFC0;
	[tilespmem:s5+$0x1000] =	vst v0;
	s5 =	smov.u32 s4;
	s4 =	sadd.s32 $0x40, s4  }
.Ltmp5:
0x4b: {  	(pc) =	sbr.rel @p1 .LBB2_5-.Ltmp5, $2  }
0x4c: {  	_ =	sdelay $0x2  }
0x4d: {  	s5 =	sshra.s32 s5, $0x2  }
0x4e: {  	s4 =	rddreg [dreg:$0x9]  }
0x4f: {  	s1 =	sor.u32 s4, s1  }
0x50: {  	s15 =	sshll.u32 s1, $0x15  }
0x51: {  	s18 =	sor.u32 s21, s15  }
0x52: {  	s19 =	sshrl.u32 s18, $0x3  }
0x53: {  	s4 =	simm.s32 $0x0;
	[dreg:$0x16] =	wrdreg s1;
	s20 =	sadd.s32 s0, s19  }
0x54: {  	[tilespmem:s5+$0x1000] =	vst v0;
	s1 =	simm.s32 $0x0;
	s16 =	sor.u32 $0x1000, s18;
	[dreg:$0x17] =	wrdreg s20  }
0x55: {  	[tilespmem:s1], [sflag:$0x2] =	stream.linear.gather [hbm4b:s20+s1], $0x800, $0x38;
	[tilespmem:$0x1D3C8] =	vst v63  }
.LBB2_7:
0x56: {  	s5 =	sshll.u32 s4, $0xC  }
0x57: {  	s7 =	sor.u32 s5, s18  }
0x58: {  	_ =	swait.ge [sflag:s24], $0x800;
	s7 =	sshrl.u32 s7, $0x3  }
0x59: {  	[sflag:s24] =	ssyncset.done $0x0;
	s7 =	sadd.s32 s7, s0  }
0x5a: {  	[sflag:s24] =	ssyncadd.s32 $0xFFFFF800;
	s7 =	sadd.s32 $0x100, s7  }
0x5b: {  	[tilespmem:s25], [sflag:$0x3] =	stream.linear.gather [hbm4b:s7+s1], $0x800, $0x38;
	[tilespmem:$0x1D3C8] =	vst v63  }
0x5c: {  	s10 =	simm.s32 $0x0;
	s7 =	simm.s32 $0x40  }
.LBB2_8:
0x5d: {  	p1 =	sne.s32 s7, $0x1FC0;
	v4 =	vld [tilespmem:s10+$0x0];
	_ =	sdelay $0x4  }
0x5e: {  	vm3 =	vlt.s32 v4, $0x0;
	v5 =	vxor.u32 $0xFFFFFFFF, v4;
	v4 =	vor.u32 $0x80000000, v4  }
0x5f: {  	v4 =	vsel vm3, v5, v4  }
0x60: {  	v4 =	vshrl.u32 v4, $0x10  }
0x61: {  	(xrf1) =	vunique.msk.u32 $0xffff, v4;
	_ =	sdelay $0xd  }
0x62: {  	_, v5, vm3 =	vpop (xrf1);
	_ =	sdelay $0x1  }
.Ltmp6:
0x63: {  	(pc) =	sbr.rel @p1 .LBB2_8-.Ltmp6, $2  }
0x64: {  	_ =	sdelay $0x2  }
0x65: {  	s10 =	sshra.s32 s7, $0x2;
	s7 =	sadd.s32 $0x40, s7;
	[tilespmem:v4+s26+$0x0] =	vst.idx.add.s32.msk vm3, v5  }
0x66: {  	v4 =	vld [tilespmem:s10+$0x0];
	_ =	sdelay $0x4  }
0x67: {  	vm3 =	vlt.s32 v4, $0x0;
	v5 =	vxor.u32 $0xFFFFFFFF, v4;
	v4 =	vor.u32 $0x80000000, v4  }
0x68: {  	v4 =	vsel vm3, v5, v4  }
0x69: {  	v4 =	vshrl.u32 v4, $0x10  }
0x6a: {  	(xrf1) =	vunique.msk.u32 $0xffff, v4;
	_ =	sdelay $0xd  }
0x6b: {  	_, v5, vm3 =	vpop (xrf1);
	_ =	sdelay $0x5  }
0x6c: {  	p1 =	seq.s32 s4, $0x1F;
	[tilespmem:v4+s26+$0x0] =	vst.idx.add.s32.msk vm3, v5  }
0x6d: {  	s5 =	sadd.s32 @!p1 s5, s16;
	_ =	swait.ge [sflag:s28], $0x800  }
0x6e: {  	s5 =	sshrl.u32 @!p1 s5, $0x3;
	[sflag:s28] =	ssyncset.done $0x0  }
0x6f: {  	s7 =	simm.s32 @!p1 $0x0;
	s5 =	sadd.s32 @!p1 s0, s5;
	[sflag:s28] =	ssyncadd.s32 $0xFFFFF800  }
0x70: {  	[tilespmem:s7], [sflag:$0x2] =	stream.linear.gather @!p1 [hbm4b:s5+s7], $0x800, $0x38;
	[tilespmem:$0x1D3C8] =	vst v63  }
0x71: {  	s7 =	simm.s32 $0x0;
	s5 =	simm.s32 $0x40  }
.LBB2_10:
0x72: {  	p1 =	sne.s32 s5, $0x1FC0;
	v4 =	vld [tilespmem:s7+$0x800];
	_ =	sdelay $0x4  }
0x73: {  	vm3 =	vlt.s32 v4, $0x0;
	v5 =	vxor.u32 $0xFFFFFFFF, v4;
	v4 =	vor.u32 $0x80000000, v4  }
0x74: {  	v4 =	vsel vm3, v5, v4  }
0x75: {  	v4 =	vshrl.u32 v4, $0x10  }
0x76: {  	(xrf1) =	vunique.msk.u32 $0xffff, v4;
	_ =	sdelay $0xd  }
0x77: {  	_, v5, vm3 =	vpop (xrf1);
	_ =	sdelay $0x1  }
.Ltmp7:
0x78: {  	(pc) =	sbr.rel @p1 .LBB2_10-.Ltmp7, $2  }
0x79: {  	_ =	sdelay $0x2  }
0x7a: {  	s7 =	sshra.s32 s5, $0x2;
	s5 =	sadd.s32 $0x40, s5;
	[tilespmem:v4+s26+$0x0] =	vst.idx.add.s32.msk vm3, v5  }
0x7b: {  	v4 =	vld [tilespmem:s7+$0x800];
	_ =	sdelay $0x4  }
0x7c: {  	vm3 =	vlt.s32 v4, $0x0;
	v5 =	vxor.u32 $0xFFFFFFFF, v4;
	v4 =	vor.u32 $0x80000000, v4  }
0x7d: {  	v4 =	vsel vm3, v5, v4  }
0x7e: {  	v4 =	vshrl.u32 v4, $0x10  }
0x7f: {  	(xrf1) =	vunique.msk.u32 $0xffff, v4;
	_ =	sdelay $0xd  }
0x80: {  	s4 =	sadd.s32 $0x1, s4;
	_, v5, vm3 =	vpop (xrf1)  }
0x81: {  	p1 =	sne.s32 s4, $0x20  }
.Ltmp8:
0x82: {  	_ = 	snop;
	(pc) =	sbr.rel @p1 .LBB2_7-.Ltmp8, $2  }
0x83: {  	_ =	sdelay $0x2  }
0x84: {  	[tilespmem:v4+s26+$0x0] =	vst.idx.add.s32.msk vm3, v5  }
0x85: {  	[spmem:s22] =	stream.linear.scatter [tilespmem:s29], [sflag:$0x4], $0x1000, $0x38;
	[tilespmem:$0x1D3C8] =	vst v63  }
0x86: {  	_ =	swait.ge [sflag:s30], $0x1000  }
0x87: {  	[sflag:s30] =	ssyncset.done $0x0  }
0x88: {  	s4 =	simm.s32 $0x70;
	[sflag:s30] =	ssyncadd.s32 $0xFFFFF000  }
0x89: {  	s1 =	simm.s32 $0x1B000;
	s5 =	simm.s32 $0x60;
	v4 =	vor.u32 s4, v1;
	[bflag:$0x0] =	sbarrier.arrive $0xFFFF  }
0x8a: {  	s7 =	simm.s32 $0x50;
	v5 =	vor.u32 s5, v1;
	[tilespmem:s1+$0x70] =	vst v4  }
0x8b: {  	s10 =	simm.s32 $0x0;
	v4 =	vor.u32 s7, v1;
	[tilespmem:s1+$0x60] =	vst v5  }
0x8c: {  	s11 =	simm.s32 $0x40;
	v5 =	vor.u32 s10, v1;
	[tilespmem:s1+$0x50] =	vst v4  }
0x8d: {  	s12 =	simm.s32 $0x20;
	[tilespmem:s1+$0x0] =	vst v5;
	v4 =	vor.u32 s11, v1  }
0x8e: {  	s19 =	simm.s32 $0x30;
	v5 =	vor.u32 s12, v1;
	[tilespmem:s1+$0x40] =	vst v4  }
0x8f: {  	s20 =	simm.s32 $0x10;
	v4 =	vor.u32 s19, v1;
	[tilespmem:s1+$0x20] =	vst v5  }
0x90: {  	v5 =	vor.u32 s20, v1;
	[tilespmem:s1+$0x30] =	vst v4  }
0x91: {  	s4 =	simm.s32 $0x1000;
	s5 =	simm.s32 $0xF0;
	[tilespmem:s1+$0x10] =	vst v5  }
0x92: {  	[spmem:s2] =	stream.indirect.scatter.add.s32 [tilespmem:s4], [sflag:$0x4], $0x10, s1, s31, $0xb8;
	[tilespmem:$0x1D3C8] =	vst v63  }
.LBB2_13:
0x93: {  	_ =	swait.ge [sflag:s30], $0x800  }
0x94: {  	s4 =	sadd.s32 $0x800, s4;
	s1 =	sadd.s32 $0x80, s1;
	s7 =	smov.u32 s5  }
0x95: {  	p1 =	sne.s32 s5, $0xFF0;
	s5 =	sadd.s32 $0x80, s5;
	[sflag:s30] =	ssyncset.done $0x0  }
0x96: {  	s10 =	sadd.s32 $0xFFFFFFF0, s7;
	v4 =	vor.u32 s7, v1;
	[sflag:s30] =	ssyncadd.s32 $0xFFFFF800  }
0x97: {  	s11 =	sadd.s32 $0xFFFFFFE0, s7;
	v5 =	vor.u32 s10, v1;
	[tilespmem:s1+$0x70] =	vst v4  }
0x98: {  	s10 =	sadd.s32 $0xFFFFFF90, s7;
	v4 =	vor.u32 s11, v1;
	[tilespmem:s1+$0x60] =	vst v5  }
0x99: {  	v5 =	vor.u32 s10, v1;
	s10 =	sadd.s32 $0xFFFFFFD0, s7;
	[tilespmem:s1+$0x50] =	vst v4  }
0x9a: {  	s12 =	sadd.s32 $0xFFFFFFB0, s7;
	s11 =	sadd.s32 $0xFFFFFFA0, s7;
	s7 =	sadd.s32 $0xFFFFFFC0, s7;
	v4 =	vor.u32 s10, v1;
	[tilespmem:s1+$0x0] =	vst v5  }
.Ltmp9:
0x9b: {  	v6 =	vor.u32 s12, v1;
	v7 =	vor.u32 s7, v1;
	v5 =	vor.u32 s11, v1;
	[tilespmem:s1+$0x40] =	vst v4;
	(pc) =	sbr.rel @p1 .LBB2_13-.Ltmp9, $4  }
0x9c: {  	[tilespmem:s1+$0x20] =	vst v6  }
0x9d: {  	[tilespmem:s1+$0x30] =	vst v7  }
0x9e: {  	[tilespmem:s1+$0x10] =	vst v5  }
0x9f: {  	[spmem:s2] =	stream.indirect.scatter.add.s32 [tilespmem:s4], [sflag:$0x4], $0x10, s1, s31, $0xb8;
	[tilespmem:$0x1D3C8] =	vst v63  }
0xa0: {  	_ =	swait.ge [sflag:s30], $0x800  }
0xa1: {  	[sflag:s30] =	ssyncset.done $0x0  }
0xa2: {  	[sflag:s30] =	ssyncadd.s32 $0xFFFFF800  }
0xa3: {  	s1 =	simm.s32 $0x11000;
	[bflag:$0x0] =	sbarrier.arrive $0xFFFF  }
0xa4: {  	[tilespmem:s1], [sflag:$0x4] =	stream.linear.gather [spmem:s22], $0x1000, $0x38;
	[tilespmem:$0x1D3C8] =	vst v63  }
0xa5: {  	_ =	swait.ge [sflag:s30], $0x1000  }
0xa6: {  	[sflag:s30] =	ssyncset.done $0x0  }
0xa7: {  	s4 =	simm.s32 $0x0;
	[sflag:s30] =	ssyncadd.s32 $0xFFFFF000  }
0xa8: {  	v4 =	vld [tilespmem:s4+$0x11000];
	_ =	sdelay $0x4  }
0xa9: {  	(xrf0) =	vadd.scan.msk.s32 $0xffff, v4;
	_ =	sdelay $0x5  }
0xaa: {  	v4, _, _ =	vpop (xrf0)  }
0xab: {  	(v2sf) =	vpush v4, $0xF  }
0xac: {  	s1 =	simm.s32 $0x0  }
0xad: {  	v5 =	vadd.s32 s1, v4  }
0xae: {  	s5 =	simm.s32 $0x10;
	[tilespmem:s4+$0x11000] =	vst v5;
	s4 =	simm.s32 $0x80  }
.LBB2_15:
0xaf: {  	p1 =	sne.s32 s4, $0x3FC0;
	v4 =	vld [tilespmem:s5+$0x11000];
	_ =	sdelay $0x4  }
0xb0: {  	(xrf0) =	vadd.scan.msk.s32 $0xffff, v4;
	_ =	sdelay $0x5  }
.Ltmp10:
0xb1: {  	v4, _, _ =	vpop (xrf0);
	s7 =	spop (v2sf);
	(pc) =	sbr.rel @p1 .LBB2_15-.Ltmp10, $4  }
0xb2: {  	(v2sf) =	vpush v4, $0xF;
	s1 =	sadd.s32 s1, s7  }
0xb3: {  	v4 =	vadd.s32 s1, v4  }
0xb4: {  	[tilespmem:s5+$0x11000] =	vst v4  }
0xb5: {  	s5 =	sshra.s32 s4, $0x2;
	s4 =	sadd.s32 $0x40, s4  }
0xb6: {  	v4 =	vld [tilespmem:s5+$0x11000];
	_ =	sdelay $0x4  }
0xb7: {  	(xrf0) =	vadd.scan.msk.s32 $0xffff, v4;
	_ =	sdelay $0x5  }
0xb8: {  	v4, _, _ =	vpop (xrf0)  }
0xb9: {  	(v2sf) =	vpush v4, $0xF;
	_ =	sdelay $0xd  }
0xba: {  	s4 =	spop (v2sf)  }
0xbb: {  	s1 =	sadd.s32 s1, s4;
	s20 =	spop (v2sf)  }
0xbc: {  	v4 =	vadd.s32 s1, v4;
	s4 =	sadd.s32 s1, s20  }
0xbd: {  	[tilespmem:s5+$0x11000] =	vst v4;
	v4 =	vmov s4  }
0xbe: {  	s7 =	simm.s32 $0x1C380;
	[tilespmem:$0x1C380] =	vst v4  }
0xbf: {  	[spmem:s23] =	stream.linear.scatter [tilespmem:s7], [sflag:$0x4], $0x10, $0x38;
	[tilespmem:$0x1D3C8] =	vst v63  }
0xc0: {  	_ =	swait.ge [sflag:s30], $0x10  }
0xc1: {  	[sflag:s30] =	ssyncset.done $0x0  }
0xc2: {  	[sflag:s30] =	ssyncadd.s32 $0xFFFFFFF0  }
0xc3: {  	s10 =	simm.s32 $0x1C000;
	[bflag:$0x0] =	sbarrier.arrive $0xFFFF  }
0xc4: {  	[tilespmem:s10], [sflag:$0x4] =	stream.linear.gather [spmem:s13], $0x100, $0x38;
	[tilespmem:$0x1D3C8] =	vst v63  }
0xc5: {  	_ =	swait.ge [sflag:s30], $0x100  }
0xc6: {  	[sflag:s30] =	ssyncset.done $0x0  }
0xc7: {  	[sflag:s30] =	ssyncadd.s32 $0xFFFFFF00  }
0xc8: {  	v4 =	vld [tilespmem:$0x1C000]  }
0xc9: {  	v5 =	vld [tilespmem:$0x1C010];
	_ =	sdelay $0x1  }
0xca: {  	v6 =	vld [tilespmem:$0x1C020]  }
0xcb: {  	v7 =	vld [tilespmem:$0x1C030]  }
0xcc: {  	v4 =	vxor.u32 $0x80000000, v4  }
0xcd: {  	v8 =	vld [tilespmem:$0x1C040];
	(xrf0) =	vmax.scan.msk.u32 $0xffff, v4;
	v4 =	vxor.u32 $0x80000000, v5  }
0xce: {  	v5 =	vld [tilespmem:$0x1C050];
	(xrf0) =	vmax.scan.msk.u32 $0xffff, v4  }
0xcf: {  	v4 =	vxor.u32 $0x80000000, v6;
	v6 =	vld [tilespmem:$0x1C060]  }
0xd0: {  	(xrf0) =	vmax.scan.msk.u32 $0xffff, v4;
	v4 =	vxor.u32 $0x80000000, v7  }
0xd1: {  	(xrf0) =	vmax.scan.msk.u32 $0xffff, v4;
	v4 =	vld [tilespmem:$0x1C070]  }
0xd2: {  	v61 =	vld [tilespmem:$0x1C080];
	v7 =	vxor.u32 $0x80000000, v8  }
0xd3: {  	(xrf0) =	vmax.scan.msk.u32 $0xffff, v7;
	v7 =	vld [tilespmem:$0x1C090];
	v5 =	vxor.u32 $0x80000000, v5;
	v9, _, _ =	vpop (xrf0)  }
0xd4: {  	(xrf0) =	vmax.scan.msk.u32 $0xffff, v5;
	v5 =	vxor.u32 $0x80000000, v6;
	(v2sf) =	vpush v9, $0xF;
	v6, _, _ =	vpop (xrf0)  }
0xd5: {  	(v2sf) =	vpush v6, $0xF  }
0xd6: {  	(xrf0) =	vmax.scan.msk.u32 $0xffff, v5;
	v6, _, _ =	vpop (xrf0);
	v4 =	vxor.u32 $0x80000000, v4  }
0xd7: {  	v5 =	vld [tilespmem:$0x1C0A0];
	(v2sf) =	vpush v6, $0xF;
	v6, _, _ =	vpop (xrf0);
	(xrf0) =	vmax.scan.msk.u32 $0xffff, v4;
	v4 =	vxor.u32 $0x80000000, v61  }
0xd8: {  	v62 =	vld [tilespmem:$0x1C0B0];
	(v2sf) =	vpush v6, $0xF;
	(xrf0) =	vmax.scan.msk.u32 $0xffff, v4;
	v4 =	vxor.u32 $0x80000000, v7  }
0xd9: {  	v6, _, _ =	vpop (xrf0)  }
0xda: {  	(v2sf) =	vpush v6, $0xF  }
0xdb: {  	(xrf0) =	vmax.scan.msk.u32 $0xffff, v4;
	v4, _, _ =	vpop (xrf0)  }
0xdc: {  	v63 =	vld [tilespmem:$0x1C0C0];
	v5 =	vxor.u32 $0x80000000, v5;
	(v2sf) =	vpush v4, $0xF  }
0xdd: {  	(xrf0) =	vmax.scan.msk.u32 $0xffff, v5;
	v5 =	vxor.u32 $0x80000000, v62;
	v4, _, _ =	vpop (xrf0)  }
0xde: {  	(v2sf) =	vpush v4, $0xF;
	_ =	sdelay $0x1  }
0xdf: {  	s7 =	sld [smem:$0x7FB];
	(xrf0) =	vmax.scan.msk.u32 $0xffff, v5;
	v5, _, _ =	vpop (xrf0)  }
0xe0: {  	v6 =	vld [tilespmem:$0x1C0D0];
	v4 =	vxor.u32 $0x80000000, v63;
	(v2sf) =	vpush v5, $0xF  }
0xe1: {  	s10 =	sld [smem:$0x7FA];
	v7 =	vld [tilespmem:$0x1C0E0]  }
0xe2: {  	p1 =	seq.s32 s7, $0x1;
	s11 =	spop (v2sf)  }
0xe3: {  	(xrf0) =	vmax.scan.msk.u32 $0xffff, v4;
	v4, _, _ =	vpop (xrf0);
	s12 =	spop (v2sf);
	s1 =	sxor.u32 $0x80000000, s11;
	s11 =	sld [smem:$0x7F9]  }
0xe4: {  	(v2sf) =	vpush v4, $0xF;
	v4, _, _ =	vpop (xrf0);
	s1 =	simm.s32 @p1 $0x0;
	s5 =	sxor.u32 $0x80000000, s12;
	p1 =	seq.s32 s10, $0x1  }
0xe5: {  	v5 =	vxor.u32 $0x80000000, v6;
	(v2sf) =	vpush v4, $0xF;
	s19 =	spop (v2sf);
	s5 =	simm.s32 @!p1 $0x0  }
0xe6: {  	v4 =	vxor.u32 $0x80000000, v7;
	s7 =	sxor.u32 $0x80000000, s19;
	s20 =	spop (v2sf);
	s19 =	sld [smem:$0x7F8]  }
0xe7: {  	(xrf0) =	vmax.scan.msk.u32 $0xffff, v5;
	s1 =	sadd.s32 s1, s5;
	p1 =	seq.s32 s11, $0x1;
	s11 =	sld [smem:$0x7F7]  }
0xe8: {  	v5, _, _ =	vpop (xrf0);
	(xrf0) =	vmax.scan.msk.u32 $0xffff, v4;
	s5 =	sxor.u32 $0x80000000, s20;
	s12 =	spop (v2sf);
	s7 =	simm.s32 @!p1 $0x0  }
0xe9: {  	(v2sf) =	vpush v5, $0xF;
	v4, _, _ =	vpop (xrf0);
	s1 =	sadd.s32 s7, s1;
	p1 =	seq.s32 s19, $0x1;
	s19 =	sld [smem:$0x7F6]  }
0xea: {  	(v2sf) =	vpush v4, $0xF;
	s5 =	simm.s32 @!p1 $0x0;
	s20 =	spop (v2sf);
	p1 =	seq.s32 s11, $0x1  }
0xeb: {  	v4, _, _ =	vpop (xrf0);
	s11 =	sld [smem:$0x7F5];
	s1 =	sadd.s32 s5, s1;
	s5 =	sxor.u32 $0x80000000, s12  }
0xec: {  	(v2sf) =	vpush v4, $0xF;
	s12 =	spop (v2sf);
	s5 =	simm.s32 @!p1 $0x0  }
0xed: {  	v4, _, _ =	vpop (xrf0);
	s7 =	sxor.u32 $0x80000000, s20;
	p1 =	seq.s32 s19, $0x1;
	s1 =	sadd.s32 s5, s1  }
0xee: {  	(v2sf) =	vpush v4, $0xF;
	v4, _, _ =	vpop (xrf0);
	s7 =	simm.s32 @!p1 $0x0;
	s5 =	sxor.u32 $0x80000000, s12;
	p1 =	seq.s32 s11, $0x1  }
0xef: {  	(v2sf) =	vpush v4, $0xF;
	s20 =	spop (v2sf);
	s1 =	sadd.s32 s7, s1;
	s5 =	simm.s32 @!p1 $0x0  }
0xf0: {  	s1 =	sadd.s32 s5, s1;
	s5 =	sxor.u32 $0x80000000, s20;
	s20 =	sld [smem:$0x7F4]  }
0xf1: {  	_ =	sdelay $0x1  }
0xf2: {  	s12 =	spop (v2sf);
	p1 =	seq.s32 s20, $0x1  }
0xf3: {  	s11 =	sld [smem:$0x7F3];
	s19 =	spop (v2sf);
	s5 =	simm.s32 @!p1 $0x0  }
0xf4: {  	s1 =	sadd.s32 s5, s1;
	s5 =	sxor.u32 $0x80000000, s19;
	s19 =	sld [smem:$0x7F2]  }
0xf5: {  	_ = 	snop  }
0xf6: {  	s7 =	sxor.u32 $0x80000000, s12;
	p1 =	seq.s32 s11, $0x1  }
0xf7: {  	s12 =	spop (v2sf);
	s7 =	simm.s32 @!p1 $0x0;
	p1 =	seq.s32 s19, $0x1  }
0xf8: {  	s20 =	spop (v2sf);
	s1 =	sadd.s32 s7, s1;
	s5 =	simm.s32 @!p1 $0x0  }
0xf9: {  	s7 =	sxor.u32 $0x80000000, s20;
	s1 =	sadd.s32 s5, s1;
	s5 =	sxor.u32 $0x80000000, s12  }
0xfa: {  	s11 =	spop (v2sf);
	s7 =	simm.s32 @!p0 $0x0;
	s5 =	simm.s32 @!p6 $0x0  }
0xfb: {  	s19 =	simm.s32 $0x0;
	s1 =	sadd.s32 s5, s1;
	s5 =	sxor.u32 $0x80000000, s11  }
0xfc: {  	s12 =	spop (v2sf);
	s1 =	sadd.s32 s7, s1;
	s5 =	simm.s32 @!p5 $0x0  }
0xfd: {  	v5 =	vld [tilespmem:s19+$0x11000];
	s20 =	spop (v2sf);
	s1 =	sadd.s32 s5, s1;
	s5 =	sxor.u32 $0x80000000, s12  }
0xfe: {  	s11 =	simm.s32 $0x10;
	s10 =	sxor.u32 $0x80000000, s20;
	s5 =	simm.s32 @!p4 $0x0  }
0xff: {  	v6 =	vld [tilespmem:s11+$0x11000];
	s10 =	simm.s32 @!p3 $0x0;
	s12 =	simm.s32 $0x20;
	s1 =	sadd.s32 s5, s1  }
0x100: {  	v7 =	vld [tilespmem:s12+$0x11000];
	s1 =	sadd.s32 s10, s1  }
0x101: {  	v4 =	vmov s1  }
0x102: {  	v5 =	vadd.s32 v4, v5  }
0x103: {  	vm3 =	vlt.s32 v5, $0x166666  }
0x104: {  	v5 =	vadd.s32 v4, v6;
	v6 =	vsel vm3, $0x1, v0  }
0x105: {  	vm3 =	vlt.s32 v5, $0x166666;
	v5 =	vadd.s32 v4, v7;
	(xrf0) =	vadd.scan.msk.s32 $0xffff, v6  }
0x106: {  	v6 =	vsel vm3, $0x1, v0;
	vm3 =	vlt.s32 v5, $0x166666  }
0x107: {  	(xrf0) =	vadd.scan.msk.s32 $0xffff, v6;
	v6 =	vsel vm3, $0x1, v0  }
0x108: {  	(xrf0) =	vadd.scan.msk.s32 $0xffff, v6;
	_ =	sdelay $0x2  }
0x109: {  	v6, _, _ =	vpop (xrf0)  }
0x10a: {  	s19 =	simm.s32 $0x30;
	(v2sf) =	vpush v6, $0xF  }
0x10b: {  	v5 =	vld [tilespmem:s19+$0x11000];
	v6, _, _ =	vpop (xrf0)  }
0x10c: {  	(v2sf) =	vpush v6, $0xF;
	v6, _, _ =	vpop (xrf0)  }
0x10d: {  	(v2sf) =	vpush v6, $0xF;
	_ =	sdelay $0x2  }
0x10e: {  	v5 =	vadd.s32 v4, v5  }
0x10f: {  	vm3 =	vlt.s32 v5, $0x166666  }
0x110: {  	s20 =	simm.s32 $0x40;
	v5 =	vsel vm3, $0x1, v0  }
0x111: {  	(xrf0) =	vadd.scan.msk.s32 $0xffff, v5;
	v5 =	vld [tilespmem:s20+$0x11000];
	_ =	sdelay $0x1  }
0x112: {  	p0 =	por p5, p5;
	p6 =	por p4, p4  }
0x113: {  	p5 =	por p3, p3;
	s7 =	simm.s32 $0x140;
	s5 =	simm.s32 $0x0  }
.LBB2_17:
0x114: {  	p1 =	sne.s32 s7, $0x3FC0  }
.Ltmp11:
0x115: {  	s10 =	sshra.s32 s7, $0x2;
	s7 =	sadd.s32 $0x40, s7;
	v6 =	vadd.s32 v4, v5;
	(pc) =	sbr.rel @p1 .LBB2_17-.Ltmp11, $4  }
0x116: {  	v5 =	vld [tilespmem:s10+$0x11000];
	vm3 =	vlt.s32 v6, $0x166666;
	s10 =	spop (v2sf)  }
0x117: {  	v7 =	vsel vm3, $0x1, v0;
	s5 =	sadd.s32 s5, s10  }
0x118: {  	(xrf0) =	vadd.scan.msk.s32 $0xffff, v7;
	v6, _, _ =	vpop (xrf0)  }
0x119: {  	(v2sf) =	vpush v6, $0xF  }
0x11a: {  	_ = 	snop  }
0x11b: {  	v5 =	vadd.s32 v4, v5  }
0x11c: {  	vm3 =	vlt.s32 v5, $0x166666  }
0x11d: {  	v5 =	vsel vm3, $0x1, v0  }
0x11e: {  	(xrf0) =	vadd.scan.msk.s32 $0xffff, v5;
	_ =	sdelay $0x4  }
0x11f: {  	v5, _, _ =	vpop (xrf0)  }
0x120: {  	(v2sf) =	vpush v5, $0xF;
	v5, _, _ =	vpop (xrf0)  }
0x121: {  	(v2sf) =	vpush v5, $0xF;
	_ =	sdelay $0xa  }
0x122: {  	s7 =	spop (v2sf)  }
0x123: {  	s10 =	spop (v2sf);
	s5 =	sadd.s32 s5, s7  }
0x124: {  	p2 =	sgt.s32 s1, $0x166665;
	s5 =	sadd.s32 s5, s10;
	s12 =	spop (v2sf)  }
0x125: {  	s4 =	sadd.s32 s4, s1;
	s5 =	sadd.s32 s5, s12;
	s19 =	spop (v2sf)  }
0x126: {  	p3 =	slt.s32 @!p2 s4, $0x166666;
	s5 =	sadd.s32 s5, s19;
	s20 =	spop (v2sf)  }
0x127: {  	p1 =	por p3, p2;
	s5 =	sadd.s32 s5, s20  }
0x128: {  	s7 =	sadd.s32 @!p1 $0xFFFFFFFF, s5  }
0x129: {  	p4 =	sgt.s32 @!p1 s7, $0x0  }
0x12a: {  	p4 =	por @!p2 !p4, p3  }
0x12b: {  	p4 =	por !p4, p2  }
0x12c: {  	s7 =	simm.s32 @!p4 $0x0  }
0x12d: {  	v5 =	vmov @!p1 s7  }
0x12e: {  	s7 =	sand.u32 @!p1 $0x7FFFFFF0, s7;
	v5 =	vand.u32 @!p1 $0xF, v5  }
0x12f: {  	v5 =	vor.u32 @!p1 s7, v5  }
0x130: {  	v5 =	vbroadcast @!p1 v5, $0x0;
	_ =	sdelay $0x4  }
0x131: {  	s7 =	simm.s32 @!p1 $0x11000  }
0x132: {  	v5 =	vld.idx.msk @!p1 [tilespmem:v5+s7+$0x0], $0xffff;
	_ =	sdelay $0x4  }
0x133: {  	v5 =	vxor.u32 @!p1 $0x80000000, v5  }
0x134: {  	(xrf0) =	vmax.scan.msk.u32 @!p1 $0xffff, v5;
	_ =	sdelay $0x5  }
0x135: {  	v5, _, _ =	vpop @!p1 (xrf0)  }
0x136: {  	(v2sf) =	vpush @!p1 v5, $0xF;
	_ =	sdelay $0xa  }
0x137: {  	s7 =	sadd.s32 @!p1 s17, s5  }
0x138: {  	v5 =	vmov @!p1 s7  }
0x139: {  	p4 =	sgt.s32 @!p1 s5, $0x0;
	s7 =	simm.s32 @!p1 $0x1C380;
	[tilespmem:$0x1C380] =	vst @!p1 v5  }
0x13a: {  	[spmem:s14] =	stream.linear.scatter @!p1 [tilespmem:s7], [sflag:$0x4], $0x10, $0x38;
	[tilespmem:$0x1D3C8] =	vst v63  }
0x13b: {  	p3 =	por @!p2 !p4, p3;
	s5 =	spop @!p1 (v2sf)  }
0x13c: {  	s10 =	simm.s32 @!p1 $0x4;
	p2 =	por !p3, p2;
	s5 =	sxor.u32 @!p1 $0x80000000, s5  }
0x13d: {  	_ =	swait.ge @!p1 [sflag:s10], $0x10;
	s5 =	simm.s32 @!p2 $0x0  }
0x13e: {  	[sflag:s10] =	ssyncset.done @!p1 $0x0;
	s5 =	sadd.s32 @!p1 s1, s5  }
0x13f: {  	[sflag:s10] =	ssyncadd.s32 @!p1 $0xFFFFFFF0;
	v5 =	vmov @!p1 s5  }
0x140: {  	s5 =	rddreg [dreg:$0xd];
	[tilespmem:$0x1C380] =	vst @!p1 v5  }
0x141: {  	[spmem:s5] =	stream.linear.scatter @!p1 [tilespmem:s7], [sflag:$0x4], $0x10, $0x38;
	[tilespmem:$0x1D3C8] =	vst v63  }
0x142: {  	_ =	swait.ge @!p1 [sflag:s10], $0x10  }
0x143: {  	[sflag:s10] =	ssyncset.done @!p1 $0x0  }
0x144: {  	[sflag:s10] =	ssyncadd.s32 @!p1 $0xFFFFFFF0;
	s10 =	simm.s32 $0x0  }
0x145: {  	v5 =	vld [tilespmem:s10+$0x11000]  }
0x146: {  	s11 =	simm.s32 $0x10  }
0x147: {  	s12 =	simm.s32 $0x20;
	v6 =	vld [tilespmem:s11+$0x11000]  }
0x148: {  	v7 =	vld [tilespmem:s12+$0x11000];
	_ =	sdelay $0x1  }
0x149: {  	v5 =	vadd.s32 v4, v5  }
0x14a: {  	vm3 =	vlt.s32 v5, $0x166667  }
0x14b: {  	v5 =	vadd.s32 v4, v6;
	v6 =	vsel vm3, $0x1, v0  }
0x14c: {  	vm3 =	vlt.s32 v5, $0x166667;
	v5 =	vadd.s32 v4, v7;
	(xrf0) =	vadd.scan.msk.s32 $0xffff, v6  }
0x14d: {  	v6 =	vsel vm3, $0x1, v0;
	vm3 =	vlt.s32 v5, $0x166667  }
0x14e: {  	(xrf0) =	vadd.scan.msk.s32 $0xffff, v6;
	v6 =	vsel vm3, $0x1, v0  }
0x14f: {  	(xrf0) =	vadd.scan.msk.s32 $0xffff, v6;
	_ =	sdelay $0x2  }
0x150: {  	v6, _, _ =	vpop (xrf0)  }
0x151: {  	s19 =	simm.s32 $0x30;
	(v2sf) =	vpush v6, $0xF  }
0x152: {  	v5 =	vld [tilespmem:s19+$0x11000];
	v6, _, _ =	vpop (xrf0)  }
0x153: {  	(v2sf) =	vpush v6, $0xF;
	v6, _, _ =	vpop (xrf0)  }
0x154: {  	(v2sf) =	vpush v6, $0xF;
	_ =	sdelay $0x2  }
0x155: {  	v5 =	vadd.s32 v4, v5  }
0x156: {  	vm3 =	vlt.s32 v5, $0x166667  }
0x157: {  	s20 =	simm.s32 $0x40;
	v5 =	vsel vm3, $0x1, v0  }
0x158: {  	(xrf0) =	vadd.scan.msk.s32 $0xffff, v5;
	v5 =	vld [tilespmem:s20+$0x11000];
	_ =	sdelay $0x2  }
0x159: {  	s5 =	simm.s32 $0x0;
	s7 =	simm.s32 $0x140  }
.LBB2_19:
0x15a: {  	p1 =	sne.s32 s7, $0x3FC0  }
.Ltmp12:
0x15b: {  	s10 =	sshra.s32 s7, $0x2;
	s7 =	sadd.s32 $0x40, s7;
	v6 =	vadd.s32 v4, v5;
	(pc) =	sbr.rel @p1 .LBB2_19-.Ltmp12, $4  }
0x15c: {  	v5 =	vld [tilespmem:s10+$0x11000];
	vm3 =	vlt.s32 v6, $0x166667;
	s10 =	spop (v2sf)  }
0x15d: {  	v7 =	vsel vm3, $0x1, v0;
	s5 =	sadd.s32 s5, s10  }
0x15e: {  	(xrf0) =	vadd.scan.msk.s32 $0xffff, v7;
	v6, _, _ =	vpop (xrf0)  }
0x15f: {  	(v2sf) =	vpush v6, $0xF  }
0x160: {  	_ = 	snop  }
0x161: {  	v4 =	vadd.s32 v4, v5  }
0x162: {  	vm3 =	vlt.s32 v4, $0x166667  }
0x163: {  	v4 =	vsel vm3, $0x1, v0  }
0x164: {  	(xrf0) =	vadd.scan.msk.s32 $0xffff, v4;
	_ =	sdelay $0x4  }
0x165: {  	v4, _, _ =	vpop (xrf0)  }
0x166: {  	(v2sf) =	vpush v4, $0xF;
	v4, _, _ =	vpop (xrf0)  }
0x167: {  	(v2sf) =	vpush v4, $0xF;
	_ =	sdelay $0xa  }
0x168: {  	s7 =	spop (v2sf)  }
0x169: {  	s5 =	sadd.s32 s5, s7;
	s10 =	spop (v2sf)  }
0x16a: {  	s5 =	sadd.s32 s5, s10;
	s11 =	spop (v2sf)  }
0x16b: {  	p2 =	sgt.s32 s1, $0x166666;
	s5 =	sadd.s32 s5, s11;
	s12 =	spop (v2sf)  }
0x16c: {  	p3 =	slt.s32 @!p2 s4, $0x166667;
	s5 =	sadd.s32 s5, s12;
	s19 =	spop (v2sf)  }
0x16d: {  	p1 =	por p3, p2;
	s4 =	sadd.s32 s5, s19  }
0x16e: {  	s5 =	sadd.s32 @!p1 $0xFFFFFFFF, s4  }
0x16f: {  	p4 =	sgt.s32 @!p1 s5, $0x0  }
0x170: {  	p4 =	por @!p2 !p4, p3  }
0x171: {  	p4 =	por !p4, p2  }
0x172: {  	s5 =	simm.s32 @!p4 $0x0  }
0x173: {  	v4 =	vmov @!p1 s5  }
0x174: {  	s5 =	sand.u32 @!p1 $0x7FFFFFF0, s5;
	v4 =	vand.u32 @!p1 $0xF, v4  }
0x175: {  	v4 =	vor.u32 @!p1 s5, v4  }
0x176: {  	v4 =	vbroadcast @!p1 v4, $0x0;
	_ =	sdelay $0x4  }
0x177: {  	s5 =	simm.s32 @!p1 $0x11000  }
0x178: {  	v4 =	vld.idx.msk @!p1 [tilespmem:v4+s5+$0x0], $0xffff;
	_ =	sdelay $0x4  }
0x179: {  	v4 =	vxor.u32 @!p1 $0x80000000, v4  }
0x17a: {  	(xrf0) =	vmax.scan.msk.u32 @!p1 $0xffff, v4;
	_ =	sdelay $0x5  }
0x17b: {  	v4, _, _ =	vpop @!p1 (xrf0)  }
0x17c: {  	(v2sf) =	vpush @!p1 v4, $0xF;
	_ =	sdelay $0xa  }
0x17d: {  	s5 =	sadd.s32 @!p1 s17, s4  }
0x17e: {  	v4 =	vmov @!p1 s5  }
0x17f: {  	s7 =	rddreg [dreg:$0xe];
	p4 =	sgt.s32 @!p1 s4, $0x0;
	s5 =	simm.s32 @!p1 $0x1C380;
	[tilespmem:$0x1C380] =	vst @!p1 v4  }
0x180: {  	[spmem:s7] =	stream.linear.scatter @!p1 [tilespmem:s5], [sflag:$0x4], $0x10, $0x38;
	[tilespmem:$0x1D3C8] =	vst v63  }
0x181: {  	p3 =	por @!p2 !p4, p3;
	s4 =	spop @!p1 (v2sf)  }
0x182: {  	p2 =	por !p3, p2;
	s7 =	simm.s32 @!p1 $0x4;
	s4 =	sxor.u32 @!p1 $0x80000000, s4  }
0x183: {  	_ =	swait.ge @!p1 [sflag:s7], $0x10;
	s4 =	simm.s32 @!p2 $0x0  }
0x184: {  	[sflag:s7] =	ssyncset.done @!p1 $0x0;
	s1 =	sadd.s32 @!p1 s1, s4  }
0x185: {  	[sflag:s7] =	ssyncadd.s32 @!p1 $0xFFFFFFF0;
	v4 =	vmov @!p1 s1  }
0x186: {  	s1 =	rddreg [dreg:$0xf];
	[tilespmem:$0x1C380] =	vst @!p1 v4  }
0x187: {  	[spmem:s1] =	stream.linear.scatter @!p1 [tilespmem:s5], [sflag:$0x4], $0x10, $0x38;
	[tilespmem:$0x1D3C8] =	vst v63  }
0x188: {  	_ =	swait.ge @!p1 [sflag:s7], $0x10  }
0x189: {  	[sflag:s7] =	ssyncset.done @!p1 $0x0  }
0x18a: {  	[sflag:s7] =	ssyncadd.s32 @!p1 $0xFFFFFFF0  }
0x18b: {  	s20 =	simm.s32 $0x1C100;
	[bflag:$0x0] =	sbarrier.arrive $0xFFFF  }
0x18c: {  	[tilespmem:s20], [sflag:$0x4] =	stream.linear.gather [spmem:s14], $0x80, $0x38;
	[tilespmem:$0x1D3C8] =	vst v63  }
0x18d: {  	_ =	swait.ge [sflag:s30], $0x80  }
0x18e: {  	[sflag:s30] =	ssyncset.done $0x0  }
0x18f: {  	[sflag:s30] =	ssyncadd.s32 $0xFFFFFF80  }
0x190: {  	v6 =	vld [tilespmem:$0x1C100]  }
0x191: {  	v5 =	vld [tilespmem:$0x1C110]  }
0x192: {  	v7 =	vld [tilespmem:$0x1C120]  }
0x193: {  	s4 =	simm.s32 $0x40;
	s1 =	simm.s32 $0x0;
	v4 =	vld [tilespmem:$0x1C130]  }
.LBB2_21:
0x194: {  	p1 =	sne.s32 s4, $0x3FFC0;
	[tilespmem:s1+$0x1000] =	vst v0;
	s1 =	smov.u32 s4;
	s4 =	sadd.s32 $0x40, s4  }
.Ltmp13:
0x195: {  	(pc) =	sbr.rel @p1 .LBB2_21-.Ltmp13, $2  }
0x196: {  	_ =	sdelay $0x2  }
0x197: {  	s1 =	sshra.s32 s1, $0x2  }
0x198: {  	v6 =	vxor.u32 $0x80000000, v6  }
0x199: {  	(xrf0) =	vmax.scan.msk.u32 $0xffff, v6;
	v6 =	vxor.u32 $0x80000000, v7  }
0x19a: {  	(xrf0) =	vmax.scan.msk.u32 $0xffff, v6;
	_ =	sdelay $0x4  }
0x19b: {  	v6, _, _ =	vpop (xrf0)  }
0x19c: {  	(v2sf) =	vpush v6, $0xF;
	v6, _, _ =	vpop (xrf0)  }
0x19d: {  	(v2sf) =	vpush v6, $0xF;
	_ =	sdelay $0xa  }
0x19e: {  	s4 =	rddreg [dreg:$0x17]  }
0x19f: {  	[tilespmem:s1+$0x1000] =	vst v0;
	s1 =	simm.s32 $0x0;
	s7 =	sld [smem:$0x7FC]  }
0x1a0: {  	[tilespmem:s1], [sflag:$0x2] =	stream.linear.gather [hbm4b:s4+s1], $0x800, $0x38;
	[tilespmem:$0x1D3C8] =	vst v63  }
0x1a1: {  	p3 =	por p5, p5;
	s12 =	sld [smem:$0x7FD];
	s20 =	spop (v2sf)  }
0x1a2: {  	p4 =	por p6, p6;
	p5 =	por p0, p0;
	s19 =	spop (v2sf)  }
0x1a3: {  	s4 =	simm.s32 $0x0;
	s11 =	sxor.u32 $0x80000000, s20;
	s5 =	sxor.u32 $0x80000000, s19  }
0x1a4: {  	p0 =	seq.s32 s7, $0x1;
	p6 =	seq.s32 s12, $0x1;
	v6 =	vmov s11;
	v7 =	vmov s5;
	s5 =	simm.s32 $0x11170  }
.LBB2_23:
0x1a5: {  	s7 =	sshll.u32 s4, $0xC  }
0x1a6: {  	s10 =	sor.u32 s7, s18  }
0x1a7: {  	_ =	swait.ge [sflag:s24], $0x800;
	s10 =	sshrl.u32 s10, $0x3  }
0x1a8: {  	[sflag:s24] =	ssyncset.done $0x0;
	s10 =	sadd.s32 s10, s0  }
0x1a9: {  	s12 =	simm.s32 $0x0;
	[sflag:s24] =	ssyncadd.s32 $0xFFFFF800;
	s10 =	sadd.s32 $0x100, s10  }
0x1aa: {  	[tilespmem:s25], [sflag:$0x3] =	stream.linear.gather [hbm4b:s10+s1], $0x800, $0x38;
	[tilespmem:$0x1D3C8] =	vst v63  }
0x1ab: {  	v8 =	vld [tilespmem:s12+$0x0];
	_ =	sdelay $0x4  }
0x1ac: {  	vm3 =	vlt.s32 v8, $0x0;
	v9 =	vxor.u32 $0xFFFFFFFF, v8;
	v8 =	vor.u32 $0x80000000, v8  }
0x1ad: {  	v8 =	vsel vm3, v9, v8  }
0x1ae: {  	v9 =	vshrl.u32 v8, $0x10  }
0x1af: {  	v8 =	vand.u32 $0xFFFF, v8;
	vm3 =	veq.s32 v9, v6  }
0x1b0: {  	(xrf1) =	vunique.msk.u32 vm3, v8  }
0x1b1: {  	vm3 =	veq.s32 v9, v7;
	v9 =	vor.u32 $0x80000000, v8  }
0x1b2: {  	v9 =	vnsel vm3, $0x80011170, v9  }
0x1b3: {  	(xrf0) =	vmin.scan.msk.u32 $0xffff, v9;
	_ =	sdelay $0x5  }
0x1b4: {  	v9, _, _ =	vpop (xrf0)  }
0x1b5: {  	(v2sf) =	vpush v9, $0xF;
	_ =	sdelay $0x3  }
0x1b6: {  	s11 =	simm.s32 $0x80;
	s10 =	simm.s32 $0x40;
	_, v9, vm3 =	vpop (xrf1)  }
.LBB2_24:
0x1b7: {  	s12 =	smov.u32 s5  }
0x1b8: {  	p1 =	sne.s32 s11, $0x1FC0;
	_ =	sdelay $0x4  }
0x1b9: {  	s5 =	sshra.s32 s10, $0x2;
	s10 =	smov.u32 s11;
	[tilespmem:v8+s26+$0x0] =	vst.idx.add.s32.msk vm3, v9  }
0x1ba: {  	v8 =	vld [tilespmem:s5+$0x0];
	_ =	sdelay $0x2  }
0x1bb: {  	s5 =	spop (v2sf)  }
0x1bc: {  	s5 =	sxor.u32 $0x80000000, s5  }
0x1bd: {  	vm3 =	vlt.s32 v8, $0x0;
	v9 =	vxor.u32 $0xFFFFFFFF, v8;
	v8 =	vor.u32 $0x80000000, v8;
	p2 =	slt.s32 s12, s5  }
0x1be: {  	v8 =	vsel vm3, v9, v8;
	s5 =	smov.u32 @p2 s12  }
0x1bf: {  	v9 =	vshrl.u32 v8, $0x10  }
0x1c0: {  	v8 =	vand.u32 $0xFFFF, v8;
	vm3 =	veq.s32 v9, v6;
	vm4 =	veq.s32 v9, v7  }
0x1c1: {  	v9 =	vor.u32 $0x80000000, v8;
	(xrf1) =	vunique.msk.u32 vm3, v8  }
0x1c2: {  	v9 =	vnsel vm4, $0x80011170, v9  }
0x1c3: {  	(xrf0) =	vmin.scan.msk.u32 $0xffff, v9;
	_ =	sdelay $0x5  }
0x1c4: {  	v9, _, _ =	vpop (xrf0)  }
0x1c5: {  	(v2sf) =	vpush v9, $0xF  }
.Ltmp14:
0x1c6: {  	(pc) =	sbr.rel @p1 .LBB2_24-.Ltmp14, $2  }
0x1c7: {  	_ =	sdelay $0x2  }
0x1c8: {  	s11 =	sadd.s32 $0x40, s11;
	_, v9, vm3 =	vpop (xrf1)  }
0x1c9: {  	_ =	sdelay $0x4  }
0x1ca: {  	s10 =	sshra.s32 s10, $0x2;
	[tilespmem:v8+s26+$0x0] =	vst.idx.add.s32.msk vm3, v9  }
0x1cb: {  	v8 =	vld [tilespmem:s10+$0x0];
	_ =	sdelay $0x4  }
0x1cc: {  	vm3 =	vlt.s32 v8, $0x0;
	v9 =	vxor.u32 $0xFFFFFFFF, v8;
	v8 =	vor.u32 $0x80000000, v8  }
0x1cd: {  	v8 =	vsel vm3, v9, v8  }
0x1ce: {  	v9 =	vshrl.u32 v8, $0x10;
	v8 =	vand.u32 $0xFFFF, v8  }
0x1cf: {  	vm3 =	veq.s32 v9, v7;
	v10 =	vor.u32 $0x80000000, v8  }
0x1d0: {  	v10 =	vnsel vm3, $0x80011170, v10  }
0x1d1: {  	(xrf0) =	vmin.scan.msk.u32 $0xffff, v10  }
0x1d2: {  	vm3 =	veq.s32 v9, v6  }
0x1d3: {  	(xrf1) =	vunique.msk.u32 vm3, v8;
	_ =	sdelay $0x3  }
0x1d4: {  	v9, _, _ =	vpop (xrf0)  }
0x1d5: {  	(v2sf) =	vpush v9, $0xF;
	_ =	sdelay $0x8  }
0x1d6: {  	_, v9, vm3 =	vpop (xrf1);
	_ =	sdelay $0x4  }
0x1d7: {  	s10 =	spop (v2sf)  }
0x1d8: {  	p1 =	seq.s32 s4, $0x1F;
	[tilespmem:v8+s26+$0x0] =	vst.idx.add.s32.msk vm3, v9;
	s11 =	spop (v2sf)  }
0x1d9: {  	s7 =	sadd.s32 @!p1 s7, s16;
	_ =	swait.ge [sflag:s28], $0x800  }
0x1da: {  	s7 =	sshrl.u32 @!p1 s7, $0x3;
	[sflag:s28] =	ssyncset.done $0x0  }
0x1db: {  	s12 =	simm.s32 @!p1 $0x0;
	s7 =	sadd.s32 @!p1 s0, s7;
	[sflag:s28] =	ssyncadd.s32 $0xFFFFF800  }
0x1dc: {  	[tilespmem:s12], [sflag:$0x2] =	stream.linear.gather @!p1 [hbm4b:s7+s12], $0x800, $0x38;
	[tilespmem:$0x1D3C8] =	vst v63  }
0x1dd: {  	s12 =	simm.s32 $0x0  }
0x1de: {  	v8 =	vld [tilespmem:s12+$0x800];
	_ =	sdelay $0x4  }
0x1df: {  	vm3 =	vlt.s32 v8, $0x0;
	v9 =	vxor.u32 $0xFFFFFFFF, v8;
	v8 =	vor.u32 $0x80000000, v8  }
0x1e0: {  	v8 =	vsel vm3, v9, v8  }
0x1e1: {  	v9 =	vshrl.u32 v8, $0x10  }
0x1e2: {  	v8 =	vand.u32 $0xFFFF, v8;
	vm3 =	veq.s32 v9, v6  }
0x1e3: {  	(xrf1) =	vunique.msk.u32 vm3, v8  }
0x1e4: {  	vm3 =	veq.s32 v9, v7;
	v9 =	vor.u32 $0x80000000, v8  }
0x1e5: {  	v9 =	vnsel vm3, $0x80011170, v9  }
0x1e6: {  	(xrf0) =	vmin.scan.msk.u32 $0xffff, v9;
	_ =	sdelay $0x5  }
0x1e7: {  	v9, _, _ =	vpop (xrf0)  }
0x1e8: {  	s7 =	sxor.u32 $0x80000000, s10;
	(v2sf) =	vpush v9, $0xF  }
0x1e9: {  	p1 =	slt.s32 s5, s7  }
0x1ea: {  	s7 =	smov.u32 @p1 s5;
	s5 =	sxor.u32 $0x80000000, s11  }
0x1eb: {  	p1 =	slt.s32 s7, s5  }
0x1ec: {  	s10 =	simm.s32 $0x80;
	s5 =	smov.u32 @p1 s7;
	s7 =	simm.s32 $0x40;
	_, v9, vm3 =	vpop (xrf1)  }
.LBB2_26:
0x1ed: {  	s11 =	smov.u32 s5  }
0x1ee: {  	p1 =	sne.s32 s10, $0x1FC0;
	_ =	sdelay $0x4  }
0x1ef: {  	s5 =	sshra.s32 s7, $0x2;
	s7 =	smov.u32 s10;
	[tilespmem:v8+s26+$0x0] =	vst.idx.add.s32.msk vm3, v9  }
0x1f0: {  	v8 =	vld [tilespmem:s5+$0x800];
	_ =	sdelay $0x2  }
0x1f1: {  	s5 =	spop (v2sf)  }
0x1f2: {  	s5 =	sxor.u32 $0x80000000, s5  }
0x1f3: {  	vm3 =	vlt.s32 v8, $0x0;
	v9 =	vxor.u32 $0xFFFFFFFF, v8;
	v8 =	vor.u32 $0x80000000, v8;
	p2 =	slt.s32 s11, s5  }
0x1f4: {  	v8 =	vsel vm3, v9, v8;
	s5 =	smov.u32 @p2 s11  }
0x1f5: {  	v9 =	vshrl.u32 v8, $0x10  }
0x1f6: {  	v8 =	vand.u32 $0xFFFF, v8;
	vm3 =	veq.s32 v9, v6;
	vm4 =	veq.s32 v9, v7  }
0x1f7: {  	v9 =	vor.u32 $0x80000000, v8;
	(xrf1) =	vunique.msk.u32 vm3, v8  }
0x1f8: {  	v9 =	vnsel vm4, $0x80011170, v9  }
0x1f9: {  	(xrf0) =	vmin.scan.msk.u32 $0xffff, v9;
	_ =	sdelay $0x5  }
0x1fa: {  	v9, _, _ =	vpop (xrf0)  }
0x1fb: {  	(v2sf) =	vpush v9, $0xF  }
.Ltmp15:
0x1fc: {  	(pc) =	sbr.rel @p1 .LBB2_26-.Ltmp15, $2  }
0x1fd: {  	_ =	sdelay $0x2  }
0x1fe: {  	s10 =	sadd.s32 $0x40, s10;
	_, v9, vm3 =	vpop (xrf1)  }
0x1ff: {  	_ =	sdelay $0x4  }
0x200: {  	s7 =	sshra.s32 s7, $0x2;
	[tilespmem:v8+s26+$0x0] =	vst.idx.add.s32.msk vm3, v9  }
0x201: {  	v8 =	vld [tilespmem:s7+$0x800];
	_ =	sdelay $0x4  }
0x202: {  	vm3 =	vlt.s32 v8, $0x0;
	v61 =	vxor.u32 $0xFFFFFFFF, v8;
	v8 =	vor.u32 $0x80000000, v8  }
0x203: {  	v8 =	vsel vm3, v61, v8  }
0x204: {  	v9 =	vshrl.u32 v8, $0x10;
	v8 =	vand.u32 $0xFFFF, v8  }
0x205: {  	vm3 =	veq.s32 v9, v7;
	v10 =	vor.u32 $0x80000000, v8  }
0x206: {  	v10 =	vnsel vm3, $0x80011170, v10  }
0x207: {  	(xrf0) =	vmin.scan.msk.u32 $0xffff, v10;
	_ =	sdelay $0x3  }
0x208: {  	vm3 =	veq.s32 v9, v6  }
0x209: {  	(xrf1) =	vunique.msk.u32 vm3, v8  }
0x20a: {  	v62, _, _ =	vpop (xrf0)  }
0x20b: {  	(v2sf) =	vpush v62, $0xF;
	_ =	sdelay $0xb  }
0x20c: {  	s4 =	sadd.s32 $0x1, s4;
	_, v63, vm3 =	vpop (xrf1)  }
0x20d: {  	p2 =	sne.s32 s4, $0x20;
	s12 =	spop (v2sf)  }
.Ltmp16:
0x20e: {  	s7 =	sxor.u32 $0x80000000, s12;
	(pc) =	sbr.rel @p2 .LBB2_23-.Ltmp16, $4  }
0x20f: {  	p1 =	slt.s32 s5, s7;
	s10 =	spop (v2sf)  }
0x210: {  	s7 =	smov.u32 @p1 s5;
	s5 =	sxor.u32 $0x80000000, s10  }
0x211: {  	p1 =	slt.s32 s7, s5  }
0x212: {  	[tilespmem:v8+s26+$0x0] =	vst.idx.add.s32.msk vm3, v63;
	s5 =	smov.u32 @p1 s7  }
0x213: {  	v6 =	vmov s5  }
0x214: {  	s1 =	rddreg [dreg:$0x10];
	s4 =	simm.s32 $0x1C380;
	[tilespmem:$0x1C380] =	vst v6  }
0x215: {  	[spmem:s1] =	stream.linear.scatter [tilespmem:s4], [sflag:$0x4], $0x10, $0x38;
	[tilespmem:$0x1D3C8] =	vst v63  }
0x216: {  	_ =	swait.ge [sflag:s30], $0x10  }
0x217: {  	[sflag:s30] =	ssyncset.done $0x0  }
0x218: {  	[sflag:s30] =	ssyncadd.s32 $0xFFFFFFF0  }
0x219: {  	[spmem:s22] =	stream.linear.scatter [tilespmem:s29], [sflag:$0x4], $0x1000, $0x38;
	[tilespmem:$0x1D3C8] =	vst v63  }
0x21a: {  	_ =	swait.ge [sflag:s30], $0x1000  }
0x21b: {  	[sflag:s30] =	ssyncset.done $0x0  }
0x21c: {  	s11 =	simm.s32 $0x70;
	[sflag:s30] =	ssyncadd.s32 $0xFFFFF000  }
0x21d: {  	s12 =	simm.s32 $0x60;
	v6 =	vor.u32 s11, v1;
	s1 =	simm.s32 $0x1B000;
	[bflag:$0x0] =	sbarrier.arrive $0xFFFF  }
0x21e: {  	v7 =	vor.u32 s12, v1;
	s29 =	simm.s32 $0x50;
	[tilespmem:s1+$0x70] =	vst v6  }
0x21f: {  	s7 =	simm.s32 $0x0;
	v6 =	vor.u32 s29, v1;
	[tilespmem:s1+$0x60] =	vst v7  }
0x220: {  	s10 =	simm.s32 $0x40;
	v7 =	vor.u32 s7, v1;
	[tilespmem:s1+$0x50] =	vst v6  }
0x221: {  	s11 =	simm.s32 $0x20;
	[tilespmem:s1+$0x0] =	vst v7;
	v6 =	vor.u32 s10, v1  }
0x222: {  	s12 =	simm.s32 $0x30;
	v7 =	vor.u32 s11, v1;
	[tilespmem:s1+$0x40] =	vst v6  }
0x223: {  	s29 =	simm.s32 $0x10;
	v6 =	vor.u32 s12, v1;
	[tilespmem:s1+$0x20] =	vst v7  }
0x224: {  	v7 =	vor.u32 s29, v1;
	[tilespmem:s1+$0x30] =	vst v6  }
0x225: {  	s5 =	simm.s32 $0xF0;
	s4 =	simm.s32 $0x1000;
	[tilespmem:s1+$0x10] =	vst v7  }
0x226: {  	[spmem:s2] =	stream.indirect.scatter.add.s32 [tilespmem:s4], [sflag:$0x4], $0x10, s1, s31, $0xb8;
	[tilespmem:$0x1D3C8] =	vst v63  }
.LBB2_29:
0x227: {  	_ =	swait.ge [sflag:s30], $0x800  }
0x228: {  	s4 =	sadd.s32 $0x800, s4;
	s1 =	sadd.s32 $0x80, s1;
	s7 =	smov.u32 s5  }
0x229: {  	p1 =	sne.s32 s5, $0xFF0;
	s5 =	sadd.s32 $0x80, s5;
	[sflag:s30] =	ssyncset.done $0x0  }
0x22a: {  	s10 =	sadd.s32 $0xFFFFFFF0, s7;
	v6 =	vor.u32 s7, v1;
	[sflag:s30] =	ssyncadd.s32 $0xFFFFF800  }
0x22b: {  	s11 =	sadd.s32 $0xFFFFFFE0, s7;
	v7 =	vor.u32 s10, v1;
	[tilespmem:s1+$0x70] =	vst v6  }
0x22c: {  	s10 =	sadd.s32 $0xFFFFFF90, s7;
	v6 =	vor.u32 s11, v1;
	[tilespmem:s1+$0x60] =	vst v7  }
0x22d: {  	v7 =	vor.u32 s10, v1;
	s10 =	sadd.s32 $0xFFFFFFD0, s7;
	[tilespmem:s1+$0x50] =	vst v6  }
0x22e: {  	s12 =	sadd.s32 $0xFFFFFFB0, s7;
	s11 =	sadd.s32 $0xFFFFFFA0, s7;
	s7 =	sadd.s32 $0xFFFFFFC0, s7;
	v6 =	vor.u32 s10, v1;
	[tilespmem:s1+$0x0] =	vst v7  }
.Ltmp17:
0x22f: {  	v8 =	vor.u32 s12, v1;
	v9 =	vor.u32 s7, v1;
	v7 =	vor.u32 s11, v1;
	[tilespmem:s1+$0x40] =	vst v6;
	(pc) =	sbr.rel @p1 .LBB2_29-.Ltmp17, $4  }
0x230: {  	[tilespmem:s1+$0x20] =	vst v8  }
0x231: {  	[tilespmem:s1+$0x30] =	vst v9  }
0x232: {  	[tilespmem:s1+$0x10] =	vst v7  }
0x233: {  	[spmem:s2] =	stream.indirect.scatter.add.s32 [tilespmem:s4], [sflag:$0x4], $0x10, s1, s31, $0xb8;
	[tilespmem:$0x1D3C8] =	vst v63  }
0x234: {  	_ =	swait.ge [sflag:s30], $0x800  }
0x235: {  	[sflag:s30] =	ssyncset.done $0x0  }
0x236: {  	[sflag:s30] =	ssyncadd.s32 $0xFFFFF800  }
0x237: {  	s1 =	simm.s32 $0x11000;
	[bflag:$0x0] =	sbarrier.arrive $0xFFFF  }
0x238: {  	[tilespmem:s1], [sflag:$0x4] =	stream.linear.gather [spmem:s22], $0x1000, $0x38;
	[tilespmem:$0x1D3C8] =	vst v63  }
0x239: {  	_ =	swait.ge [sflag:s30], $0x1000  }
0x23a: {  	[sflag:s30] =	ssyncset.done $0x0  }
0x23b: {  	s4 =	simm.s32 $0x0;
	[sflag:s30] =	ssyncadd.s32 $0xFFFFF000  }
0x23c: {  	v6 =	vld [tilespmem:s4+$0x11000];
	_ =	sdelay $0x4  }
0x23d: {  	(xrf0) =	vadd.scan.msk.s32 $0xffff, v6;
	_ =	sdelay $0x5  }
0x23e: {  	v6, _, _ =	vpop (xrf0)  }
0x23f: {  	(v2sf) =	vpush v6, $0xF  }
0x240: {  	s1 =	simm.s32 $0x0  }
0x241: {  	v7 =	vadd.s32 s1, v6  }
0x242: {  	s5 =	simm.s32 $0x80;
	[tilespmem:s4+$0x11000] =	vst v7;
	s4 =	simm.s32 $0x10  }
.LBB2_31:
0x243: {  	p1 =	sne.s32 s5, $0x3FC0;
	v6 =	vld [tilespmem:s4+$0x11000];
	_ =	sdelay $0x4  }
0x244: {  	(xrf0) =	vadd.scan.msk.s32 $0xffff, v6;
	_ =	sdelay $0x5  }
.Ltmp18:
0x245: {  	v6, _, _ =	vpop (xrf0);
	s7 =	spop (v2sf);
	(pc) =	sbr.rel @p1 .LBB2_31-.Ltmp18, $4  }
0x246: {  	(v2sf) =	vpush v6, $0xF;
	s1 =	sadd.s32 s1, s7  }
0x247: {  	v6 =	vadd.s32 s1, v6  }
0x248: {  	[tilespmem:s4+$0x11000] =	vst v6  }
0x249: {  	s4 =	sshra.s32 s5, $0x2;
	s5 =	sadd.s32 $0x40, s5  }
0x24a: {  	v6 =	vld [tilespmem:s4+$0x11000];
	_ =	sdelay $0x4  }
0x24b: {  	(xrf0) =	vadd.scan.msk.s32 $0xffff, v6;
	_ =	sdelay $0x1  }
0x24c: {  	v5 =	vxor.u32 $0x80000000, v5  }
0x24d: {  	(xrf0) =	vmax.scan.msk.u32 $0xffff, v5;
	_ =	sdelay $0x2  }
0x24e: {  	v5, _, _ =	vpop (xrf0)  }
0x24f: {  	(v2sf) =	vpush v5, $0xF;
	_ =	sdelay $0x1  }
0x250: {  	v6, _, _ =	vpop (xrf0)  }
0x251: {  	(v2sf) =	vpush v6, $0xF;
	_ =	sdelay $0xa  }
0x252: {  	s5 =	spop (v2sf)  }
0x253: {  	s1 =	sadd.s32 s1, s5;
	s10 =	spop (v2sf)  }
0x254: {  	v5 =	vadd.s32 s1, v5;
	s1 =	sadd.s32 s1, s10  }
0x255: {  	[tilespmem:s4+$0x11000] =	vst v5;
	v5 =	vmov s1  }
0x256: {  	s11 =	simm.s32 $0x1C380;
	s4 =	spop (v2sf);
	[tilespmem:$0x1C380] =	vst v5  }
0x257: {  	[spmem:s23] =	stream.linear.scatter [tilespmem:s11], [sflag:$0x4], $0x10, $0x38;
	[tilespmem:$0x1D3C8] =	vst v63  }
0x258: {  	_ =	swait.ge [sflag:s30], $0x10  }
0x259: {  	[sflag:s30] =	ssyncset.done $0x0  }
0x25a: {  	[sflag:s30] =	ssyncadd.s32 $0xFFFFFFF0  }
0x25b: {  	s12 =	simm.s32 $0x1C000;
	[bflag:$0x0] =	sbarrier.arrive $0xFFFF  }
0x25c: {  	[tilespmem:s12], [sflag:$0x4] =	stream.linear.gather [spmem:s13], $0x100, $0x38;
	[tilespmem:$0x1D3C8] =	vst v63  }
0x25d: {  	_ =	swait.ge [sflag:s30], $0x100  }
0x25e: {  	[sflag:s30] =	ssyncset.done $0x0  }
0x25f: {  	[sflag:s30] =	ssyncadd.s32 $0xFFFFFF00  }
0x260: {  	v5 =	vld [tilespmem:$0x1C000];
	_ =	sdelay $0x1  }
0x261: {  	v6 =	vld [tilespmem:$0x1C010]  }
0x262: {  	v7 =	vld [tilespmem:$0x1C020]  }
0x263: {  	v8 =	vld [tilespmem:$0x1C030]  }
0x264: {  	v5 =	vxor.u32 $0x80000000, v5  }
0x265: {  	v9 =	vld [tilespmem:$0x1C040];
	(xrf0) =	vmax.scan.msk.u32 $0xffff, v5  }
0x266: {  	v5 =	vxor.u32 $0x80000000, v6  }
0x267: {  	v6 =	vld [tilespmem:$0x1C050];
	(xrf0) =	vmax.scan.msk.u32 $0xffff, v5;
	v5 =	vxor.u32 $0x80000000, v7  }
0x268: {  	v7 =	vld [tilespmem:$0x1C060];
	(xrf0) =	vmax.scan.msk.u32 $0xffff, v5;
	v5 =	vxor.u32 $0x80000000, v8  }
0x269: {  	(xrf0) =	vmax.scan.msk.u32 $0xffff, v5  }
0x26a: {  	v8 =	vxor.u32 $0x80000000, v9;
	v5 =	vld [tilespmem:$0x1C070]  }
0x26b: {  	v60 =	vld [tilespmem:$0x1C080];
	(xrf0) =	vmax.scan.msk.u32 $0xffff, v8;
	v10, _, _ =	vpop (xrf0)  }
0x26c: {  	v8 =	vld [tilespmem:$0x1C090];
	v6 =	vxor.u32 $0x80000000, v6;
	(v2sf) =	vpush v10, $0xF  }
0x26d: {  	(xrf0) =	vmax.scan.msk.u32 $0xffff, v6;
	v6 =	vxor.u32 $0x80000000, v7;
	v7, _, _ =	vpop (xrf0)  }
0x26e: {  	(v2sf) =	vpush v7, $0xF;
	v7, _, _ =	vpop (xrf0)  }
0x26f: {  	(xrf0) =	vmax.scan.msk.u32 $0xffff, v6;
	v6 =	vld [tilespmem:$0x1C0A0];
	v5 =	vxor.u32 $0x80000000, v5;
	(v2sf) =	vpush v7, $0xF;
	v7, _, _ =	vpop (xrf0)  }
0x270: {  	v61 =	vld [tilespmem:$0x1C0B0];
	(xrf0) =	vmax.scan.msk.u32 $0xffff, v5;
	v5 =	vxor.u32 $0x80000000, v60;
	(v2sf) =	vpush v7, $0xF  }
0x271: {  	(xrf0) =	vmax.scan.msk.u32 $0xffff, v5;
	v5 =	vxor.u32 $0x80000000, v8;
	v7, _, _ =	vpop (xrf0)  }
0x272: {  	(v2sf) =	vpush v7, $0xF;
	_ =	sdelay $0x1  }
0x273: {  	v62 =	vld [tilespmem:$0x1C0C0];
	(xrf0) =	vmax.scan.msk.u32 $0xffff, v5;
	v6 =	vxor.u32 $0x80000000, v6;
	v5, _, _ =	vpop (xrf0)  }
0x274: {  	(xrf0) =	vmax.scan.msk.u32 $0xffff, v6;
	v6 =	vxor.u32 $0x80000000, v61;
	(v2sf) =	vpush v5, $0xF;
	v5, _, _ =	vpop (xrf0)  }
0x275: {  	(v2sf) =	vpush v5, $0xF;
	_ =	sdelay $0x1  }
0x276: {  	(xrf0) =	vmax.scan.msk.u32 $0xffff, v6;
	v6, _, _ =	vpop (xrf0)  }
0x277: {  	s10 =	sld [smem:$0x7FB];
	v7 =	vld [tilespmem:$0x1C0D0];
	v5 =	vxor.u32 $0x80000000, v62;
	(v2sf) =	vpush v6, $0xF  }
0x278: {  	v8 =	vld [tilespmem:$0x1C0E0]  }
0x279: {  	s11 =	sld [smem:$0x7FA];
	s22 =	spop (v2sf)  }
0x27a: {  	s12 =	sld [smem:$0x7F9];
	p1 =	seq.s32 s10, $0x1;
	(xrf0) =	vmax.scan.msk.u32 $0xffff, v5;
	v5, _, _ =	vpop (xrf0);
	s5 =	sxor.u32 $0x80000000, s22  }
0x27b: {  	(v2sf) =	vpush v5, $0xF;
	v5, _, _ =	vpop (xrf0);
	s7 =	spop (v2sf);
	s22 =	sld [smem:$0x7F8];
	s5 =	simm.s32 @p1 $0x0  }
0x27c: {  	v6 =	vxor.u32 $0x80000000, v7;
	(v2sf) =	vpush v5, $0xF;
	s7 =	sxor.u32 $0x80000000, s7;
	s23 =	spop (v2sf);
	p1 =	seq.s32 s11, $0x1  }
0x27d: {  	(xrf0) =	vmax.scan.msk.u32 $0xffff, v6;
	v5 =	vxor.u32 $0x80000000, v8;
	s7 =	simm.s32 @!p1 $0x0;
	s10 =	sxor.u32 $0x80000000, s23;
	s29 =	spop (v2sf)  }
0x27e: {  	p1 =	seq.s32 s12, $0x1;
	s12 =	sld [smem:$0x7F7];
	s5 =	sadd.s32 s5, s7  }
0x27f: {  	v6, _, _ =	vpop (xrf0);
	(xrf0) =	vmax.scan.msk.u32 $0xffff, v5;
	s10 =	simm.s32 @!p1 $0x0;
	s7 =	sxor.u32 $0x80000000, s29;
	s13 =	spop (v2sf)  }
0x280: {  	(v2sf) =	vpush v6, $0xF;
	v5, _, _ =	vpop (xrf0);
	p1 =	seq.s32 s22, $0x1;
	s22 =	sld [smem:$0x7F5];
	s5 =	sadd.s32 s10, s5  }
0x281: {  	(v2sf) =	vpush v5, $0xF;
	s7 =	simm.s32 @!p1 $0x0;
	p1 =	seq.s32 s12, $0x1;
	s12 =	sld [smem:$0x7F6]  }
0x282: {  	v5, _, _ =	vpop (xrf0);
	s5 =	sadd.s32 s7, s5;
	s7 =	sxor.u32 $0x80000000, s13;
	s23 =	spop (v2sf)  }
0x283: {  	(v2sf) =	vpush v5, $0xF;
	v5, _, _ =	vpop (xrf0);
	s7 =	simm.s32 @!p1 $0x0;
	s29 =	spop (v2sf)  }
0x284: {  	(v2sf) =	vpush v5, $0xF;
	s10 =	sxor.u32 $0x80000000, s23;
	s5 =	sadd.s32 s7, s5;
	p1 =	seq.s32 s12, $0x1  }
0x285: {  	v5, _, _ =	vpop (xrf0);
	s7 =	sxor.u32 $0x80000000, s29;
	s10 =	simm.s32 @!p1 $0x0;
	p1 =	seq.s32 s22, $0x1  }
0x286: {  	(v2sf) =	vpush v5, $0xF;
	s13 =	spop (v2sf);
	s5 =	sadd.s32 s10, s5;
	s7 =	simm.s32 @!p1 $0x0  }
0x287: {  	s5 =	sadd.s32 s7, s5;
	s7 =	sxor.u32 $0x80000000, s13;
	s13 =	sld [smem:$0x7F4]  }
0x288: {  	_ =	sdelay $0x1  }
0x289: {  	s23 =	spop (v2sf);
	p1 =	seq.s32 s13, $0x1  }
0x28a: {  	s22 =	sld [smem:$0x7F3];
	s29 =	spop (v2sf);
	s7 =	simm.s32 @!p1 $0x0  }
0x28b: {  	s5 =	sadd.s32 s7, s5;
	s7 =	sxor.u32 $0x80000000, s29;
	s29 =	sld [smem:$0x7F2]  }
0x28c: {  	_ = 	snop  }
0x28d: {  	s10 =	sxor.u32 $0x80000000, s23;
	p1 =	seq.s32 s22, $0x1  }
0x28e: {  	s23 =	spop (v2sf);
	s10 =	simm.s32 @!p1 $0x0;
	p1 =	seq.s32 s29, $0x1  }
0x28f: {  	s12 =	spop (v2sf);
	s5 =	sadd.s32 s10, s5;
	s7 =	simm.s32 @!p1 $0x0  }
0x290: {  	s10 =	sxor.u32 $0x80000000, s12;
	s5 =	sadd.s32 s7, s5;
	s7 =	sxor.u32 $0x80000000, s23  }
0x291: {  	s13 =	spop (v2sf);
	s10 =	simm.s32 @!p0 $0x0;
	s7 =	simm.s32 @!p6 $0x0  }
0x292: {  	s22 =	spop (v2sf);
	s5 =	sadd.s32 s7, s5;
	s7 =	sxor.u32 $0x80000000, s13  }
0x293: {  	s23 =	simm.s32 $0x0;
	s5 =	sadd.s32 s10, s5;
	s7 =	simm.s32 @!p5 $0x0  }
0x294: {  	s29 =	spop (v2sf);
	v7 =	vld [tilespmem:s23+$0x11000];
	s5 =	sadd.s32 s7, s5;
	s7 =	sxor.u32 $0x80000000, s22  }
0x295: {  	s12 =	simm.s32 $0x10;
	s11 =	sxor.u32 $0x80000000, s29;
	s7 =	simm.s32 @!p4 $0x0  }
0x296: {  	v8 =	vld [tilespmem:s12+$0x11000];
	s11 =	simm.s32 @!p3 $0x0;
	s13 =	simm.s32 $0x20;
	s5 =	sadd.s32 s7, s5  }
0x297: {  	v63 =	vld [tilespmem:s13+$0x11000];
	s22 =	sxor.u32 $0x80000000, s4;
	s4 =	sadd.s32 s11, s5  }
0x298: {  	s5 =	ssub.s32 $0x166665, s22;
	v5 =	vmov s4  }
0x299: {  	v6 =	vmov s5;
	v7 =	vadd.s32 v5, v7  }
0x29a: {  	vm3 =	vle.s32 v7, v6  }
0x29b: {  	v7 =	vadd.s32 v5, v8;
	v8 =	vsel vm3, $0x1, v0  }
0x29c: {  	vm3 =	vle.s32 v7, v6;
	v7 =	vadd.s32 v5, v63;
	(xrf0) =	vadd.scan.msk.s32 $0xffff, v8  }
0x29d: {  	v8 =	vsel vm3, $0x1, v0;
	vm3 =	vle.s32 v7, v6  }
0x29e: {  	(xrf0) =	vadd.scan.msk.s32 $0xffff, v8;
	v8 =	vsel vm3, $0x1, v0  }
0x29f: {  	(xrf0) =	vadd.scan.msk.s32 $0xffff, v8;
	_ =	sdelay $0x2  }
0x2a0: {  	v8, _, _ =	vpop (xrf0)  }
0x2a1: {  	s23 =	simm.s32 $0x30;
	(v2sf) =	vpush v8, $0xF  }
0x2a2: {  	v7 =	vld [tilespmem:s23+$0x11000];
	v8, _, _ =	vpop (xrf0)  }
0x2a3: {  	(v2sf) =	vpush v8, $0xF;
	v8, _, _ =	vpop (xrf0)  }
0x2a4: {  	(v2sf) =	vpush v8, $0xF;
	_ =	sdelay $0x2  }
0x2a5: {  	v7 =	vadd.s32 v5, v7  }
0x2a6: {  	vm3 =	vle.s32 v7, v6  }
0x2a7: {  	s29 =	simm.s32 $0x40;
	v7 =	vsel vm3, $0x1, v0  }
0x2a8: {  	(xrf0) =	vadd.scan.msk.s32 $0xffff, v7;
	v7 =	vld [tilespmem:s29+$0x11000];
	_ =	sdelay $0x2  }
0x2a9: {  	s10 =	simm.s32 $0x140;
	s7 =	simm.s32 $0x0  }
.LBB2_33:
0x2aa: {  	p1 =	sne.s32 s10, $0x3FC0  }
.Ltmp19:
0x2ab: {  	s11 =	sshra.s32 s10, $0x2;
	s10 =	sadd.s32 $0x40, s10;
	v8 =	vadd.s32 v5, v7;
	(pc) =	sbr.rel @p1 .LBB2_33-.Ltmp19, $4  }
0x2ac: {  	v7 =	vld [tilespmem:s11+$0x11000];
	vm3 =	vle.s32 v8, v6;
	s11 =	spop (v2sf)  }
0x2ad: {  	v9 =	vsel vm3, $0x1, v0;
	s7 =	sadd.s32 s7, s11  }
0x2ae: {  	(xrf0) =	vadd.scan.msk.s32 $0xffff, v9;
	v8, _, _ =	vpop (xrf0)  }
0x2af: {  	(v2sf) =	vpush v8, $0xF  }
0x2b0: {  	_ = 	snop  }
0x2b1: {  	v7 =	vadd.s32 v5, v7  }
0x2b2: {  	vm3 =	vle.s32 v7, v6  }
0x2b3: {  	v6 =	vsel vm3, $0x1, v0  }
0x2b4: {  	(xrf0) =	vadd.scan.msk.s32 $0xffff, v6;
	_ =	sdelay $0x4  }
0x2b5: {  	v4 =	vxor.u32 $0x80000000, v4;
	v6, _, _ =	vpop (xrf0)  }
0x2b6: {  	(xrf0) =	vmax.scan.msk.u32 $0xffff, v4;
	(v2sf) =	vpush v6, $0xF;
	v6, _, _ =	vpop (xrf0)  }
0x2b7: {  	(v2sf) =	vpush v6, $0xF;
	_ =	sdelay $0x4  }
0x2b8: {  	v4, _, _ =	vpop (xrf0)  }
0x2b9: {  	(v2sf) =	vpush v4, $0xF;
	_ =	sdelay $0x4  }
0x2ba: {  	s10 =	spop (v2sf)  }
0x2bb: {  	s11 =	spop (v2sf);
	s7 =	sadd.s32 s7, s10  }
0x2bc: {  	p1 =	slt.s32 s5, s4;
	s7 =	sadd.s32 s7, s11;
	s22 =	spop (v2sf)  }
0x2bd: {  	s1 =	sadd.s32 s1, s4;
	s7 =	sadd.s32 s7, s22;
	s23 =	spop (v2sf)  }
0x2be: {  	p2 =	sge.s32 @!p1 s5, s1;
	s7 =	sadd.s32 s7, s23;
	s29 =	spop (v2sf)  }
0x2bf: {  	p1 =	por p2, p1;
	s5 =	sadd.s32 s7, s29  }
0x2c0: {  	s5 =	sadd.s32 @!p1 s17, s5  }
0x2c1: {  	v4 =	vmov @!p1 s5  }
0x2c2: {  	s7 =	rddreg [dreg:$0x11];
	s5 =	simm.s32 @!p1 $0x1C380;
	[tilespmem:$0x1C380] =	vst @!p1 v4  }
0x2c3: {  	[spmem:s7] =	stream.linear.scatter @!p1 [tilespmem:s5], [sflag:$0x4], $0x10, $0x38;
	[tilespmem:$0x1D3C8] =	vst v63  }
0x2c4: {  	s11 =	spop (v2sf);
	s7 =	simm.s32 @!p1 $0x4  }
0x2c5: {  	_ =	swait.ge @!p1 [sflag:s7], $0x10  }
0x2c6: {  	[sflag:s7] =	ssyncset.done @!p1 $0x0  }
0x2c7: {  	s12 =	simm.s32 $0x0;
	[sflag:s7] =	ssyncadd.s32 @!p1 $0xFFFFFFF0  }
0x2c8: {  	v6 =	vld [tilespmem:s12+$0x11000]  }
0x2c9: {  	s13 =	simm.s32 $0x10  }
0x2ca: {  	s22 =	simm.s32 $0x20;
	v7 =	vld [tilespmem:s13+$0x11000]  }
0x2cb: {  	s5 =	sxor.u32 $0x80000000, s11;
	v8 =	vld [tilespmem:s22+$0x11000]  }
0x2cc: {  	s5 =	ssub.s32 $0x166666, s5  }
0x2cd: {  	v4 =	vmov s5;
	v6 =	vadd.s32 v5, v6  }
0x2ce: {  	vm3 =	vle.s32 v6, v4  }
0x2cf: {  	v6 =	vadd.s32 v5, v7;
	v7 =	vsel vm3, $0x1, v0  }
0x2d0: {  	vm3 =	vle.s32 v6, v4;
	v6 =	vadd.s32 v5, v8;
	(xrf0) =	vadd.scan.msk.s32 $0xffff, v7  }
0x2d1: {  	v7 =	vsel vm3, $0x1, v0;
	vm3 =	vle.s32 v6, v4  }
0x2d2: {  	(xrf0) =	vadd.scan.msk.s32 $0xffff, v7;
	v7 =	vsel vm3, $0x1, v0  }
0x2d3: {  	(xrf0) =	vadd.scan.msk.s32 $0xffff, v7;
	_ =	sdelay $0x2  }
0x2d4: {  	v7, _, _ =	vpop (xrf0)  }
0x2d5: {  	s23 =	simm.s32 $0x30;
	(v2sf) =	vpush v7, $0xF  }
0x2d6: {  	v6 =	vld [tilespmem:s23+$0x11000];
	v7, _, _ =	vpop (xrf0)  }
0x2d7: {  	(v2sf) =	vpush v7, $0xF;
	v7, _, _ =	vpop (xrf0)  }
0x2d8: {  	(v2sf) =	vpush v7, $0xF;
	_ =	sdelay $0x2  }
0x2d9: {  	v6 =	vadd.s32 v5, v6  }
0x2da: {  	vm3 =	vle.s32 v6, v4  }
0x2db: {  	s29 =	simm.s32 $0x40;
	v6 =	vsel vm3, $0x1, v0  }
0x2dc: {  	(xrf0) =	vadd.scan.msk.s32 $0xffff, v6;
	v6 =	vld [tilespmem:s29+$0x11000];
	_ =	sdelay $0x2  }
0x2dd: {  	s10 =	simm.s32 $0x140;
	s7 =	simm.s32 $0x0  }
.LBB2_35:
0x2de: {  	p1 =	sne.s32 s10, $0x3FC0  }
.Ltmp20:
0x2df: {  	s11 =	sshra.s32 s10, $0x2;
	s10 =	sadd.s32 $0x40, s10;
	v7 =	vadd.s32 v5, v6;
	(pc) =	sbr.rel @p1 .LBB2_35-.Ltmp20, $4  }
0x2e0: {  	v6 =	vld [tilespmem:s11+$0x11000];
	vm3 =	vle.s32 v7, v4;
	s11 =	spop (v2sf)  }
0x2e1: {  	v8 =	vsel vm3, $0x1, v0;
	s7 =	sadd.s32 s7, s11  }
0x2e2: {  	(xrf0) =	vadd.scan.msk.s32 $0xffff, v8;
	v7, _, _ =	vpop (xrf0)  }
0x2e3: {  	(v2sf) =	vpush v7, $0xF  }
0x2e4: {  	_ = 	snop  }
0x2e5: {  	v5 =	vadd.s32 v5, v6  }
0x2e6: {  	vm3 =	vle.s32 v5, v4  }
0x2e7: {  	v4 =	vsel vm3, $0x1, v0  }
0x2e8: {  	(xrf0) =	vadd.scan.msk.s32 $0xffff, v4;
	_ =	sdelay $0x4  }
0x2e9: {  	v4, _, _ =	vpop (xrf0)  }
0x2ea: {  	(v2sf) =	vpush v4, $0xF;
	v4, _, _ =	vpop (xrf0)  }
0x2eb: {  	(v2sf) =	vpush v4, $0xF;
	_ =	sdelay $0xa  }
0x2ec: {  	s10 =	spop (v2sf)  }
0x2ed: {  	s7 =	sadd.s32 s7, s10;
	s22 =	spop (v2sf)  }
0x2ee: {  	s7 =	sadd.s32 s7, s22;
	s23 =	spop (v2sf)  }
0x2ef: {  	p1 =	slt.s32 s5, s4;
	s7 =	sadd.s32 s7, s23;
	s29 =	spop (v2sf)  }
0x2f0: {  	p2 =	sge.s32 @!p1 s5, s1;
	s10 =	sadd.s32 s7, s29;
	s11 =	spop (v2sf)  }
0x2f1: {  	p1 =	por p2, p1;
	s1 =	sadd.s32 s10, s11  }
0x2f2: {  	s1 =	sadd.s32 @!p1 s17, s1  }
0x2f3: {  	v4 =	vmov @!p1 s1  }
0x2f4: {  	s4 =	rddreg [dreg:$0x12];
	s1 =	simm.s32 @!p1 $0x1C380;
	[tilespmem:$0x1C380] =	vst @!p1 v4  }
0x2f5: {  	[spmem:s4] =	stream.linear.scatter @!p1 [tilespmem:s1], [sflag:$0x4], $0x10, $0x38;
	[tilespmem:$0x1D3C8] =	vst v63  }
0x2f6: {  	s1 =	simm.s32 @!p1 $0x4  }
0x2f7: {  	_ =	swait.ge @!p1 [sflag:s1], $0x10  }
0x2f8: {  	[sflag:s1] =	ssyncset.done @!p1 $0x0  }
0x2f9: {  	[sflag:s1] =	ssyncadd.s32 @!p1 $0xFFFFFFF0  }
0x2fa: {  	s12 =	simm.s32 $0x1C100;
	[bflag:$0x0] =	sbarrier.arrive $0xFFFF  }
0x2fb: {  	[tilespmem:s12], [sflag:$0x4] =	stream.linear.gather [spmem:s14], $0x80, $0x38;
	[tilespmem:$0x1D3C8] =	vst v63  }
0x2fc: {  	_ =	swait.ge [sflag:s30], $0x80  }
0x2fd: {  	[sflag:s30] =	ssyncset.done $0x0  }
0x2fe: {  	[sflag:s30] =	ssyncadd.s32 $0xFFFFFF80  }
0x2ff: {  	s14 =	simm.s32 $0x1C180;
	s13 =	rddreg [dreg:$0x5]  }
0x300: {  	[tilespmem:s14], [sflag:$0x4] =	stream.linear.gather [spmem:s13], $0x100, $0x38;
	[tilespmem:$0x1D3C8] =	vst v63  }
0x301: {  	_ =	swait.ge [sflag:s30], $0x100  }
0x302: {  	[sflag:s30] =	ssyncset.done $0x0  }
0x303: {  	[sflag:s30] =	ssyncadd.s32 $0xFFFFFF00  }
0x304: {  	v4 =	vld [tilespmem:$0x1C140]  }
0x305: {  	v5 =	vld [tilespmem:$0x1C150]  }
0x306: {  	v6 =	vld [tilespmem:$0x1C180]  }
0x307: {  	v7 =	vld [tilespmem:$0x1C190];
	_ =	sdelay $0x1  }
0x308: {  	v8 =	vld [tilespmem:$0x1C1A0];
	v4 =	vxor.u32 $0x80000000, v4  }
0x309: {  	(xrf0) =	vmax.scan.msk.u32 $0xffff, v4;
	v4 =	vxor.u32 $0x80000000, v5  }
0x30a: {  	v5 =	vld [tilespmem:$0x1C1B0];
	(xrf0) =	vmax.scan.msk.u32 $0xffff, v4;
	v4 =	vxor.u32 $0x80000000, v6  }
0x30b: {  	(xrf0) =	vmax.scan.msk.u32 $0xffff, v4;
	v4 =	vxor.u32 $0x80000000, v7  }
0x30c: {  	(xrf0) =	vmax.scan.msk.u32 $0xffff, v4;
	v4 =	vld [tilespmem:$0x1C1C0]  }
0x30d: {  	v6 =	vxor.u32 $0x80000000, v8  }
0x30e: {  	(xrf0) =	vmax.scan.msk.u32 $0xffff, v6;
	v6 =	vld [tilespmem:$0x1C1D0]  }
0x30f: {  	v5 =	vxor.u32 $0x80000000, v5;
	v7, _, _ =	vpop (xrf0)  }
0x310: {  	(xrf0) =	vmax.scan.msk.u32 $0xffff, v5;
	v5 =	vld [tilespmem:$0x1C1E0];
	(v2sf) =	vpush v7, $0xF;
	v7, _, _ =	vpop (xrf0)  }
0x311: {  	v63, _, _ =	vpop (xrf0);
	(v2sf) =	vpush v7, $0xF;
	v4 =	vxor.u32 $0x80000000, v4  }
0x312: {  	(v2sf) =	vpush v63, $0xF;
	v7, _, _ =	vpop (xrf0);
	(xrf0) =	vmax.scan.msk.u32 $0xffff, v4;
	v4 =	vld [tilespmem:$0x1C1F0]  }
0x313: {  	v6 =	vxor.u32 $0x80000000, v6;
	(v2sf) =	vpush v7, $0xF  }
0x314: {  	v7, _, _ =	vpop (xrf0);
	(xrf0) =	vmax.scan.msk.u32 $0xffff, v6;
	v6 =	vld [tilespmem:$0x1C200]  }
0x315: {  	(v2sf) =	vpush v7, $0xF;
	v5 =	vxor.u32 $0x80000000, v5  }
0x316: {  	v7, _, _ =	vpop (xrf0);
	(xrf0) =	vmax.scan.msk.u32 $0xffff, v5;
	v5 =	vld [tilespmem:$0x1C210]  }
0x317: {  	(v2sf) =	vpush v7, $0xF;
	v4 =	vxor.u32 $0x80000000, v4  }
0x318: {  	v7, _, _ =	vpop (xrf0);
	(xrf0) =	vmax.scan.msk.u32 $0xffff, v4;
	v4 =	vld [tilespmem:$0x1C220]  }
0x319: {  	v6 =	vxor.u32 $0x80000000, v6;
	(v2sf) =	vpush v7, $0xF  }
0x31a: {  	v7, _, _ =	vpop (xrf0);
	(xrf0) =	vmax.scan.msk.u32 $0xffff, v6;
	v6 =	vld [tilespmem:$0x1C230]  }
0x31b: {  	(v2sf) =	vpush v7, $0xF;
	v5 =	vxor.u32 $0x80000000, v5  }
0x31c: {  	v7, _, _ =	vpop (xrf0);
	(xrf0) =	vmax.scan.msk.u32 $0xffff, v5;
	v5 =	vld [tilespmem:$0x1C240]  }
0x31d: {  	(v2sf) =	vpush v7, $0xF;
	v4 =	vxor.u32 $0x80000000, v4  }
0x31e: {  	v7, _, _ =	vpop (xrf0);
	(xrf0) =	vmax.scan.msk.u32 $0xffff, v4;
	v4 =	vld [tilespmem:$0x1C250]  }
0x31f: {  	v6 =	vxor.u32 $0x80000000, v6;
	s1 =	spop (v2sf);
	(v2sf) =	vpush v7, $0xF  }
0x320: {  	v7, _, _ =	vpop (xrf0);
	(xrf0) =	vmax.scan.msk.u32 $0xffff, v6;
	v6 =	vld [tilespmem:$0x1C260];
	s4 =	spop (v2sf)  }
0x321: {  	(v2sf) =	vpush v7, $0xF;
	v5 =	vxor.u32 $0x80000000, v5;
	s17 =	spop (v2sf)  }
0x322: {  	v7, _, _ =	vpop (xrf0);
	(xrf0) =	vmax.scan.msk.u32 $0xffff, v5;
	v5 =	vld [tilespmem:$0x1C270];
	s22 =	spop (v2sf)  }
0x323: {  	s5 =	sxor.u32 $0x80000000, s17;
	(v2sf) =	vpush v7, $0xF;
	s7 =	sxor.u32 $0x80000000, s22;
	v4 =	vxor.u32 $0x80000000, v4  }
0x324: {  	s23 =	spop (v2sf);
	p1 =	slt.s32 s5, s7;
	v7, _, _ =	vpop (xrf0);
	(xrf0) =	vmax.scan.msk.u32 $0xffff, v4  }
0x325: {  	v4 =	vxor.u32 $0x80000000, v6;
	s7 =	smov.u32 @p1 s5;
	s5 =	sxor.u32 $0x80000000, s23;
	(v2sf) =	vpush v7, $0xF  }
0x326: {  	s29 =	spop (v2sf);
	v6, _, _ =	vpop (xrf0);
	(xrf0) =	vmax.scan.msk.u32 $0xffff, v4;
	p1 =	slt.s32 s7, s5  }
0x327: {  	(v2sf) =	vpush v6, $0xF;
	v4 =	vxor.u32 $0x80000000, v5;
	s5 =	smov.u32 @p1 s7;
	s7 =	sxor.u32 $0x80000000, s29  }
0x328: {  	v5, _, _ =	vpop (xrf0);
	(xrf0) =	vmax.scan.msk.u32 $0xffff, v4;
	p1 =	slt.s32 s5, s7;
	s11 =	spop (v2sf)  }
0x329: {  	(v2sf) =	vpush v5, $0xF;
	s7 =	smov.u32 @p1 s5;
	s5 =	sxor.u32 $0x80000000, s11  }
0x32a: {  	s12 =	spop (v2sf);
	v4, _, _ =	vpop (xrf0);
	p1 =	slt.s32 s7, s5  }
0x32b: {  	s5 =	smov.u32 @p1 s7;
	s7 =	sxor.u32 $0x80000000, s12;
	(v2sf) =	vpush v4, $0xF  }
0x32c: {  	s13 =	spop (v2sf);
	v4, _, _ =	vpop (xrf0);
	p1 =	slt.s32 s5, s7  }
0x32d: {  	(v2sf) =	vpush v4, $0xF;
	s7 =	smov.u32 @p1 s5;
	s5 =	sxor.u32 $0x80000000, s13  }
0x32e: {  	v4, _, _ =	vpop (xrf0);
	p1 =	slt.s32 s7, s5;
	s14 =	spop (v2sf)  }
0x32f: {  	(v2sf) =	vpush v4, $0xF;
	s5 =	smov.u32 @p1 s7;
	s7 =	sxor.u32 $0x80000000, s14  }
0x330: {  	s17 =	spop (v2sf);
	p1 =	slt.s32 s5, s7  }
0x331: {  	s7 =	smov.u32 @p1 s5;
	s5 =	sxor.u32 $0x80000000, s17  }
0x332: {  	s22 =	spop (v2sf);
	p1 =	slt.s32 s7, s5  }
0x333: {  	s5 =	smov.u32 @p1 s7;
	s7 =	sxor.u32 $0x80000000, s22  }
0x334: {  	s23 =	spop (v2sf);
	p1 =	slt.s32 s5, s7  }
0x335: {  	s7 =	smov.u32 @p1 s5;
	s5 =	sxor.u32 $0x80000000, s23  }
0x336: {  	s29 =	spop (v2sf);
	p1 =	slt.s32 s7, s5  }
0x337: {  	s5 =	smov.u32 @p1 s7;
	s7 =	sxor.u32 $0x80000000, s29  }
0x338: {  	s11 =	spop (v2sf);
	p1 =	slt.s32 s5, s7  }
0x339: {  	s7 =	smov.u32 @p1 s5;
	s5 =	sxor.u32 $0x80000000, s11  }
0x33a: {  	p1 =	slt.s32 s7, s5;
	s12 =	spop (v2sf)  }
0x33b: {  	s5 =	smov.u32 @p1 s7;
	s7 =	sxor.u32 $0x80000000, s12  }
0x33c: {  	s13 =	spop (v2sf);
	p1 =	slt.s32 s5, s7  }
0x33d: {  	s7 =	smov.u32 @p1 s5;
	s5 =	sxor.u32 $0x80000000, s13  }
0x33e: {  	s14 =	spop (v2sf);
	p1 =	slt.s32 s7, s5  }
0x33f: {  	s5 =	smov.u32 @p1 s7;
	s7 =	sxor.u32 $0x80000000, s14  }
0x340: {  	p1 =	slt.s32 s5, s7  }
0x341: {  	s1 =	sxor.u32 $0x80000000, s1;
	s7 =	smov.u32 @p1 s5  }
0x342: {  	s4 =	sxor.u32 $0x80000000, s4;
	s17 =	sshll.u32 s20, $0x10;
	p1 =	slt.s32 s7, $0x11170  }
0x343: {  	s1 =	sor.u32 s17, s1;
	s7 =	simm.s32 @!p1 $0x11170;
	p1 =	seq.s32 s19, s20  }
0x344: {  	s22 =	sshll.u32 s19, $0x10;
	v4 =	vmov s1;
	s7 =	smov.u32 @p1 s4  }
0x345: {  	vm3 =	vlt.s32 v4, $0x0;
	s23 =	sor.u32 s22, s7  }
0x346: {  	v5 =	vand.u32 $0x7FFFFFFF, v4;
	v4 =	vxor.u32 $0xFFFFFFFF, v4;
	v6 =	vmov s23  }
0x347: {  	vm4 =	vlt.s32 v6, $0x0;
	v7 =	vand.u32 $0x7FFFFFFF, v6;
	v6 =	vxor.u32 $0xFFFFFFFF, v6  }
0x348: {  	v4 =	vsel vm3, v5, v4;
	v5 =	vsel vm4, v7, v6  }
0x349: {  	v5 =	vsub.f32 v5, v4;
	_ =	sdelay $0x1  }
0x34a: {  	s1 =	simm.s32 $0x0;
	s29 =	rddreg [dreg:$0x17];
	v5 =	vmul.f32 $6.250000000e-01, v5  }
0x34b: {  	[tilespmem:s1], [sflag:$0x2] =	stream.linear.gather [hbm4b:s29+s1], $0x800, $0x38;
	[tilespmem:$0x1D3C8] =	vst v63  }
0x34c: {  	s5 =	simm.s32 $0x0;
	s4 =	simm.s32 $0x0;
	v4 =	vadd.f32 v4, v5  }
.LBB2_37:
0x34d: {  	s7 =	sshll.u32 s4, $0xC  }
0x34e: {  	s10 =	sor.u32 s7, s18  }
0x34f: {  	_ =	swait.ge [sflag:s24], $0x800;
	s10 =	sshrl.u32 s10, $0x3  }
0x350: {  	[sflag:s24] =	ssyncset.done $0x0;
	s10 =	sadd.s32 s10, s0  }
0x351: {  	s20 =	simm.s32 $0x0;
	[sflag:s24] =	ssyncadd.s32 $0xFFFFF800;
	s10 =	sadd.s32 $0x100, s10  }
0x352: {  	[tilespmem:s25], [sflag:$0x3] =	stream.linear.gather [hbm4b:s10+s1], $0x800, $0x38;
	[tilespmem:$0x1D3C8] =	vst v63  }
0x353: {  	v5 =	vld [tilespmem:s20+$0x0]  }
0x354: {  	s22 =	simm.s32 $0x10  }
0x355: {  	s23 =	simm.s32 $0x20;
	v6 =	vld [tilespmem:s22+$0x0]  }
0x356: {  	v7 =	vld [tilespmem:s23+$0x0];
	_ =	sdelay $0x1  }
0x357: {  	vm3 =	vgt.f32 v5, v4  }
0x358: {  	v5 =	vsel vm3, $0x1, v0  }
0x359: {  	vm3 =	vgt.f32 v6, v4;
	(xrf0) =	vadd.scan.msk.s32 $0xffff, v5  }
0x35a: {  	v5 =	vsel vm3, $0x1, v0;
	vm3 =	vgt.f32 v7, v4  }
0x35b: {  	(xrf0) =	vadd.scan.msk.s32 $0xffff, v5;
	v5 =	vsel vm3, $0x1, v0  }
0x35c: {  	s29 =	simm.s32 $0x30;
	(xrf0) =	vadd.scan.msk.s32 $0xffff, v5  }
0x35d: {  	v6 =	vld [tilespmem:s29+$0x0];
	_ =	sdelay $0x1  }
0x35e: {  	v5, _, _ =	vpop (xrf0)  }
0x35f: {  	(v2sf) =	vpush v5, $0xF  }
0x360: {  	v5, _, _ =	vpop (xrf0)  }
0x361: {  	vm3 =	vgt.f32 v6, v4;
	(v2sf) =	vpush v5, $0xF;
	v6, _, _ =	vpop (xrf0)  }
0x362: {  	(v2sf) =	vpush v6, $0xF;
	_ =	sdelay $0x5  }
0x363: {  	s11 =	simm.s32 $0x40;
	v5 =	vsel vm3, $0x1, v0  }
0x364: {  	(xrf0) =	vadd.scan.msk.s32 $0xffff, v5;
	v5 =	vld [tilespmem:s11+$0x0];
	_ =	sdelay $0x1  }
0x365: {  	s10 =	simm.s32 $0x140  }
.LBB2_38:
0x366: {  	p1 =	sne.s32 s10, $0x1FC0  }
.Ltmp21:
0x367: {  	s11 =	sshra.s32 s10, $0x2;
	(pc) =	sbr.rel @p1 .LBB2_38-.Ltmp21, $4  }
0x368: {  	s10 =	sadd.s32 $0x40, s10;
	s12 =	spop (v2sf);
	vm3 =	vgt.f32 v5, v4  }
0x369: {  	s5 =	sadd.s32 s5, s12;
	v5 =	vld [tilespmem:s11+$0x0];
	v7 =	vsel vm3, $0x1, v0  }
0x36a: {  	(xrf0) =	vadd.scan.msk.s32 $0xffff, v7;
	v6, _, _ =	vpop (xrf0)  }
0x36b: {  	(v2sf) =	vpush v6, $0xF  }
0x36c: {  	_ =	sdelay $0x1  }
0x36d: {  	vm3 =	vgt.f32 v5, v4  }
0x36e: {  	v5 =	vsel vm3, $0x1, v0  }
0x36f: {  	(xrf0) =	vadd.scan.msk.s32 $0xffff, v5;
	_ =	sdelay $0x4  }
0x370: {  	v5, _, _ =	vpop (xrf0)  }
0x371: {  	(v2sf) =	vpush v5, $0xF;
	v5, _, _ =	vpop (xrf0)  }
0x372: {  	(v2sf) =	vpush v5, $0xF;
	_ =	sdelay $0xa  }
0x373: {  	s10 =	spop (v2sf)  }
0x374: {  	s11 =	spop (v2sf)  }
0x375: {  	s12 =	spop (v2sf)  }
0x376: {  	s13 =	spop (v2sf)  }
0x377: {  	p1 =	seq.s32 s4, $0x1F;
	s14 =	spop (v2sf)  }
0x378: {  	s7 =	sadd.s32 @!p1 s7, s16;
	_ =	swait.ge [sflag:s28], $0x800  }
0x379: {  	s19 =	simm.s32 $0x0;
	s7 =	sshrl.u32 @!p1 s7, $0x3;
	[sflag:s28] =	ssyncset.done $0x0  }
0x37a: {  	s17 =	simm.s32 @!p1 $0x0;
	s7 =	sadd.s32 @!p1 s0, s7;
	[sflag:s28] =	ssyncadd.s32 $0xFFFFF800  }
0x37b: {  	[tilespmem:s17], [sflag:$0x2] =	stream.linear.gather @!p1 [hbm4b:s7+s17], $0x800, $0x38;
	[tilespmem:$0x1D3C8] =	vst v63  }
0x37c: {  	v5 =	vld [tilespmem:s19+$0x800]  }
0x37d: {  	s20 =	simm.s32 $0x10  }
0x37e: {  	s22 =	simm.s32 $0x20;
	v6 =	vld [tilespmem:s20+$0x800]  }
0x37f: {  	v7 =	vld [tilespmem:s22+$0x800];
	_ =	sdelay $0x1  }
0x380: {  	vm3 =	vgt.f32 v5, v4  }
0x381: {  	v5 =	vsel vm3, $0x1, v0  }
0x382: {  	vm3 =	vgt.f32 v6, v4;
	(xrf0) =	vadd.scan.msk.s32 $0xffff, v5  }
0x383: {  	v5 =	vsel vm3, $0x1, v0;
	vm3 =	vgt.f32 v7, v4  }
0x384: {  	(xrf0) =	vadd.scan.msk.s32 $0xffff, v5;
	v5 =	vsel vm3, $0x1, v0  }
0x385: {  	s23 =	simm.s32 $0x30;
	(xrf0) =	vadd.scan.msk.s32 $0xffff, v5  }
0x386: {  	v6 =	vld [tilespmem:s23+$0x800];
	_ =	sdelay $0x1  }
0x387: {  	v5, _, _ =	vpop (xrf0)  }
0x388: {  	(v2sf) =	vpush v5, $0xF  }
0x389: {  	v5, _, _ =	vpop (xrf0)  }
0x38a: {  	vm3 =	vgt.f32 v6, v4;
	(v2sf) =	vpush v5, $0xF;
	v6, _, _ =	vpop (xrf0)  }
0x38b: {  	(v2sf) =	vpush v6, $0xF;
	_ =	sdelay $0x4  }
0x38c: {  	s5 =	sadd.s32 s5, s10  }
0x38d: {  	s29 =	simm.s32 $0x40;
	s5 =	sadd.s32 s5, s11;
	v5 =	vsel vm3, $0x1, v0  }
0x38e: {  	s5 =	sadd.s32 s5, s12;
	(xrf0) =	vadd.scan.msk.s32 $0xffff, v5;
	v5 =	vld [tilespmem:s29+$0x800]  }
0x38f: {  	s5 =	sadd.s32 s5, s13  }
0x390: {  	s5 =	sadd.s32 s5, s14;
	s7 =	simm.s32 $0x140  }
.LBB2_40:
0x391: {  	p1 =	sne.s32 s7, $0x1FC0  }
.Ltmp22:
0x392: {  	s10 =	sshra.s32 s7, $0x2;
	(pc) =	sbr.rel @p1 .LBB2_40-.Ltmp22, $4  }
0x393: {  	s7 =	sadd.s32 $0x40, s7;
	s11 =	spop (v2sf);
	vm3 =	vgt.f32 v5, v4  }
0x394: {  	s5 =	sadd.s32 s5, s11;
	v5 =	vld [tilespmem:s10+$0x800];
	v7 =	vsel vm3, $0x1, v0  }
0x395: {  	(xrf0) =	vadd.scan.msk.s32 $0xffff, v7;
	v6, _, _ =	vpop (xrf0)  }
0x396: {  	(v2sf) =	vpush v6, $0xF  }
0x397: {  	_ =	sdelay $0x1  }
0x398: {  	vm3 =	vgt.f32 v5, v4  }
0x399: {  	v5 =	vsel vm3, $0x1, v0  }
0x39a: {  	(xrf0) =	vadd.scan.msk.s32 $0xffff, v5;
	_ =	sdelay $0x4  }
0x39b: {  	v5, _, _ =	vpop (xrf0)  }
0x39c: {  	(v2sf) =	vpush v5, $0xF;
	v5, _, _ =	vpop (xrf0)  }
0x39d: {  	(v2sf) =	vpush v5, $0xF;
	_ =	sdelay $0x9  }
0x39e: {  	s4 =	sadd.s32 $0x1, s4  }
0x39f: {  	s7 =	spop (v2sf);
	p1 =	sne.s32 s4, $0x20  }
.Ltmp23:
0x3a0: {  	s5 =	sadd.s32 s5, s7;
	s20 =	spop (v2sf);
	(pc) =	sbr.rel @p1 .LBB2_37-.Ltmp23, $4  }
0x3a1: {  	s5 =	sadd.s32 s5, s20;
	s22 =	spop (v2sf)  }
0x3a2: {  	s5 =	sadd.s32 s5, s22;
	s23 =	spop (v2sf)  }
0x3a3: {  	s5 =	sadd.s32 s5, s23;
	s29 =	spop (v2sf)  }
0x3a4: {  	s5 =	sadd.s32 s5, s29  }
0x3a5: {  	v5 =	vmov s5  }
0x3a6: {  	s1 =	rddreg [dreg:$0x13];
	s4 =	simm.s32 $0x1C380;
	[tilespmem:$0x1C380] =	vst v5  }
0x3a7: {  	[spmem:s1] =	stream.linear.scatter [tilespmem:s4], [sflag:$0x4], $0x10, $0x38;
	[tilespmem:$0x1D3C8] =	vst v63  }
0x3a8: {  	_ =	swait.ge [sflag:s30], $0x10  }
0x3a9: {  	[sflag:s30] =	ssyncset.done $0x0  }
0x3aa: {  	[sflag:s30] =	ssyncadd.s32 $0xFFFFFFF0  }
0x3ab: {  	[bflag:$0x0] =	sbarrier.arrive $0xFFFF  }
0x3ac: {  	s20 =	simm.s32 $0x1C280;
	s19 =	rddreg [dreg:$0x6]  }
0x3ad: {  	[tilespmem:s20], [sflag:$0x4] =	stream.linear.gather [spmem:s19], $0x100, $0x38;
	[tilespmem:$0x1D3C8] =	vst v63  }
0x3ae: {  	_ =	swait.ge [sflag:s30], $0x100  }
0x3af: {  	[sflag:s30] =	ssyncset.done $0x0  }
0x3b0: {  	[sflag:s30] =	ssyncadd.s32 $0xFFFFFF00  }
0x3b1: {  	v5 =	vld [tilespmem:$0x1C280]  }
0x3b2: {  	v6 =	vld [tilespmem:$0x1C290]  }
0x3b3: {  	v7 =	vld [tilespmem:$0x1C2A0]  }
0x3b4: {  	v8 =	vld [tilespmem:$0x1C2B0]  }
0x3b5: {  	v9 =	vld [tilespmem:$0x1C2C0]  }
0x3b6: {  	v10 =	vld [tilespmem:$0x1C2D0];
	v5 =	vxor.u32 $0x80000000, v5  }
0x3b7: {  	(xrf0) =	vmax.scan.msk.u32 $0xffff, v5;
	v5 =	vxor.u32 $0x80000000, v6;
	v6 =	vld [tilespmem:$0x1C2E0]  }
0x3b8: {  	(xrf0) =	vmax.scan.msk.u32 $0xffff, v5;
	v5 =	vxor.u32 $0x80000000, v7;
	v7 =	vld [tilespmem:$0x1C2F0]  }
0x3b9: {  	(xrf0) =	vmax.scan.msk.u32 $0xffff, v5;
	v5 =	vxor.u32 $0x80000000, v8;
	v8 =	vld [tilespmem:$0x1C300]  }
0x3ba: {  	v58 =	vld [tilespmem:$0x1C310];
	(xrf0) =	vmax.scan.msk.u32 $0xffff, v5;
	v5 =	vxor.u32 $0x80000000, v9  }
0x3bb: {  	v59 =	vld [tilespmem:$0x1C320];
	(xrf0) =	vmax.scan.msk.u32 $0xffff, v5;
	v5 =	vxor.u32 $0x80000000, v10  }
0x3bc: {  	(xrf0) =	vmax.scan.msk.u32 $0xffff, v5;
	v5 =	vxor.u32 $0x80000000, v6;
	v6 =	vld [tilespmem:$0x1C330]  }
0x3bd: {  	v11, _, _ =	vpop (xrf0);
	(xrf0) =	vmax.scan.msk.u32 $0xffff, v5;
	v5 =	vxor.u32 $0x80000000, v7;
	v7 =	vld [tilespmem:$0x1C340]  }
0x3be: {  	(v2sf) =	vpush v11, $0xF;
	v60, _, _ =	vpop (xrf0);
	(xrf0) =	vmax.scan.msk.u32 $0xffff, v5;
	v5 =	vxor.u32 $0x80000000, v8;
	v8 =	vld [tilespmem:$0x1C350]  }
0x3bf: {  	(v2sf) =	vpush v60, $0xF;
	v61, _, _ =	vpop (xrf0);
	(xrf0) =	vmax.scan.msk.u32 $0xffff, v5;
	v5 =	vxor.u32 $0x80000000, v58  }
0x3c0: {  	(v2sf) =	vpush v61, $0xF;
	v62, _, _ =	vpop (xrf0);
	(xrf0) =	vmax.scan.msk.u32 $0xffff, v5;
	v5 =	vxor.u32 $0x80000000, v59  }
0x3c1: {  	(v2sf) =	vpush v62, $0xF;
	v63, _, _ =	vpop (xrf0);
	(xrf0) =	vmax.scan.msk.u32 $0xffff, v5;
	v5 =	vxor.u32 $0x80000000, v6  }
0x3c2: {  	(v2sf) =	vpush v63, $0xF;
	v6, _, _ =	vpop (xrf0);
	(xrf0) =	vmax.scan.msk.u32 $0xffff, v5;
	v5 =	vxor.u32 $0x80000000, v7  }
0x3c3: {  	(v2sf) =	vpush v6, $0xF;
	v6, _, _ =	vpop (xrf0);
	(xrf0) =	vmax.scan.msk.u32 $0xffff, v5;
	v5 =	vxor.u32 $0x80000000, v8;
	_ =	sdelay $0x1  }
0x3c4: {  	(v2sf) =	vpush v6, $0xF;
	v6, _, _ =	vpop (xrf0);
	(xrf0) =	vmax.scan.msk.u32 $0xffff, v5  }
0x3c5: {  	(v2sf) =	vpush v6, $0xF;
	v5, _, _ =	vpop (xrf0)  }
0x3c6: {  	v6, _, _ =	vpop (xrf0);
	(v2sf) =	vpush v5, $0xF  }
0x3c7: {  	v5, _, _ =	vpop (xrf0);
	(v2sf) =	vpush v6, $0xF  }
0x3c8: {  	v6, _, _ =	vpop (xrf0);
	(v2sf) =	vpush v5, $0xF  }
0x3c9: {  	v5, _, _ =	vpop (xrf0);
	(v2sf) =	vpush v6, $0xF  }
0x3ca: {  	(v2sf) =	vpush v5, $0xF;
	v5, _, _ =	vpop (xrf0)  }
0x3cb: {  	(v2sf) =	vpush v5, $0xF;
	_ =	sdelay $0x1  }
0x3cc: {  	v5 =	vld [tilespmem:$0x1C360];
	s22 =	spop (v2sf)  }
0x3cd: {  	s23 =	spop (v2sf)  }
0x3ce: {  	s5 =	spop (v2sf)  }
0x3cf: {  	s7 =	spop (v2sf)  }
0x3d0: {  	s10 =	spop (v2sf)  }
0x3d1: {  	v5 =	vxor.u32 $0x80000000, v5;
	s11 =	spop (v2sf)  }
0x3d2: {  	(xrf0) =	vmax.scan.msk.u32 $0xffff, v5;
	s12 =	spop (v2sf)  }
0x3d3: {  	s13 =	spop (v2sf)  }
0x3d4: {  	s14 =	spop (v2sf)  }
0x3d5: {  	s22 =	sxor.u32 $0x80000000, s22;
	s17 =	spop (v2sf)  }
0x3d6: {  	s23 =	sxor.u32 $0x80000000, s23;
	[dreg:$0x19] =	wrdreg s22;
	s18 =	spop (v2sf)  }
0x3d7: {  	s4 =	smov.u32 s22;
	[dreg:$0x1a] =	wrdreg s23;
	s19 =	spop (v2sf)  }
0x3d8: {  	s22 =	smov.u32 s23;
	s23 =	rddreg [dreg:$0x16];
	v5, _, _ =	vpop (xrf0);
	s20 =	spop (v2sf)  }
0x3d9: {  	(v2sf) =	vpush v5, $0xF;
	s1 =	spop (v2sf);
	[smem:$0x7E8] =	sst s0  }
0x3da: {  	s0 =	sld [smem:$0x7FB];
	_ =	sdelay $0x2  }
0x3db: {  	p1 =	seq.s32 s0, $0x1;
	s0 =	sld [smem:$0x7E8];
	_ =	sdelay $0x2  }
0x3dc: {  	[smem:$0x7E8] =	sst s0  }
0x3dd: {  	s0 =	sld [smem:$0x7FA];
	_ =	sdelay $0x1  }
0x3de: {  	s5 =	sxor.u32 $0x80000000, s5;
	s29 =	smul.u32 $0x9999A, s23  }
0x3df: {  	s4 =	simm.s32 @p1 $0x0;
	p1 =	seq.s32 s0, $0x1;
	s0 =	sld [smem:$0x7E8]  }
0x3e0: {  	[dreg:$0x1b] =	wrdreg s5  }
0x3e1: {  	s7 =	sxor.u32 $0x80000000, s7;
	[dreg:$0x18] =	wrdreg s29  }
0x3e2: {  	[dreg:$0x1c] =	wrdreg s7  }
0x3e3: {  	s4 =	sadd.s32 s29, s4;
	s22 =	simm.s32 @!p1 $0x0;
	s29 =	sld [smem:$0x7F9]  }
0x3e4: {  	s10 =	sxor.u32 $0x80000000, s10;
	s4 =	sadd.s32 s22, s4;
	s22 =	sld [smem:$0x7F8]  }
0x3e5: {  	s11 =	sxor.u32 $0x80000000, s11;
	[dreg:$0x1d] =	wrdreg s10  }
0x3e6: {  	[dreg:$0x1e] =	wrdreg s11;
	p1 =	seq.s32 s29, $0x1  }
0x3e7: {  	s5 =	simm.s32 @!p1 $0x0;
	p1 =	seq.s32 s22, $0x1;
	s22 =	sld [smem:$0x7F7]  }
0x3e8: {  	s7 =	simm.s32 @!p1 $0x0;
	s4 =	sadd.s32 s5, s4;
	s5 =	sxor.u32 $0x80000000, s12  }
0x3e9: {  	s12 =	sxor.u32 $0x80000000, s20;
	s4 =	sadd.s32 s7, s4;
	[dreg:$0x1f] =	wrdreg s5  }
0x3ea: {  	s7 =	sxor.u32 $0x80000000, s13;
	s13 =	sxor.u32 $0x80000000, s14;
	s14 =	sld [smem:$0x7F5]  }
0x3eb: {  	[smem:$0x7EE] =	sst s12  }
0x3ec: {  	p1 =	seq.s32 s22, $0x1;
	s22 =	sld [smem:$0x7F6]  }
0x3ed: {  	s29 =	simm.s32 $0x0;
	[smem:$0x7E9] =	sst s7  }
0x3ee: {  	s20 =	spop (v2sf);
	[smem:$0x7EA] =	sst s13;
	s10 =	simm.s32 @!p1 $0x0  }
0x3ef: {  	s4 =	sadd.s32 s10, s4;
	s10 =	smov.u32 s13;
	s13 =	sld [smem:$0x7F4]  }
0x3f0: {  	p1 =	seq.s32 s22, $0x1;
	s22 =	sxor.u32 $0x80000000, s17;
	s17 =	sld [smem:$0x7F2]  }
0x3f1: {  	s11 =	simm.s32 @!p1 $0x0;
	p1 =	seq.s32 s14, $0x1;
	s14 =	sld [smem:$0x7F3]  }
0x3f2: {  	[smem:$0x7EB] =	sst s22;
	s5 =	simm.s32 @!p1 $0x0;
	s4 =	sadd.s32 s11, s4  }
0x3f3: {  	p1 =	seq.s32 s13, $0x1;
	s11 =	smov.u32 s22;
	s22 =	rddreg [dreg:$0x17]  }
0x3f4: {  	s7 =	simm.s32 @!p1 $0x0;
	s4 =	sadd.s32 s5, s4;
	s5 =	sxor.u32 $0x80000000, s18  }
0x3f5: {  	s18 =	sxor.u32 $0x80000000, s1;
	p1 =	seq.s32 s14, $0x1;
	s4 =	sadd.s32 s7, s4  }
0x3f6: {  	[smem:$0x7EC] =	sst s5;
	s7 =	sxor.u32 $0x80000000, s19;
	s5 =	simm.s32 @!p6 $0x0  }
0x3f7: {  	[smem:$0x7EF] =	sst s18;
	s10 =	simm.s32 @!p1 $0x0;
	p1 =	seq.s32 s17, $0x1  }
0x3f8: {  	[smem:$0x7ED] =	sst s7;
	s11 =	simm.s32 @!p1 $0x0;
	s4 =	sadd.s32 s10, s4  }
0x3f9: {  	s19 =	sadd.s32 s11, s4;
	s4 =	smov.u32 s18;
	s18 =	simm.s32 $0x0  }
0x3fa: {  	v6 =	vld [tilespmem:$0x1C370];
	[tilespmem:s18], [sflag:$0x2] =	stream.linear.gather [hbm4b:s22+s18], $0x800, $0x38  }
.Ltmp24:
0x3fb: {  	s7 =	simm.s32 @!p0 $0x0;
	s1 =	sadd.s32 s5, s19;
	(pc) =	sbr.rel .LBB2_43-.Ltmp24, $4  }
0x3fc: {  	s12 =	simm.s32 @!p5 $0x0;
	s11 =	smov.u32 s21;
	s1 =	sadd.s32 s7, s1  }
0x3fd: {  	s4 =	simm.s32 @!p4 $0x0;
	s5 =	sxor.u32 $0x80000000, s20;
	s1 =	sadd.s32 s12, s1  }
0x3fe: {  	[smem:$0x7F0] =	sst s5;
	s5 =	simm.s32 @!p3 $0x0;
	s1 =	sadd.s32 s4, s1  }
0x3ff: {  	v5 =	vmov s23;
	s20 =	rddreg [dreg:$0x15];
	s19 =	sadd.s32 s5, s1;
	s1 =	simm.s32 $0x0  }
.LBB2_54:
0x400: {  	[tilespmem:s4+$0x20] =	vst v19  }
0x401: {  	[tilespmem:s4+$0x0] =	vst v17  }
0x402: {  	[tilespmem:s4+$0x10] =	vst v18  }
0x403: {  	[hbm4b:s9+s31] =	stream.indirect.scatter [tilespmem:s14], [sflag:$0x1], $0x10, s4, s31, $0xb8;
	[tilespmem:$0x1D3C8] =	vst v63  }
0x404: {  	_ =	swait.ge [sflag:s8], $0x800  }
0x405: {  	[sflag:s8] =	ssyncset.done $0x0  }
0x406: {  	[sflag:s8] =	ssyncadd.s32 $0xFFFFF800  }
.LBB2_55:
0x407: {  	s1 =	sadd.s32 $0x1, s1  }
0x408: {  	p1 =	sne.s32 s1, $0x20  }
.Ltmp25:
0x409: {  	_ = 	snop;
	(pc) =	sbr.rel @!p1 .LBB2_56-.Ltmp25, $2  }
0x40a: {  	_ =	sdelay $0x2  }
0x40b: {  	s29 =	sadd.s32 s7, s23;
	s11 =	sadd.s32 $0x1000, s11;
	s20 =	sadd.s32 $0x1000, s20  }
.LBB2_43:
0x40c: {  	s7 =	sshll.u32 s1, $0xC  }
0x40d: {  	s4 =	sor.u32 s21, s7  }
0x40e: {  	s4 =	sor.u32 s15, s4  }
0x40f: {  	_ =	swait.ge [sflag:s24], $0x800;
	s4 =	sor.u32 $0x800, s4  }
0x410: {  	[sflag:s24] =	ssyncset.done $0x0;
	s4 =	sshrl.u32 s4, $0x3  }
0x411: {  	s23 =	simm.s32 $0x0;
	[sflag:s24] =	ssyncadd.s32 $0xFFFFF800;
	s4 =	sadd.s32 s0, s4  }
0x412: {  	[tilespmem:s25], [sflag:$0x3] =	stream.linear.gather [hbm4b:s4+s18], $0x800, $0x38;
	[tilespmem:$0x1D3C8] =	vst v63  }
0x413: {  	v7 =	vld [tilespmem:s23+$0x0];
	_ =	sdelay $0x4  }
0x414: {  	vm3 =	vgt.f32 v7, v4  }
0x415: {  	v8 =	vsel vm3, $0x1, v0  }
0x416: {  	(xrf0) =	vadd.scan.msk.s32 $0xffff, v8;
	_ =	sdelay $0x2  }
0x417: {  	v8 =	vmov s18  }
0x418: {  	v8 =	vadd.s32 $0xFFFFFFFF, v8  }
0x419: {  	v8 =	vbroadcast v8, $0x0  }
0x41a: {  	v9, _, _ =	vpop (xrf0)  }
0x41b: {  	v10 =	vmov s11;
	v8 =	vadd.s32 v9, v8;
	(v2sf) =	vpush v9, $0xF  }
0x41c: {  	v62 =	vor.u32 s11, v1;
	v11 =	vshrl.u32 v10, $0x8;
	vm4 =	vgt.s32 v8, $0x0  }
0x41d: {  	v10 =	vshrl.u32 v10, $0x10;
	v11 =	vand.u32 $0xF7, v11;
	v8 =	vnsel vm4, $0x0, v8  }
0x41e: {  	v12 =	vcvt.s32.f32 v11;
	v9 =	vand.u32 $0xFF, v62;
	v8 =	vshll.u32 v8, $0x4  }
0x41f: {  	v14 =	vcvt.s32.f32 v10;
	v13 =	vcvt.s32.f32 v9;
	v15 =	vor.u32 $0x1, v8  }
0x420: {  	v12 =	vmul.f32 $3.125000000e-01, v12;
	v16 =	vor.u32 $0x2, v8  }
0x421: {  	v14 =	vmul.f32 $2.500000000e-01, v14;
	v13 =	vmul.f32 $3.125000000e-01, v13;
	v17 =	vor.u32 $0x3, v8  }
0x422: {  	v12 =	vadd.f32 $-4.000000000e+01, v12;
	v18 =	vor.u32 $0x4, v8  }
0x423: {  	v14 =	vadd.f32 $-2.000000000e+00, v14;
	v19 =	vor.u32 $0x5, v8;
	[tilespmem:v8+s6+$0x0] =	vst.idx.msk vm3, v13  }
0x424: {  	v7 =	vmul.f32 v7, v2;
	v63 =	vor.u32 $0x6, v8;
	[tilespmem:v15+s6+$0x0] =	vst.idx.msk vm3, v12  }
0x425: {  	v8 =	vor.u32 $0x7, v8;
	[tilespmem:v16+s6+$0x0] =	vst.idx.msk vm3, v14  }
0x426: {  	[tilespmem:v17+s6+$0x0] =	vst.idx.msk vm3, v7  }
0x427: {  	[tilespmem:v18+s6+$0x0] =	vst.idx.msk vm3, v5  }
0x428: {  	[tilespmem:v19+s6+$0x0] =	vst.idx.msk vm3, v10  }
0x429: {  	s13 =	simm.s32 $0x10;
	s5 =	simm.s32 $0x80;
	[tilespmem:v63+s6+$0x0] =	vst.idx.msk vm3, v11  }
0x42a: {  	s4 =	smov.u32 s11;
	s23 =	simm.s32 $0x0;
	[tilespmem:v8+s6+$0x0] =	vst.idx.msk vm3, v9;
	s12 =	spop (v2sf)  }
.LBB2_44:
0x42b: {  	p1 =	sne.s32 s5, $0x1FC0;
	v7 =	vld [tilespmem:s13+$0x0];
	s23 =	sadd.s32 s23, s12  }
0x42c: {  	v8 =	vmov s23  }
0x42d: {  	v8 =	vadd.s32 $0xFFFFFFFF, v8  }
0x42e: {  	v8 =	vbroadcast v8, $0x0;
	_ =	sdelay $0x1  }
0x42f: {  	vm3 =	vgt.f32 v7, v4;
	v7 =	vmul.f32 v7, v2  }
0x430: {  	v9 =	vsel vm3, $0x1, v0  }
0x431: {  	(xrf0) =	vadd.scan.msk.s32 $0xffff, v9;
	_ =	sdelay $0x3  }
0x432: {  	s4 =	sadd.s32 $0x10, s4  }
0x433: {  	v9 =	vmov s4  }
0x434: {  	v10 =	vor.u32 s4, v1;
	v11 =	vshrl.u32 v9, $0x8;
	v12, _, _ =	vpop (xrf0)  }
0x435: {  	v11 =	vand.u32 $0xF7, v11;
	v8 =	vadd.s32 v12, v8;
	(v2sf) =	vpush v12, $0xF  }
0x436: {  	v10 =	vand.u32 $0xFF, v10;
	v12 =	vcvt.s32.f32 v11;
	vm4 =	vgt.s32 v8, $0x0  }
0x437: {  	v13 =	vcvt.s32.f32 v10;
	v9 =	vshrl.u32 v9, $0x10;
	v8 =	vnsel vm4, $0x0, v8  }
0x438: {  	v14 =	vcvt.s32.f32 v9;
	v12 =	vmul.f32 $3.125000000e-01, v12;
	v8 =	vshll.u32 v8, $0x4  }
0x439: {  	v15 =	vor.u32 $0x1, v8;
	v16 =	vor.u32 $0x2, v8;
	v17 =	vor.u32 $0x3, v8  }
0x43a: {  	v18 =	vor.u32 $0x4, v8;
	v19 =	vor.u32 $0x5, v8;
	v20 =	vor.u32 $0x6, v8  }
0x43b: {  	v13 =	vmul.f32 $3.125000000e-01, v13;
	v14 =	vmul.f32 $2.500000000e-01, v14;
	v21 =	vor.u32 $0x7, v8  }
0x43c: {  	v12 =	vadd.f32 $-4.000000000e+01, v12  }
0x43d: {  	v14 =	vadd.f32 $-2.000000000e+00, v14;
	[tilespmem:v8+s6+$0x0] =	vst.idx.msk vm3, v13  }
0x43e: {  	[tilespmem:v15+s6+$0x0] =	vst.idx.msk vm3, v12  }
0x43f: {  	[tilespmem:v16+s6+$0x0] =	vst.idx.msk vm3, v14  }
.Ltmp26:
0x440: {  	[tilespmem:v17+s6+$0x0] =	vst.idx.msk vm3, v7;
	(pc) =	sbr.rel @p1 .LBB2_44-.Ltmp26, $4  }
0x441: {  	[tilespmem:v18+s6+$0x0] =	vst.idx.msk vm3, v5  }
0x442: {  	[tilespmem:v19+s6+$0x0] =	vst.idx.msk vm3, v9  }
0x443: {  	[tilespmem:v20+s6+$0x0] =	vst.idx.msk vm3, v11  }
0x444: {  	s13 =	sshra.s32 s5, $0x2;
	s5 =	sadd.s32 $0x40, s5;
	[tilespmem:v21+s6+$0x0] =	vst.idx.msk vm3, v10;
	s12 =	spop (v2sf)  }
0x445: {  	v7 =	vld [tilespmem:s13+$0x0];
	_ =	sdelay $0x4  }
0x446: {  	vm3 =	vgt.f32 v7, v4  }
0x447: {  	v8 =	vsel vm3, $0x1, v0  }
0x448: {  	(xrf0) =	vadd.scan.msk.s32 $0xffff, v8;
	_ =	sdelay $0x5  }
0x449: {  	v8, _, _ =	vpop (xrf0)  }
0x44a: {  	(v2sf) =	vpush v8, $0xF;
	_ =	sdelay $0x8  }
0x44b: {  	s5 =	sadd.s32 s23, s12  }
0x44c: {  	v9 =	vmov s5  }
0x44d: {  	v9 =	vadd.s32 $0xFFFFFFFF, v9  }
0x44e: {  	v9 =	vbroadcast v9, $0x0  }
0x44f: {  	s4 =	sadd.s32 $0x10, s4  }
0x450: {  	v10 =	vmov s4;
	v8 =	vadd.s32 v8, v9  }
0x451: {  	v62 =	vor.u32 s4, v1;
	v11 =	vshrl.u32 v10, $0x8;
	vm4 =	vgt.s32 v8, $0x0;
	s13 =	spop (v2sf)  }
0x452: {  	v10 =	vshrl.u32 v10, $0x10;
	v11 =	vand.u32 $0xF7, v11;
	v8 =	vnsel vm4, $0x0, v8;
	s23 =	sadd.s32 s5, s13  }
0x453: {  	v12 =	vcvt.s32.f32 v11;
	v9 =	vand.u32 $0xFF, v62;
	v8 =	vshll.u32 v8, $0x4;
	s4 =	sadd.s32 $0x7F, s23  }
0x454: {  	v14 =	vcvt.s32.f32 v10;
	v13 =	vcvt.s32.f32 v9;
	v15 =	vor.u32 $0x1, v8;
	s14 =	sand.u32 $0x7F, s4  }
0x455: {  	v12 =	vmul.f32 $3.125000000e-01, v12;
	v16 =	vor.u32 $0x2, v8;
	s17 =	sshra.s32 s4, $0x1F;
	p1 =	slt.s32 s4, $0x1;
	p2 =	sne.s32 s14, $0x0  }
0x456: {  	v14 =	vmul.f32 $2.500000000e-01, v14;
	v13 =	vmul.f32 $3.125000000e-01, v13;
	v17 =	vor.u32 $0x3, v8;
	s22 =	sshrl.u32 s17, $0x19;
	p1 =	por !p1, !p2  }
0x457: {  	v12 =	vadd.f32 $-4.000000000e+01, v12;
	v18 =	vor.u32 $0x4, v8;
	s5 =	simm.s32 $0x1;
	s4 =	sadd.s32 s22, s4;
	p1 =	por !p1, !p1  }
0x458: {  	v14 =	vadd.f32 $-2.000000000e+00, v14;
	v19 =	vor.u32 $0x5, v8;
	[tilespmem:v8+s6+$0x0] =	vst.idx.msk vm3, v13;
	s4 =	sshra.s32 s4, $0x7;
	s5 =	simm.s32 @!p1 $0x0  }
0x459: {  	v7 =	vmul.f32 v7, v2;
	v63 =	vor.u32 $0x6, v8;
	[tilespmem:v15+s6+$0x0] =	vst.idx.msk vm3, v12;
	s5 =	ssub.s32 s4, s5  }
0x45a: {  	v8 =	vor.u32 $0x7, v8;
	[tilespmem:v16+s6+$0x0] =	vst.idx.msk vm3, v14;
	p1 =	slt.s32 s5, $0x1  }
.Ltmp27:
0x45b: {  	[tilespmem:v17+s6+$0x0] =	vst.idx.msk vm3, v7;
	(pc) =	sbr.rel @p1 .LBB2_49-.Ltmp27, $4  }
0x45c: {  	[tilespmem:v18+s6+$0x0] =	vst.idx.msk vm3, v5  }
0x45d: {  	[tilespmem:v19+s6+$0x0] =	vst.idx.msk vm3, v10  }
0x45e: {  	[tilespmem:v63+s6+$0x0] =	vst.idx.msk vm3, v11  }
0x45f: {  	[tilespmem:v8+s6+$0x0] =	vst.idx.msk vm3, v9  }
0x460: {  	v7 =	vmov s23;
	v9 =	vadd.s32 $0x2666C8, v1;
	v10 =	vadd.s32 $0x2666D8, v1  }
0x461: {  	s4 =	sadd.s32 s19, s29;
	v11 =	vadd.s32 $0x266668, v1;
	v12 =	vadd.s32 $0x266688, v1;
	v13 =	vadd.s32 $0x266678, v1  }
0x462: {  	s22 =	simm.s32 $0x20;
	s10 =	simm.s32 $0x30;
	s12 =	simm.s32 $0x40;
	v14 =	vadd.s32 $0x2666B8, v1;
	v16 =	vadd.s32 $0x2666A8, v1;
	v8 =	vmov s4  }
0x463: {  	s13 =	simm.s32 $0x0;
	s14 =	simm.s32 $0x70;
	s17 =	simm.s32 $0x10;
	v17 =	vor.u32 s22, v1;
	v15 =	vor.u32 s10, v1;
	v18 =	vor.u32 s12, v1  }
0x464: {  	s12 =	simm.s32 $0x60;
	v22 =	vor.u32 s13, v1;
	v62 =	vor.u32 s17, v1;
	v23 =	vor.u32 s14, v1  }
0x465: {  	vm3 =	vlt.s32 v15, v7;
	v19 =	vor.u32 s12, v1;
	v20 =	vadd.s32 v8, v15  }
0x466: {  	s22 =	simm.s32 $0x50;
	v15 =	vadd.s32 $0x266698, v1;
	vm5 =	vlt.s32 v18, v7;
	v18 =	vadd.s32 v8, v18  }
0x467: {  	vm12 =	vlt.s32 v23, v7;
	v23 =	vadd.s32 v8, v23;
	v24 =	vor.u32 s22, v1  }
0x468: {  	p1 =	sne.s32 s5, $0x1;
	s4 =	simm.s32 $0x1B000;
	vm13 =	vlt.s32 v62, v7;
	vm15 =	vlt.s32 v17, v7;
	v18 =	vsel vm5, v18, v16  }
.Ltmp28:
0x469: {  	v63 =	vadd.s32 v8, v17;
	v21 =	vadd.s32 v8, v19;
	v20 =	vsel vm3, v20, v15;
	[tilespmem:s4+$0x40] =	vst v18;
	(pc) =	sbr.rel @!p1 .LBB2_48-.Ltmp28, $4  }
0x46a: {  	vm4 =	vlt.s32 v19, v7;
	vm14 =	vlt.s32 v24, v7;
	v18 =	vsel vm12, v23, v10;
	[tilespmem:s4+$0x30] =	vst v20  }
0x46b: {  	vm3 =	vlt.s32 v22, v7;
	v19 =	vsel vm4, v21, v9;
	[tilespmem:s4+$0x70] =	vst v18;
	v18 =	vadd.s32 v8, v24  }
0x46c: {  	s5 =	sadd.s32 $0xFFFFFFFF, s5;
	s14 =	simm.s32 $0x13000;
	v22 =	vadd.s32 v8, v22;
	v21 =	vadd.s32 v8, v62;
	[tilespmem:s4+$0x60] =	vst v19;
	v20 =	vsel vm14, v18, v14  }
0x46d: {  	s13 =	simm.s32 $0x1B000;
	s22 =	simm.s32 $0x13800;
	s12 =	simm.s32 $0xF0;
	v17 =	vsel vm3, v22, v11;
	v19 =	vsel vm15, v63, v12;
	v18 =	vsel vm13, v21, v13;
	[tilespmem:s4+$0x50] =	vst v20  }
.LBB2_47:
0x46e: {  	s10 =	sadd.s32 $0xFFFFFFB0, s12;
	p1 =	sne.s32 s5, $0x1;
	[tilespmem:s4+$0x20] =	vst v19;
	s13 =	sadd.s32 $0x80, s13  }
0x46f: {  	s17 =	sadd.s32 $0xFFFFFFD0, s12;
	s5 =	sadd.s32 $0xFFFFFFFF, s5;
	v19 =	vor.u32 s10, v1;
	s10 =	sadd.s32 $0xFFFFFFC0, s12;
	[tilespmem:s4+$0x0] =	vst v17  }
0x470: {  	v20 =	vor.u32 s17, v1;
	v17 =	vor.u32 s10, v1;
	s10 =	sadd.s32 $0xFFFFFFF0, s12;
	[tilespmem:s4+$0x10] =	vst v18  }
0x471: {  	vm3 =	vlt.s32 v17, v7;
	v18 =	vor.u32 s10, v1;
	[hbm4b:s9+s31] =	stream.indirect.scatter [tilespmem:s14], [sflag:$0x1], $0x10, s4, s31, $0xb8;
	[tilespmem:$0x1D3C8] =	vst v63  }
0x472: {  	s10 =	sadd.s32 $0xFFFFFF90, s12;
	v17 =	vadd.s32 v8, v17;
	s4 =	smov.u32 s13;
	v21 =	vadd.s32 v8, v18;
	_ =	swait.ge [sflag:s8], $0x800  }
0x473: {  	s14 =	smov.u32 s22;
	v22 =	vor.u32 s10, v1;
	s10 =	sadd.s32 $0xFFFFFFE0, s12;
	vm4 =	vlt.s32 v18, v7;
	[sflag:s8] =	ssyncset.done $0x0  }
0x474: {  	s17 =	sadd.s32 $0xFFFFFFA0, s12;
	vm5 =	vlt.s32 v20, v7;
	v18 =	vadd.s32 v8, v20;
	v20 =	vsel vm4, v21, v9;
	[sflag:s8] =	ssyncadd.s32 $0xFFFFF800  }
0x475: {  	v23 =	vor.u32 s12, v1;
	v21 =	vor.u32 s17, v1;
	v18 =	vsel vm5, v18, v16  }
0x476: {  	v24 =	vor.u32 s10, v1;
	vm4 =	vlt.s32 v23, v7;
	v23 =	vadd.s32 v8, v23  }
.Ltmp29:
0x477: {  	vm5 =	vlt.s32 v21, v7;
	vm6 =	vlt.s32 v24, v7;
	[tilespmem:s13+$0x40] =	vst v18;
	v18 =	vsel vm4, v23, v10;
	(pc) =	sbr.rel @p1 .LBB2_47-.Ltmp29, $4  }
0x478: {  	v17 =	vsel vm3, v17, v15;
	v21 =	vadd.s32 v8, v21;
	v23 =	vadd.s32 v8, v24;
	[tilespmem:s13+$0x70] =	vst v18  }
0x479: {  	vm3 =	vlt.s32 v22, v7;
	v18 =	vadd.s32 v8, v22;
	v22 =	vsel vm6, v23, v14;
	[tilespmem:s13+$0x30] =	vst v17  }
0x47a: {  	v17 =	vsel vm3, v18, v11;
	vm3 =	vlt.s32 v19, v7;
	v19 =	vadd.s32 v8, v19;
	[tilespmem:s13+$0x60] =	vst v20  }
0x47b: {  	s22 =	sadd.s32 $0x800, s22;
	s12 =	sadd.s32 $0x80, s12;
	v18 =	vsel vm5, v21, v13;
	v19 =	vsel vm3, v19, v12;
	[tilespmem:s13+$0x50] =	vst v22  }
.LBB2_48:
0x47c: {  	[tilespmem:s4+$0x20] =	vst v19  }
0x47d: {  	[tilespmem:s4+$0x0] =	vst v17  }
0x47e: {  	[tilespmem:s4+$0x10] =	vst v18  }
0x47f: {  	[hbm4b:s9+s31] =	stream.indirect.scatter [tilespmem:s14], [sflag:$0x1], $0x10, s4, s31, $0xb8;
	[tilespmem:$0x1D3C8] =	vst v63  }
0x480: {  	_ =	swait.ge [sflag:s8], $0x800  }
0x481: {  	[sflag:s8] =	ssyncset.done $0x0  }
0x482: {  	[sflag:s8] =	ssyncadd.s32 $0xFFFFF800  }
.LBB2_49:
0x483: {  	p1 =	seq.s32 s1, $0x1F  }
0x484: {  	_ =	swait.ge [sflag:s28], $0x800;
	s4 =	sadd.s32 @!p1 s7, s16  }
0x485: {  	s22 =	simm.s32 $0x0;
	[sflag:s28] =	ssyncset.done $0x0;
	s4 =	sshrl.u32 @!p1 s4, $0x3  }
0x486: {  	s5 =	simm.s32 @!p1 $0x0;
	[sflag:s28] =	ssyncadd.s32 $0xFFFFF800;
	s4 =	sadd.s32 @!p1 s0, s4  }
0x487: {  	[tilespmem:s5], [sflag:$0x2] =	stream.linear.gather @!p1 [hbm4b:s4+s5], $0x800, $0x38;
	[tilespmem:$0x1D3C8] =	vst v63  }
0x488: {  	v7 =	vld [tilespmem:s22+$0x800];
	_ =	sdelay $0x4  }
0x489: {  	vm3 =	vgt.f32 v7, v4  }
0x48a: {  	v8 =	vsel vm3, $0x1, v0  }
0x48b: {  	(xrf0) =	vadd.scan.msk.s32 $0xffff, v8;
	_ =	sdelay $0x1  }
0x48c: {  	s4 =	simm.s32 $0x0  }
0x48d: {  	v8 =	vmov s4  }
0x48e: {  	v8 =	vadd.s32 $0xFFFFFFFF, v8  }
0x48f: {  	v8 =	vbroadcast v8, $0x0  }
0x490: {  	v9, _, _ =	vpop (xrf0)  }
0x491: {  	v10 =	vmov s20;
	v8 =	vadd.s32 v9, v8;
	(v2sf) =	vpush v9, $0xF  }
0x492: {  	v62 =	vor.u32 s20, v1;
	v11 =	vshrl.u32 v10, $0x8;
	vm4 =	vgt.s32 v8, $0x0  }
0x493: {  	v10 =	vshrl.u32 v10, $0x10;
	v11 =	vand.u32 $0xFF, v11;
	v8 =	vnsel vm4, $0x0, v8  }
0x494: {  	v12 =	vcvt.s32.f32 v11;
	v9 =	vand.u32 $0xFF, v62;
	v8 =	vshll.u32 v8, $0x4  }
0x495: {  	v14 =	vcvt.s32.f32 v10;
	v13 =	vcvt.s32.f32 v9;
	v15 =	vor.u32 $0x1, v8  }
0x496: {  	v12 =	vmul.f32 $3.125000000e-01, v12;
	v16 =	vor.u32 $0x2, v8  }
0x497: {  	v14 =	vmul.f32 $2.500000000e-01, v14;
	v13 =	vmul.f32 $3.125000000e-01, v13;
	v17 =	vor.u32 $0x3, v8  }
0x498: {  	v12 =	vadd.f32 $-4.000000000e+01, v12;
	v18 =	vor.u32 $0x4, v8  }
0x499: {  	v14 =	vadd.f32 $-2.000000000e+00, v14;
	v19 =	vor.u32 $0x5, v8;
	[tilespmem:v8+s6+$0x0] =	vst.idx.msk vm3, v13  }
0x49a: {  	v7 =	vmul.f32 v7, v2;
	v63 =	vor.u32 $0x6, v8;
	[tilespmem:v15+s6+$0x0] =	vst.idx.msk vm3, v12  }
0x49b: {  	v8 =	vor.u32 $0x7, v8;
	[tilespmem:v16+s6+$0x0] =	vst.idx.msk vm3, v14  }
0x49c: {  	[tilespmem:v17+s6+$0x0] =	vst.idx.msk vm3, v7  }
0x49d: {  	[tilespmem:v18+s6+$0x0] =	vst.idx.msk vm3, v5  }
0x49e: {  	[tilespmem:v19+s6+$0x0] =	vst.idx.msk vm3, v10  }
0x49f: {  	s13 =	simm.s32 $0x10;
	s7 =	sadd.s32 s29, s23;
	[tilespmem:v63+s6+$0x0] =	vst.idx.msk vm3, v11  }
0x4a0: {  	s23 =	smov.u32 s20;
	s5 =	simm.s32 $0x80;
	[tilespmem:v8+s6+$0x0] =	vst.idx.msk vm3, v9;
	s12 =	spop (v2sf)  }
.LBB2_50:
0x4a1: {  	p1 =	sne.s32 s5, $0x1FC0;
	v7 =	vld [tilespmem:s13+$0x800];
	s4 =	sadd.s32 s4, s12  }
0x4a2: {  	v8 =	vmov s4  }
0x4a3: {  	v8 =	vadd.s32 $0xFFFFFFFF, v8  }
0x4a4: {  	v8 =	vbroadcast v8, $0x0;
	_ =	sdelay $0x1  }
0x4a5: {  	vm3 =	vgt.f32 v7, v4;
	v7 =	vmul.f32 v7, v2  }
0x4a6: {  	v9 =	vsel vm3, $0x1, v0  }
0x4a7: {  	(xrf0) =	vadd.scan.msk.s32 $0xffff, v9;
	_ =	sdelay $0x3  }
0x4a8: {  	s23 =	sadd.s32 $0x10, s23  }
0x4a9: {  	v9 =	vmov s23  }
0x4aa: {  	v10 =	vor.u32 s23, v1;
	v11 =	vshrl.u32 v9, $0x8;
	v12, _, _ =	vpop (xrf0)  }
0x4ab: {  	v11 =	vand.u32 $0xFF, v11;
	v8 =	vadd.s32 v12, v8;
	(v2sf) =	vpush v12, $0xF  }
0x4ac: {  	v10 =	vand.u32 $0xFF, v10;
	v12 =	vcvt.s32.f32 v11;
	vm4 =	vgt.s32 v8, $0x0  }
0x4ad: {  	v13 =	vcvt.s32.f32 v10;
	v9 =	vshrl.u32 v9, $0x10;
	v8 =	vnsel vm4, $0x0, v8  }
0x4ae: {  	v14 =	vcvt.s32.f32 v9;
	v12 =	vmul.f32 $3.125000000e-01, v12;
	v8 =	vshll.u32 v8, $0x4  }
0x4af: {  	v15 =	vor.u32 $0x1, v8;
	v16 =	vor.u32 $0x2, v8;
	v17 =	vor.u32 $0x3, v8  }
0x4b0: {  	v18 =	vor.u32 $0x4, v8;
	v19 =	vor.u32 $0x5, v8;
	v20 =	vor.u32 $0x6, v8  }
0x4b1: {  	v13 =	vmul.f32 $3.125000000e-01, v13;
	v14 =	vmul.f32 $2.500000000e-01, v14;
	v21 =	vor.u32 $0x7, v8  }
0x4b2: {  	v12 =	vadd.f32 $-4.000000000e+01, v12  }
0x4b3: {  	v14 =	vadd.f32 $-2.000000000e+00, v14;
	[tilespmem:v8+s6+$0x0] =	vst.idx.msk vm3, v13  }
0x4b4: {  	[tilespmem:v15+s6+$0x0] =	vst.idx.msk vm3, v12  }
0x4b5: {  	[tilespmem:v16+s6+$0x0] =	vst.idx.msk vm3, v14  }
.Ltmp30:
0x4b6: {  	[tilespmem:v17+s6+$0x0] =	vst.idx.msk vm3, v7;
	(pc) =	sbr.rel @p1 .LBB2_50-.Ltmp30, $4  }
0x4b7: {  	[tilespmem:v18+s6+$0x0] =	vst.idx.msk vm3, v5  }
0x4b8: {  	[tilespmem:v19+s6+$0x0] =	vst.idx.msk vm3, v9  }
0x4b9: {  	[tilespmem:v20+s6+$0x0] =	vst.idx.msk vm3, v11  }
0x4ba: {  	s13 =	sshra.s32 s5, $0x2;
	s5 =	sadd.s32 $0x40, s5;
	[tilespmem:v21+s6+$0x0] =	vst.idx.msk vm3, v10;
	s12 =	spop (v2sf)  }
0x4bb: {  	v7 =	vld [tilespmem:s13+$0x800];
	_ =	sdelay $0x4  }
0x4bc: {  	vm3 =	vgt.f32 v7, v4  }
0x4bd: {  	v8 =	vsel vm3, $0x1, v0  }
0x4be: {  	(xrf0) =	vadd.scan.msk.s32 $0xffff, v8;
	_ =	sdelay $0x5  }
0x4bf: {  	v8, _, _ =	vpop (xrf0)  }
0x4c0: {  	(v2sf) =	vpush v8, $0xF;
	_ =	sdelay $0x8  }
0x4c1: {  	s4 =	sadd.s32 s4, s12  }
0x4c2: {  	v9 =	vmov s4  }
0x4c3: {  	v9 =	vadd.s32 $0xFFFFFFFF, v9  }
0x4c4: {  	v9 =	vbroadcast v9, $0x0  }
0x4c5: {  	s5 =	sadd.s32 $0x10, s23  }
0x4c6: {  	v10 =	vmov s5;
	v8 =	vadd.s32 v8, v9  }
0x4c7: {  	v62 =	vor.u32 s5, v1;
	v11 =	vshrl.u32 v10, $0x8;
	vm4 =	vgt.s32 v8, $0x0;
	s17 =	spop (v2sf)  }
0x4c8: {  	v10 =	vshrl.u32 v10, $0x10;
	v11 =	vand.u32 $0xFF, v11;
	v8 =	vnsel vm4, $0x0, v8;
	s23 =	sadd.s32 s4, s17  }
0x4c9: {  	v12 =	vcvt.s32.f32 v11;
	v9 =	vand.u32 $0xFF, v62;
	v8 =	vshll.u32 v8, $0x4;
	s4 =	sadd.s32 $0x7F, s23  }
0x4ca: {  	v14 =	vcvt.s32.f32 v10;
	v13 =	vcvt.s32.f32 v9;
	v15 =	vor.u32 $0x1, v8;
	s22 =	sand.u32 $0x7F, s4  }
0x4cb: {  	v12 =	vmul.f32 $3.125000000e-01, v12;
	v16 =	vor.u32 $0x2, v8;
	s10 =	sshra.s32 s4, $0x1F;
	p1 =	slt.s32 s4, $0x1;
	p2 =	sne.s32 s22, $0x0  }
0x4cc: {  	v14 =	vmul.f32 $2.500000000e-01, v14;
	v13 =	vmul.f32 $3.125000000e-01, v13;
	v17 =	vor.u32 $0x3, v8;
	s29 =	sshrl.u32 s10, $0x19;
	p1 =	por !p1, !p2  }
0x4cd: {  	s5 =	simm.s32 $0x1;
	v12 =	vadd.f32 $-4.000000000e+01, v12;
	v18 =	vor.u32 $0x4, v8;
	s4 =	sadd.s32 s29, s4;
	p1 =	por !p1, !p1  }
0x4ce: {  	v14 =	vadd.f32 $-2.000000000e+00, v14;
	v19 =	vor.u32 $0x5, v8;
	[tilespmem:v8+s6+$0x0] =	vst.idx.msk vm3, v13;
	s4 =	sshra.s32 s4, $0x7;
	s5 =	simm.s32 @!p1 $0x0  }
0x4cf: {  	v7 =	vmul.f32 v7, v2;
	v63 =	vor.u32 $0x6, v8;
	[tilespmem:v15+s6+$0x0] =	vst.idx.msk vm3, v12;
	s5 =	ssub.s32 s4, s5  }
0x4d0: {  	v8 =	vor.u32 $0x7, v8;
	[tilespmem:v16+s6+$0x0] =	vst.idx.msk vm3, v14;
	p1 =	slt.s32 s5, $0x1  }
.Ltmp31:
0x4d1: {  	[tilespmem:v17+s6+$0x0] =	vst.idx.msk vm3, v7;
	(pc) =	sbr.rel @p1 .LBB2_55-.Ltmp31, $4  }
0x4d2: {  	[tilespmem:v18+s6+$0x0] =	vst.idx.msk vm3, v5  }
0x4d3: {  	[tilespmem:v19+s6+$0x0] =	vst.idx.msk vm3, v10  }
0x4d4: {  	[tilespmem:v63+s6+$0x0] =	vst.idx.msk vm3, v11  }
0x4d5: {  	[tilespmem:v8+s6+$0x0] =	vst.idx.msk vm3, v9  }
0x4d6: {  	v7 =	vmov s23;
	v9 =	vadd.s32 $0x2666C8, v1;
	v10 =	vadd.s32 $0x2666D8, v1  }
0x4d7: {  	s4 =	sadd.s32 s19, s7;
	v11 =	vadd.s32 $0x266668, v1;
	v12 =	vadd.s32 $0x266688, v1;
	v13 =	vadd.s32 $0x266678, v1  }
0x4d8: {  	s10 =	simm.s32 $0x20;
	s12 =	simm.s32 $0x30;
	s13 =	simm.s32 $0x60;
	v14 =	vadd.s32 $0x2666B8, v1;
	v16 =	vadd.s32 $0x2666A8, v1;
	v8 =	vmov s4  }
0x4d9: {  	s14 =	simm.s32 $0x0;
	s17 =	simm.s32 $0x70;
	s22 =	simm.s32 $0x10;
	v17 =	vor.u32 s10, v1;
	v15 =	vor.u32 s12, v1;
	v19 =	vor.u32 s13, v1  }
0x4da: {  	s29 =	simm.s32 $0x50;
	s10 =	simm.s32 $0x40;
	v22 =	vor.u32 s14, v1;
	v62 =	vor.u32 s22, v1;
	v23 =	vor.u32 s17, v1  }
0x4db: {  	v24 =	vor.u32 s29, v1;
	v18 =	vor.u32 s10, v1;
	vm3 =	vlt.s32 v15, v7  }
0x4dc: {  	v20 =	vadd.s32 v8, v15;
	v15 =	vadd.s32 $0x266698, v1;
	v21 =	vadd.s32 v8, v19  }
0x4dd: {  	vm4 =	vlt.s32 v19, v7;
	vm12 =	vlt.s32 v23, v7;
	v23 =	vadd.s32 v8, v23  }
0x4de: {  	p1 =	sne.s32 s5, $0x1;
	s4 =	simm.s32 $0x1B000;
	vm5 =	vlt.s32 v18, v7;
	v18 =	vadd.s32 v8, v18;
	v20 =	vsel vm3, v20, v15  }
.Ltmp32:
0x4df: {  	vm13 =	vlt.s32 v62, v7;
	vm14 =	vlt.s32 v24, v7;
	v18 =	vsel vm5, v18, v16;
	[tilespmem:s4+$0x30] =	vst v20;
	(pc) =	sbr.rel @!p1 .LBB2_54-.Ltmp32, $4  }
0x4e0: {  	vm15 =	vlt.s32 v17, v7;
	v63 =	vadd.s32 v8, v17;
	[tilespmem:s4+$0x40] =	vst v18;
	v18 =	vsel vm12, v23, v10  }
0x4e1: {  	v19 =	vsel vm4, v21, v9;
	v21 =	vadd.s32 v8, v62;
	[tilespmem:s4+$0x70] =	vst v18;
	v18 =	vadd.s32 v8, v24  }
0x4e2: {  	s5 =	sadd.s32 $0xFFFFFFFF, s5;
	s14 =	simm.s32 $0x13000;
	vm3 =	vlt.s32 v22, v7;
	v22 =	vadd.s32 v8, v22;
	[tilespmem:s4+$0x60] =	vst v19;
	v20 =	vsel vm14, v18, v14  }
0x4e3: {  	s22 =	simm.s32 $0x13800;
	s12 =	simm.s32 $0xF0;
	s13 =	simm.s32 $0x1B000;
	v17 =	vsel vm3, v22, v11;
	v19 =	vsel vm15, v63, v12;
	v18 =	vsel vm13, v21, v13;
	[tilespmem:s4+$0x50] =	vst v20  }
.LBB2_53:
0x4e4: {  	s10 =	sadd.s32 $0xFFFFFFB0, s12;
	p1 =	sne.s32 s5, $0x1;
	[tilespmem:s4+$0x20] =	vst v19;
	s13 =	sadd.s32 $0x80, s13  }
0x4e5: {  	s17 =	sadd.s32 $0xFFFFFFD0, s12;
	s5 =	sadd.s32 $0xFFFFFFFF, s5;
	v19 =	vor.u32 s10, v1;
	s10 =	sadd.s32 $0xFFFFFFC0, s12;
	[tilespmem:s4+$0x0] =	vst v17  }
0x4e6: {  	v20 =	vor.u32 s17, v1;
	v17 =	vor.u32 s10, v1;
	s10 =	sadd.s32 $0xFFFFFFF0, s12;
	[tilespmem:s4+$0x10] =	vst v18  }
0x4e7: {  	vm3 =	vlt.s32 v17, v7;
	v18 =	vor.u32 s10, v1;
	[hbm4b:s9+s31] =	stream.indirect.scatter [tilespmem:s14], [sflag:$0x1], $0x10, s4, s31, $0xb8;
	[tilespmem:$0x1D3C8] =	vst v63  }
0x4e8: {  	s10 =	sadd.s32 $0xFFFFFF90, s12;
	v17 =	vadd.s32 v8, v17;
	s4 =	smov.u32 s13;
	v21 =	vadd.s32 v8, v18;
	_ =	swait.ge [sflag:s8], $0x800  }
0x4e9: {  	s14 =	smov.u32 s22;
	v22 =	vor.u32 s10, v1;
	s10 =	sadd.s32 $0xFFFFFFE0, s12;
	vm4 =	vlt.s32 v18, v7;
	[sflag:s8] =	ssyncset.done $0x0  }
0x4ea: {  	s17 =	sadd.s32 $0xFFFFFFA0, s12;
	vm5 =	vlt.s32 v20, v7;
	v18 =	vadd.s32 v8, v20;
	v20 =	vsel vm4, v21, v9;
	[sflag:s8] =	ssyncadd.s32 $0xFFFFF800  }
0x4eb: {  	v23 =	vor.u32 s12, v1;
	v21 =	vor.u32 s17, v1;
	v18 =	vsel vm5, v18, v16  }
0x4ec: {  	v24 =	vor.u32 s10, v1;
	vm4 =	vlt.s32 v23, v7;
	v23 =	vadd.s32 v8, v23  }
.Ltmp33:
0x4ed: {  	vm5 =	vlt.s32 v21, v7;
	vm6 =	vlt.s32 v24, v7;
	[tilespmem:s13+$0x40] =	vst v18;
	v18 =	vsel vm4, v23, v10;
	(pc) =	sbr.rel @p1 .LBB2_53-.Ltmp33, $4  }
0x4ee: {  	v17 =	vsel vm3, v17, v15;
	v21 =	vadd.s32 v8, v21;
	v23 =	vadd.s32 v8, v24;
	[tilespmem:s13+$0x70] =	vst v18  }
0x4ef: {  	vm3 =	vlt.s32 v22, v7;
	v18 =	vadd.s32 v8, v22;
	v22 =	vsel vm6, v23, v14;
	[tilespmem:s13+$0x30] =	vst v17  }
0x4f0: {  	v17 =	vsel vm3, v18, v11;
	vm3 =	vlt.s32 v19, v7;
	v19 =	vadd.s32 v8, v19;
	[tilespmem:s13+$0x60] =	vst v20  }
0x4f1: {  	s22 =	sadd.s32 $0x800, s22;
	s12 =	sadd.s32 $0x80, s12;
	v18 =	vsel vm5, v21, v13;
	v19 =	vsel vm3, v19, v12;
	[tilespmem:s13+$0x50] =	vst v22  }
.Ltmp34:
0x4f2: {  	_ = 	snop;
	(pc) =	sbr.rel .LBB2_54-.Ltmp34, $1  }
0x4f3: {  	_ =	sdelay $0x3  }
.LBB2_56:
0x4f4: {  	v4 =	vxor.u32 $0x80000000, v6  }
0x4f5: {  	(xrf0) =	vmax.scan.msk.u32 $0xffff, v4;
	_ =	sdelay $0x4  }
0x4f6: {  	s1 =	rddreg [dreg:$0x19]  }
0x4f7: {  	s4 =	rddreg [dreg:$0x1a];
	v4, _, _ =	vpop (xrf0)  }
0x4f8: {  	s23 =	rddreg [dreg:$0x1b];
	(v2sf) =	vpush v4, $0xF  }
0x4f9: {  	s5 =	rddreg [dreg:$0x1c]  }
0x4fa: {  	s7 =	rddreg [dreg:$0x1d];
	s1 =	sadd.s32 s1, s4  }
0x4fb: {  	s10 =	rddreg [dreg:$0x1e];
	s1 =	sadd.s32 s23, s1  }
0x4fc: {  	s11 =	rddreg [dreg:$0x1f];
	s1 =	sadd.s32 s5, s1  }
0x4fd: {  	s12 =	sld [smem:$0x7E9];
	s1 =	sadd.s32 s7, s1  }
0x4fe: {  	s13 =	sld [smem:$0x7EA];
	s1 =	sadd.s32 s10, s1  }
0x4ff: {  	s14 =	sld [smem:$0x7EB];
	s1 =	sadd.s32 s11, s1  }
0x500: {  	s15 =	sld [smem:$0x7EC];
	s1 =	sadd.s32 s12, s1  }
0x501: {  	s16 =	sld [smem:$0x7ED];
	s1 =	sadd.s32 s13, s1  }
0x502: {  	s17 =	sld [smem:$0x7EE];
	s1 =	sadd.s32 s14, s1  }
0x503: {  	s18 =	sld [smem:$0x7EF];
	s1 =	sadd.s32 s15, s1  }
0x504: {  	s19 =	sld [smem:$0x7F0];
	s1 =	sadd.s32 s16, s1  }
0x505: {  	s1 =	sadd.s32 s17, s1  }
0x506: {  	s1 =	sadd.s32 s18, s1  }
0x507: {  	s1 =	sadd.s32 s19, s1;
	s20 =	spop (v2sf)  }
0x508: {  	s1 =	sadd.s32 s20, s1  }
0x509: {  	s4 =	sadd.s32 $0x80000000, s1  }
0x50a: {  	s5 =	simm.s32 $0x1;
	s1 =	ssub.s32 $0x800999A9, s1;
	p1 =	sne.s32 s4, $0x999A9  }
0x50b: {  	s7 =	sshra.s32 s1, $0x1F;
	s5 =	simm.s32 @!p1 $0x0  }
0x50c: {  	s10 =	sand.u32 $0xF, s1;
	s5 =	sor.u32 s5, s7  }
0x50d: {  	p2 =	sne.s32 s10, $0x0;
	p1 =	sne.s32 s5, $0x1  }
0x50e: {  	s22 =	sshrl.u32 s7, $0x1C;
	p1 =	por !p2, !p1  }
0x50f: {  	s1 =	sadd.s32 s22, s1;
	s5 =	simm.s32 $0x1;
	p1 =	por !p1, !p1  }
0x510: {  	s1 =	sshra.s32 s1, $0x4;
	s5 =	simm.s32 @!p1 $0x0  }
0x511: {  	s23 =	stileid.u32;
	s7 =	ssub.s32 s1, s5  }
0x512: {  	s5 =	smul.u32 s23, s7;
	_ =	sdelay $0x1  }
0x513: {  	s1 =	sadd.s32 s5, s4  }
0x514: {  	s1 =	ssub.s32 $0x9999A, s1  }
0x515: {  	p1 =	sgt.s32 s1, $0x0  }
0x516: {  	s1 =	simm.s32 @!p1 $0x0  }
0x517: {  	p1 =	slt.s32 s7, s1  }
0x518: {  	s1 =	smov.u32 @p1 s7  }
0x519: {  	p1 =	slt.s32 s1, $0x1  }
.Ltmp35:
0x51a: {  	s13 =	rddreg [dreg:$0x3];
	(pc) =	sbr.rel @p1 .LBB2_62-.Ltmp35, $4  }
0x51b: {  	s14 =	rddreg [dreg:$0x4]  }
0x51c: {  	s17 =	rddreg [dreg:$0xa]  }
0x51d: {  	s22 =	rddreg [dreg:$0xb]  }
0x51e: {  	s29 =	simm.s32 $0x12000;
	s23 =	rddreg [dreg:$0xc]  }
0x51f: {  	s7 =	rddreg [dreg:$0x16]  }
0x520: {  	s7 =	sshll.u32 s7, $0x12  }
0x521: {  	s10 =	simm.s32 $0x0;
	s7 =	sadd.s32 s0, s7  }
0x522: {  	[tilespmem:s10], [sflag:$0x4] =	stream.linear.gather [hbm4b:s7+s10], $0x10, $0x38;
	[tilespmem:$0x1D3C8] =	vst v63  }
0x523: {  	_ =	swait.ge [sflag:s30], $0x10  }
0x524: {  	[sflag:s30] =	ssyncset.done $0x0  }
0x525: {  	[sflag:s30] =	ssyncadd.s32 $0xFFFFFFF0  }
0x526: {  	v4 =	vld [tilespmem:$0x0];
	_ =	sdelay $0x4  }
0x527: {  	v4 =	vmul.f32 v4, v2  }
0x528: {  	vm3 =	vmmov $0x1  }
0x529: {  	v4 =	vnsel vm3, $0x0, v4  }
0x52a: {  	(xrf2) =	vadd.scan.msk.f32 $0xffff, v4;
	_ =	sdelay $0x9  }
0x52b: {  	v4, _, _ =	vpop (xrf2)  }
0x52c: {  	v4 =	vbroadcast v4, $0xF  }
0x52d: {  	v5 =	vnsel vm0, $0x0, v5  }
0x52e: {  	s20 =	simm.s32 $0x0;
	v4 =	vsel vm1, v4, v5  }
0x52f: {  	v14 =	vor.u32 s20, v1;
	s7 =	simm.s32 $0x1;
	v13 =	vsel vm2, v4, v3  }
.LBB2_58:
0x530: {  	p1 =	sne.s32 s7, $0x7F  }
.Ltmp36:
0x531: {  	_ = 	snop;
	(pc) =	sbr.rel @p1 .LBB2_58-.Ltmp36, $3  }
0x532: {  	_ =	sdelay $0x1  }
0x533: {  	s10 =	sshll.u32 s7, $0x4;
	s7 =	sadd.s32 $0x1, s7;
	[tilespmem:v14+s3+$0x0] =	vst.idx.msk $0xffff, v13  }
0x534: {  	v14 =	vor.u32 s10, v1  }
0x535: {  	_ =	sdelay $0x1  }
0x536: {  	v4 =	vmov s1;
	v6 =	vadd.s32 $0x2666C8, v1;
	v7 =	vadd.s32 $0x266678, v1  }
0x537: {  	s7 =	rddreg [dreg:$0x18];
	s10 =	simm.s32 $0x40;
	v8 =	vadd.s32 $0x266698, v1;
	s11 =	simm.s32 $0x60;
	v9 =	vadd.s32 $0x266668, v1;
	v10 =	vadd.s32 $0x266688, v1  }
0x538: {  	s12 =	simm.s32 $0x0;
	s15 =	simm.s32 $0x50;
	[tilespmem:v14+s3+$0x0] =	vst.idx.msk $0xffff, v13;
	v13 =	vadd.s32 $0x2666B8, v1;
	s20 =	simm.s32 $0x10;
	v12 =	vor.u32 s10, v1;
	v16 =	vor.u32 s11, v1  }
0x539: {  	s4 =	sadd.s32 s7, s4;
	s7 =	simm.s32 $0x30;
	v18 =	vor.u32 s12, v1;
	v21 =	vor.u32 s15, v1;
	v62 =	vor.u32 s20, v1  }
0x53a: {  	s18 =	sadd.s32 $0x7F, s1;
	v11 =	vor.u32 s7, v1;
	vm3 =	vlt.s32 v12, v4;
	vm5 =	vlt.s32 v18, v4  }
0x53b: {  	s19 =	sshrl.u32 s18, $0x7;
	s4 =	sadd.s32 s5, s4;
	s5 =	simm.s32 $0x20;
	vm6 =	vlt.s32 v16, v4;
	vm8 =	vlt.s32 v21, v4;
	vm15 =	vlt.s32 v62, v4  }
0x53c: {  	v5 =	vmov s4;
	v15 =	vor.u32 s5, v1;
	vm4 =	vlt.s32 v11, v4;
	s4 =	ssub.s32 $0x0, s19  }
0x53d: {  	s16 =	simm.s32 $0x70;
	v17 =	vadd.s32 v5, v11;
	v19 =	vadd.s32 v5, v12;
	v20 =	vadd.s32 v5, v16;
	s4 =	sadd.s32 $0x1, s4  }
0x53e: {  	v16 =	vadd.s32 v5, v18;
	v18 =	vadd.s32 v5, v21;
	v12 =	vor.u32 s16, v1;
	p1 =	seq.s32 s4, $0x0  }
.Ltmp37:
0x53f: {  	s1 =	simm.s32 $0x1B000;
	vm14 =	vlt.s32 v15, v4;
	v15 =	vadd.s32 v5, v15;
	v17 =	vsel vm4, v17, v8;
	(pc) =	sbr.rel @p1 .LBB2_61-.Ltmp37, $4  }
0x540: {  	vm7 =	vlt.s32 v12, v4;
	v14 =	vsel vm8, v18, v13;
	v18 =	vsel vm6, v20, v6;
	[tilespmem:s1+$0x30] =	vst v17  }
0x541: {  	v22 =	vadd.s32 v5, v12;
	v12 =	vadd.s32 $0x2666D8, v1;
	v63 =	vsel vm14, v15, v10;
	[tilespmem:s1+$0x60] =	vst v18  }
0x542: {  	v11 =	vadd.s32 $0x2666A8, v1;
	v61 =	vsel vm7, v22, v12;
	v17 =	vadd.s32 v5, v62;
	[tilespmem:s1+$0x20] =	vst v63  }
0x543: {  	s7 =	simm.s32 $0x1B080;
	s5 =	simm.s32 $0xF0;
	v16 =	vsel vm5, v16, v9;
	[tilespmem:s1+$0x70] =	vst v61;
	v15 =	vsel vm15, v17, v7;
	v17 =	vsel vm3, v19, v11  }
.LBB2_60:
0x544: {  	s10 =	sadd.s32 $0xFFFFFFB0, s5;
	s11 =	sadd.s32 $0xFFFFFFC0, s5;
	s12 =	sadd.s32 $0xFFFFFFD0, s5;
	[tilespmem:s1+$0x40] =	vst v17  }
0x545: {  	s4 =	sadd.s32 $0x1, s4;
	v17 =	vor.u32 s10, v1;
	s10 =	sadd.s32 $0xFFFFFFF0, s5;
	[tilespmem:s1+$0x0] =	vst v16  }
0x546: {  	v16 =	vor.u32 s11, v1;
	v18 =	vor.u32 s12, v1;
	p1 =	seq.s32 s4, $0x0;
	[tilespmem:s1+$0x10] =	vst v15  }
0x547: {  	s11 =	sadd.s32 $0xFFFFFF90, s5;
	vm4 =	vlt.s32 v16, v4;
	v15 =	vor.u32 s10, v1;
	[tilespmem:s1+$0x50] =	vst v14  }
0x548: {  	vm3 =	vlt.s32 v18, v4;
	v14 =	vadd.s32 v5, v16;
	[hbm4b:s9+s31] =	stream.indirect.scatter [tilespmem:s3], [sflag:$0x1], $0x10, s1, s31, $0xb8;
	[tilespmem:$0x1D3C8] =	vst v63  }
0x549: {  	v18 =	vadd.s32 v5, v18;
	s10 =	sadd.s32 $0xFFFFFFE0, s5;
	v16 =	vor.u32 s11, v1;
	v19 =	vadd.s32 v5, v15;
	s1 =	smov.u32 s7;
	_ =	swait.ge [sflag:s8], $0x800  }
0x54a: {  	v20 =	vor.u32 s10, v1;
	vm6 =	vlt.s32 v15, v4;
	vm5 =	vlt.s32 v16, v4;
	[sflag:s8] =	ssyncset.done $0x0  }
0x54b: {  	v21 =	vor.u32 s5, v1;
	v15 =	vadd.s32 v5, v16;
	v16 =	vadd.s32 v5, v20;
	[sflag:s8] =	ssyncadd.s32 $0xFFFFF800  }
0x54c: {  	vm7 =	vlt.s32 v21, v4;
	v21 =	vadd.s32 v5, v21  }
.Ltmp38:
0x54d: {  	vm8 =	vlt.s32 v20, v4;
	v20 =	vsel vm7, v21, v12;
	(pc) =	sbr.rel @!p1 .LBB2_60-.Ltmp38, $4  }
0x54e: {  	s10 =	sadd.s32 $0xFFFFFFA0, s5;
	v21 =	vsel vm4, v14, v8;
	v14 =	vsel vm8, v16, v13;
	v16 =	vsel vm6, v19, v6;
	[tilespmem:s7+$0x70] =	vst v20  }
0x54f: {  	vm4 =	vlt.s32 v17, v4;
	v17 =	vadd.s32 v5, v17;
	v19 =	vor.u32 s10, v1;
	[tilespmem:s7+$0x30] =	vst v21  }
0x550: {  	v17 =	vsel vm4, v17, v10;
	vm6 =	vlt.s32 v19, v4;
	v19 =	vadd.s32 v5, v19;
	[tilespmem:s7+$0x60] =	vst v16  }
0x551: {  	s5 =	sadd.s32 $0x80, s5;
	v16 =	vsel vm5, v15, v9;
	v15 =	vsel vm6, v19, v7;
	s7 =	sadd.s32 $0x80, s7;
	[tilespmem:s1+$0x20] =	vst v17;
	v17 =	vsel vm3, v18, v11  }
.Ltmp39:
0x552: {  	_ = 	snop;
	(pc) =	sbr.rel .LBB2_61-.Ltmp39, $1  }
0x553: {  	_ =	sdelay $0x3  }
.LBB2_64:
0x554: {  	_ =	sfence.sel $0x180000  }
0x555: {  	[bflag:$0x0] =	sbarrier.arrive $0xFFFF  }
0x556: {  	_ =	strace $0x9000004A  }
0x557: {  	s0 =	stileid.u32;
	[bflag:$0x2] =	sbarrier.arrive $0xFFFF  }
0x558: {  	p0 =	sne.s32 s0, $0x0;
	s0 =	rddreg [dreg:$0x7]  }
0x559: {  	s0 =	sadd.s32 @!p0 $0x100000, s0  }
0x55a: {  	[sflag:s0] =	ssyncadd.tile.s32 @!p0 $0x1;
	_ =	shalt  }
.Lfunc_end2:
_tile_overlayer_lowered:
.L_overlay_start_2:
0x55b: {  	(tag) =	ssettag $0x2  }
0x55c: {  	s0 =	rddreg [dreg:$0x0];
	s2 =	stileid.u32  }
0x55d: {  	s1 =	rddreg [dreg:$0x1];
	p0 =	sne.s32 s2, $0x0  }
0x55e: {  	s3 =	rddreg [dreg:$0x2];
	[bflag:$0x3] =	sbarrier.arrive $0xFFFF;
	s2 =	simm.s32 @!p0 $0x1C04  }
0x55f: {  	[timem:s3], [sflag:s2] =	dma.local @!p0 [hbm:s0], s1  }
0x560: {  	s0 =	simm.s32 @!p0 $0x4  }
0x561: {  	_ =	swait.ge @!p0 [sflag:s0], s1  }
0x562: {  	s1 =	ssub.s32 @!p0 $0x0, s1;
	[sflag:s0] =	ssyncset.done @!p0 $0x0  }
0x563: {  	[sflag:s0] =	ssyncadd.s32 @!p0 s1  }
0x564: {  	[bflag:$0x3] =	sbarrier.arrive $0xFFFF  }
0x565: {  	_ =	shalt  }

// kernel: sparse-core-data-format-call.1.cloned.1.call-start
scs
called_computation.1_lowered:
.L_overlay_start_0:
0x0: {  	s2 =	sld [smem:$0x3FD9]  }
0x1: {  	s3 =	sld [smem:$0x3FFE];
	_ =	sdelay $0x1  }
0x2: {  	s1 =	srdreg.scid  }
0x3: {  	s0 =	sand.u32 $0x1, s1  }
0x4: {  	s15 =	sshll.u32 s0, $0xA;
	s2 =	sadd.s32 s3, s2  }
0x5: {  	s2 =	sadd.s32 s2, s15  }
0x6: {  	[smem:$0x3FC7] =	sst s2  }
0x7: {  	_ = 	snop  }
0x8: {  	s2 =	sld [smem:$0x3FD0];
	_ =	sdelay $0x2  }
0x9: {  	s16 =	simm.s32 $0xB;
	s4 =	simm.s32 $0x10  }
0xa: {  	[smem:s4], [sflag:s16] =	dma.local [hbm:s2], $0x1  }
0xb: {  	_ =	swait.eq [sflag:s16], $0x1  }
0xc: {  	[sflag:s16] =	ssyncset.done $0x0  }
0xd: {  	[sflag:s16] =	ssyncadd.s32 $0xFFFFFFFF  }
0xe: {  	s17 =	sld [smem:$0x10];
	(tm) =	ssettm $0x1  }
0xf: {  	s18 =	sld [smem:$0x3FFB];
	_ =	sdelay $0x3  }
0x10: {  	_ =	strace s18  }
0x11: {  	s3 =	sld [smem:$0x3FFC];
	_ =	sdelay $0x3  }
0x12: {  	_ =	strace s3  }
0x13: {  	s3 =	sld [smem:$0x3FFD];
	_ =	sdelay $0x3  }
0x14: {  	_ =	strace s3  }
0x15: {  	_ =	strace $0x8FFFFFFF  }
0x16: {  	s19 =	sld [smem:$0x3FDB];
	_ =	sdelay $0x1  }
0x17: {  	s20 =	simm.s32 $_scs_section_size  }
0x18: {  	s5 =	simm.s32 $_size__tile_overlayer_lowered;
	s6 =	simm.s32 $_tile_overlayer_lowered  }
0x19: {  	s23 =	simm.s32 $0x1BFF;
	s22 =	sshll.u32 s6, $0x1;
	s3 =	sadd.s32 s20, s19  }
0x1a: {  	s7 =	simm.s32 $0x0;
	s21 =	sshll.u32 s5, $0x1;
	s5 =	sadd.s32 s22, s3  }
0x1b: {  	[timem:s7], [sflag:s23] =	dma.local [hbm:s5], s21  }
0x1c: {  	_ =	swait.ge [sflag:s23], s21  }
0x1d: {  	s4 =	ssub.s32 $0x0, s21;
	[sflag:s23] =	ssyncset.done $0x0  }
0x1e: {  	[sflag:s23] =	ssyncadd.s32 s4;
	_ =	sdelay $0x1  }
0x1f: {  	s24 =	simm.s32 $0x1B8B  }
0x20: {  	_ =	swait.ge [sflag:s24], $0x1  }
0x21: {  	[sflag:s24] =	ssyncset.done $0x0  }
0x22: {  	s26 =	simm.s32 $0x1B8E;
	s25 =	sld [smem:$0x3FFE];
	[sflag:s24] =	ssyncadd.s32 $0xFFFFFFFF  }
0x23: {  	s27 =	simm.s32 $execute0_lowered;
	[smem:$0x3FD2] =	sst s26  }
0x24: {  	s5 =	sshll.u32 s27, $0x1;
	_ =	strace $0x8000004C;
	[dreg:$0x1] =	wrdreg $0xFFFFFFFF  }
0x25: {  	s28 =	simm.s32 $_size_execute0_lowered;
	s3 =	sadd.s32 s3, s5;
	[dreg:$0x0] =	wrdreg $0x0  }
0x26: {  	s5 =	sshll.u32 s28, $0x1;
	[dreg:$0x2] =	wrdreg s3  }
0x27: {  	[dreg:$0x3] =	wrdreg s5  }
0x28: {  	[dreg:$0x4] =	wrdreg $0xC0  }
0x29: {  	_ =	task [dreg:s7], $0x5FFFF  }
0x2a: {  	[dreg:$0x1] =	wrdreg $0xFFFFFFFF  }
0x2b: {  	[dreg:$0x0] =	wrdreg $0x60  }
0x2c: {  	[dreg:$0x2] =	wrdreg s25  }
0x2d: {  	[dreg:$0x3] =	wrdreg s17  }
0x2e: {  	[dreg:$0x4] =	wrdreg $0xA  }
0x2f: {  	_ =	task.clear_ibuf [dreg:s7], $0x5FFFF;
	_ =	strace $0x9000004C  }
0x30: {  	s29 =	simm.s32 $0xA;
	_ =	strace $0x8000004E  }
0x31: {  	_ =	swait.ge [sflag:s29], $0x1  }
0x32: {  	[sflag:s29] =	ssyncadd.s32 $0xFFFFFFFF  }
0x33: {  	_ =	strace $0x9000004E  }
0x34: {  	_ =	sfence  }
0x35: {  	s30 =	sld [smem:$0x0];
	_ =	sdelay $0x2  }
0x36: {  	s31 =	sshll.u32 s1, $0xD;
	s1 =	sshrl.u32 s1, $0x2  }
0x37: {  	s3 =	sand.u32 $0x4000, s31;
	s1 =	sadd.s32 s1, s30  }
0x38: {  	s0 =	sor.u32 s3, s0;
	s1 =	sshll.u32 s1, $0x11  }
0x39: {  	s0 =	sor.u32 s1, s0  }
0x3a: {  	s0 =	sadd.s32 $0x8F2B, s0  }
0x3b: {  	[sflag:s0] =	ssyncadd.remote.s32 $0x1  }
0x3c: {  	_ =	sfence.sel $0xFFFF  }
0x3d: {  	[dreg:$0x0] =	wrdreg $0xFFFFFFFF;
	(pc) =	sbr.abs _section_cstart, $3  }
0x3e: {  	[dreg:$0x1] =	wrdreg $0xFFFFFFFF  }
0x3f: {  	_ =	task.clear_ibuf [dreg:s7], $0x2FFFF;
	_ =	strace $0x9FFFFFFF  }
0x40: {  	(tm) =	ssettm $0x7FFFFFFF  }
0x41: {  	_ =	shalt  }
tec
execute0_lowered:
.L_overlay_start_1:
0x0: {  	(tag) =	ssettag $0x1  }
0x1: {  	s4 =	rddreg [dreg:$0x0]  }
0x2: {  	s0 =	srdreg.scid;
	s2 =	rddreg [dreg:$0x1]  }
0x3: {  	s1 =	stileid.u32;
	s5 =	simm.s32 $0x1;
	s0 =	sshll.u32 s0, $0x4  }
0x4: {  	s7 =	simm.s32 $0x2;
	s12 =	simm.s32 $0x0;
	s3 =	sand.u32 $0x10, s0  }
.Ltmp0:
0x5: {  	s8 =	simm.s32 $0x999A00;
	s3 =	sor.u32 s1, s3;
	(pc) =	sbr.rel .LBB1_1-.Ltmp0, $4  }
0x6: {  	s10 =	simm.s32 $0x0;
	s11 =	simm.s32 $0x0;
	s3 =	sshll.u32 s3, $0x7  }
0x7: {  	s0 =	rddreg [dreg:$0x2];
	_ =	strace $0x8000004D;
	s6 =	ssub.s32 $0x266600, s3  }
0x8: {  	s4 =	sadd.s32 $0x2B34E00, s4;
	[sflag:s5] =	ssyncpa.u1 $0x0;
	s6 =	sshrl.u32 s6, $0xC  }
0x9: {  	[sflag:s7] =	ssyncpa.u1 $0x0;
	s9 =	smov.u32 s3;
	s7 =	sadd.s32 $0x2, s6  }
.LBB1_5:
0xa: {  	[tilespmem:s18+$0x0 ss:$0x81] =	vst.msk $0xffff, v1  }
.LBB1_6:
0xb: {  	s15 =	sshll.u32 s10, $0x2  }
0xc: {  	s16 =	sand.u32 $0x7F, s10;
	s15 =	sand.u32 $0xFFFFFE00, s15  }
0xd: {  	s16 =	sor.u32 s16, s15  }
0xe: {  	p0 =	sgt.s32 s10, $0x266600;
	s18 =	smov.u32 s10;
	s17 =	smulhi.u32 $0xD554C71D, s16  }
0xf: {  	s18 =	simm.s32 @!p0 $0x266600  }
0x10: {  	s13 =	sadd.s32 s13, s18;
	s15 =	smulhi.u32 $0xD554C71D, s15;
	s17 =	sshrl.u32 s17, $0x15  }
0x11: {  	s13 =	sadd.s32 $0xFFD99A00, s13;
	s17 =	smul.u32 $0x266680, s17  }
0x12: {  	s15 =	sshrl.u32 s15, $0x15;
	s29 =	sshll.u32 s13, $0x4;
	p0 =	sgt.s32 s13, $0x7F  }
0x13: {  	s15 =	sand.u32 $0x3, s15;
	s30 =	ssub.s32 $0x800, s29;
	s16 =	ssub.s32 s16, s17  }
0x14: {  	s15 =	smul.u32 $0x4CCD0, s15;
	s31 =	sshrl.u32 s16, $0x3;
	s16 =	sand.u32 $0x7, s16  }
0x15: {  	s13 =	sshrl.u32 s30, $0x2;
	s17 =	sadd.s32 s2, s31;
	s16 =	sshll.u32 s16, $0x12  }
0x16: {  	s13 =	simm.s32 @p0 $0x0;
	s15 =	sadd.s32 s15, s17;
	s16 =	sor.u32 $0x200, s16  }
0x17: {  	[hbm4b:s15+s16] =	stream.strided.scatter [tilespmem:s14], [sflag:$0x2], s13, s8, s16, $0x20;
	[tilespmem:$0x4040] =	vst v63  }
.LBB1_7:
0x18: {  	p0 =	slt.u32 s11, $0x2  }
0x19: {  	p1 =	sgt.s32 @!p0 s12, $0x266600  }
0x1a: {  	s13 =	smov.u32 s12;
	s14 =	sshra.s32 @!p0 s12, $0x1F;
	p1 =	por !p1, p0  }
0x1b: {  	s12 =	sand.u32 @!p0 s14, s12;
	s13 =	simm.s32 @p1 $0x266600  }
0x1c: {  	s12 =	ssub.s32 @!p0 s13, s12  }
0x1d: {  	s12 =	sadd.s32 @!p0 $0xFFD99A00, s12  }
0x1e: {  	s13 =	sshll.u32 @!p0 s12, $0x4  }
0x1f: {  	p1 =	sgt.s32 @!p0 s12, $0x7F;
	s12 =	ssub.s32 @!p0 $0x800, s13  }
0x20: {  	s14 =	sadd.s32 $0x1000, s9;
	p1 =	por !p1, p0;
	s12 =	sshrl.u32 @!p0 s12, $0x2  }
0x21: {  	s12 =	simm.s32 @!p1 $0x0;
	p1 =	sgt.s32 s14, $0x266667  }
0x22: {  	s14 =	smov.u32 @p1 s3;
	p1 =	sne.s32 s11, s7  }
.Ltmp1:
0x23: {  	_ = 	snop;
	(pc) =	sbr.rel @!p1 .LBB1_8-.Ltmp1, $4  }
0x24: {  	s13 =	simm.s32 @!p0 $0x2  }
0x25: {  	_ =	swait.ge @!p0 [sflag:s13], s12;
	s15 =	ssub.s32 @!p0 $0x0, s12  }
0x26: {  	s12 =	smov.u32 s10;
	s11 =	sadd.s32 $0x1, s11;
	[sflag:s13] =	ssyncset.done @!p0 $0x0  }
0x27: {  	s10 =	smov.u32 s9;
	s9 =	smov.u32 s14;
	[sflag:s13] =	ssyncadd.s32 @!p0 s15  }
.LBB1_1:
0x28: {  	p0 =	sgt.u32 s11, s6  }
0x29: {  	s14 =	smov.u32 s9;
	p1 =	sgt.s32 @!p0 s9, $0x2665E8  }
0x2a: {  	s13 =	sand.u32 @!p0 $0x1FFFFFF, s9;
	s15 =	sshra.s32 @!p0 s9, $0x1F;
	p1 =	por !p1, p0  }
0x2b: {  	s16 =	smulhi.u32 @!p0 $0x1AAAA99, s13;
	s15 =	sand.u32 @!p0 s15, s9;
	s14 =	simm.s32 @p1 $0x2665E8  }
0x2c: {  	s14 =	ssub.s32 @!p0 s14, s15  }
0x2d: {  	s15 =	sshrl.u32 @!p0 s16, $0xE;
	s14 =	sadd.s32 @!p0 $0xFFD99A18, s14  }
0x2e: {  	s16 =	sxor.u32 @!p0 $0xFFFFFFFF, s11;
	s15 =	smul.u32 @!p0 $0x266668, s15;
	s17 =	sshll.u32 @!p0 s14, $0x7  }
0x2f: {  	s16 =	sshll.u32 @!p0 s16, $0xC;
	p1 =	sgt.s32 @!p0 s14, $0x7F;
	s14 =	ssub.s32 @!p0 $0x4000, s17  }
0x30: {  	s13 =	ssub.s32 @!p0 s13, s15;
	p1 =	por !p1, p0;
	s15 =	sand.u32 @!p0 $0x1000, s16  }
0x31: {  	s16 =	simm.s32 @!p0 $0x20;
	s14 =	sshrl.u32 @!p0 s14, $0x2;
	s13 =	sshll.u32 @!p0 s13, $0x4  }
0x32: {  	s17 =	simm.s32 @!p0 $0x80;
	s14 =	simm.s32 @!p1 $0x0;
	s13 =	sadd.s32 @!p0 s4, s13  }
0x33: {  	[tilespmem:s15], [sflag:$0x1] =	stream.strided.gather @!p0 [hbm4b:s13+s16], s14, s17, s16, $0x38;
	[tilespmem:$0x4040] =	vst v63  }
0x34: {  	p0 =	seq.s32 s11, $0x0  }
0x35: {  	p1 =	sge.u32 @!p0 s11, s7  }
0x36: {  	p0 =	por p0, p1  }
.Ltmp2:
0x37: {  	_ = 	snop;
	(pc) =	sbr.rel @p0 .LBB1_7-.Ltmp2, $1  }
0x38: {  	_ =	sdelay $0x3  }
0x39: {  	s13 =	ssub.s32 $0x0, s10  }
0x3a: {  	s14 =	sshra.s32 s10, $0x1F;
	p0 =	sgt.s32 s10, $0x2665E8;
	s15 =	smov.u32 s10  }
0x3b: {  	s13 =	sand.u32 s13, s14;
	s15 =	simm.s32 @!p0 $0x2665E8  }
0x3c: {  	s14 =	sadd.s32 s13, s15  }
0x3d: {  	s17 =	sadd.s32 $0x80, s10;
	s14 =	sadd.s32 $0xFFD99A18, s14  }
0x3e: {  	p1 =	slt.s32 s17, $0x266668;
	s31 =	sshll.u32 s14, $0x7  }
0x3f: {  	s17 =	simm.s32 @!p1 $0x266668;
	s15 =	ssub.s32 $0x4000, s31  }
0x40: {  	p0 =	sgt.s32 s14, $0x7F;
	s14 =	sshrl.u32 s15, $0x2;
	s15 =	ssub.s32 s17, s10  }
0x41: {  	s14 =	simm.s32 @p0 $0x0;
	p0 =	slt.s32 s15, $0x1  }
.Ltmp3:
0x42: {  	_ = 	snop;
	(pc) =	sbr.rel @p0 .LBB1_6-.Ltmp3, $4  }
0x43: {  	s16 =	sand.u32 $0x1, s11  }
0x44: {  	s18 =	smul.u32 $0x1020, s16;
	_ =	swait.ge [sflag:s5], s14  }
0x45: {  	s14 =	ssub.s32 $0x0, s14;
	[sflag:s5] =	ssyncset.done $0x0  }
0x46: {  	[sflag:s5] =	ssyncadd.s32 s14;
	s14 =	sor.u32 $0x2000, s18  }
0x47: {  	s16 =	sshll.u32 s16, $0xC  }
0x48: {  	v0 =	vmov s16;
	_ =	sdelay $0x1  }
0x49: {  	s17 =	simm.s32 $0x0  }
0x4a: {  	s31 =	simm.s32 $0x0;
	s30 =	sand.u32 $0x1C, s17  }
0x4b: {  	p0 =	sne.s32 s15, $0x1;
	s18 =	sand.u32 $0xFE0, s31;
	s16 =	smul.u32 $0x204, s30  }
.Ltmp4:
0x4c: {  	v1 =	vld.idx.msk [tilespmem:v0+s18+$0x0 ss:$0x1], $0xffff;
	(pc) =	sbr.rel @!p0 .LBB1_5-.Ltmp4, $4  }
0x4d: {  	_ = 	snop  }
0x4e: {  	s16 =	sshrl.u32 s16, $0x2  }
0x4f: {  	s17 =	sand.u32 $0x7F, s31;
	s19 =	sadd.s32 s16, s14  }
0x50: {  	s16 =	simm.s32 $0x1;
	s18 =	sadd.s32 s17, s19;
	s17 =	simm.s32 $0x20  }
.LBB1_4:
0x51: {  	s19 =	sand.u32 $0xFE0, s17  }
0x52: {  	s20 =	sshrl.u32 s16, $0x5;
	[tilespmem:s18+$0x0 ss:$0x81] =	vst.msk $0xffff, v1;
	s18 =	smov.u32 s16;
	s16 =	sadd.s32 $0x1, s16  }
0x53: {  	v1 =	vld.idx.msk [tilespmem:v0+s19+$0x0 ss:$0x1], $0xffff;
	s19 =	sand.u32 $0x1C, s20  }
0x54: {  	p0 =	sne.s32 s15, s16;
	s19 =	smul.u32 $0x204, s19  }
.Ltmp5:
0x55: {  	(pc) =	sbr.rel @p0 .LBB1_4-.Ltmp5, $4  }
0x56: {  	_ = 	snop  }
0x57: {  	s19 =	sshrl.u32 s19, $0x2  }
0x58: {  	s18 =	sand.u32 $0x7F, s18;
	s19 =	sadd.s32 s19, s14  }
0x59: {  	s17 =	sadd.s32 $0x20, s17;
	s18 =	sadd.s32 s18, s19  }
.Ltmp6:
0x5a: {  	_ = 	snop;
	(pc) =	sbr.rel .LBB1_5-.Ltmp6, $1  }
0x5b: {  	_ =	sdelay $0x3  }
.LBB1_8:
0x5c: {  	_ =	sfence.sel $0x180000  }
0x5d: {  	s2 =	simm.s32 $0x1;
	[bflag:$0x0] =	sbarrier.arrive $0xFFFF  }
0x5e: {  	s31 =	simm.s32 $0x2;
	[sflag:s2] =	ssyncpa.u1 $0x1  }
0x5f: {  	[sflag:s31] =	ssyncpa.u1 $0x1  }
0x60: {  	p0 =	sne.s32 s1, $0x0;
	_ =	strace $0x9000004D  }
0x61: {  	s0 =	sadd.s32 @!p0 $0x100000, s0;
	[bflag:$0x2] =	sbarrier.arrive $0xFFFF  }
0x62: {  	[sflag:s0] =	ssyncadd.tile.s32 @!p0 $0x1;
	_ =	shalt  }
.Lfunc_end1:
_tile_overlayer_lowered:
.L_overlay_start_2:
0x63: {  	(tag) =	ssettag $0x2  }
0x64: {  	s0 =	rddreg [dreg:$0x0];
	s2 =	stileid.u32  }
0x65: {  	s1 =	rddreg [dreg:$0x1];
	p0 =	sne.s32 s2, $0x0  }
0x66: {  	s3 =	rddreg [dreg:$0x2];
	[bflag:$0x3] =	sbarrier.arrive $0xFFFF;
	s2 =	simm.s32 @!p0 $0x1C01  }
0x67: {  	[timem:s3], [sflag:s2] =	dma.local @!p0 [hbm:s0], s1  }
0x68: {  	s0 =	simm.s32 @!p0 $0x1  }
0x69: {  	_ =	swait.ge @!p0 [sflag:s0], s1  }
0x6a: {  	s1 =	ssub.s32 @!p0 $0x0, s1;
	[sflag:s0] =	ssyncset.done @!p0 $0x0  }
0x6b: {  	[sflag:s0] =	ssyncadd.s32 @!p0 s1  }
0x6c: {  	[bflag:$0x3] =	sbarrier.arrive $0xFFFF  }
0x6d: {  	_ =	shalt  }

// kernel: sparse-core-data-format-call.2.cloned.1.call-start
scs
called_computation.2_lowered:
.L_overlay_start_0:
0x0: {  	s2 =	sld [smem:$0x3FD9]  }
0x1: {  	s3 =	sld [smem:$0x3FFE];
	_ =	sdelay $0x1  }
0x2: {  	s1 =	srdreg.scid  }
0x3: {  	s0 =	sand.u32 $0x1, s1  }
0x4: {  	s16 =	sshll.u32 s0, $0xA;
	s2 =	sadd.s32 s3, s2  }
0x5: {  	s2 =	sadd.s32 s2, s16  }
0x6: {  	[smem:$0x3FC7] =	sst s2  }
0x7: {  	_ = 	snop  }
0x8: {  	s2 =	sld [smem:$0x3FD0];
	_ =	sdelay $0x2  }
0x9: {  	s4 =	simm.s32 $0xB;
	s5 =	simm.s32 $0x10;
	s17 =	sld [smem:$0x3FC9]  }
0xa: {  	[smem:s5], [sflag:s4] =	dma.local [hbm:s2], $0x1  }
0xb: {  	_ =	swait.eq [sflag:s4], $0x1  }
0xc: {  	[sflag:s4] =	ssyncset.done $0x0  }
0xd: {  	[sflag:s4] =	ssyncadd.s32 $0xFFFFFFFF  }
0xe: {  	s18 =	sld [smem:$0x10];
	(tm) =	ssettm $0x1  }
0xf: {  	s19 =	sld [smem:$0x3FFB];
	_ =	sdelay $0x3  }
0x10: {  	_ =	strace s19  }
0x11: {  	s4 =	sld [smem:$0x3FFC];
	_ =	sdelay $0x3  }
0x12: {  	_ =	strace s4  }
0x13: {  	s4 =	sld [smem:$0x3FFD];
	_ =	sdelay $0x3  }
0x14: {  	_ =	strace s4  }
0x15: {  	_ =	strace $0x8FFFFFFF  }
0x16: {  	s20 =	sld [smem:$0x3FDB];
	_ =	sdelay $0x1  }
0x17: {  	s21 =	simm.s32 $_scs_section_size  }
0x18: {  	s6 =	simm.s32 $_size__tile_overlayer_lowered;
	s7 =	simm.s32 $_tile_overlayer_lowered  }
0x19: {  	s24 =	simm.s32 $0x1BFF;
	s23 =	sshll.u32 s7, $0x1;
	s4 =	sadd.s32 s21, s20  }
0x1a: {  	s8 =	simm.s32 $0x0;
	s22 =	sshll.u32 s6, $0x1;
	s6 =	sadd.s32 s23, s4  }
0x1b: {  	[timem:s8], [sflag:s24] =	dma.local [hbm:s6], s22  }
0x1c: {  	_ =	swait.ge [sflag:s24], s22  }
0x1d: {  	s5 =	ssub.s32 $0x0, s22;
	[sflag:s24] =	ssyncset.done $0x0  }
0x1e: {  	[sflag:s24] =	ssyncadd.s32 s5;
	_ =	sdelay $0x1  }
0x1f: {  	s25 =	simm.s32 $0x1B8B  }
0x20: {  	_ =	swait.ge [sflag:s25], $0x1  }
0x21: {  	[sflag:s25] =	ssyncset.done $0x0  }
0x22: {  	s26 =	simm.s32 $0x1B8E;
	[sflag:s25] =	ssyncadd.s32 $0xFFFFFFFF  }
0x23: {  	s27 =	simm.s32 $execute0_lowered;
	[smem:$0x3FD2] =	sst s26  }
0x24: {  	s5 =	sshll.u32 s27, $0x1;
	_ =	strace $0x80000046;
	[dreg:$0x1] =	wrdreg $0xFFFFFFFF  }
0x25: {  	s28 =	simm.s32 $_size_execute0_lowered;
	s4 =	sadd.s32 s4, s5;
	[dreg:$0x0] =	wrdreg $0x0  }
0x26: {  	s5 =	sshll.u32 s28, $0x1;
	[dreg:$0x2] =	wrdreg s4  }
0x27: {  	[dreg:$0x3] =	wrdreg s5  }
0x28: {  	[dreg:$0x4] =	wrdreg $0xC0  }
0x29: {  	_ =	task [dreg:s8], $0x5FFFF  }
0x2a: {  	[dreg:$0x1] =	wrdreg $0xFFFFFFFF  }
0x2b: {  	[dreg:$0x0] =	wrdreg $0x60  }
0x2c: {  	[dreg:$0x2] =	wrdreg s17  }
0x2d: {  	[dreg:$0x3] =	wrdreg s18  }
0x2e: {  	[dreg:$0x4] =	wrdreg $0x9  }
0x2f: {  	_ =	task.clear_ibuf [dreg:s8], $0x5FFFF;
	_ =	strace $0x90000046  }
0x30: {  	s29 =	simm.s32 $0x9;
	_ =	strace $0x80000048  }
0x31: {  	_ =	swait.ge [sflag:s29], $0x1  }
0x32: {  	[sflag:s29] =	ssyncadd.s32 $0xFFFFFFFF  }
0x33: {  	_ =	strace $0x90000048  }
0x34: {  	_ =	sfence  }
0x35: {  	s30 =	sld [smem:$0x0];
	_ =	sdelay $0x2  }
0x36: {  	s31 =	sshll.u32 s1, $0xD;
	s1 =	sshrl.u32 s1, $0x2  }
0x37: {  	s3 =	sand.u32 $0x4000, s31;
	s1 =	sadd.s32 s1, s30  }
0x38: {  	s0 =	sor.u32 s3, s0;
	s1 =	sshll.u32 s1, $0x11  }
0x39: {  	s0 =	sor.u32 s1, s0  }
0x3a: {  	s0 =	sadd.s32 $0x8F2B, s0  }
0x3b: {  	[sflag:s0] =	ssyncadd.remote.s32 $0x1  }
0x3c: {  	_ =	sfence.sel $0xFFFF  }
0x3d: {  	[dreg:$0x0] =	wrdreg $0xFFFFFFFF;
	(pc) =	sbr.abs _section_cstart, $3  }
0x3e: {  	[dreg:$0x1] =	wrdreg $0xFFFFFFFF  }
0x3f: {  	_ =	task.clear_ibuf [dreg:s8], $0x2FFFF;
	_ =	strace $0x9FFFFFFF  }
0x40: {  	(tm) =	ssettm $0x7FFFFFFF  }
0x41: {  	_ =	shalt  }
tec
execute0_lowered:
.L_overlay_start_1:
0x0: {  	(tag) =	ssettag $0x1  }
0x1: {  	s0 =	srdreg.scid  }
0x2: {  	s1 =	sshll.u32 s0, $0x4  }
0x3: {  	s2 =	rddreg [dreg:$0x0];
	s0 =	stileid.u32;
	s1 =	sand.u32 $0x10, s1  }
0x4: {  	s4 =	rddreg [dreg:$0x1];
	s1 =	sor.u32 s0, s1  }
0x5: {  	s7 =	simm.s32 $0x1;
	s8 =	simm.s32 $0x2;
	s3 =	sshll.u32 s1, $0x3  }
0x6: {  	s9 =	simm.s32 $0x0;
	s12 =	simm.s32 $0x0;
	s6 =	ssub.s32 $0x1000, s3  }
.Ltmp0:
0x7: {  	s11 =	simm.s32 $0x0;
	s5 =	sand.u32 $0xF8, s6;
	(pc) =	sbr.rel .LBB1_1-.Ltmp0, $4  }
0x8: {  	s1 =	rddreg [dreg:$0x2];
	_ =	strace $0x80000047;
	p0 =	sne.s32 s5, $0x0  }
0x9: {  	s6 =	sshrl.u32 s6, $0x8;
	s5 =	simm.s32 $0x1;
	s7 =	simm.s32 @!p0 $0x0  }
0xa: {  	s10 =	smov.u32 s3;
	[sflag:s5] =	ssyncpa.u1 $0x0;
	s6 =	sadd.s32 s7, s6  }
0xb: {  	[sflag:s8] =	ssyncpa.u1 $0x0;
	s8 =	simm.s32 $0x0;
	s7 =	sadd.s32 $0x1, s6  }
.LBB1_9:
0xc: {  	s14 =	sadd.s32 $0x100, s10  }
0xd: {  	p1 =	sgt.s32 s14, $0xFFF  }
0xe: {  	s14 =	smov.u32 @p1 s3;
	p1 =	sne.s32 s11, s7  }
.Ltmp1:
0xf: {  	p0 =	slt.u32 s11, $0x2;
	(pc) =	sbr.rel @!p1 .LBB1_10-.Ltmp1, $4  }
0x10: {  	s13 =	simm.s32 @!p0 $0x2  }
0x11: {  	s15 =	sadd.s32 $0x1, s11;
	_ =	swait.ge @!p0 [sflag:s13], $0x4000  }
0x12: {  	s12 =	smov.u32 s10;
	s9 =	sadd.s32 $0x4000, s9;
	[sflag:s13] =	ssyncset.done @!p0 $0x0  }
0x13: {  	s11 =	smov.u32 s15;
	s10 =	smov.u32 s14;
	[sflag:s13] =	ssyncadd.s32 @!p0 $0xFFFFC000  }
.LBB1_1:
0x14: {  	p0 =	sge.u32 s11, s6  }
0x15: {  	s13 =	sxor.u32 @!p0 $0xFFFFFFFF, s11  }
0x16: {  	s31 =	sadd.s32 $0xFFFFFFFF, s11;
	s14 =	sshll.u32 @!p0 s10, $0x8;
	s13 =	sshll.u32 @!p0 s13, $0xE  }
0x17: {  	s15 =	simm.s32 @!p0 $0x0;
	s14 =	sadd.s32 @!p0 s2, s14;
	s13 =	sand.u32 @!p0 $0x4000, s13  }
0x18: {  	[tilespmem:s13], [sflag:$0x1] =	stream.linear.gather @!p0 [hbm4b:s14+s15], $0x4000, $0x38;
	[tilespmem:$0x10000] =	vst v63  }
0x19: {  	p0 =	sge.u32 s31, s6  }
.Ltmp2:
0x1a: {  	_ = 	snop;
	(pc) =	sbr.rel @p0 .LBB1_9-.Ltmp2, $1  }
0x1b: {  	_ =	sdelay $0x3  }
0x1c: {  	s13 =	sshll.u32 s9, $0x2;
	_ =	swait.ge [sflag:s5], $0x4000;
	s14 =	sshll.u32 s11, $0xE  }
0x1d: {  	s16 =	simm.s32 $0x0;
	s17 =	simm.s32 $0x0;
	s15 =	sand.u32 $0x10000, s13  }
0x1e: {  	[sflag:s5] =	ssyncset.done $0x0;
	s31 =	sand.u32 $0x4000, s14;
	s14 =	sshrl.u32 s15, $0x2  }
0x1f: {  	[sflag:s5] =	ssyncadd.s32 $0xFFFFC000;
	s13 =	sor.u32 $0x8000, s31;
	s15 =	sor.u32 $0x8000, s14  }
.LBB1_3:
0x20: {  	s18 =	sshra.s32 s16, $0x2  }
0x21: {  	v0 =	vmov s18;
	_ =	sdelay $0x3  }
0x22: {  	p1 =	por $0x1, $0x1;
	s18 =	simm.s32 $0x0  }
.LBB1_4:
0x23: {  	_ = 	snop  }
0x24: {  	s19 =	sshll.u32 s18, $0xA  }
0x25: {  	s19 =	sand.u32 $0x3FFFFC00, s19  }
0x26: {  	s19 =	sadd.s32 s19, s14  }
0x27: {  	v5 =	vld.idx.msk [tilespmem:v0+s19+$0x70 ss:$0x1], $0xffff  }
0x28: {  	v6 =	vld.idx.msk [tilespmem:v0+s19+$0x10 ss:$0x1], $0xffff  }
0x29: {  	v7 =	vld.idx.msk [tilespmem:v0+s19+$0x20 ss:$0x1], $0xffff  }
0x2a: {  	s31 =	sshll.u32 s18, $0x7;
	v1 =	vld.idx.msk [tilespmem:v0+s19+$0x30 ss:$0x1], $0xffff  }
0x2b: {  	s18 =	sand.u32 $0x3FFFFF80, s31;
	v2 =	vld.idx.msk [tilespmem:v0+s19+$0x40 ss:$0x1], $0xffff  }
0x2c: {  	s18 =	sadd.s32 s18, s15;
	v3 =	vld.idx.msk [tilespmem:v0+s19+$0x50 ss:$0x1], $0xffff  }
0x2d: {  	v4 =	vld.idx.msk [tilespmem:v0+s19+$0x60 ss:$0x1], $0xffff;
	[tilespmem:v0+s18+$0x70 ss:$0x1] =	vst.idx.msk $0xffff, v5  }
0x2e: {  	v5 =	vld.idx.msk [tilespmem:v0+s19+$0x0 ss:$0x1], $0xffff;
	[tilespmem:v0+s18+$0x10 ss:$0x1] =	vst.idx.msk $0xffff, v6;
	s19 =	sadd.s32 $0x80, s19  }
0x2f: {  	p0 =	por p1, p1;
	s20 =	simm.s32 $0x6;
	[tilespmem:v0+s18+$0x20 ss:$0x1] =	vst.idx.msk $0xffff, v7;
	v6 =	vld.idx.msk [tilespmem:v0+s19+$0x70 ss:$0x1], $0xffff  }
.LBB1_5:
0x30: {  	p1 =	sne.s32 s20, $0x1;
	v7 =	vld.idx.msk [tilespmem:v0+s19+$0x10 ss:$0x1], $0xffff;
	[tilespmem:v0+s18+$0x30 ss:$0x1] =	vst.idx.msk $0xffff, v1  }
0x31: {  	v8 =	vld.idx.msk [tilespmem:v0+s19+$0x20 ss:$0x1], $0xffff;
	[tilespmem:v0+s18+$0x40 ss:$0x1] =	vst.idx.msk $0xffff, v2  }
0x32: {  	v1 =	vld.idx.msk [tilespmem:v0+s19+$0x30 ss:$0x1], $0xffff;
	[tilespmem:v0+s18+$0x50 ss:$0x1] =	vst.idx.msk $0xffff, v3  }
.Ltmp3:
0x33: {  	v2 =	vld.idx.msk [tilespmem:v0+s19+$0x40 ss:$0x1], $0xffff;
	[tilespmem:v0+s18+$0x60 ss:$0x1] =	vst.idx.msk $0xffff, v4;
	(pc) =	sbr.rel @p1 .LBB1_5-.Ltmp3, $4  }
0x34: {  	v3 =	vld.idx.msk [tilespmem:v0+s19+$0x50 ss:$0x1], $0xffff;
	[tilespmem:v0+s18+$0x0 ss:$0x1] =	vst.idx.msk $0xffff, v5;
	s18 =	sadd.s32 $0x100, s18  }
0x35: {  	v4 =	vld.idx.msk [tilespmem:v0+s19+$0x60 ss:$0x1], $0xffff;
	[tilespmem:v0+s18+$0x70 ss:$0x1] =	vst.idx.msk $0xffff, v6  }
0x36: {  	v5 =	vld.idx.msk [tilespmem:v0+s19+$0x0 ss:$0x1], $0xffff;
	[tilespmem:v0+s18+$0x10 ss:$0x1] =	vst.idx.msk $0xffff, v7;
	s19 =	sadd.s32 $0x80, s19  }
0x37: {  	s20 =	sadd.s32 $0xFFFFFFFF, s20;
	v6 =	vld.idx.msk [tilespmem:v0+s19+$0x70 ss:$0x1], $0xffff;
	[tilespmem:v0+s18+$0x20 ss:$0x1] =	vst.idx.msk $0xffff, v8  }
0x38: {  	_ =	sdelay $0x3  }
0x39: {  	[tilespmem:v0+s18+$0x30 ss:$0x1] =	vst.idx.msk $0xffff, v1  }
0x3a: {  	v1 =	vld.idx.msk [tilespmem:v0+s19+$0x10 ss:$0x1], $0xffff;
	[tilespmem:v0+s18+$0x40 ss:$0x1] =	vst.idx.msk $0xffff, v2  }
0x3b: {  	v2 =	vld.idx.msk [tilespmem:v0+s19+$0x20 ss:$0x1], $0xffff;
	[tilespmem:v0+s18+$0x50 ss:$0x1] =	vst.idx.msk $0xffff, v3  }
0x3c: {  	v61 =	vld.idx.msk [tilespmem:v0+s19+$0x40 ss:$0x1], $0xffff;
	[tilespmem:v0+s18+$0x60 ss:$0x1] =	vst.idx.msk $0xffff, v4  }
0x3d: {  	s31 =	sadd.s32 $0x100, s18;
	v62 =	vld.idx.msk [tilespmem:v0+s19+$0x50 ss:$0x1], $0xffff;
	[tilespmem:v0+s18+$0x0 ss:$0x1] =	vst.idx.msk $0xffff, v5  }
0x3e: {  	v63 =	vld.idx.msk [tilespmem:v0+s19+$0x60 ss:$0x1], $0xffff;
	[tilespmem:v0+s31+$0x70 ss:$0x1] =	vst.idx.msk $0xffff, v6  }
0x3f: {  	v3 =	vld.idx.msk [tilespmem:v0+s19+$0x30 ss:$0x1], $0xffff;
	[tilespmem:v0+s31+$0x10 ss:$0x1] =	vst.idx.msk $0xffff, v1  }
0x40: {  	v1 =	vld.idx.msk [tilespmem:v0+s19+$0x0 ss:$0x1], $0xffff;
	[tilespmem:v0+s31+$0x20 ss:$0x1] =	vst.idx.msk $0xffff, v2  }
.Ltmp4:
0x41: {  	[tilespmem:v0+s31+$0x40 ss:$0x1] =	vst.idx.msk $0xffff, v61;
	(pc) =	sbr.rel @p0 .LBB1_4-.Ltmp4, $4  }
0x42: {  	[tilespmem:v0+s31+$0x50 ss:$0x1] =	vst.idx.msk $0xffff, v62  }
0x43: {  	[tilespmem:v0+s31+$0x60 ss:$0x1] =	vst.idx.msk $0xffff, v63  }
0x44: {  	[tilespmem:v0+s31+$0x30 ss:$0x1] =	vst.idx.msk $0xffff, v3  }
0x45: {  	p1 =	por $0x0, $0x0;
	s18 =	simm.s32 $0x1;
	[tilespmem:v0+s31+$0x0 ss:$0x1] =	vst.idx.msk $0xffff, v1  }
0x46: {  	s17 =	sadd.s32 $0x1, s17  }
0x47: {  	p0 =	sne.s32 s17, $0x8  }
.Ltmp5:
0x48: {  	_ = 	snop;
	(pc) =	sbr.rel @p0 .LBB1_3-.Ltmp5, $2  }
0x49: {  	_ =	sdelay $0x2  }
0x4a: {  	s16 =	sadd.s32 $0x2000, s16  }
.Ltmp6:
0x4b: {  	(pc) =	sbr.rel .LBB1_9-.Ltmp6, $4  }
0x4c: {  	_ = 	snop  }
0x4d: {  	s12 =	sshll.u32 s12, $0x8  }
0x4e: {  	s12 =	sadd.s32 s4, s12  }
0x4f: {  	[hbm4b:s12+s8] =	stream.linear.scatter [tilespmem:s13], [sflag:$0x2], $0x4000, $0x38;
	[tilespmem:$0x10000] =	vst v63  }
.LBB1_10:
0x50: {  	_ =	sfence.sel $0x180000  }
0x51: {  	s2 =	simm.s32 $0x1;
	[bflag:$0x0] =	sbarrier.arrive $0xFFFF  }
0x52: {  	s31 =	simm.s32 $0x2;
	[sflag:s2] =	ssyncpa.u1 $0x1  }
0x53: {  	[sflag:s31] =	ssyncpa.u1 $0x1  }
0x54: {  	p0 =	sne.s32 s0, $0x0;
	_ =	strace $0x90000047  }
0x55: {  	s0 =	sadd.s32 @!p0 $0x100000, s1;
	[bflag:$0x2] =	sbarrier.arrive $0xFFFF  }
0x56: {  	[sflag:s0] =	ssyncadd.tile.s32 @!p0 $0x1;
	_ =	shalt  }
.Lfunc_end1:
_tile_overlayer_lowered:
.L_overlay_start_2:
0x57: {  	(tag) =	ssettag $0x2  }
0x58: {  	s0 =	rddreg [dreg:$0x0];
	s2 =	stileid.u32  }
0x59: {  	s1 =	rddreg [dreg:$0x1];
	p0 =	sne.s32 s2, $0x0  }
0x5a: {  	s3 =	rddreg [dreg:$0x2];
	[bflag:$0x3] =	sbarrier.arrive $0xFFFF;
	s2 =	simm.s32 @!p0 $0x1C01  }
0x5b: {  	[timem:s3], [sflag:s2] =	dma.local @!p0 [hbm:s0], s1  }
0x5c: {  	s0 =	simm.s32 @!p0 $0x1  }
0x5d: {  	_ =	swait.ge @!p0 [sflag:s0], s1  }
0x5e: {  	s1 =	ssub.s32 @!p0 $0x0, s1;
	[sflag:s0] =	ssyncset.done @!p0 $0x0  }
0x5f: {  	[sflag:s0] =	ssyncadd.s32 @!p0 s1  }
0x60: {  	[bflag:$0x3] =	sbarrier.arrive $0xFFFF  }
0x61: {  	_ =	shalt  }

// kernel: sparse-core-data-format-call.cloned.1.call-start
scs
called_computation_lowered:
.L_overlay_start_0:
0x0: {  	s2 =	sld [smem:$0x3FD9]  }
0x1: {  	s3 =	sld [smem:$0x3FFE];
	_ =	sdelay $0x1  }
0x2: {  	s1 =	srdreg.scid  }
0x3: {  	s0 =	sand.u32 $0x1, s1  }
0x4: {  	s16 =	sshll.u32 s0, $0xA;
	s2 =	sadd.s32 s3, s2  }
0x5: {  	s2 =	sadd.s32 s2, s16  }
0x6: {  	[smem:$0x3FC7] =	sst s2  }
0x7: {  	_ = 	snop  }
0x8: {  	s2 =	sld [smem:$0x3FD0];
	_ =	sdelay $0x2  }
0x9: {  	s17 =	simm.s32 $0xB;
	s4 =	simm.s32 $0x10  }
0xa: {  	[smem:s4], [sflag:s17] =	dma.local [hbm:s2], $0x1  }
0xb: {  	_ =	swait.eq [sflag:s17], $0x1  }
0xc: {  	[sflag:s17] =	ssyncset.done $0x0  }
0xd: {  	[sflag:s17] =	ssyncadd.s32 $0xFFFFFFFF  }
0xe: {  	s18 =	sld [smem:$0x11];
	(tm) =	ssettm $0x1  }
0xf: {  	s19 =	sld [smem:$0x3FFB];
	_ =	sdelay $0x3  }
0x10: {  	_ =	strace s19  }
0x11: {  	s2 =	sld [smem:$0x3FFC];
	_ =	sdelay $0x3  }
0x12: {  	_ =	strace s2  }
0x13: {  	s2 =	sld [smem:$0x3FFD];
	_ =	sdelay $0x3  }
0x14: {  	_ =	strace s2  }
0x15: {  	_ =	strace $0x8FFFFFFF  }
0x16: {  	s20 =	sld [smem:$0x3FDB];
	_ =	sdelay $0x1  }
0x17: {  	s21 =	simm.s32 $_scs_section_size  }
0x18: {  	s5 =	simm.s32 $_size__tile_overlayer_lowered;
	s6 =	simm.s32 $_tile_overlayer_lowered  }
0x19: {  	s7 =	simm.s32 $0x1BFF;
	s22 =	sshll.u32 s6, $0x1;
	s4 =	sadd.s32 s21, s20  }
0x1a: {  	s23 =	simm.s32 $0x0;
	s5 =	sshll.u32 s5, $0x1;
	s6 =	sadd.s32 s22, s4  }
0x1b: {  	[timem:s23], [sflag:s7] =	dma.local [hbm:s6], s5  }
0x1c: {  	_ =	swait.ge [sflag:s7], s5  }
0x1d: {  	s5 =	ssub.s32 $0x0, s5;
	[sflag:s7] =	ssyncset.done $0x0  }
0x1e: {  	[sflag:s7] =	ssyncadd.s32 s5;
	_ =	sdelay $0x1  }
0x1f: {  	s24 =	simm.s32 $0x1B8B  }
0x20: {  	_ =	swait.ge [sflag:s24], $0x1  }
0x21: {  	[sflag:s24] =	ssyncset.done $0x0  }
0x22: {  	[sflag:s24] =	ssyncadd.s32 $0xFFFFFFFF  }
0x23: {  	s5 =	sld [smem:$0x0]  }
0x24: {  	s6 =	sand.u32 $0xFFFFFFFE, s1  }
0x25: {  	p0 =	sne.s32 s1, s6  }
0x26: {  	s6 =	sshll.u32 @p0 s6, $0xE  }
0x27: {  	s6 =	sadd.s32 @p0 $0x11B8D, s6;
	s7 =	sshll.u32 @p0 s5, $0x11  }
0x28: {  	s6 =	sor.u32 @p0 s7, s6  }
0x29: {  	[sflag:s6] =	ssyncadd.remote.s32 @p0 $0x1;
	_ =	sdelay $0x1  }
0x2a: {  	s6 =	simm.s32 @p0 $0x1B8D  }
0x2b: {  	_ =	swait.eq @p0 [sflag:s6], $0x1  }
0x2c: {  	[sflag:s6] =	ssyncadd.s32 @p0 $0xFFFFFFFF  }
0x2d: {  	s7 =	sshll.u32 @!p0 s1, $0xE  }
0x2e: {  	s7 =	sor.u32 @!p0 $0x4000, s7;
	s6 =	simm.s32 @!p0 $0x1B8D  }
0x2f: {  	s5 =	sshll.u32 @!p0 s5, $0x11;
	s7 =	sadd.s32 @!p0 $0x11B8D, s7;
	_ =	swait.eq @!p0 [sflag:s6], $0x1  }
0x30: {  	s5 =	sor.u32 @!p0 s5, s7;
	[sflag:s6] =	ssyncadd.s32 @!p0 $0xFFFFFFFF  }
0x31: {  	s26 =	simm.s32 $0x1B8E;
	s25 =	sld [smem:$0x3FFE];
	[sflag:s5] =	ssyncadd.remote.s32 @!p0 $0x1  }
0x32: {  	s27 =	simm.s32 $execute0_lowered;
	[smem:$0x3FD2] =	sst s26  }
0x33: {  	s6 =	sshll.u32 s27, $0x1;
	_ =	strace $0x8000004F;
	[dreg:$0x1] =	wrdreg $0xFFFFFFFF  }
0x34: {  	s28 =	simm.s32 $_size_execute0_lowered;
	s4 =	sadd.s32 s4, s6;
	[dreg:$0x0] =	wrdreg $0x0  }
0x35: {  	s6 =	sshll.u32 s28, $0x1;
	[dreg:$0x2] =	wrdreg s4  }
0x36: {  	[dreg:$0x3] =	wrdreg s6  }
0x37: {  	[dreg:$0x4] =	wrdreg $0xC0  }
0x38: {  	_ =	task [dreg:s23], $0x5FFFF  }
0x39: {  	[dreg:$0x1] =	wrdreg $0xFFFFFFFF  }
0x3a: {  	[dreg:$0x0] =	wrdreg $0x60  }
0x3b: {  	[dreg:$0x2] =	wrdreg s25  }
0x3c: {  	[dreg:$0x3] =	wrdreg s18  }
0x3d: {  	[dreg:$0x4] =	wrdreg $0x9  }
0x3e: {  	_ =	task.clear_ibuf [dreg:s23], $0x5FFFF;
	_ =	strace $0x9000004F  }
0x3f: {  	s29 =	simm.s32 $0x9;
	_ =	strace $0x80000051  }
0x40: {  	_ =	swait.ge [sflag:s29], $0x1  }
0x41: {  	[sflag:s29] =	ssyncadd.s32 $0xFFFFFFFF  }
0x42: {  	_ =	strace $0x90000051  }
0x43: {  	_ =	sfence  }
0x44: {  	s30 =	sld [smem:$0x0];
	_ =	sdelay $0x2  }
0x45: {  	s31 =	sshll.u32 s1, $0xD;
	s1 =	sshrl.u32 s1, $0x2  }
0x46: {  	s4 =	sand.u32 $0x4000, s31;
	s1 =	sadd.s32 s1, s30  }
0x47: {  	s0 =	sor.u32 s4, s0;
	s1 =	sshll.u32 s1, $0x11  }
0x48: {  	s0 =	sor.u32 s1, s0  }
0x49: {  	s0 =	sadd.s32 $0x8F2B, s0  }
0x4a: {  	[sflag:s0] =	ssyncadd.remote.s32 $0x1  }
0x4b: {  	_ =	sfence.sel $0xFFFF  }
0x4c: {  	[dreg:$0x0] =	wrdreg $0xFFFFFFFF;
	(pc) =	sbr.abs _section_cstart, $3  }
0x4d: {  	[dreg:$0x1] =	wrdreg $0xFFFFFFFF  }
0x4e: {  	_ =	task.clear_ibuf [dreg:s23], $0x2FFFF;
	_ =	strace $0x9FFFFFFF  }
0x4f: {  	(tm) =	ssettm $0x7FFFFFFF  }
tec
execute0_lowered:
.L_overlay_start_1:
0x0: {  	(tag) =	ssettag $0x1  }
0x1: {  	s4 =	rddreg [dreg:$0x0]  }
0x2: {  	s0 =	srdreg.scid;
	s2 =	rddreg [dreg:$0x1]  }
0x3: {  	s1 =	stileid.u32;
	s5 =	simm.s32 $0x1;
	s0 =	sshll.u32 s0, $0x4  }
0x4: {  	s7 =	simm.s32 $0x2;
	s12 =	simm.s32 $0x0;
	s3 =	sand.u32 $0x10, s0  }
.Ltmp0:
0x5: {  	s8 =	simm.s32 $0x999A00;
	s3 =	sor.u32 s1, s3;
	(pc) =	sbr.rel .LBB1_1-.Ltmp0, $4  }
0x6: {  	s10 =	simm.s32 $0x0;
	s11 =	simm.s32 $0x0;
	s3 =	sshll.u32 s3, $0x7  }
0x7: {  	s0 =	rddreg [dreg:$0x2];
	_ =	strace $0x80000050;
	s6 =	ssub.s32 $0x266600, s3  }
0x8: {  	s4 =	sadd.s32 $0x519B600, s4;
	[sflag:s5] =	ssyncpa.u1 $0x0;
	s6 =	sshrl.u32 s6, $0xC  }
0x9: {  	[sflag:s7] =	ssyncpa.u1 $0x0;
	s9 =	smov.u32 s3;
	s7 =	sadd.s32 $0x2, s6  }
.LBB1_5:
0xa: {  	[tilespmem:s18+$0x0 ss:$0x81] =	vst.msk $0xffff, v1  }
.LBB1_6:
0xb: {  	s15 =	sshll.u32 s10, $0x2  }
0xc: {  	s16 =	sand.u32 $0x7F, s10;
	s15 =	sand.u32 $0xFFFFFE00, s15  }
0xd: {  	s16 =	sor.u32 s16, s15  }
0xe: {  	p0 =	sgt.s32 s10, $0x266600;
	s18 =	smov.u32 s10;
	s17 =	smulhi.u32 $0xD554C71D, s16  }
0xf: {  	s18 =	simm.s32 @!p0 $0x266600  }
0x10: {  	s13 =	sadd.s32 s13, s18;
	s15 =	smulhi.u32 $0xD554C71D, s15;
	s17 =	sshrl.u32 s17, $0x15  }
0x11: {  	s13 =	sadd.s32 $0xFFD99A00, s13;
	s17 =	smul.u32 $0x266680, s17  }
0x12: {  	s15 =	sshrl.u32 s15, $0x15;
	s29 =	sshll.u32 s13, $0x4;
	p0 =	sgt.s32 s13, $0x7F  }
0x13: {  	s15 =	sand.u32 $0x3, s15;
	s30 =	ssub.s32 $0x800, s29;
	s16 =	ssub.s32 s16, s17  }
0x14: {  	s15 =	smul.u32 $0x4CCD0, s15;
	s31 =	sshrl.u32 s16, $0x3;
	s16 =	sand.u32 $0x7, s16  }
0x15: {  	s13 =	sshrl.u32 s30, $0x2;
	s17 =	sadd.s32 s2, s31;
	s16 =	sshll.u32 s16, $0x12  }
0x16: {  	s13 =	simm.s32 @p0 $0x0;
	s15 =	sadd.s32 s15, s17;
	s16 =	sor.u32 $0x200, s16  }
0x17: {  	[hbm4b:s15+s16] =	stream.strided.scatter [tilespmem:s14], [sflag:$0x2], s13, s8, s16, $0x20;
	[tilespmem:$0x4040] =	vst v63  }
.LBB1_7:
0x18: {  	p0 =	slt.u32 s11, $0x2  }
0x19: {  	p1 =	sgt.s32 @!p0 s12, $0x266600  }
0x1a: {  	s13 =	smov.u32 s12;
	s14 =	sshra.s32 @!p0 s12, $0x1F;
	p1 =	por !p1, p0  }
0x1b: {  	s12 =	sand.u32 @!p0 s14, s12;
	s13 =	simm.s32 @p1 $0x266600  }
0x1c: {  	s12 =	ssub.s32 @!p0 s13, s12  }
0x1d: {  	s12 =	sadd.s32 @!p0 $0xFFD99A00, s12  }
0x1e: {  	s13 =	sshll.u32 @!p0 s12, $0x4  }
0x1f: {  	p1 =	sgt.s32 @!p0 s12, $0x7F;
	s12 =	ssub.s32 @!p0 $0x800, s13  }
0x20: {  	s14 =	sadd.s32 $0x1000, s9;
	p1 =	por !p1, p0;
	s12 =	sshrl.u32 @!p0 s12, $0x2  }
0x21: {  	s12 =	simm.s32 @!p1 $0x0;
	p1 =	sgt.s32 s14, $0x266667  }
0x22: {  	s14 =	smov.u32 @p1 s3;
	p1 =	sne.s32 s11, s7  }
.Ltmp1:
0x23: {  	_ = 	snop;
	(pc) =	sbr.rel @!p1 .LBB1_8-.Ltmp1, $4  }
0x24: {  	s13 =	simm.s32 @!p0 $0x2  }
0x25: {  	_ =	swait.ge @!p0 [sflag:s13], s12;
	s15 =	ssub.s32 @!p0 $0x0, s12  }
0x26: {  	s12 =	smov.u32 s10;
	s11 =	sadd.s32 $0x1, s11;
	[sflag:s13] =	ssyncset.done @!p0 $0x0  }
0x27: {  	s10 =	smov.u32 s9;
	s9 =	smov.u32 s14;
	[sflag:s13] =	ssyncadd.s32 @!p0 s15  }
.LBB1_1:
0x28: {  	p0 =	sgt.u32 s11, s6  }
0x29: {  	s14 =	smov.u32 s9;
	p1 =	sgt.s32 @!p0 s9, $0x2665E8  }
0x2a: {  	s13 =	sand.u32 @!p0 $0x1FFFFFF, s9;
	s15 =	sshra.s32 @!p0 s9, $0x1F;
	p1 =	por !p1, p0  }
0x2b: {  	s16 =	smulhi.u32 @!p0 $0x1AAAA99, s13;
	s15 =	sand.u32 @!p0 s15, s9;
	s14 =	simm.s32 @p1 $0x2665E8  }
0x2c: {  	s14 =	ssub.s32 @!p0 s14, s15  }
0x2d: {  	s15 =	sshrl.u32 @!p0 s16, $0xE;
	s14 =	sadd.s32 @!p0 $0xFFD99A18, s14  }
0x2e: {  	s16 =	sxor.u32 @!p0 $0xFFFFFFFF, s11;
	s15 =	smul.u32 @!p0 $0x266668, s15;
	s17 =	sshll.u32 @!p0 s14, $0x7  }
0x2f: {  	s16 =	sshll.u32 @!p0 s16, $0xC;
	p1 =	sgt.s32 @!p0 s14, $0x7F;
	s14 =	ssub.s32 @!p0 $0x4000, s17  }
0x30: {  	s13 =	ssub.s32 @!p0 s13, s15;
	p1 =	por !p1, p0;
	s15 =	sand.u32 @!p0 $0x1000, s16  }
0x31: {  	s16 =	simm.s32 @!p0 $0x20;
	s14 =	sshrl.u32 @!p0 s14, $0x2;
	s13 =	sshll.u32 @!p0 s13, $0x4  }
0x32: {  	s17 =	simm.s32 @!p0 $0x80;
	s14 =	simm.s32 @!p1 $0x0;
	s13 =	sadd.s32 @!p0 s4, s13  }
0x33: {  	[tilespmem:s15], [sflag:$0x1] =	stream.strided.gather @!p0 [hbm4b:s13+s16], s14, s17, s16, $0x38;
	[tilespmem:$0x4040] =	vst v63  }
0x34: {  	p0 =	seq.s32 s11, $0x0  }
0x35: {  	p1 =	sge.u32 @!p0 s11, s7  }
0x36: {  	p0 =	por p0, p1  }
.Ltmp2:
0x37: {  	_ = 	snop;
	(pc) =	sbr.rel @p0 .LBB1_7-.Ltmp2, $1  }
0x38: {  	_ =	sdelay $0x3  }
0x39: {  	s13 =	ssub.s32 $0x0, s10  }
0x3a: {  	s14 =	sshra.s32 s10, $0x1F;
	p0 =	sgt.s32 s10, $0x2665E8;
	s15 =	smov.u32 s10  }
0x3b: {  	s13 =	sand.u32 s13, s14;
	s15 =	simm.s32 @!p0 $0x2665E8  }
0x3c: {  	s14 =	sadd.s32 s13, s15  }
0x3d: {  	s17 =	sadd.s32 $0x80, s10;
	s14 =	sadd.s32 $0xFFD99A18, s14  }
0x3e: {  	p1 =	slt.s32 s17, $0x266668;
	s31 =	sshll.u32 s14, $0x7  }
0x3f: {  	s17 =	simm.s32 @!p1 $0x266668;
	s15 =	ssub.s32 $0x4000, s31  }
0x40: {  	p0 =	sgt.s32 s14, $0x7F;
	s14 =	sshrl.u32 s15, $0x2;
	s15 =	ssub.s32 s17, s10  }
0x41: {  	s14 =	simm.s32 @p0 $0x0;
	p0 =	slt.s32 s15, $0x1  }
.Ltmp3:
0x42: {  	_ = 	snop;
	(pc) =	sbr.rel @p0 .LBB1_6-.Ltmp3, $4  }
0x43: {  	s16 =	sand.u32 $0x1, s11  }
0x44: {  	s18 =	smul.u32 $0x1020, s16;
	_ =	swait.ge [sflag:s5], s14  }
0x45: {  	s14 =	ssub.s32 $0x0, s14;
	[sflag:s5] =	ssyncset.done $0x0  }
0x46: {  	[sflag:s5] =	ssyncadd.s32 s14;
	s14 =	sor.u32 $0x2000, s18  }
0x47: {  	s16 =	sshll.u32 s16, $0xC  }
0x48: {  	v0 =	vmov s16;
	_ =	sdelay $0x1  }
0x49: {  	s17 =	simm.s32 $0x0  }
0x4a: {  	s31 =	simm.s32 $0x0;
	s30 =	sand.u32 $0x1C, s17  }
0x4b: {  	p0 =	sne.s32 s15, $0x1;
	s18 =	sand.u32 $0xFE0, s31;
	s16 =	smul.u32 $0x204, s30  }
.Ltmp4:
0x4c: {  	v1 =	vld.idx.msk [tilespmem:v0+s18+$0x0 ss:$0x1], $0xffff;
	(pc) =	sbr.rel @!p0 .LBB1_5-.Ltmp4, $4  }
0x4d: {  	_ = 	snop  }
0x4e: {  	s16 =	sshrl.u32 s16, $0x2  }
0x4f: {  	s17 =	sand.u32 $0x7F, s31;
	s19 =	sadd.s32 s16, s14  }
0x50: {  	s16 =	simm.s32 $0x1;
	s18 =	sadd.s32 s17, s19;
	s17 =	simm.s32 $0x20  }
.LBB1_4:
0x51: {  	s19 =	sand.u32 $0xFE0, s17  }
0x52: {  	s20 =	sshrl.u32 s16, $0x5;
	[tilespmem:s18+$0x0 ss:$0x81] =	vst.msk $0xffff, v1;
	s18 =	smov.u32 s16;
	s16 =	sadd.s32 $0x1, s16  }
0x53: {  	v1 =	vld.idx.msk [tilespmem:v0+s19+$0x0 ss:$0x1], $0xffff;
	s19 =	sand.u32 $0x1C, s20  }
0x54: {  	p0 =	sne.s32 s15, s16;
	s19 =	smul.u32 $0x204, s19  }
.Ltmp5:
0x55: {  	(pc) =	sbr.rel @p0 .LBB1_4-.Ltmp5, $4  }
0x56: {  	_ = 	snop  }
0x57: {  	s19 =	sshrl.u32 s19, $0x2  }
0x58: {  	s18 =	sand.u32 $0x7F, s18;
	s19 =	sadd.s32 s19, s14  }
0x59: {  	s17 =	sadd.s32 $0x20, s17;
	s18 =	sadd.s32 s18, s19  }
.Ltmp6:
0x5a: {  	_ = 	snop;
	(pc) =	sbr.rel .LBB1_5-.Ltmp6, $1  }
0x5b: {  	_ =	sdelay $0x3  }
.LBB1_8:
0x5c: {  	_ =	sfence.sel $0x180000  }
0x5d: {  	s2 =	simm.s32 $0x1;
	[bflag:$0x0] =	sbarrier.arrive $0xFFFF  }
0x5e: {  	s31 =	simm.s32 $0x2;
	[sflag:s2] =	ssyncpa.u1 $0x1  }
0x5f: {  	[sflag:s31] =	ssyncpa.u1 $0x1  }
0x60: {  	p0 =	sne.s32 s1, $0x0;
	_ =	strace $0x90000050  }
0x61: {  	s0 =	sadd.s32 @!p0 $0x100000, s0;
	[bflag:$0x2] =	sbarrier.arrive $0xFFFF  }
0x62: {  	[sflag:s0] =	ssyncadd.tile.s32 @!p0 $0x1;
	_ =	shalt  }
.Lfunc_end1:
_tile_overlayer_lowered:
.L_overlay_start_2:
0x63: {  	(tag) =	ssettag $0x2  }
0x64: {  	s0 =	rddreg [dreg:$0x0];
	s2 =	stileid.u32  }
0x65: {  	s1 =	rddreg [dreg:$0x1];
	p0 =	sne.s32 s2, $0x0  }
0x66: {  	s3 =	rddreg [dreg:$0x2];
	[bflag:$0x3] =	sbarrier.arrive $0xFFFF;
	s2 =	simm.s32 @!p0 $0x1C01  }
0x67: {  	[timem:s3], [sflag:s2] =	dma.local @!p0 [hbm:s0], s1  }
0x68: {  	s0 =	simm.s32 @!p0 $0x1  }
0x69: {  	_ =	swait.ge @!p0 [sflag:s0], s1  }
0x6a: {  	s1 =	ssub.s32 @!p0 $0x0, s1;
	[sflag:s0] =	ssyncset.done @!p0 $0x0  }
0x6b: {  	[sflag:s0] =	ssyncadd.s32 @!p0 s1  }
0x6c: {  	[bflag:$0x3] =	sbarrier.arrive $0xFFFF  }
0x6d: {  	_ =	shalt  }

</sc_bundles>
